<compile_context>
chip_gen: v7x
topology: tpu7x:2x2x1
jax: 0.10.2.dev20260603
libtpu: 0.0.44.dev20260713+nightly
codegen_flags: <defaults>
</compile_context>

<pallas_src>
import functools

import jax
import jax.numpy as jnp
from jax import lax
from jax.experimental import pallas as pl
from jax.experimental.pallas import tpu as pltpu
from jax.experimental.pallas import tpu_sc as plsc

N = 10000
E = 320000
D = 128
ED = 16

NC = 2
NS = 16
NW = NC * NS
CHUNK = E // NW
BE = 80
NBLK = CHUNK // BE
NBLK_A = 63
NBLK_B = NBLK - NBLK_A
E_A = NW * NBLK_A * BE
E_B = E - E_A
ROWS = N // NS


def _mesh():
    return plsc.VectorSubcoreMesh(core_axis_name="c", subcore_axis_name="s",
                                  num_cores=NC, num_subcores=NS)


def _vbcast(vec, idx):
    dn = lax.GatherDimensionNumbers(
        offset_dims=(), collapsed_slice_dims=(0,), start_index_map=(0,))
    return lax.gather(vec, idx[:, None], dn, (1,),
                      mode=lax.GatherScatterMode.PROMISE_IN_BOUNDS)


def _sc_gather_body(nblk, p_hbm, q_hbm, xpad_hbm, row2_hbm, col2_hbm, w1d_hbm,
                    g_hbm,
                    idxr, idxc, w1dv,
                    pb0, qb0, xb0, yb0, sem0,
                    pb1, qb1, xb1, yb1, sem1):
    c = lax.axis_index("c")
    s = lax.axis_index("s")
    wid = s * NC + c
    chunk = nblk * BE
    pltpu.sync_copy(row2_hbm.at[wid], idxr)
    pltpu.sync_copy(col2_hbm.at[wid], idxc)
    pltpu.sync_copy(w1d_hbm, w1dv)
    bufs = ((pb0, qb0, xb0, yb0, sem0), (pb1, qb1, xb1, yb1, sem1))
    z16 = jnp.zeros((16,), jnp.int32)
    o16 = jnp.ones((16,), jnp.int32)
    t16 = jnp.full((16,), 2, jnp.int32)

    def fire(j, bu):
        pb, qb, xb, yb, sem = bu
        pltpu.async_copy(p_hbm.at[idxr.at[j]], pb, sem)
        pltpu.async_copy(q_hbm.at[idxc.at[j]], qb, sem)
        pltpu.async_copy(xpad_hbm.at[idxr.at[j]], xb, sem)
        pltpu.async_copy(xpad_hbm.at[idxc.at[j]], yb, sem)

    def drain(j, bu):
        pb, qb, xb, yb, sem = bu
        pltpu.make_async_copy(p_hbm.at[idxr.at[j]], pb, sem).wait()
        pltpu.make_async_copy(q_hbm.at[idxc.at[j]], qb, sem).wait()
        pltpu.make_async_copy(xpad_hbm.at[idxr.at[j]], xb, sem).wait()
        pltpu.make_async_copy(xpad_hbm.at[idxc.at[j]], yb, sem).wait()
        w1s = [w1dv[0, pl.ds(k * 16, 16)] for k in range(D // 16)]

        @plsc.parallel_loop(0, BE, unroll=4)
        def _(e):
            d = xb[e, :] - yb[e, :]
            sq = d * d
            s2v = _vbcast(sq, z16) + _vbcast(sq, o16) + _vbcast(sq, t16)
            for k in range(D // 16):
                sl = pl.ds(k * 16, 16)
                pb[e, sl] = pb[e, sl] + qb[e, sl] + s2v * w1s[k]

        base = wid * chunk + j * BE
        pltpu.sync_copy(pb, g_hbm.at[pl.ds(base, BE)])

    fire(0, bufs[0])

    def body(i, carry):
        for b in range(2):
            j = i * 2 + b

            @pl.when(j + 1 < nblk)
            def _():
                fire(j + 1, bufs[1 - b])

            @pl.when(j < nblk)
            def _():
                drain(j, bufs[b])
        return carry

    lax.fori_loop(0, (nblk + 1) // 2, body, 0)


@functools.lru_cache(maxsize=None)
def _sc_gather(nblk):
    esz = NW * nblk * BE
    return pl.kernel(
        functools.partial(_sc_gather_body, nblk),
        out_type=[
            jax.ShapeDtypeStruct((esz, D), jnp.float32),
        ],
        mesh=_mesh(),
        scratch_types=[
            pltpu.VMEM((nblk, BE), jnp.int32),
            pltpu.VMEM((nblk, BE), jnp.int32),
            pltpu.VMEM((1, D), jnp.float32),
            pltpu.VMEM((BE, D), jnp.float32),
            pltpu.VMEM((BE, D), jnp.float32),
            pltpu.VMEM((BE, ED), jnp.float32),
            pltpu.VMEM((BE, ED), jnp.float32),
            pltpu.SemaphoreType.DMA,
            pltpu.VMEM((BE, D), jnp.float32),
            pltpu.VMEM((BE, D), jnp.float32),
            pltpu.VMEM((BE, ED), jnp.float32),
            pltpu.VMEM((BE, ED), jnp.float32),
            pltpu.SemaphoreType.DMA,
        ],
        compiler_params=pltpu.CompilerParams(use_tc_tiling_on_sc=False),
    )


def _sc_scatter_body(nblk, full_init, msg_hbm, cw_hbm, xpad_hbm,
                     row2_hbm, col2_hbm, i128_hbm, i16_hbm,
                     aggp_hbm, cdp_hbm,
                     idxr, idxc,
                     mb0, wb0, xb0, yb0, sem0,
                     mb1, wb1, xb1, yb1, sem1, sh128, sh16):
    c = lax.axis_index("c")
    s = lax.axis_index("s")
    wid = s * NC + c
    chunk = nblk * BE
    r0 = s * ROWS
    i0 = c * N + r0 if full_init else r0
    pltpu.sync_copy(row2_hbm.at[wid], idxr)
    pltpu.sync_copy(col2_hbm.at[wid], idxc)
    pltpu.sync_copy(i128_hbm.at[pl.ds(i0, ROWS)], sh128.at[pl.ds(r0, ROWS)])
    pltpu.sync_copy(i16_hbm.at[pl.ds(i0, ROWS)], sh16.at[pl.ds(r0, ROWS)])
    plsc.subcore_barrier()
    bufs = ((mb0, wb0, xb0, yb0, sem0), (mb1, wb1, xb1, yb1, sem1))
    z16 = jnp.zeros((16,), jnp.int32)

    def fire(j, bu):
        mb, wb, xb, yb, sem = bu
        base = wid * chunk + j * BE
        pltpu.async_copy(msg_hbm.at[pl.ds(base, BE)], mb, sem)
        pltpu.async_copy(cw_hbm.at[pl.ds(base, BE)], wb, sem)
        pltpu.async_copy(xpad_hbm.at[idxr.at[j]], xb, sem)
        pltpu.async_copy(xpad_hbm.at[idxc.at[j]], yb, sem)

    def drain(j, bu):
        mb, wb, xb, yb, sem = bu
        base = wid * chunk + j * BE
        pltpu.make_async_copy(msg_hbm.at[pl.ds(base, BE)], mb, sem).wait()
        pltpu.make_async_copy(cw_hbm.at[pl.ds(base, BE)], wb, sem).wait()
        pltpu.make_async_copy(xpad_hbm.at[idxr.at[j]], xb, sem).wait()
        pltpu.make_async_copy(xpad_hbm.at[idxc.at[j]], yb, sem).wait()

        @plsc.parallel_loop(0, BE, unroll=4)
        def _(e):
            cwv = _vbcast(wb[e, :], z16)
            wb[e, :] = (xb[e, :] - yb[e, :]) * cwv

        pltpu.sync_copy(mb, sh128.at[idxc.at[j]], add=True)
        pltpu.sync_copy(wb, sh16.at[idxc.at[j]], add=True)

    fire(0, bufs[0])

    def body(i, carry):
        for b in range(2):
            j = i * 2 + b

            @pl.when(j + 1 < nblk)
            def _():
                fire(j + 1, bufs[1 - b])

            @pl.when(j < nblk)
            def _():
                drain(j, bufs[b])
        return carry

    lax.fori_loop(0, (nblk + 1) // 2, body, 0)
    plsc.subcore_barrier()
    off = c * N + r0
    pltpu.sync_copy(sh128.at[pl.ds(r0, ROWS)], aggp_hbm.at[pl.ds(off, ROWS)])
    pltpu.sync_copy(sh16.at[pl.ds(r0, ROWS)], cdp_hbm.at[pl.ds(off, ROWS)])


@functools.lru_cache(maxsize=None)
def _sc_scatter(nblk, full_init):
    return pl.kernel(
        functools.partial(_sc_scatter_body, nblk, full_init),
        out_type=[
            jax.ShapeDtypeStruct((NC * N, D), jnp.float32),
            jax.ShapeDtypeStruct((NC * N, ED), jnp.float32),
        ],
        mesh=_mesh(),
        scratch_types=[
            pltpu.VMEM((nblk, BE), jnp.int32),
            pltpu.VMEM((nblk, BE), jnp.int32),
            pltpu.VMEM((BE, D), jnp.float32),
            pltpu.VMEM((BE, ED), jnp.float32),
            pltpu.VMEM((BE, ED), jnp.float32),
            pltpu.VMEM((BE, ED), jnp.float32),
            pltpu.SemaphoreType.DMA,
            pltpu.VMEM((BE, D), jnp.float32),
            pltpu.VMEM((BE, ED), jnp.float32),
            pltpu.VMEM((BE, ED), jnp.float32),
            pltpu.VMEM((BE, ED), jnp.float32),
            pltpu.SemaphoreType.DMA,
            pltpu.VMEM_SHARED((N, D), jnp.float32),
            pltpu.VMEM_SHARED((N, ED), jnp.float32),
        ],
        compiler_params=pltpu.CompilerParams(use_tc_tiling_on_sc=False),
    )


_NB_PRE = 10
_BN = N // _NB_PRE


def _tc_pre_body(h_ref, w1a, w1b, wn1a, bn1, p_ref, q_ref, r_ref):
    h = h_ref[:]
    p_ref[:] = jnp.dot(h, w1a[:], preferred_element_type=jnp.float32)
    q_ref[:] = jnp.dot(h, w1b[:], preferred_element_type=jnp.float32)
    r_ref[:] = jnp.dot(h, wn1a[:], preferred_element_type=jnp.float32) + bn1[:]


def _tc_pre(h, w1a, w1b, wn1a, bn1):
    full = lambda shp: pl.BlockSpec(shp, lambda i: (0, 0))
    blk = pl.BlockSpec((_BN, D), lambda i: (i, 0))
    return pl.pallas_call(
        _tc_pre_body,
        grid=(_NB_PRE,),
        in_specs=[blk, full((D, D)), full((D, D)), full((D, D)), full((1, D))],
        out_specs=[blk, blk, blk],
        out_shape=[jax.ShapeDtypeStruct((N, D), jnp.float32)] * 3,
    )(h, w1a, w1b, wn1a, bn1)


def _ln(t, g, b):
    mu = jnp.mean(t, axis=-1, keepdims=True)
    var = jnp.mean((t - mu) ** 2, axis=-1, keepdims=True)
    return (t - mu) / jnp.sqrt(var + 1e-5) * g + b


def _silu(t):
    return t * jax.nn.sigmoid(t)


def _tc_edge_body(g_ref, ea_ref,
                  w1e, b1, gm, btm, w2e, b2e,
                  wc1, bc1, wc2p, bc2,
                  msg_ref, cw_ref):
    t = (g_ref[:]
         + jnp.dot(ea_ref[:], w1e[:], preferred_element_type=jnp.float32)
         + b1[:])
    t = _silu(_ln(t, gm[:], btm[:]))
    m2 = jnp.dot(t, w2e[:], preferred_element_type=jnp.float32) + b2e[:]
    att = jax.nn.sigmoid(m2[:, D:D + 1])
    msg = m2[:, :D] * att
    msg_ref[:] = msg
    c1 = _silu(jnp.dot(msg, wc1[:], preferred_element_type=jnp.float32) + bc1[:])
    cwf = jnp.dot(c1, wc2p[:], preferred_element_type=jnp.float32)
    cw = jnp.clip(cwf[:, 0:1] + bc2[:], -100.0, 100.0)
    lanes = lax.broadcasted_iota(jnp.int32, (1, ED), 1)
    cw_ref[:] = jnp.where(lanes == 0, cw, 0.0)


def _tc_edge(blk_rows, blk_off, g, ea,
             w1e, b1, gm, btm, w2e, b2e, wc1, bc1, wc2p, bc2):
    esz = g.shape[0]
    full = lambda shp: pl.BlockSpec(shp, lambda i: (0, 0))
    blkD = pl.BlockSpec((blk_rows, D), lambda i: (i, 0))
    blkE = pl.BlockSpec((blk_rows, ED), lambda i: (i, 0))
    blkEoff = pl.BlockSpec((blk_rows, ED), lambda i: (i + blk_off, 0))
    return pl.pallas_call(
        _tc_edge_body,
        grid=(esz // blk_rows,),
        in_specs=[blkD, blkEoff,
                  full((ED, D)), full((1, D)), full((1, D)),
                  full((1, D)), full((D, 2 * D)), full((1, 2 * D)),
                  full((D, D)), full((1, D)),
                  full((D, D)), full((1, 1))],
        out_specs=[blkD, blkE],
        out_shape=[jax.ShapeDtypeStruct((esz, D), jnp.float32),
                   jax.ShapeDtypeStruct((esz, ED), jnp.float32)],
    )(g, ea, w1e, b1, gm, btm, w2e, b2e, wc1, bc1, wc2p, bc2)


def _tc_node_body(h_ref, r_ref, a0_ref, a1_ref, c0_ref, c1_ref, xp_ref,
                  wn1b, gm, btm, wn2, b2n,
                  hout, xout):
    t = r_ref[:] + jnp.dot(a0_ref[:] + a1_ref[:], wn1b[:],
                           preferred_element_type=jnp.float32)
    t = _silu(_ln(t, gm[:], btm[:]))
    hout[:] = h_ref[:] + jnp.dot(t, wn2[:], preferred_element_type=jnp.float32) + b2n[:]
    xout[:] = xp_ref[:] + c0_ref[:] + c1_ref[:]


def _tc_node(h, r, aggp, cdp, xp, wn1b, gm, btm, wn2, b2n):
    full = lambda shp: pl.BlockSpec(shp, lambda i: (0, 0))
    blkD = pl.BlockSpec((_BN, D), lambda i: (i, 0))
    blkE = pl.BlockSpec((_BN, ED), lambda i: (i, 0))
    blkD1 = pl.BlockSpec((_BN, D), lambda i: (i + _NB_PRE, 0))
    blkE1 = pl.BlockSpec((_BN, ED), lambda i: (i + _NB_PRE, 0))
    return pl.pallas_call(
        _tc_node_body,
        grid=(_NB_PRE,),
        in_specs=[blkD, blkD, blkD, blkD1, blkE, blkE1, blkE,
                  full((D, D)), full((1, D)), full((1, D)), full((D, D)),
                  full((1, D))],
        out_specs=[blkD, blkE],
        out_shape=[jax.ShapeDtypeStruct((N, D), jnp.float32),
                   jax.ShapeDtypeStruct((N, ED), jnp.float32)],
    )(h, r, aggp, aggp, cdp, cdp, xp, wn1b, gm, btm, wn2, b2n)


def kernel(h, x, edge_index, edge_attr,
           W_msg1, b_msg1, g_msg1, be_msg1, W_msg2, b_msg2,
           W_att, b_att,
           W_node1, b_node1, g_node1, be_node1, W_node2, b_node2,
           W_coord1, b_coord1, W_coord2, b_coord2):
    row = edge_index[0]
    col = edge_index[1]
    w1a = W_msg1[0:D]
    w1b = W_msg1[D:2 * D]
    w1d = W_msg1[2 * D:2 * D + 1]
    w1e = W_msg1[2 * D + 1:]
    wn1a = W_node1[0:D]
    wn1b = W_node1[D:]
    xpad = jnp.pad(x, ((0, 0), (0, ED - 3)))

    row2 = lambda v: v.reshape(1, -1)

    w2e = jnp.concatenate(
        [W_msg2, W_msg2 @ W_att, jnp.zeros((D, D - 1), jnp.float32)], axis=1)
    b2e = jnp.concatenate(
        [b_msg2, b_msg2 @ W_att + b_att, jnp.zeros((D - 1,), jnp.float32)]
    ).reshape(1, 2 * D)
    wc2p = jnp.concatenate(
        [W_coord2, jnp.zeros((D, D - 1), jnp.float32)], axis=1)

    rowA = row[:E_A].reshape(NW, NBLK_A, BE)
    rowB = row[E_A:].reshape(NW, NBLK_B, BE)
    colA = col[:E_A].reshape(NW, NBLK_A, BE)
    colB = col[E_A:].reshape(NW, NBLK_B, BE)
    assert E_A % 2560 == 0 and E_B % 2560 == 0

    edge_w = (w1e, row2(b_msg1), row2(g_msg1), row2(be_msg1),
              w2e, b2e, W_coord1, row2(b_coord1), wc2p,
              b_coord2.reshape(1, 1))

    p, q, r = _tc_pre(h, w1a, w1b, wn1a, row2(b_node1))
    (gA,) = _sc_gather(NBLK_A)(p, q, xpad, rowA, colA, w1d)
    (gB,) = _sc_gather(NBLK_B)(p, q, xpad, rowB, colB, w1d)
    mA, cwA = _tc_edge(2560, 0, gA, edge_attr, *edge_w)
    z128 = jnp.zeros((N, D), jnp.float32)
    z16 = jnp.zeros((N, ED), jnp.float32)
    aggA, cdA = _sc_scatter(NBLK_A, False)(mA, cwA, xpad, rowA, colA, z128, z16)
    mB, cwB = _tc_edge(2560, E_A // 2560, gB, edge_attr, *edge_w)
    aggp, cdp = _sc_scatter(NBLK_B, True)(mB, cwB, xpad, rowB, colB, aggA, cdA)
    h_new, xnp = _tc_node(
        h, r, aggp, cdp, xpad,
        wn1b, row2(g_node1), row2(be_node1), W_node2, row2(b_node2))
    return (h_new, xnp[:, :3])

# --- scband reference (transcript-rebuilt; emitter-appended) ---
"""Pipeline reference for scband-egnnlayer-11510512353875 (READ-ONLY COPY).

The authoritative reference and input builder live on the scoring server;
editing this copy changes nothing except your own understanding.
"""

import jax, jax.numpy as jnp
import numpy as np

N = 10000
E = 320000
D = 128
EDGE_DIM = 16


def _layernorm(x, g, b, eps=1e-5):
    m = jnp.mean(x, axis=-1, keepdims=True)
    v = jnp.mean((x - m) ** 2, axis=-1, keepdims=True)
    return (x - m) / jnp.sqrt(v + eps) * g + b


def _mlp(x, W1, b1, W2, b2, g=None, bt=None):
    # 2-layer MLP: Linear -> (LayerNorm) -> SiLU -> Linear
    h = x @ W1 + b1
    if g is not None:
        h = _layernorm(h, g, bt)
    h = jax.nn.silu(h)
    return h @ W2 + b2


def _glorot(k, shape):
    lim = (6.0 / (shape[0] + shape[1])) ** 0.5
    return jax.random.uniform(k, shape, minval=-lim, maxval=lim, dtype=jnp.float32)


def setup_inputs(seed: int = 0):
    key = jax.random.key(seed)
    ks = jax.random.split(key, 16)
    msg_in = 2 * D + 1 + EDGE_DIM
    inp = {
        'h': jax.random.normal(ks[0], (N, D), jnp.float32),
        'x': jax.random.normal(ks[1], (N, 3), jnp.float32),
        'edge_index': jax.random.randint(ks[2], (2, E), 0, N, dtype=jnp.int32),
        'edge_attr': jax.random.normal(ks[3], (E, EDGE_DIM), jnp.float32),
        # msg_mlp (norm=True)
        'W_msg1': _glorot(ks[4], (msg_in, D)), 'b_msg1': jnp.zeros((D,), jnp.float32),
        'g_msg1': jnp.ones((D,), jnp.float32), 'be_msg1': jnp.zeros((D,), jnp.float32),
        'W_msg2': _glorot(ks[5], (D, D)), 'b_msg2': jnp.zeros((D,), jnp.float32),
        # att_mlp
        'W_att': _glorot(ks[6], (D, 1)), 'b_att': jnp.zeros((1,), jnp.float32),
        # node_mlp (norm=True)
        'W_node1': _glorot(ks[7], (2 * D, D)), 'b_node1': jnp.zeros((D,), jnp.float32),
        'g_node1': jnp.ones((D,), jnp.float32), 'be_node1': jnp.zeros((D,), jnp.float32),
        'W_node2': _glorot(ks[8], (D, D)), 'b_node2': jnp.zeros((D,), jnp.float32),
        # coord_mlp (norm=False)
        'W_coord1': _glorot(ks[9], (D, D)), 'b_coord1': jnp.zeros((D,), jnp.float32),
        'W_coord2': _glorot(ks[10], (D, 1)), 'b_coord2': jnp.zeros((1,), jnp.float32),
    }
    return inp


def reference(h, x, edge_index, edge_attr,
              W_msg1, b_msg1, g_msg1, be_msg1, W_msg2, b_msg2,
              W_att, b_att,
              W_node1, b_node1, g_node1, be_node1, W_node2, b_node2,
              W_coord1, b_coord1, W_coord2, b_coord2):
    row = edge_index[0]
    col = edge_index[1]
    diff = x[row] - x[col]
    dist_sq = jnp.sum(diff * diff, axis=-1, keepdims=True)
    msg_input = jnp.concatenate([h[row], h[col], dist_sq, edge_attr], axis=-1)
    msg = _mlp(msg_input, W_msg1, b_msg1, W_msg2, b_msg2, g_msg1, be_msg1)
    att = jax.nn.sigmoid(msg @ W_att + b_att)
    msg = msg * att
    agg = jnp.zeros_like(h).at[col].add(msg)
    h_new = h + _mlp(jnp.concatenate([h, agg], axis=-1), W_node1, b_node1, W_node2, b_node2, g_node1, be_node1)
    coord_weights = _mlp(msg, W_coord1, b_coord1, W_coord2, b_coord2)
    coord_weights = jnp.clip(coord_weights, -100.0, 100.0)
    coord_delta = jnp.zeros_like(x).at[col].add(diff * coord_weights)
    x_new = x + coord_delta
    return (h_new, x_new)

if __name__ == "__main__":
    import jax
    _d = setup_inputs()
    print(jax.jit(kernel)(*tuple(_d.values())))

</pallas_src>

<mosaic_0001>
#map = affine_map<(d0, d1) -> (0, 0)>
#map1 = affine_map<(d0, d1) -> (0, 0, 0)>
module attributes {stable_mosaic.version = 14 : i64} {
  func.func @_sc_gather_body(%arg0: i32, %arg1: i32, %arg2: memref<10000x128xf32, #tpu.memory_space<hbm>>, %arg3: memref<10000x128xf32, #tpu.memory_space<hbm>>, %arg4: memref<10000x16xf32, #tpu.memory_space<hbm>>, %arg5: memref<32x63x80xi32, #tpu.memory_space<hbm>>, %arg6: memref<32x63x80xi32, #tpu.memory_space<hbm>>, %arg7: memref<1x128xf32, #tpu.memory_space<hbm>>, %arg8: memref<161280x128xf32, #tpu.memory_space<hbm>>, %arg9: memref<63x80xi32, #tpu.memory_space<vmem>>, %arg10: memref<63x80xi32, #tpu.memory_space<vmem>>, %arg11: memref<1x128xf32, #tpu.memory_space<vmem>>, %arg12: memref<80x128xf32, #tpu.memory_space<vmem>>, %arg13: memref<80x128xf32, #tpu.memory_space<vmem>>, %arg14: memref<80x16xf32, #tpu.memory_space<vmem>>, %arg15: memref<80x16xf32, #tpu.memory_space<vmem>>, %arg16: memref<!tpu.dma_semaphore, #tpu.memory_space<semaphore_mem>>, %arg17: memref<80x128xf32, #tpu.memory_space<vmem>>, %arg18: memref<80x128xf32, #tpu.memory_space<vmem>>, %arg19: memref<80x16xf32, #tpu.memory_space<vmem>>, %arg20: memref<80x16xf32, #tpu.memory_space<vmem>>, %arg21: memref<!tpu.dma_semaphore, #tpu.memory_space<semaphore_mem>>) attributes {dimension_semantics = [#tpu.dimension_semantics<core_parallel>, #tpu.dimension_semantics<subcore_parallel>], iteration_bounds = array<i64: 2, 16>, scalar_prefetch = 0 : i64, scratch_operands = 13 : i64, tpu.core_type = #tpu.core_type<sc_vector_subcore>, window_params = [{transform_indices = #map}, {transform_indices = #map}, {transform_indices = #map}, {transform_indices = #map1}, {transform_indices = #map1}, {transform_indices = #map}, {transform_indices = #map}]} {
    %mul3A = arith.constant 2 : i32
    %mul3A_0 = arith.muli %arg1, %mul3A : i32
    %add3A = arith.addi %mul3A_0, %arg0 : i32
    "tpu.region"() ({
      %run_scoped3A = tpu.sem_alloc : memref<!tpu.dma_semaphore, #tpu.memory_space<semaphore_mem>>
      %dma_start3A_38 = arith.constant 0 : i32
      %dma_start3A_39 = arith.constant 0 : i32
      %dma_start3A_40 = tpu.memref_slice %arg5[%add3A, %dma_start3A_38, %dma_start3A_39] : memref<32x63x80xi32, #tpu.memory_space<hbm>> -> memref<1x63x80xi32, #tpu.memory_space<hbm>>
      %dma_start3A_41 = tpu.memref_squeeze %dma_start3A_40 : memref<1x63x80xi32, #tpu.memory_space<hbm>> -> memref<63x80xi32, #tpu.memory_space<hbm>>
      %dma_start3A_42 = arith.constant 0 : i32
      %dma_start3A_43 = arith.constant 0 : i32
      %dma_start3A_44 = tpu.memref_slice %arg5[%add3A, %dma_start3A_42, %dma_start3A_43] : memref<32x63x80xi32, #tpu.memory_space<hbm>> -> memref<1x63x80xi32, #tpu.memory_space<hbm>>
      %dma_start3A_45 = tpu.memref_squeeze %dma_start3A_44 : memref<1x63x80xi32, #tpu.memory_space<hbm>> -> memref<63x80xi32, #tpu.memory_space<hbm>>
      tpu.enqueue_dma source(%dma_start3A_45 : memref<63x80xi32, #tpu.memory_space<hbm>>) target(%arg9 : memref<63x80xi32, #tpu.memory_space<vmem>>) target_semaphore(%run_scoped3A : memref<!tpu.dma_semaphore, #tpu.memory_space<semaphore_mem>>)
      %dma_wait3A = arith.constant 0 : i32
      %dma_wait3A_46 = arith.constant 0 : i32
      %dma_wait3A_47 = tpu.memref_slice %arg5[%add3A, %dma_wait3A, %dma_wait3A_46] : memref<32x63x80xi32, #tpu.memory_space<hbm>> -> memref<1x63x80xi32, #tpu.memory_space<hbm>>
      %dma_wait3A_48 = tpu.memref_squeeze %dma_wait3A_47 : memref<1x63x80xi32, #tpu.memory_space<hbm>> -> memref<63x80xi32, #tpu.memory_space<hbm>>
      %dma_wait3A_49 = arith.constant 0 : i32
      %dma_wait3A_50 = arith.constant 0 : i32
      %dma_wait3A_51 = tpu.memref_slice %arg5[%add3A, %dma_wait3A_49, %dma_wait3A_50] : memref<32x63x80xi32, #tpu.memory_space<hbm>> -> memref<1x63x80xi32, #tpu.memory_space<hbm>>
      %dma_wait3A_52 = tpu.memref_squeeze %dma_wait3A_51 : memref<1x63x80xi32, #tpu.memory_space<hbm>> -> memref<63x80xi32, #tpu.memory_space<hbm>>
      tpu.wait_dma2 semaphore(%run_scoped3A : memref<!tpu.dma_semaphore, #tpu.memory_space<semaphore_mem>>) src(%dma_wait3A_52 : memref<63x80xi32, #tpu.memory_space<hbm>>) dst(%arg9 : memref<63x80xi32, #tpu.memory_space<vmem>>)
      tpu.yield
    }) : () -> ()
    "tpu.region"() ({
      %run_scoped3A = tpu.sem_alloc : memref<!tpu.dma_semaphore, #tpu.memory_space<semaphore_mem>>
      %dma_start3A_38 = arith.constant 0 : i32
      %dma_start3A_39 = arith.constant 0 : i32
      %dma_start3A_40 = tpu.memref_slice %arg6[%add3A, %dma_start3A_38, %dma_start3A_39] : memref<32x63x80xi32, #tpu.memory_space<hbm>> -> memref<1x63x80xi32, #tpu.memory_space<hbm>>
      %dma_start3A_41 = tpu.memref_squeeze %dma_start3A_40 : memref<1x63x80xi32, #tpu.memory_space<hbm>> -> memref<63x80xi32, #tpu.memory_space<hbm>>
      %dma_start3A_42 = arith.constant 0 : i32
      %dma_start3A_43 = arith.constant 0 : i32
      %dma_start3A_44 = tpu.memref_slice %arg6[%add3A, %dma_start3A_42, %dma_start3A_43] : memref<32x63x80xi32, #tpu.memory_space<hbm>> -> memref<1x63x80xi32, #tpu.memory_space<hbm>>
      %dma_start3A_45 = tpu.memref_squeeze %dma_start3A_44 : memref<1x63x80xi32, #tpu.memory_space<hbm>> -> memref<63x80xi32, #tpu.memory_space<hbm>>
      tpu.enqueue_dma source(%dma_start3A_45 : memref<63x80xi32, #tpu.memory_space<hbm>>) target(%arg10 : memref<63x80xi32, #tpu.memory_space<vmem>>) target_semaphore(%run_scoped3A : memref<!tpu.dma_semaphore, #tpu.memory_space<semaphore_mem>>)
      %dma_wait3A = arith.constant 0 : i32
      %dma_wait3A_46 = arith.constant 0 : i32
      %dma_wait3A_47 = tpu.memref_slice %arg6[%add3A, %dma_wait3A, %dma_wait3A_46] : memref<32x63x80xi32, #tpu.memory_space<hbm>> -> memref<1x63x80xi32, #tpu.memory_space<hbm>>
      %dma_wait3A_48 = tpu.memref_squeeze %dma_wait3A_47 : memref<1x63x80xi32, #tpu.memory_space<hbm>> -> memref<63x80xi32, #tpu.memory_space<hbm>>
      %dma_wait3A_49 = arith.constant 0 : i32
      %dma_wait3A_50 = arith.constant 0 : i32
      %dma_wait3A_51 = tpu.memref_slice %arg6[%add3A, %dma_wait3A_49, %dma_wait3A_50] : memref<32x63x80xi32, #tpu.memory_space<hbm>> -> memref<1x63x80xi32, #tpu.memory_space<hbm>>
      %dma_wait3A_52 = tpu.memref_squeeze %dma_wait3A_51 : memref<1x63x80xi32, #tpu.memory_space<hbm>> -> memref<63x80xi32, #tpu.memory_space<hbm>>
      tpu.wait_dma2 semaphore(%run_scoped3A : memref<!tpu.dma_semaphore, #tpu.memory_space<semaphore_mem>>) src(%dma_wait3A_52 : memref<63x80xi32, #tpu.memory_space<hbm>>) dst(%arg10 : memref<63x80xi32, #tpu.memory_space<vmem>>)
      tpu.yield
    }) : () -> ()
    "tpu.region"() ({
      %run_scoped3A = tpu.sem_alloc : memref<!tpu.dma_semaphore, #tpu.memory_space<semaphore_mem>>
      tpu.enqueue_dma source(%arg7 : memref<1x128xf32, #tpu.memory_space<hbm>>) target(%arg11 : memref<1x128xf32, #tpu.memory_space<vmem>>) target_semaphore(%run_scoped3A : memref<!tpu.dma_semaphore, #tpu.memory_space<semaphore_mem>>)
      tpu.wait_dma2 semaphore(%run_scoped3A : memref<!tpu.dma_semaphore, #tpu.memory_space<semaphore_mem>>) src(%arg7 : memref<1x128xf32, #tpu.memory_space<hbm>>) dst(%arg11 : memref<1x128xf32, #tpu.memory_space<vmem>>)
      tpu.yield
    }) : () -> ()
    %broadcast_in_dim3A = arith.constant 0 : i32
    %broadcast_in_dim3A_1 = vector.broadcast %broadcast_in_dim3A : i32 to vector<16xi32>
    %broadcast_in_dim3A_2 = arith.constant 1 : i32
    %broadcast_in_dim3A_3 = vector.broadcast %broadcast_in_dim3A_2 : i32 to vector<16xi32>
    %broadcast_in_dim3A_4 = arith.constant 2 : i32
    %broadcast_in_dim3A_5 = vector.broadcast %broadcast_in_dim3A_4 : i32 to vector<16xi32>
    %dma_start3A = arith.constant 0 : i32
    %dma_start3A_6 = arith.constant 0 : i32
    %dma_start3A_7 = tpu.memref_slice %arg9[%dma_start3A, %dma_start3A_6] : memref<63x80xi32, #tpu.memory_space<vmem>> -> memref<1x80xi32, #tpu.memory_space<vmem>>
    %dma_start3A_8 = tpu.memref_squeeze %dma_start3A_7 : memref<1x80xi32, #tpu.memory_space<vmem>> -> memref<80xi32, #tpu.memory_space<vmem>>
    %dma_start3A_9 = arith.constant 0 : i32
    %dma_start3A_10 = arith.constant 0 : i32
    %dma_start3A_11 = tpu.memref_slice %arg2[%dma_start3A_9, %dma_start3A_10] : memref<10000x128xf32, #tpu.memory_space<hbm>> -> memref<10000x128xf32, #tpu.memory_space<hbm>>
    tpu.enqueue_indirect_dma source(%dma_start3A_11 : memref<10000x128xf32, #tpu.memory_space<hbm>>) target(%arg12 : memref<80x128xf32, #tpu.memory_space<vmem>>) offsets(%dma_start3A_8 : memref<80xi32, #tpu.memory_space<vmem>>) semaphore(%arg16 : memref<!tpu.dma_semaphore, #tpu.memory_space<semaphore_mem>>)
    %dma_start3A_12 = arith.constant 0 : i32
    %dma_start3A_13 = arith.constant 0 : i32
    %dma_start3A_14 = tpu.memref_slice %arg10[%dma_start3A_12, %dma_start3A_13] : memref<63x80xi32, #tpu.memory_space<vmem>> -> memref<1x80xi32, #tpu.memory_space<vmem>>
    %dma_start3A_15 = tpu.memref_squeeze %dma_start3A_14 : memref<1x80xi32, #tpu.memory_space<vmem>> -> memref<80xi32, #tpu.memory_space<vmem>>
    %dma_start3A_16 = arith.constant 0 : i32
    %dma_start3A_17 = arith.constant 0 : i32
    %dma_start3A_18 = tpu.memref_slice %arg3[%dma_start3A_16, %dma_start3A_17] : memref<10000x128xf32, #tpu.memory_space<hbm>> -> memref<10000x128xf32, #tpu.memory_space<hbm>>
    tpu.enqueue_indirect_dma source(%dma_start3A_18 : memref<10000x128xf32, #tpu.memory_space<hbm>>) target(%arg13 : memref<80x128xf32, #tpu.memory_space<vmem>>) offsets(%dma_start3A_15 : memref<80xi32, #tpu.memory_space<vmem>>) semaphore(%arg16 : memref<!tpu.dma_semaphore, #tpu.memory_space<semaphore_mem>>)
    %dma_start3A_19 = arith.constant 0 : i32
    %dma_start3A_20 = arith.constant 0 : i32
    %dma_start3A_21 = tpu.memref_slice %arg9[%dma_start3A_19, %dma_start3A_20] : memref<63x80xi32, #tpu.memory_space<vmem>> -> memref<1x80xi32, #tpu.memory_space<vmem>>
    %dma_start3A_22 = tpu.memref_squeeze %dma_start3A_21 : memref<1x80xi32, #tpu.memory_space<vmem>> -> memref<80xi32, #tpu.memory_space<vmem>>
    %dma_start3A_23 = arith.constant 0 : i32
    %dma_start3A_24 = arith.constant 0 : i32
    %dma_start3A_25 = tpu.memref_slice %arg4[%dma_start3A_23, %dma_start3A_24] : memref<10000x16xf32, #tpu.memory_space<hbm>> -> memref<10000x16xf32, #tpu.memory_space<hbm>>
    tpu.enqueue_indirect_dma source(%dma_start3A_25 : memref<10000x16xf32, #tpu.memory_space<hbm>>) target(%arg14 : memref<80x16xf32, #tpu.memory_space<vmem>>) offsets(%dma_start3A_22 : memref<80xi32, #tpu.memory_space<vmem>>) semaphore(%arg16 : memref<!tpu.dma_semaphore, #tpu.memory_space<semaphore_mem>>)
    %dma_start3A_26 = arith.constant 0 : i32
    %dma_start3A_27 = arith.constant 0 : i32
    %dma_start3A_28 = tpu.memref_slice %arg10[%dma_start3A_26, %dma_start3A_27] : memref<63x80xi32, #tpu.memory_space<vmem>> -> memref<1x80xi32, #tpu.memory_space<vmem>>
    %dma_start3A_29 = tpu.memref_squeeze %dma_start3A_28 : memref<1x80xi32, #tpu.memory_space<vmem>> -> memref<80xi32, #tpu.memory_space<vmem>>
    %dma_start3A_30 = arith.constant 0 : i32
    %dma_start3A_31 = arith.constant 0 : i32
    %dma_start3A_32 = tpu.memref_slice %arg4[%dma_start3A_30, %dma_start3A_31] : memref<10000x16xf32, #tpu.memory_space<hbm>> -> memref<10000x16xf32, #tpu.memory_space<hbm>>
    tpu.enqueue_indirect_dma source(%dma_start3A_32 : memref<10000x16xf32, #tpu.memory_space<hbm>>) target(%arg15 : memref<80x16xf32, #tpu.memory_space<vmem>>) offsets(%dma_start3A_29 : memref<80xi32, #tpu.memory_space<vmem>>) semaphore(%arg16 : memref<!tpu.dma_semaphore, #tpu.memory_space<semaphore_mem>>)
    %scan3A = arith.constant 0 : i32
    %scan3A_33 = arith.constant 0 : i32
    %scan3A_34 = arith.constant 32 : i32
    %scan3A_35 = arith.addi %scan3A_33, %scan3A_34 : i32
    %scan3A_36 = arith.constant 1 : i32
    scf.for %scan3A_38 = %scan3A_33 to %scan3A_35 step %scan3A_36  : i32 {
      %mul3A_39 = arith.constant 2 : i32
      %mul3A_40 = arith.muli %scan3A_38, %mul3A_39 : i32
      %add3A_41 = arith.constant 0 : i32
      %add3A_42 = arith.addi %mul3A_40, %add3A_41 : i32
      %add3A_43 = arith.constant 1 : i32
      %add3A_44 = arith.addi %add3A_42, %add3A_43 : i32
      %lt3A = arith.constant 63 : i32
      %lt3A_45 = arith.cmpi slt, %add3A_44, %lt3A : i32
      %convert_element_type3A = arith.extui %lt3A_45 : i1 to i32
      %cond3A = arith.constant 0 : i32
      %cond3A_46 = arith.cmpi ne, %convert_element_type3A, %cond3A : i32
      scf.if %cond3A_46 {
        %add3A_68 = arith.constant 1 : i32
        %add3A_69 = arith.addi %add3A_42, %add3A_68 : i32
        %dma_start3A_70 = arith.constant 0 : i32
        %dma_start3A_71 = tpu.memref_slice %arg9[%add3A_69, %dma_start3A_70] : memref<63x80xi32, #tpu.memory_space<vmem>> -> memref<1x80xi32, #tpu.memory_space<vmem>>
        %dma_start3A_72 = tpu.memref_squeeze %dma_start3A_71 : memref<1x80xi32, #tpu.memory_space<vmem>> -> memref<80xi32, #tpu.memory_space<vmem>>
        %dma_start3A_73 = arith.constant 0 : i32
        %dma_start3A_74 = arith.constant 0 : i32
        %dma_start3A_75 = tpu.memref_slice %arg2[%dma_start3A_73, %dma_start3A_74] : memref<10000x128xf32, #tpu.memory_space<hbm>> -> memref<10000x128xf32, #tpu.memory_space<hbm>>
        tpu.enqueue_indirect_dma source(%dma_start3A_75 : memref<10000x128xf32, #tpu.memory_space<hbm>>) target(%arg17 : memref<80x128xf32, #tpu.memory_space<vmem>>) offsets(%dma_start3A_72 : memref<80xi32, #tpu.memory_space<vmem>>) semaphore(%arg21 : memref<!tpu.dma_semaphore, #tpu.memory_space<semaphore_mem>>)
        %dma_start3A_76 = arith.constant 0 : i32
        %dma_start3A_77 = tpu.memref_slice %arg10[%add3A_69, %dma_start3A_76] : memref<63x80xi32, #tpu.memory_space<vmem>> -> memref<1x80xi32, #tpu.memory_space<vmem>>
        %dma_start3A_78 = tpu.memref_squeeze %dma_start3A_77 : memref<1x80xi32, #tpu.memory_space<vmem>> -> memref<80xi32, #tpu.memory_space<vmem>>
        %dma_start3A_79 = arith.constant 0 : i32
        %dma_start3A_80 = arith.constant 0 : i32
        %dma_start3A_81 = tpu.memref_slice %arg3[%dma_start3A_79, %dma_start3A_80] : memref<10000x128xf32, #tpu.memory_space<hbm>> -> memref<10000x128xf32, #tpu.memory_space<hbm>>
        tpu.enqueue_indirect_dma source(%dma_start3A_81 : memref<10000x128xf32, #tpu.memory_space<hbm>>) target(%arg18 : memref<80x128xf32, #tpu.memory_space<vmem>>) offsets(%dma_start3A_78 : memref<80xi32, #tpu.memory_space<vmem>>) semaphore(%arg21 : memref<!tpu.dma_semaphore, #tpu.memory_space<semaphore_mem>>)
        %dma_start3A_82 = arith.constant 0 : i32
        %dma_start3A_83 = tpu.memref_slice %arg9[%add3A_69, %dma_start3A_82] : memref<63x80xi32, #tpu.memory_space<vmem>> -> memref<1x80xi32, #tpu.memory_space<vmem>>
        %dma_start3A_84 = tpu.memref_squeeze %dma_start3A_83 : memref<1x80xi32, #tpu.memory_space<vmem>> -> memref<80xi32, #tpu.memory_space<vmem>>
        %dma_start3A_85 = arith.constant 0 : i32
        %dma_start3A_86 = arith.constant 0 : i32
        %dma_start3A_87 = tpu.memref_slice %arg4[%dma_start3A_85, %dma_start3A_86] : memref<10000x16xf32, #tpu.memory_space<hbm>> -> memref<10000x16xf32, #tpu.memory_space<hbm>>
        tpu.enqueue_indirect_dma source(%dma_start3A_87 : memref<10000x16xf32, #tpu.memory_space<hbm>>) target(%arg19 : memref<80x16xf32, #tpu.memory_space<vmem>>) offsets(%dma_start3A_84 : memref<80xi32, #tpu.memory_space<vmem>>) semaphore(%arg21 : memref<!tpu.dma_semaphore, #tpu.memory_space<semaphore_mem>>)
        %dma_start3A_88 = arith.constant 0 : i32
        %dma_start3A_89 = tpu.memref_slice %arg10[%add3A_69, %dma_start3A_88] : memref<63x80xi32, #tpu.memory_space<vmem>> -> memref<1x80xi32, #tpu.memory_space<vmem>>
        %dma_start3A_90 = tpu.memref_squeeze %dma_start3A_89 : memref<1x80xi32, #tpu.memory_space<vmem>> -> memref<80xi32, #tpu.memory_space<vmem>>
        %dma_start3A_91 = arith.constant 0 : i32
        %dma_start3A_92 = arith.constant 0 : i32
        %dma_start3A_93 = tpu.memref_slice %arg4[%dma_start3A_91, %dma_start3A_92] : memref<10000x16xf32, #tpu.memory_space<hbm>> -> memref<10000x16xf32, #tpu.memory_space<hbm>>
        tpu.enqueue_indirect_dma source(%dma_start3A_93 : memref<10000x16xf32, #tpu.memory_space<hbm>>) target(%arg20 : memref<80x16xf32, #tpu.memory_space<vmem>>) offsets(%dma_start3A_90 : memref<80xi32, #tpu.memory_space<vmem>>) semaphore(%arg21 : memref<!tpu.dma_semaphore, #tpu.memory_space<semaphore_mem>>)
      } else {
      }
      %lt3A_47 = arith.constant 63 : i32
      %lt3A_48 = arith.cmpi slt, %add3A_42, %lt3A_47 : i32
      %convert_element_type3A_49 = arith.extui %lt3A_48 : i1 to i32
      %cond3A_50 = arith.constant 0 : i32
      %cond3A_51 = arith.cmpi ne, %convert_element_type3A_49, %cond3A_50 : i32
      scf.if %cond3A_51 {
        %dma_wait3A = arith.constant 0 : i32
        %dma_wait3A_68 = tpu.memref_slice %arg9[%add3A_42, %dma_wait3A] : memref<63x80xi32, #tpu.memory_space<vmem>> -> memref<1x80xi32, #tpu.memory_space<vmem>>
        %dma_wait3A_69 = tpu.memref_squeeze %dma_wait3A_68 : memref<1x80xi32, #tpu.memory_space<vmem>> -> memref<80xi32, #tpu.memory_space<vmem>>
        %dma_wait3A_70 = arith.constant 0 : i32
        %dma_wait3A_71 = arith.constant 0 : i32
        %dma_wait3A_72 = tpu.memref_slice %arg2[%dma_wait3A_70, %dma_wait3A_71] : memref<10000x128xf32, #tpu.memory_space<hbm>> -> memref<10000x128xf32, #tpu.memory_space<hbm>>
        tpu.wait_indirect_dma semaphore(%arg16 : memref<!tpu.dma_semaphore, #tpu.memory_space<semaphore_mem>>) src(%dma_wait3A_72 : memref<10000x128xf32, #tpu.memory_space<hbm>>) dst(%arg12 : memref<80x128xf32, #tpu.memory_space<vmem>>)
        %dma_wait3A_73 = arith.constant 0 : i32
        %dma_wait3A_74 = tpu.memref_slice %arg10[%add3A_42, %dma_wait3A_73] : memref<63x80xi32, #tpu.memory_space<vmem>> -> memref<1x80xi32, #tpu.memory_space<vmem>>
        %dma_wait3A_75 = tpu.memref_squeeze %dma_wait3A_74 : memref<1x80xi32, #tpu.memory_space<vmem>> -> memref<80xi32, #tpu.memory_space<vmem>>
        %dma_wait3A_76 = arith.constant 0 : i32
        %dma_wait3A_77 = arith.constant 0 : i32
        %dma_wait3A_78 = tpu.memref_slice %arg3[%dma_wait3A_76, %dma_wait3A_77] : memref<10000x128xf32, #tpu.memory_space<hbm>> -> memref<10000x128xf32, #tpu.memory_space<hbm>>
        tpu.wait_indirect_dma semaphore(%arg16 : memref<!tpu.dma_semaphore, #tpu.memory_space<semaphore_mem>>) src(%dma_wait3A_78 : memref<10000x128xf32, #tpu.memory_space<hbm>>) dst(%arg13 : memref<80x128xf32, #tpu.memory_space<vmem>>)
        %dma_wait3A_79 = arith.constant 0 : i32
        %dma_wait3A_80 = tpu.memref_slice %arg9[%add3A_42, %dma_wait3A_79] : memref<63x80xi32, #tpu.memory_space<vmem>> -> memref<1x80xi32, #tpu.memory_space<vmem>>
        %dma_wait3A_81 = tpu.memref_squeeze %dma_wait3A_80 : memref<1x80xi32, #tpu.memory_space<vmem>> -> memref<80xi32, #tpu.memory_space<vmem>>
        %dma_wait3A_82 = arith.constant 0 : i32
        %dma_wait3A_83 = arith.constant 0 : i32
        %dma_wait3A_84 = tpu.memref_slice %arg4[%dma_wait3A_82, %dma_wait3A_83] : memref<10000x16xf32, #tpu.memory_space<hbm>> -> memref<10000x16xf32, #tpu.memory_space<hbm>>
        tpu.wait_indirect_dma semaphore(%arg16 : memref<!tpu.dma_semaphore, #tpu.memory_space<semaphore_mem>>) src(%dma_wait3A_84 : memref<10000x16xf32, #tpu.memory_space<hbm>>) dst(%arg14 : memref<80x16xf32, #tpu.memory_space<vmem>>)
        %dma_wait3A_85 = arith.constant 0 : i32
        %dma_wait3A_86 = tpu.memref_slice %arg10[%add3A_42, %dma_wait3A_85] : memref<63x80xi32, #tpu.memory_space<vmem>> -> memref<1x80xi32, #tpu.memory_space<vmem>>
        %dma_wait3A_87 = tpu.memref_squeeze %dma_wait3A_86 : memref<1x80xi32, #tpu.memory_space<vmem>> -> memref<80xi32, #tpu.memory_space<vmem>>
        %dma_wait3A_88 = arith.constant 0 : i32
        %dma_wait3A_89 = arith.constant 0 : i32
        %dma_wait3A_90 = tpu.memref_slice %arg4[%dma_wait3A_88, %dma_wait3A_89] : memref<10000x16xf32, #tpu.memory_space<hbm>> -> memref<10000x16xf32, #tpu.memory_space<hbm>>
        tpu.wait_indirect_dma semaphore(%arg16 : memref<!tpu.dma_semaphore, #tpu.memory_space<semaphore_mem>>) src(%dma_wait3A_90 : memref<10000x16xf32, #tpu.memory_space<hbm>>) dst(%arg15 : memref<80x16xf32, #tpu.memory_space<vmem>>)
        %get3A = arith.constant 0 : i32
        %get3A_91 = arith.index_cast %get3A : i32 to index
        %get3A_92 = arith.constant 0 : index
        %get3A_93 = tpu.vector_load %arg11[%get3A_91, %get3A_92] {strides = array<i32>} : memref<1x128xf32, #tpu.memory_space<vmem>>, vector<1x16xf32>,
        %get3A_94 = vector.shape_cast %get3A_93 : vector<1x16xf32> to vector<16xf32>
        %get3A_95 = arith.constant 0 : i32
        %get3A_96 = arith.index_cast %get3A_95 : i32 to index
        %get3A_97 = arith.constant 16 : index
        %get3A_98 = tpu.vector_load %arg11[%get3A_96, %get3A_97] {strides = array<i32>} : memref<1x128xf32, #tpu.memory_space<vmem>>, vector<1x16xf32>,
        %get3A_99 = vector.shape_cast %get3A_98 : vector<1x16xf32> to vector<16xf32>
        %get3A_100 = arith.constant 0 : i32
        %get3A_101 = arith.index_cast %get3A_100 : i32 to index
        %get3A_102 = arith.constant 32 : index
        %get3A_103 = tpu.vector_load %arg11[%get3A_101, %get3A_102] {strides = array<i32>} : memref<1x128xf32, #tpu.memory_space<vmem>>, vector<1x16xf32>,
        %get3A_104 = vector.shape_cast %get3A_103 : vector<1x16xf32> to vector<16xf32>
        %get3A_105 = arith.constant 0 : i32
        %get3A_106 = arith.index_cast %get3A_105 : i32 to index
        %get3A_107 = arith.constant 48 : index
        %get3A_108 = tpu.vector_load %arg11[%get3A_106, %get3A_107] {strides = array<i32>} : memref<1x128xf32, #tpu.memory_space<vmem>>, vector<1x16xf32>,
        %get3A_109 = vector.shape_cast %get3A_108 : vector<1x16xf32> to vector<16xf32>
        %get3A_110 = arith.constant 0 : i32
        %get3A_111 = arith.index_cast %get3A_110 : i32 to index
        %get3A_112 = arith.constant 64 : index
        %get3A_113 = tpu.vector_load %arg11[%get3A_111, %get3A_112] {strides = array<i32>} : memref<1x128xf32, #tpu.memory_space<vmem>>, vector<1x16xf32>,
        %get3A_114 = vector.shape_cast %get3A_113 : vector<1x16xf32> to vector<16xf32>
        %get3A_115 = arith.constant 0 : i32
        %get3A_116 = arith.index_cast %get3A_115 : i32 to index
        %get3A_117 = arith.constant 80 : index
        %get3A_118 = tpu.vector_load %arg11[%get3A_116, %get3A_117] {strides = array<i32>} : memref<1x128xf32, #tpu.memory_space<vmem>>, vector<1x16xf32>,
        %get3A_119 = vector.shape_cast %get3A_118 : vector<1x16xf32> to vector<16xf32>
        %get3A_120 = arith.constant 0 : i32
        %get3A_121 = arith.index_cast %get3A_120 : i32 to index
        %get3A_122 = arith.constant 96 : index
        %get3A_123 = tpu.vector_load %arg11[%get3A_121, %get3A_122] {strides = array<i32>} : memref<1x128xf32, #tpu.memory_space<vmem>>, vector<1x16xf32>,
        %get3A_124 = vector.shape_cast %get3A_123 : vector<1x16xf32> to vector<16xf32>
        %get3A_125 = arith.constant 0 : i32
        %get3A_126 = arith.index_cast %get3A_125 : i32 to index
        %get3A_127 = arith.constant 112 : index
        %get3A_128 = tpu.vector_load %arg11[%get3A_126, %get3A_127] {strides = array<i32>} : memref<1x128xf32, #tpu.memory_space<vmem>>, vector<1x16xf32>,
        %get3A_129 = vector.shape_cast %get3A_128 : vector<1x16xf32> to vector<16xf32>
        %parallel_loop3A = arith.constant 0 : i32
        %parallel_loop3A_130 = arith.constant 80 : i32
        %parallel_loop3A_131 = arith.constant 1 : i32
        scf.for %parallel_loop3A_137 = %parallel_loop3A to %parallel_loop3A_130 step %parallel_loop3A_131  : i32 {
          %parallel_loop3A_138 = arith.index_cast %parallel_loop3A_137 : i32 to index
          %parallel_loop3A_139 = arith.constant 0 : index
          %parallel_loop3A_140 = tpu.vector_load %arg14[%parallel_loop3A_138, %parallel_loop3A_139] {strides = array<i32>} : memref<80x16xf32, #tpu.memory_space<vmem>>, vector<1x16xf32>,
          %parallel_loop3A_141 = vector.shape_cast %parallel_loop3A_140 : vector<1x16xf32> to vector<16xf32>
          %parallel_loop3A_142 = arith.index_cast %parallel_loop3A_137 : i32 to index
          %parallel_loop3A_143 = arith.constant 0 : index
          %parallel_loop3A_144 = tpu.vector_load %arg15[%parallel_loop3A_142, %parallel_loop3A_143] {strides = array<i32>} : memref<80x16xf32, #tpu.memory_space<vmem>>, vector<1x16xf32>,
          %parallel_loop3A_145 = vector.shape_cast %parallel_loop3A_144 : vector<1x16xf32> to vector<16xf32>
          %parallel_loop3A_146 = arith.subf %parallel_loop3A_141, %parallel_loop3A_145 : vector<16xf32>
          %parallel_loop3A_147 = arith.mulf %parallel_loop3A_146, %parallel_loop3A_146 : vector<16xf32>
          %parallel_loop3A_148 = vector.shape_cast %broadcast_in_dim3A_1 : vector<16xi32> to vector<16x1xi32>
          %parallel_loop3A_149 = vector.shape_cast %parallel_loop3A_148 : vector<16x1xi32> to vector<16xi32>
          %parallel_loop3A_150 = tpu.dynamic_gather %parallel_loop3A_147[%parallel_loop3A_149] in [0] : vector<16xf32>, vector<16xi32> -> vector<16xf32>
          %parallel_loop3A_151 = vector.shape_cast %broadcast_in_dim3A_3 : vector<16xi32> to vector<16x1xi32>
          %parallel_loop3A_152 = vector.shape_cast %parallel_loop3A_151 : vector<16x1xi32> to vector<16xi32>
          %parallel_loop3A_153 = tpu.dynamic_gather %parallel_loop3A_147[%parallel_loop3A_152] in [0] : vector<16xf32>, vector<16xi32> -> vector<16xf32>
          %parallel_loop3A_154 = arith.addf %parallel_loop3A_150, %parallel_loop3A_153 : vector<16xf32>
          %parallel_loop3A_155 = vector.shape_cast %broadcast_in_dim3A_5 : vector<16xi32> to vector<16x1xi32>
          %parallel_loop3A_156 = vector.shape_cast %parallel_loop3A_155 : vector<16x1xi32> to vector<16xi32>
          %parallel_loop3A_157 = tpu.dynamic_gather %parallel_loop3A_147[%parallel_loop3A_156] in [0] : vector<16xf32>, vector<16xi32> -> vector<16xf32>
          %parallel_loop3A_158 = arith.addf %parallel_loop3A_154, %parallel_loop3A_157 : vector<16xf32>
          %parallel_loop3A_159 = arith.index_cast %parallel_loop3A_137 : i32 to index
          %parallel_loop3A_160 = arith.constant 0 : index
          %parallel_loop3A_161 = tpu.vector_load %arg12[%parallel_loop3A_159, %parallel_loop3A_160] {strides = array<i32>} : memref<80x128xf32, #tpu.memory_space<vmem>>, vector<1x16xf32>,
          %parallel_loop3A_162 = vector.shape_cast %parallel_loop3A_161 : vector<1x16xf32> to vector<16xf32>
          %parallel_loop3A_163 = arith.index_cast %parallel_loop3A_137 : i32 to index
          %parallel_loop3A_164 = arith.constant 0 : index
          %parallel_loop3A_165 = tpu.vector_load %arg13[%parallel_loop3A_163, %parallel_loop3A_164] {strides = array<i32>} : memref<80x128xf32, #tpu.memory_space<vmem>>, vector<1x16xf32>,
          %parallel_loop3A_166 = vector.shape_cast %parallel_loop3A_165 : vector<1x16xf32> to vector<16xf32>
          %parallel_loop3A_167 = arith.addf %parallel_loop3A_162, %parallel_loop3A_166 : vector<16xf32>
          %parallel_loop3A_168 = arith.mulf %parallel_loop3A_158, %get3A_94 : vector<16xf32>
          %parallel_loop3A_169 = arith.addf %parallel_loop3A_167, %parallel_loop3A_168 : vector<16xf32>
          %parallel_loop3A_170 = arith.index_cast %parallel_loop3A_137 : i32 to index
          %parallel_loop3A_171 = arith.constant 0 : index
          %parallel_loop3A_172 = tpu.vector_load %arg12[%parallel_loop3A_170, %parallel_loop3A_171] {strides = array<i32>} : memref<80x128xf32, #tpu.memory_space<vmem>>, vector<1x16xf32>,
          %parallel_loop3A_173 = vector.shape_cast %parallel_loop3A_172 : vector<1x16xf32> to vector<16xf32>
          %parallel_loop3A_174 = vector.shape_cast %parallel_loop3A_169 : vector<16xf32> to vector<1x16xf32>
          tpu.vector_store %arg12[%parallel_loop3A_170, %parallel_loop3A_171], %parallel_loop3A_174 {strides = array<i32>} : memref<80x128xf32, #tpu.memory_space<vmem>>, vector<1x16xf32>,
          %parallel_loop3A_175 = arith.index_cast %parallel_loop3A_137 : i32 to index
          %parallel_loop3A_176 = arith.constant 16 : index
          %parallel_loop3A_177 = tpu.vector_load %arg12[%parallel_loop3A_175, %parallel_loop3A_176] {strides = array<i32>} : memref<80x128xf32, #tpu.memory_space<vmem>>, vector<1x16xf32>,
          %parallel_loop3A_178 = vector.shape_cast %parallel_loop3A_177 : vector<1x16xf32> to vector<16xf32>
          %parallel_loop3A_179 = arith.index_cast %parallel_loop3A_137 : i32 to index
          %parallel_loop3A_180 = arith.constant 16 : index
          %parallel_loop3A_181 = tpu.vector_load %arg13[%parallel_loop3A_179, %parallel_loop3A_180] {strides = array<i32>} : memref<80x128xf32, #tpu.memory_space<vmem>>, vector<1x16xf32>,
          %parallel_loop3A_182 = vector.shape_cast %parallel_loop3A_181 : vector<1x16xf32> to vector<16xf32>
          %parallel_loop3A_183 = arith.addf %parallel_loop3A_178, %parallel_loop3A_182 : vector<16xf32>
          %parallel_loop3A_184 = arith.mulf %parallel_loop3A_158, %get3A_99 : vector<16xf32>
          %parallel_loop3A_185 = arith.addf %parallel_loop3A_183, %parallel_loop3A_184 : vector<16xf32>
          %parallel_loop3A_186 = arith.index_cast %parallel_loop3A_137 : i32 to index
          %parallel_loop3A_187 = arith.constant 16 : index
          %parallel_loop3A_188 = tpu.vector_load %arg12[%parallel_loop3A_186, %parallel_loop3A_187] {strides = array<i32>} : memref<80x128xf32, #tpu.memory_space<vmem>>, vector<1x16xf32>,
          %parallel_loop3A_189 = vector.shape_cast %parallel_loop3A_188 : vector<1x16xf32> to vector<16xf32>
          %parallel_loop3A_190 = vector.shape_cast %parallel_loop3A_185 : vector<16xf32> to vector<1x16xf32>
          tpu.vector_store %arg12[%parallel_loop3A_186, %parallel_loop3A_187], %parallel_loop3A_190 {strides = array<i32>} : memref<80x128xf32, #tpu.memory_space<vmem>>, vector<1x16xf32>,
          %parallel_loop3A_191 = arith.index_cast %parallel_loop3A_137 : i32 to index
          %parallel_loop3A_192 = arith.constant 32 : index
          %parallel_loop3A_193 = tpu.vector_load %arg12[%parallel_loop3A_191, %parallel_loop3A_192] {strides = array<i32>} : memref<80x128xf32, #tpu.memory_space<vmem>>, vector<1x16xf32>,
          %parallel_loop3A_194 = vector.shape_cast %parallel_loop3A_193 : vector<1x16xf32> to vector<16xf32>
          %parallel_loop3A_195 = arith.index_cast %parallel_loop3A_137 : i32 to index
          %parallel_loop3A_196 = arith.constant 32 : index
          %parallel_loop3A_197 = tpu.vector_load %arg13[%parallel_loop3A_195, %parallel_loop3A_196] {strides = array<i32>} : memref<80x128xf32, #tpu.memory_space<vmem>>, vector<1x16xf32>,
          %parallel_loop3A_198 = vector.shape_cast %parallel_loop3A_197 : vector<1x16xf32> to vector<16xf32>
          %parallel_loop3A_199 = arith.addf %parallel_loop3A_194, %parallel_loop3A_198 : vector<16xf32>
          %parallel_loop3A_200 = arith.mulf %parallel_loop3A_158, %get3A_104 : vector<16xf32>
          %parallel_loop3A_201 = arith.addf %parallel_loop3A_199, %parallel_loop3A_200 : vector<16xf32>
          %parallel_loop3A_202 = arith.index_cast %parallel_loop3A_137 : i32 to index
          %parallel_loop3A_203 = arith.constant 32 : index
          %parallel_loop3A_204 = tpu.vector_load %arg12[%parallel_loop3A_202, %parallel_loop3A_203] {strides = array<i32>} : memref<80x128xf32, #tpu.memory_space<vmem>>, vector<1x16xf32>,
          %parallel_loop3A_205 = vector.shape_cast %parallel_loop3A_204 : vector<1x16xf32> to vector<16xf32>
          %parallel_loop3A_206 = vector.shape_cast %parallel_loop3A_201 : vector<16xf32> to vector<1x16xf32>
          tpu.vector_store %arg12[%parallel_loop3A_202, %parallel_loop3A_203], %parallel_loop3A_206 {strides = array<i32>} : memref<80x128xf32, #tpu.memory_space<vmem>>, vector<1x16xf32>,
          %parallel_loop3A_207 = arith.index_cast %parallel_loop3A_137 : i32 to index
          %parallel_loop3A_208 = arith.constant 48 : index
          %parallel_loop3A_209 = tpu.vector_load %arg12[%parallel_loop3A_207, %parallel_loop3A_208] {strides = array<i32>} : memref<80x128xf32, #tpu.memory_space<vmem>>, vector<1x16xf32>,
          %parallel_loop3A_210 = vector.shape_cast %parallel_loop3A_209 : vector<1x16xf32> to vector<16xf32>
          %parallel_loop3A_211 = arith.index_cast %parallel_loop3A_137 : i32 to index
          %parallel_loop3A_212 = arith.constant 48 : index
          %parallel_loop3A_213 = tpu.vector_load %arg13[%parallel_loop3A_211, %parallel_loop3A_212] {strides = array<i32>} : memref<80x128xf32, #tpu.memory_space<vmem>>, vector<1x16xf32>,
          %parallel_loop3A_214 = vector.shape_cast %parallel_loop3A_213 : vector<1x16xf32> to vector<16xf32>
          %parallel_loop3A_215 = arith.addf %parallel_loop3A_210, %parallel_loop3A_214 : vector<16xf32>
          %parallel_loop3A_216 = arith.mulf %parallel_loop3A_158, %get3A_109 : vector<16xf32>
          %parallel_loop3A_217 = arith.addf %parallel_loop3A_215, %parallel_loop3A_216 : vector<16xf32>
          %parallel_loop3A_218 = arith.index_cast %parallel_loop3A_137 : i32 to index
          %parallel_loop3A_219 = arith.constant 48 : index
          %parallel_loop3A_220 = tpu.vector_load %arg12[%parallel_loop3A_218, %parallel_loop3A_219] {strides = array<i32>} : memref<80x128xf32, #tpu.memory_space<vmem>>, vector<1x16xf32>,
          %parallel_loop3A_221 = vector.shape_cast %parallel_loop3A_220 : vector<1x16xf32> to vector<16xf32>
          %parallel_loop3A_222 = vector.shape_cast %parallel_loop3A_217 : vector<16xf32> to vector<1x16xf32>
          tpu.vector_store %arg12[%parallel_loop3A_218, %parallel_loop3A_219], %parallel_loop3A_222 {strides = array<i32>} : memref<80x128xf32, #tpu.memory_space<vmem>>, vector<1x16xf32>,
          %parallel_loop3A_223 = arith.index_cast %parallel_loop3A_137 : i32 to index
          %parallel_loop3A_224 = arith.constant 64 : index
          %parallel_loop3A_225 = tpu.vector_load %arg12[%parallel_loop3A_223, %parallel_loop3A_224] {strides = array<i32>} : memref<80x128xf32, #tpu.memory_space<vmem>>, vector<1x16xf32>,
          %parallel_loop3A_226 = vector.shape_cast %parallel_loop3A_225 : vector<1x16xf32> to vector<16xf32>
          %parallel_loop3A_227 = arith.index_cast %parallel_loop3A_137 : i32 to index
          %parallel_loop3A_228 = arith.constant 64 : index
          %parallel_loop3A_229 = tpu.vector_load %arg13[%parallel_loop3A_227, %parallel_loop3A_228] {strides = array<i32>} : memref<80x128xf32, #tpu.memory_space<vmem>>, vector<1x16xf32>,
          %parallel_loop3A_230 = vector.shape_cast %parallel_loop3A_229 : vector<1x16xf32> to vector<16xf32>
          %parallel_loop3A_231 = arith.addf %parallel_loop3A_226, %parallel_loop3A_230 : vector<16xf32>
          %parallel_loop3A_232 = arith.mulf %parallel_loop3A_158, %get3A_114 : vector<16xf32>
          %parallel_loop3A_233 = arith.addf %parallel_loop3A_231, %parallel_loop3A_232 : vector<16xf32>
          %parallel_loop3A_234 = arith.index_cast %parallel_loop3A_137 : i32 to index
          %parallel_loop3A_235 = arith.constant 64 : index
          %parallel_loop3A_236 = tpu.vector_load %arg12[%parallel_loop3A_234, %parallel_loop3A_235] {strides = array<i32>} : memref<80x128xf32, #tpu.memory_space<vmem>>, vector<1x16xf32>,
          %parallel_loop3A_237 = vector.shape_cast %parallel_loop3A_236 : vector<1x16xf32> to vector<16xf32>
          %parallel_loop3A_238 = vector.shape_cast %parallel_loop3A_233 : vector<16xf32> to vector<1x16xf32>
          tpu.vector_store %arg12[%parallel_loop3A_234, %parallel_loop3A_235], %parallel_loop3A_238 {strides = array<i32>} : memref<80x128xf32, #tpu.memory_space<vmem>>, vector<1x16xf32>,
          %parallel_loop3A_239 = arith.index_cast %parallel_loop3A_137 : i32 to index
          %parallel_loop3A_240 = arith.constant 80 : index
          %parallel_loop3A_241 = tpu.vector_load %arg12[%parallel_loop3A_239, %parallel_loop3A_240] {strides = array<i32>} : memref<80x128xf32, #tpu.memory_space<vmem>>, vector<1x16xf32>,
          %parallel_loop3A_242 = vector.shape_cast %parallel_loop3A_241 : vector<1x16xf32> to vector<16xf32>
          %parallel_loop3A_243 = arith.index_cast %parallel_loop3A_137 : i32 to index
          %parallel_loop3A_244 = arith.constant 80 : index
          %parallel_loop3A_245 = tpu.vector_load %arg13[%parallel_loop3A_243, %parallel_loop3A_244] {strides = array<i32>} : memref<80x128xf32, #tpu.memory_space<vmem>>, vector<1x16xf32>,
          %parallel_loop3A_246 = vector.shape_cast %parallel_loop3A_245 : vector<1x16xf32> to vector<16xf32>
          %parallel_loop3A_247 = arith.addf %parallel_loop3A_242, %parallel_loop3A_246 : vector<16xf32>
          %parallel_loop3A_248 = arith.mulf %parallel_loop3A_158, %get3A_119 : vector<16xf32>
          %parallel_loop3A_249 = arith.addf %parallel_loop3A_247, %parallel_loop3A_248 : vector<16xf32>
          %parallel_loop3A_250 = arith.index_cast %parallel_loop3A_137 : i32 to index
          %parallel_loop3A_251 = arith.constant 80 : index
          %parallel_loop3A_252 = tpu.vector_load %arg12[%parallel_loop3A_250, %parallel_loop3A_251] {strides = array<i32>} : memref<80x128xf32, #tpu.memory_space<vmem>>, vector<1x16xf32>,
          %parallel_loop3A_253 = vector.shape_cast %parallel_loop3A_252 : vector<1x16xf32> to vector<16xf32>
          %parallel_loop3A_254 = vector.shape_cast %parallel_loop3A_249 : vector<16xf32> to vector<1x16xf32>
          tpu.vector_store %arg12[%parallel_loop3A_250, %parallel_loop3A_251], %parallel_loop3A_254 {strides = array<i32>} : memref<80x128xf32, #tpu.memory_space<vmem>>, vector<1x16xf32>,
          %parallel_loop3A_255 = arith.index_cast %parallel_loop3A_137 : i32 to index
          %parallel_loop3A_256 = arith.constant 96 : index
          %parallel_loop3A_257 = tpu.vector_load %arg12[%parallel_loop3A_255, %parallel_loop3A_256] {strides = array<i32>} : memref<80x128xf32, #tpu.memory_space<vmem>>, vector<1x16xf32>,
          %parallel_loop3A_258 = vector.shape_cast %parallel_loop3A_257 : vector<1x16xf32> to vector<16xf32>
          %parallel_loop3A_259 = arith.index_cast %parallel_loop3A_137 : i32 to index
          %parallel_loop3A_260 = arith.constant 96 : index
          %parallel_loop3A_261 = tpu.vector_load %arg13[%parallel_loop3A_259, %parallel_loop3A_260] {strides = array<i32>} : memref<80x128xf32, #tpu.memory_space<vmem>>, vector<1x16xf32>,
          %parallel_loop3A_262 = vector.shape_cast %parallel_loop3A_261 : vector<1x16xf32> to vector<16xf32>
          %parallel_loop3A_263 = arith.addf %parallel_loop3A_258, %parallel_loop3A_262 : vector<16xf32>
          %parallel_loop3A_264 = arith.mulf %parallel_loop3A_158, %get3A_124 : vector<16xf32>
          %parallel_loop3A_265 = arith.addf %parallel_loop3A_263, %parallel_loop3A_264 : vector<16xf32>
          %parallel_loop3A_266 = arith.index_cast %parallel_loop3A_137 : i32 to index
          %parallel_loop3A_267 = arith.constant 96 : index
          %parallel_loop3A_268 = tpu.vector_load %arg12[%parallel_loop3A_266, %parallel_loop3A_267] {strides = array<i32>} : memref<80x128xf32, #tpu.memory_space<vmem>>, vector<1x16xf32>,
          %parallel_loop3A_269 = vector.shape_cast %parallel_loop3A_268 : vector<1x16xf32> to vector<16xf32>
          %parallel_loop3A_270 = vector.shape_cast %parallel_loop3A_265 : vector<16xf32> to vector<1x16xf32>
          tpu.vector_store %arg12[%parallel_loop3A_266, %parallel_loop3A_267], %parallel_loop3A_270 {strides = array<i32>} : memref<80x128xf32, #tpu.memory_space<vmem>>, vector<1x16xf32>,
          %parallel_loop3A_271 = arith.index_cast %parallel_loop3A_137 : i32 to index
          %parallel_loop3A_272 = arith.constant 112 : index
          %parallel_loop3A_273 = tpu.vector_load %arg12[%parallel_loop3A_271, %parallel_loop3A_272] {strides = array<i32>} : memref<80x128xf32, #tpu.memory_space<vmem>>, vector<1x16xf32>,
          %parallel_loop3A_274 = vector.shape_cast %parallel_loop3A_273 : vector<1x16xf32> to vector<16xf32>
          %parallel_loop3A_275 = arith.index_cast %parallel_loop3A_137 : i32 to index
          %parallel_loop3A_276 = arith.constant 112 : index
          %parallel_loop3A_277 = tpu.vector_load %arg13[%parallel_loop3A_275, %parallel_loop3A_276] {strides = array<i32>} : memref<80x128xf32, #tpu.memory_space<vmem>>, vector<1x16xf32>,
          %parallel_loop3A_278 = vector.shape_cast %parallel_loop3A_277 : vector<1x16xf32> to vector<16xf32>
          %parallel_loop3A_279 = arith.addf %parallel_loop3A_274, %parallel_loop3A_278 : vector<16xf32>
          %parallel_loop3A_280 = arith.mulf %parallel_loop3A_158, %get3A_129 : vector<16xf32>
          %parallel_loop3A_281 = arith.addf %parallel_loop3A_279, %parallel_loop3A_280 : vector<16xf32>
          %parallel_loop3A_282 = arith.index_cast %parallel_loop3A_137 : i32 to index
          %parallel_loop3A_283 = arith.constant 112 : index
          %parallel_loop3A_284 = tpu.vector_load %arg12[%parallel_loop3A_282, %parallel_loop3A_283] {strides = array<i32>} : memref<80x128xf32, #tpu.memory_space<vmem>>, vector<1x16xf32>,
          %parallel_loop3A_285 = vector.shape_cast %parallel_loop3A_284 : vector<1x16xf32> to vector<16xf32>
          %parallel_loop3A_286 = vector.shape_cast %parallel_loop3A_281 : vector<16xf32> to vector<1x16xf32>
          tpu.vector_store %arg12[%parallel_loop3A_282, %parallel_loop3A_283], %parallel_loop3A_286 {strides = array<i32>} : memref<80x128xf32, #tpu.memory_space<vmem>>, vector<1x16xf32>,
        } {sc.loop_unroll_factor = 4 : i64, sc.parallel_access}
        %mul3A_132 = arith.constant 5040 : i32
        %mul3A_133 = arith.muli %add3A, %mul3A_132 : i32
        %mul3A_134 = arith.constant 80 : i32
        %mul3A_135 = arith.muli %add3A_42, %mul3A_134 : i32
        %add3A_136 = arith.addi %mul3A_133, %mul3A_135 : i32
        "tpu.region"() ({
          %run_scoped3A = tpu.sem_alloc : memref<!tpu.dma_semaphore, #tpu.memory_space<semaphore_mem>>
          %dma_start3A_137 = arith.constant 0 : i32
          %dma_start3A_138 = tpu.memref_slice %arg8[%add3A_136, %dma_start3A_137] : memref<161280x128xf32, #tpu.memory_space<hbm>> -> memref<80x128xf32, #tpu.memory_space<hbm>>
          %dma_start3A_139 = arith.constant 0 : i32
          %dma_start3A_140 = tpu.memref_slice %arg8[%add3A_136, %dma_start3A_139] : memref<161280x128xf32, #tpu.memory_space<hbm>> -> memref<80x128xf32, #tpu.memory_space<hbm>>
          tpu.enqueue_dma source(%arg12 : memref<80x128xf32, #tpu.memory_space<vmem>>) target(%dma_start3A_140 : memref<80x128xf32, #tpu.memory_space<hbm>>) target_semaphore(%run_scoped3A : memref<!tpu.dma_semaphore, #tpu.memory_space<semaphore_mem>>)
          %dma_wait3A_141 = arith.constant 0 : i32
          %dma_wait3A_142 = tpu.memref_slice %arg8[%add3A_136, %dma_wait3A_141] : memref<161280x128xf32, #tpu.memory_space<hbm>> -> memref<80x128xf32, #tpu.memory_space<hbm>>
          %dma_wait3A_143 = arith.constant 0 : i32
          %dma_wait3A_144 = tpu.memref_slice %arg8[%add3A_136, %dma_wait3A_143] : memref<161280x128xf32, #tpu.memory_space<hbm>> -> memref<80x128xf32, #tpu.memory_space<hbm>>
          tpu.wait_dma2 semaphore(%run_scoped3A : memref<!tpu.dma_semaphore, #tpu.memory_space<semaphore_mem>>) src(%arg12 : memref<80x128xf32, #tpu.memory_space<vmem>>) dst(%dma_wait3A_144 : memref<80x128xf32, #tpu.memory_space<hbm>>)
          tpu.yield
        }) : () -> ()
      } else {
      }
      %mul3A_52 = arith.constant 2 : i32
      %mul3A_53 = arith.muli %scan3A_38, %mul3A_52 : i32
      %add3A_54 = arith.constant 1 : i32
      %add3A_55 = arith.addi %mul3A_53, %add3A_54 : i32
      %add3A_56 = arith.constant 1 : i32
      %add3A_57 = arith.addi %add3A_55, %add3A_56 : i32
      %lt3A_58 = arith.constant 63 : i32
      %lt3A_59 = arith.cmpi slt, %add3A_57, %lt3A_58 : i32
      %convert_element_type3A_60 = arith.extui %lt3A_59 : i1 to i32
      %cond3A_61 = arith.constant 0 : i32
      %cond3A_62 = arith.cmpi ne, %convert_element_type3A_60, %cond3A_61 : i32
      scf.if %cond3A_62 {
        %add3A_68 = arith.constant 1 : i32
        %add3A_69 = arith.addi %add3A_55, %add3A_68 : i32
        %dma_start3A_70 = arith.constant 0 : i32
        %dma_start3A_71 = tpu.memref_slice %arg9[%add3A_69, %dma_start3A_70] : memref<63x80xi32, #tpu.memory_space<vmem>> -> memref<1x80xi32, #tpu.memory_space<vmem>>
        %dma_start3A_72 = tpu.memref_squeeze %dma_start3A_71 : memref<1x80xi32, #tpu.memory_space<vmem>> -> memref<80xi32, #tpu.memory_space<vmem>>
        %dma_start3A_73 = arith.constant 0 : i32
        %dma_start3A_74 = arith.constant 0 : i32
        %dma_start3A_75 = tpu.memref_slice %arg2[%dma_start3A_73, %dma_start3A_74] : memref<10000x128xf32, #tpu.memory_space<hbm>> -> memref<10000x128xf32, #tpu.memory_space<hbm>>
        tpu.enqueue_indirect_dma source(%dma_start3A_75 : memref<10000x128xf32, #tpu.memory_space<hbm>>) target(%arg12 : memref<80x128xf32, #tpu.memory_space<vmem>>) offsets(%dma_start3A_72 : memref<80xi32, #tpu.memory_space<vmem>>) semaphore(%arg16 : memref<!tpu.dma_semaphore, #tpu.memory_space<semaphore_mem>>)
        %dma_start3A_76 = arith.constant 0 : i32
        %dma_start3A_77 = tpu.memref_slice %arg10[%add3A_69, %dma_start3A_76] : memref<63x80xi32, #tpu.memory_space<vmem>> -> memref<1x80xi32, #tpu.memory_space<vmem>>
        %dma_start3A_78 = tpu.memref_squeeze %dma_start3A_77 : memref<1x80xi32, #tpu.memory_space<vmem>> -> memref<80xi32, #tpu.memory_space<vmem>>
        %dma_start3A_79 = arith.constant 0 : i32
        %dma_start3A_80 = arith.constant 0 : i32
        %dma_start3A_81 = tpu.memref_slice %arg3[%dma_start3A_79, %dma_start3A_80] : memref<10000x128xf32, #tpu.memory_space<hbm>> -> memref<10000x128xf32, #tpu.memory_space<hbm>>
        tpu.enqueue_indirect_dma source(%dma_start3A_81 : memref<10000x128xf32, #tpu.memory_space<hbm>>) target(%arg13 : memref<80x128xf32, #tpu.memory_space<vmem>>) offsets(%dma_start3A_78 : memref<80xi32, #tpu.memory_space<vmem>>) semaphore(%arg16 : memref<!tpu.dma_semaphore, #tpu.memory_space<semaphore_mem>>)
        %dma_start3A_82 = arith.constant 0 : i32
        %dma_start3A_83 = tpu.memref_slice %arg9[%add3A_69, %dma_start3A_82] : memref<63x80xi32, #tpu.memory_space<vmem>> -> memref<1x80xi32, #tpu.memory_space<vmem>>
        %dma_start3A_84 = tpu.memref_squeeze %dma_start3A_83 : memref<1x80xi32, #tpu.memory_space<vmem>> -> memref<80xi32, #tpu.memory_space<vmem>>
        %dma_start3A_85 = arith.constant 0 : i32
        %dma_start3A_86 = arith.constant 0 : i32
        %dma_start3A_87 = tpu.memref_slice %arg4[%dma_start3A_85, %dma_start3A_86] : memref<10000x16xf32, #tpu.memory_space<hbm>> -> memref<10000x16xf32, #tpu.memory_space<hbm>>
        tpu.enqueue_indirect_dma source(%dma_start3A_87 : memref<10000x16xf32, #tpu.memory_space<hbm>>) target(%arg14 : memref<80x16xf32, #tpu.memory_space<vmem>>) offsets(%dma_start3A_84 : memref<80xi32, #tpu.memory_space<vmem>>) semaphore(%arg16 : memref<!tpu.dma_semaphore, #tpu.memory_space<semaphore_mem>>)
        %dma_start3A_88 = arith.constant 0 : i32
        %dma_start3A_89 = tpu.memref_slice %arg10[%add3A_69, %dma_start3A_88] : memref<63x80xi32, #tpu.memory_space<vmem>> -> memref<1x80xi32, #tpu.memory_space<vmem>>
        %dma_start3A_90 = tpu.memref_squeeze %dma_start3A_89 : memref<1x80xi32, #tpu.memory_space<vmem>> -> memref<80xi32, #tpu.memory_space<vmem>>
        %dma_start3A_91 = arith.constant 0 : i32
        %dma_start3A_92 = arith.constant 0 : i32
        %dma_start3A_93 = tpu.memref_slice %arg4[%dma_start3A_91, %dma_start3A_92] : memref<10000x16xf32, #tpu.memory_space<hbm>> -> memref<10000x16xf32, #tpu.memory_space<hbm>>
        tpu.enqueue_indirect_dma source(%dma_start3A_93 : memref<10000x16xf32, #tpu.memory_space<hbm>>) target(%arg15 : memref<80x16xf32, #tpu.memory_space<vmem>>) offsets(%dma_start3A_90 : memref<80xi32, #tpu.memory_space<vmem>>) semaphore(%arg16 : memref<!tpu.dma_semaphore, #tpu.memory_space<semaphore_mem>>)
      } else {
      }
      %lt3A_63 = arith.constant 63 : i32
      %lt3A_64 = arith.cmpi slt, %add3A_55, %lt3A_63 : i32
      %convert_element_type3A_65 = arith.extui %lt3A_64 : i1 to i32
      %cond3A_66 = arith.constant 0 : i32
      %cond3A_67 = arith.cmpi ne, %convert_element_type3A_65, %cond3A_66 : i32
      scf.if %cond3A_67 {
        %dma_wait3A = arith.constant 0 : i32
        %dma_wait3A_68 = tpu.memref_slice %arg9[%add3A_55, %dma_wait3A] : memref<63x80xi32, #tpu.memory_space<vmem>> -> memref<1x80xi32, #tpu.memory_space<vmem>>
        %dma_wait3A_69 = tpu.memref_squeeze %dma_wait3A_68 : memref<1x80xi32, #tpu.memory_space<vmem>> -> memref<80xi32, #tpu.memory_space<vmem>>
        %dma_wait3A_70 = arith.constant 0 : i32
        %dma_wait3A_71 = arith.constant 0 : i32
        %dma_wait3A_72 = tpu.memref_slice %arg2[%dma_wait3A_70, %dma_wait3A_71] : memref<10000x128xf32, #tpu.memory_space<hbm>> -> memref<10000x128xf32, #tpu.memory_space<hbm>>
        tpu.wait_indirect_dma semaphore(%arg21 : memref<!tpu.dma_semaphore, #tpu.memory_space<semaphore_mem>>) src(%dma_wait3A_72 : memref<10000x128xf32, #tpu.memory_space<hbm>>) dst(%arg17 : memref<80x128xf32, #tpu.memory_space<vmem>>)
        %dma_wait3A_73 = arith.constant 0 : i32
        %dma_wait3A_74 = tpu.memref_slice %arg10[%add3A_55, %dma_wait3A_73] : memref<63x80xi32, #tpu.memory_space<vmem>> -> memref<1x80xi32, #tpu.memory_space<vmem>>
        %dma_wait3A_75 = tpu.memref_squeeze %dma_wait3A_74 : memref<1x80xi32, #tpu.memory_space<vmem>> -> memref<80xi32, #tpu.memory_space<vmem>>
        %dma_wait3A_76 = arith.constant 0 : i32
        %dma_wait3A_77 = arith.constant 0 : i32
        %dma_wait3A_78 = tpu.memref_slice %arg3[%dma_wait3A_76, %dma_wait3A_77] : memref<10000x128xf32, #tpu.memory_space<hbm>> -> memref<10000x128xf32, #tpu.memory_space<hbm>>
        tpu.wait_indirect_dma semaphore(%arg21 : memref<!tpu.dma_semaphore, #tpu.memory_space<semaphore_mem>>) src(%dma_wait3A_78 : memref<10000x128xf32, #tpu.memory_space<hbm>>) dst(%arg18 : memref<80x128xf32, #tpu.memory_space<vmem>>)
        %dma_wait3A_79 = arith.constant 0 : i32
        %dma_wait3A_80 = tpu.memref_slice %arg9[%add3A_55, %dma_wait3A_79] : memref<63x80xi32, #tpu.memory_space<vmem>> -> memref<1x80xi32, #tpu.memory_space<vmem>>
        %dma_wait3A_81 = tpu.memref_squeeze %dma_wait3A_80 : memref<1x80xi32, #tpu.memory_space<vmem>> -> memref<80xi32, #tpu.memory_space<vmem>>
        %dma_wait3A_82 = arith.constant 0 : i32
        %dma_wait3A_83 = arith.constant 0 : i32
        %dma_wait3A_84 = tpu.memref_slice %arg4[%dma_wait3A_82, %dma_wait3A_83] : memref<10000x16xf32, #tpu.memory_space<hbm>> -> memref<10000x16xf32, #tpu.memory_space<hbm>>
        tpu.wait_indirect_dma semaphore(%arg21 : memref<!tpu.dma_semaphore, #tpu.memory_space<semaphore_mem>>) src(%dma_wait3A_84 : memref<10000x16xf32, #tpu.memory_space<hbm>>) dst(%arg19 : memref<80x16xf32, #tpu.memory_space<vmem>>)
        %dma_wait3A_85 = arith.constant 0 : i32
        %dma_wait3A_86 = tpu.memref_slice %arg10[%add3A_55, %dma_wait3A_85] : memref<63x80xi32, #tpu.memory_space<vmem>> -> memref<1x80xi32, #tpu.memory_space<vmem>>
        %dma_wait3A_87 = tpu.memref_squeeze %dma_wait3A_86 : memref<1x80xi32, #tpu.memory_space<vmem>> -> memref<80xi32, #tpu.memory_space<vmem>>
        %dma_wait3A_88 = arith.constant 0 : i32
        %dma_wait3A_89 = arith.constant 0 : i32
        %dma_wait3A_90 = tpu.memref_slice %arg4[%dma_wait3A_88, %dma_wait3A_89] : memref<10000x16xf32, #tpu.memory_space<hbm>> -> memref<10000x16xf32, #tpu.memory_space<hbm>>
        tpu.wait_indirect_dma semaphore(%arg21 : memref<!tpu.dma_semaphore, #tpu.memory_space<semaphore_mem>>) src(%dma_wait3A_90 : memref<10000x16xf32, #tpu.memory_space<hbm>>) dst(%arg20 : memref<80x16xf32, #tpu.memory_space<vmem>>)
        %get3A = arith.constant 0 : i32
        %get3A_91 = arith.index_cast %get3A : i32 to index
        %get3A_92 = arith.constant 0 : index
        %get3A_93 = tpu.vector_load %arg11[%get3A_91, %get3A_92] {strides = array<i32>} : memref<1x128xf32, #tpu.memory_space<vmem>>, vector<1x16xf32>,
        %get3A_94 = vector.shape_cast %get3A_93 : vector<1x16xf32> to vector<16xf32>
        %get3A_95 = arith.constant 0 : i32
        %get3A_96 = arith.index_cast %get3A_95 : i32 to index
        %get3A_97 = arith.constant 16 : index
        %get3A_98 = tpu.vector_load %arg11[%get3A_96, %get3A_97] {strides = array<i32>} : memref<1x128xf32, #tpu.memory_space<vmem>>, vector<1x16xf32>,
        %get3A_99 = vector.shape_cast %get3A_98 : vector<1x16xf32> to vector<16xf32>
        %get3A_100 = arith.constant 0 : i32
        %get3A_101 = arith.index_cast %get3A_100 : i32 to index
        %get3A_102 = arith.constant 32 : index
        %get3A_103 = tpu.vector_load %arg11[%get3A_101, %get3A_102] {strides = array<i32>} : memref<1x128xf32, #tpu.memory_space<vmem>>, vector<1x16xf32>,
        %get3A_104 = vector.shape_cast %get3A_103 : vector<1x16xf32> to vector<16xf32>
        %get3A_105 = arith.constant 0 : i32
        %get3A_106 = arith.index_cast %get3A_105 : i32 to index
        %get3A_107 = arith.constant 48 : index
        %get3A_108 = tpu.vector_load %arg11[%get3A_106, %get3A_107] {strides = array<i32>} : memref<1x128xf32, #tpu.memory_space<vmem>>, vector<1x16xf32>,
        %get3A_109 = vector.shape_cast %get3A_108 : vector<1x16xf32> to vector<16xf32>
        %get3A_110 = arith.constant 0 : i32
        %get3A_111 = arith.index_cast %get3A_110 : i32 to index
        %get3A_112 = arith.constant 64 : index
        %get3A_113 = tpu.vector_load %arg11[%get3A_111, %get3A_112] {strides = array<i32>} : memref<1x128xf32, #tpu.memory_space<vmem>>, vector<1x16xf32>,
        %get3A_114 = vector.shape_cast %get3A_113 : vector<1x16xf32> to vector<16xf32>
        %get3A_115 = arith.constant 0 : i32
        %get3A_116 = arith.index_cast %get3A_115 : i32 to index
        %get3A_117 = arith.constant 80 : index
        %get3A_118 = tpu.vector_load %arg11[%get3A_116, %get3A_117] {strides = array<i32>} : memref<1x128xf32, #tpu.memory_space<vmem>>, vector<1x16xf32>,
        %get3A_119 = vector.shape_cast %get3A_118 : vector<1x16xf32> to vector<16xf32>
        %get3A_120 = arith.constant 0 : i32
        %get3A_121 = arith.index_cast %get3A_120 : i32 to index
        %get3A_122 = arith.constant 96 : index
        %get3A_123 = tpu.vector_load %arg11[%get3A_121, %get3A_122] {strides = array<i32>} : memref<1x128xf32, #tpu.memory_space<vmem>>, vector<1x16xf32>,
        %get3A_124 = vector.shape_cast %get3A_123 : vector<1x16xf32> to vector<16xf32>
        %get3A_125 = arith.constant 0 : i32
        %get3A_126 = arith.index_cast %get3A_125 : i32 to index
        %get3A_127 = arith.constant 112 : index
        %get3A_128 = tpu.vector_load %arg11[%get3A_126, %get3A_127] {strides = array<i32>} : memref<1x128xf32, #tpu.memory_space<vmem>>, vector<1x16xf32>,
        %get3A_129 = vector.shape_cast %get3A_128 : vector<1x16xf32> to vector<16xf32>
        %parallel_loop3A = arith.constant 0 : i32
        %parallel_loop3A_130 = arith.constant 80 : i32
        %parallel_loop3A_131 = arith.constant 1 : i32
        scf.for %parallel_loop3A_137 = %parallel_loop3A to %parallel_loop3A_130 step %parallel_loop3A_131  : i32 {
          %parallel_loop3A_138 = arith.index_cast %parallel_loop3A_137 : i32 to index
          %parallel_loop3A_139 = arith.constant 0 : index
          %parallel_loop3A_140 = tpu.vector_load %arg19[%parallel_loop3A_138, %parallel_loop3A_139] {strides = array<i32>} : memref<80x16xf32, #tpu.memory_space<vmem>>, vector<1x16xf32>,
          %parallel_loop3A_141 = vector.shape_cast %parallel_loop3A_140 : vector<1x16xf32> to vector<16xf32>
          %parallel_loop3A_142 = arith.index_cast %parallel_loop3A_137 : i32 to index
          %parallel_loop3A_143 = arith.constant 0 : index
          %parallel_loop3A_144 = tpu.vector_load %arg20[%parallel_loop3A_142, %parallel_loop3A_143] {strides = array<i32>} : memref<80x16xf32, #tpu.memory_space<vmem>>, vector<1x16xf32>,
          %parallel_loop3A_145 = vector.shape_cast %parallel_loop3A_144 : vector<1x16xf32> to vector<16xf32>
          %parallel_loop3A_146 = arith.subf %parallel_loop3A_141, %parallel_loop3A_145 : vector<16xf32>
          %parallel_loop3A_147 = arith.mulf %parallel_loop3A_146, %parallel_loop3A_146 : vector<16xf32>
          %parallel_loop3A_148 = vector.shape_cast %broadcast_in_dim3A_1 : vector<16xi32> to vector<16x1xi32>
          %parallel_loop3A_149 = vector.shape_cast %parallel_loop3A_148 : vector<16x1xi32> to vector<16xi32>
          %parallel_loop3A_150 = tpu.dynamic_gather %parallel_loop3A_147[%parallel_loop3A_149] in [0] : vector<16xf32>, vector<16xi32> -> vector<16xf32>
          %parallel_loop3A_151 = vector.shape_cast %broadcast_in_dim3A_3 : vector<16xi32> to vector<16x1xi32>
          %parallel_loop3A_152 = vector.shape_cast %parallel_loop3A_151 : vector<16x1xi32> to vector<16xi32>
          %parallel_loop3A_153 = tpu.dynamic_gather %parallel_loop3A_147[%parallel_loop3A_152] in [0] : vector<16xf32>, vector<16xi32> -> vector<16xf32>
          %parallel_loop3A_154 = arith.addf %parallel_loop3A_150, %parallel_loop3A_153 : vector<16xf32>
          %parallel_loop3A_155 = vector.shape_cast %broadcast_in_dim3A_5 : vector<16xi32> to vector<16x1xi32>
          %parallel_loop3A_156 = vector.shape_cast %parallel_loop3A_155 : vector<16x1xi32> to vector<16xi32>
          %parallel_loop3A_157 = tpu.dynamic_gather %parallel_loop3A_147[%parallel_loop3A_156] in [0] : vector<16xf32>, vector<16xi32> -> vector<16xf32>
          %parallel_loop3A_158 = arith.addf %parallel_loop3A_154, %parallel_loop3A_157 : vector<16xf32>
          %parallel_loop3A_159 = arith.index_cast %parallel_loop3A_137 : i32 to index
          %parallel_loop3A_160 = arith.constant 0 : index
          %parallel_loop3A_161 = tpu.vector_load %arg17[%parallel_loop3A_159, %parallel_loop3A_160] {strides = array<i32>} : memref<80x128xf32, #tpu.memory_space<vmem>>, vector<1x16xf32>,
          %parallel_loop3A_162 = vector.shape_cast %parallel_loop3A_161 : vector<1x16xf32> to vector<16xf32>
          %parallel_loop3A_163 = arith.index_cast %parallel_loop3A_137 : i32 to index
          %parallel_loop3A_164 = arith.constant 0 : index
          %parallel_loop3A_165 = tpu.vector_load %arg18[%parallel_loop3A_163, %parallel_loop3A_164] {strides = array<i32>} : memref<80x128xf32, #tpu.memory_space<vmem>>, vector<1x16xf32>,
          %parallel_loop3A_166 = vector.shape_cast %parallel_loop3A_165 : vector<1x16xf32> to vector<16xf32>
          %parallel_loop3A_167 = arith.addf %parallel_loop3A_162, %parallel_loop3A_166 : vector<16xf32>
          %parallel_loop3A_168 = arith.mulf %parallel_loop3A_158, %get3A_94 : vector<16xf32>
          %parallel_loop3A_169 = arith.addf %parallel_loop3A_167, %parallel_loop3A_168 : vector<16xf32>
          %parallel_loop3A_170 = arith.index_cast %parallel_loop3A_137 : i32 to index
          %parallel_loop3A_171 = arith.constant 0 : index
          %parallel_loop3A_172 = tpu.vector_load %arg17[%parallel_loop3A_170, %parallel_loop3A_171] {strides = array<i32>} : memref<80x128xf32, #tpu.memory_space<vmem>>, vector<1x16xf32>,
          %parallel_loop3A_173 = vector.shape_cast %parallel_loop3A_172 : vector<1x16xf32> to vector<16xf32>
          %parallel_loop3A_174 = vector.shape_cast %parallel_loop3A_169 : vector<16xf32> to vector<1x16xf32>
          tpu.vector_store %arg17[%parallel_loop3A_170, %parallel_loop3A_171], %parallel_loop3A_174 {strides = array<i32>} : memref<80x128xf32, #tpu.memory_space<vmem>>, vector<1x16xf32>,
          %parallel_loop3A_175 = arith.index_cast %parallel_loop3A_137 : i32 to index
          %parallel_loop3A_176 = arith.constant 16 : index
          %parallel_loop3A_177 = tpu.vector_load %arg17[%parallel_loop3A_175, %parallel_loop3A_176] {strides = array<i32>} : memref<80x128xf32, #tpu.memory_space<vmem>>, vector<1x16xf32>,
          %parallel_loop3A_178 = vector.shape_cast %parallel_loop3A_177 : vector<1x16xf32> to vector<16xf32>
          %parallel_loop3A_179 = arith.index_cast %parallel_loop3A_137 : i32 to index
          %parallel_loop3A_180 = arith.constant 16 : index
          %parallel_loop3A_181 = tpu.vector_load %arg18[%parallel_loop3A_179, %parallel_loop3A_180] {strides = array<i32>} : memref<80x128xf32, #tpu.memory_space<vmem>>, vector<1x16xf32>,
          %parallel_loop3A_182 = vector.shape_cast %parallel_loop3A_181 : vector<1x16xf32> to vector<16xf32>
          %parallel_loop3A_183 = arith.addf %parallel_loop3A_178, %parallel_loop3A_182 : vector<16xf32>
          %parallel_loop3A_184 = arith.mulf %parallel_loop3A_158, %get3A_99 : vector<16xf32>
          %parallel_loop3A_185 = arith.addf %parallel_loop3A_183, %parallel_loop3A_184 : vector<16xf32>
          %parallel_loop3A_186 = arith.index_cast %parallel_loop3A_137 : i32 to index
          %parallel_loop3A_187 = arith.constant 16 : index
          %parallel_loop3A_188 = tpu.vector_load %arg17[%parallel_loop3A_186, %parallel_loop3A_187] {strides = array<i32>} : memref<80x128xf32, #tpu.memory_space<vmem>>, vector<1x16xf32>,
          %parallel_loop3A_189 = vector.shape_cast %parallel_loop3A_188 : vector<1x16xf32> to vector<16xf32>
          %parallel_loop3A_190 = vector.shape_cast %parallel_loop3A_185 : vector<16xf32> to vector<1x16xf32>
          tpu.vector_store %arg17[%parallel_loop3A_186, %parallel_loop3A_187], %parallel_loop3A_190 {strides = array<i32>} : memref<80x128xf32, #tpu.memory_space<vmem>>, vector<1x16xf32>,
          %parallel_loop3A_191 = arith.index_cast %parallel_loop3A_137 : i32 to index
          %parallel_loop3A_192 = arith.constant 32 : index
          %parallel_loop3A_193 = tpu.vector_load %arg17[%parallel_loop3A_191, %parallel_loop3A_192] {strides = array<i32>} : memref<80x128xf32, #tpu.memory_space<vmem>>, vector<1x16xf32>,
          %parallel_loop3A_194 = vector.shape_cast %parallel_loop3A_193 : vector<1x16xf32> to vector<16xf32>
          %parallel_loop3A_195 = arith.index_cast %parallel_loop3A_137 : i32 to index
          %parallel_loop3A_196 = arith.constant 32 : index
          %parallel_loop3A_197 = tpu.vector_load %arg18[%parallel_loop3A_195, %parallel_loop3A_196] {strides = array<i32>} : memref<80x128xf32, #tpu.memory_space<vmem>>, vector<1x16xf32>,
          %parallel_loop3A_198 = vector.shape_cast %parallel_loop3A_197 : vector<1x16xf32> to vector<16xf32>
          %parallel_loop3A_199 = arith.addf %parallel_loop3A_194, %parallel_loop3A_198 : vector<16xf32>
          %parallel_loop3A_200 = arith.mulf %parallel_loop3A_158, %get3A_104 : vector<16xf32>
          %parallel_loop3A_201 = arith.addf %parallel_loop3A_199, %parallel_loop3A_200 : vector<16xf32>
          %parallel_loop3A_202 = arith.index_cast %parallel_loop3A_137 : i32 to index
          %parallel_loop3A_203 = arith.constant 32 : index
          %parallel_loop3A_204 = tpu.vector_load %arg17[%parallel_loop3A_202, %parallel_loop3A_203] {strides = array<i32>} : memref<80x128xf32, #tpu.memory_space<vmem>>, vector<1x16xf32>,
          %parallel_loop3A_205 = vector.shape_cast %parallel_loop3A_204 : vector<1x16xf32> to vector<16xf32>
          %parallel_loop3A_206 = vector.shape_cast %parallel_loop3A_201 : vector<16xf32> to vector<1x16xf32>
          tpu.vector_store %arg17[%parallel_loop3A_202, %parallel_loop3A_203], %parallel_loop3A_206 {strides = array<i32>} : memref<80x128xf32, #tpu.memory_space<vmem>>, vector<1x16xf32>,
          %parallel_loop3A_207 = arith.index_cast %parallel_loop3A_137 : i32 to index
          %parallel_loop3A_208 = arith.constant 48 : index
          %parallel_loop3A_209 = tpu.vector_load %arg17[%parallel_loop3A_207, %parallel_loop3A_208] {strides = array<i32>} : memref<80x128xf32, #tpu.memory_space<vmem>>, vector<1x16xf32>,
          %parallel_loop3A_210 = vector.shape_cast %parallel_loop3A_209 : vector<1x16xf32> to vector<16xf32>
          %parallel_loop3A_211 = arith.index_cast %parallel_loop3A_137 : i32 to index
          %parallel_loop3A_212 = arith.constant 48 : index
          %parallel_loop3A_213 = tpu.vector_load %arg18[%parallel_loop3A_211, %parallel_loop3A_212] {strides = array<i32>} : memref<80x128xf32, #tpu.memory_space<vmem>>, vector<1x16xf32>,
          %parallel_loop3A_214 = vector.shape_cast %parallel_loop3A_213 : vector<1x16xf32> to vector<16xf32>
          %parallel_loop3A_215 = arith.addf %parallel_loop3A_210, %parallel_loop3A_214 : vector<16xf32>
          %parallel_loop3A_216 = arith.mulf %parallel_loop3A_158, %get3A_109 : vector<16xf32>
          %parallel_loop3A_217 = arith.addf %parallel_loop3A_215, %parallel_loop3A_216 : vector<16xf32>
          %parallel_loop3A_218 = arith.index_cast %parallel_loop3A_137 : i32 to index
          %parallel_loop3A_219 = arith.constant 48 : index
          %parallel_loop3A_220 = tpu.vector_load %arg17[%parallel_loop3A_218, %parallel_loop3A_219] {strides = array<i32>} : memref<80x128xf32, #tpu.memory_space<vmem>>, vector<1x16xf32>,
          %parallel_loop3A_221 = vector.shape_cast %parallel_loop3A_220 : vector<1x16xf32> to vector<16xf32>
          %parallel_loop3A_222 = vector.shape_cast %parallel_loop3A_217 : vector<16xf32> to vector<1x16xf32>
          tpu.vector_store %arg17[%parallel_loop3A_218, %parallel_loop3A_219], %parallel_loop3A_222 {strides = array<i32>} : memref<80x128xf32, #tpu.memory_space<vmem>>, vector<1x16xf32>,
          %parallel_loop3A_223 = arith.index_cast %parallel_loop3A_137 : i32 to index
          %parallel_loop3A_224 = arith.constant 64 : index
          %parallel_loop3A_225 = tpu.vector_load %arg17[%parallel_loop3A_223, %parallel_loop3A_224] {strides = array<i32>} : memref<80x128xf32, #tpu.memory_space<vmem>>, vector<1x16xf32>,
          %parallel_loop3A_226 = vector.shape_cast %parallel_loop3A_225 : vector<1x16xf32> to vector<16xf32>
          %parallel_loop3A_227 = arith.index_cast %parallel_loop3A_137 : i32 to index
          %parallel_loop3A_228 = arith.constant 64 : index
          %parallel_loop3A_229 = tpu.vector_load %arg18[%parallel_loop3A_227, %parallel_loop3A_228] {strides = array<i32>} : memref<80x128xf32, #tpu.memory_space<vmem>>, vector<1x16xf32>,
          %parallel_loop3A_230 = vector.shape_cast %parallel_loop3A_229 : vector<1x16xf32> to vector<16xf32>
          %parallel_loop3A_231 = arith.addf %parallel_loop3A_226, %parallel_loop3A_230 : vector<16xf32>
          %parallel_loop3A_232 = arith.mulf %parallel_loop3A_158, %get3A_114 : vector<16xf32>
          %parallel_loop3A_233 = arith.addf %parallel_loop3A_231, %parallel_loop3A_232 : vector<16xf32>
          %parallel_loop3A_234 = arith.index_cast %parallel_loop3A_137 : i32 to index
          %parallel_loop3A_235 = arith.constant 64 : index
          %parallel_loop3A_236 = tpu.vector_load %arg17[%parallel_loop3A_234, %parallel_loop3A_235] {strides = array<i32>} : memref<80x128xf32, #tpu.memory_space<vmem>>, vector<1x16xf32>,
          %parallel_loop3A_237 = vector.shape_cast %parallel_loop3A_236 : vector<1x16xf32> to vector<16xf32>
          %parallel_loop3A_238 = vector.shape_cast %parallel_loop3A_233 : vector<16xf32> to vector<1x16xf32>
          tpu.vector_store %arg17[%parallel_loop3A_234, %parallel_loop3A_235], %parallel_loop3A_238 {strides = array<i32>} : memref<80x128xf32, #tpu.memory_space<vmem>>, vector<1x16xf32>,
          %parallel_loop3A_239 = arith.index_cast %parallel_loop3A_137 : i32 to index
          %parallel_loop3A_240 = arith.constant 80 : index
          %parallel_loop3A_241 = tpu.vector_load %arg17[%parallel_loop3A_239, %parallel_loop3A_240] {strides = array<i32>} : memref<80x128xf32, #tpu.memory_space<vmem>>, vector<1x16xf32>,
          %parallel_loop3A_242 = vector.shape_cast %parallel_loop3A_241 : vector<1x16xf32> to vector<16xf32>
          %parallel_loop3A_243 = arith.index_cast %parallel_loop3A_137 : i32 to index
          %parallel_loop3A_244 = arith.constant 80 : index
          %parallel_loop3A_245 = tpu.vector_load %arg18[%parallel_loop3A_243, %parallel_loop3A_244] {strides = array<i32>} : memref<80x128xf32, #tpu.memory_space<vmem>>, vector<1x16xf32>,
          %parallel_loop3A_246 = vector.shape_cast %parallel_loop3A_245 : vector<1x16xf32> to vector<16xf32>
          %parallel_loop3A_247 = arith.addf %parallel_loop3A_242, %parallel_loop3A_246 : vector<16xf32>
          %parallel_loop3A_248 = arith.mulf %parallel_loop3A_158, %get3A_119 : vector<16xf32>
          %parallel_loop3A_249 = arith.addf %parallel_loop3A_247, %parallel_loop3A_248 : vector<16xf32>
          %parallel_loop3A_250 = arith.index_cast %parallel_loop3A_137 : i32 to index
          %parallel_loop3A_251 = arith.constant 80 : index
          %parallel_loop3A_252 = tpu.vector_load %arg17[%parallel_loop3A_250, %parallel_loop3A_251] {strides = array<i32>} : memref<80x128xf32, #tpu.memory_space<vmem>>, vector<1x16xf32>,
          %parallel_loop3A_253 = vector.shape_cast %parallel_loop3A_252 : vector<1x16xf32> to vector<16xf32>
          %parallel_loop3A_254 = vector.shape_cast %parallel_loop3A_249 : vector<16xf32> to vector<1x16xf32>
          tpu.vector_store %arg17[%parallel_loop3A_250, %parallel_loop3A_251], %parallel_loop3A_254 {strides = array<i32>} : memref<80x128xf32, #tpu.memory_space<vmem>>, vector<1x16xf32>,
          %parallel_loop3A_255 = arith.index_cast %parallel_loop3A_137 : i32 to index
          %parallel_loop3A_256 = arith.constant 96 : index
          %parallel_loop3A_257 = tpu.vector_load %arg17[%parallel_loop3A_255, %parallel_loop3A_256] {strides = array<i32>} : memref<80x128xf32, #tpu.memory_space<vmem>>, vector<1x16xf32>,
          %parallel_loop3A_258 = vector.shape_cast %parallel_loop3A_257 : vector<1x16xf32> to vector<16xf32>
          %parallel_loop3A_259 = arith.index_cast %parallel_loop3A_137 : i32 to index
          %parallel_loop3A_260 = arith.constant 96 : index
          %parallel_loop3A_261 = tpu.vector_load %arg18[%parallel_loop3A_259, %parallel_loop3A_260] {strides = array<i32>} : memref<80x128xf32, #tpu.memory_space<vmem>>, vector<1x16xf32>,
          %parallel_loop3A_262 = vector.shape_cast %parallel_loop3A_261 : vector<1x16xf32> to vector<16xf32>
          %parallel_loop3A_263 = arith.addf %parallel_loop3A_258, %parallel_loop3A_262 : vector<16xf32>
          %parallel_loop3A_264 = arith.mulf %parallel_loop3A_158, %get3A_124 : vector<16xf32>
          %parallel_loop3A_265 = arith.addf %parallel_loop3A_263, %parallel_loop3A_264 : vector<16xf32>
          %parallel_loop3A_266 = arith.index_cast %parallel_loop3A_137 : i32 to index
          %parallel_loop3A_267 = arith.constant 96 : index
          %parallel_loop3A_268 = tpu.vector_load %arg17[%parallel_loop3A_266, %parallel_loop3A_267] {strides = array<i32>} : memref<80x128xf32, #tpu.memory_space<vmem>>, vector<1x16xf32>,
          %parallel_loop3A_269 = vector.shape_cast %parallel_loop3A_268 : vector<1x16xf32> to vector<16xf32>
          %parallel_loop3A_270 = vector.shape_cast %parallel_loop3A_265 : vector<16xf32> to vector<1x16xf32>
          tpu.vector_store %arg17[%parallel_loop3A_266, %parallel_loop3A_267], %parallel_loop3A_270 {strides = array<i32>} : memref<80x128xf32, #tpu.memory_space<vmem>>, vector<1x16xf32>,
          %parallel_loop3A_271 = arith.index_cast %parallel_loop3A_137 : i32 to index
          %parallel_loop3A_272 = arith.constant 112 : index
          %parallel_loop3A_273 = tpu.vector_load %arg17[%parallel_loop3A_271, %parallel_loop3A_272] {strides = array<i32>} : memref<80x128xf32, #tpu.memory_space<vmem>>, vector<1x16xf32>,
          %parallel_loop3A_274 = vector.shape_cast %parallel_loop3A_273 : vector<1x16xf32> to vector<16xf32>
          %parallel_loop3A_275 = arith.index_cast %parallel_loop3A_137 : i32 to index
          %parallel_loop3A_276 = arith.constant 112 : index
          %parallel_loop3A_277 = tpu.vector_load %arg18[%parallel_loop3A_275, %parallel_loop3A_276] {strides = array<i32>} : memref<80x128xf32, #tpu.memory_space<vmem>>, vector<1x16xf32>,
          %parallel_loop3A_278 = vector.shape_cast %parallel_loop3A_277 : vector<1x16xf32> to vector<16xf32>
          %parallel_loop3A_279 = arith.addf %parallel_loop3A_274, %parallel_loop3A_278 : vector<16xf32>
          %parallel_loop3A_280 = arith.mulf %parallel_loop3A_158, %get3A_129 : vector<16xf32>
          %parallel_loop3A_281 = arith.addf %parallel_loop3A_279, %parallel_loop3A_280 : vector<16xf32>
          %parallel_loop3A_282 = arith.index_cast %parallel_loop3A_137 : i32 to index
          %parallel_loop3A_283 = arith.constant 112 : index
          %parallel_loop3A_284 = tpu.vector_load %arg17[%parallel_loop3A_282, %parallel_loop3A_283] {strides = array<i32>} : memref<80x128xf32, #tpu.memory_space<vmem>>, vector<1x16xf32>,
          %parallel_loop3A_285 = vector.shape_cast %parallel_loop3A_284 : vector<1x16xf32> to vector<16xf32>
          %parallel_loop3A_286 = vector.shape_cast %parallel_loop3A_281 : vector<16xf32> to vector<1x16xf32>
          tpu.vector_store %arg17[%parallel_loop3A_282, %parallel_loop3A_283], %parallel_loop3A_286 {strides = array<i32>} : memref<80x128xf32, #tpu.memory_space<vmem>>, vector<1x16xf32>,
        } {sc.loop_unroll_factor = 4 : i64, sc.parallel_access}
        %mul3A_132 = arith.constant 5040 : i32
        %mul3A_133 = arith.muli %add3A, %mul3A_132 : i32
        %mul3A_134 = arith.constant 80 : i32
        %mul3A_135 = arith.muli %add3A_55, %mul3A_134 : i32
        %add3A_136 = arith.addi %mul3A_133, %mul3A_135 : i32
        "tpu.region"() ({
          %run_scoped3A = tpu.sem_alloc : memref<!tpu.dma_semaphore, #tpu.memory_space<semaphore_mem>>
          %dma_start3A_137 = arith.constant 0 : i32
          %dma_start3A_138 = tpu.memref_slice %arg8[%add3A_136, %dma_start3A_137] : memref<161280x128xf32, #tpu.memory_space<hbm>> -> memref<80x128xf32, #tpu.memory_space<hbm>>
          %dma_start3A_139 = arith.constant 0 : i32
          %dma_start3A_140 = tpu.memref_slice %arg8[%add3A_136, %dma_start3A_139] : memref<161280x128xf32, #tpu.memory_space<hbm>> -> memref<80x128xf32, #tpu.memory_space<hbm>>
          tpu.enqueue_dma source(%arg17 : memref<80x128xf32, #tpu.memory_space<vmem>>) target(%dma_start3A_140 : memref<80x128xf32, #tpu.memory_space<hbm>>) target_semaphore(%run_scoped3A : memref<!tpu.dma_semaphore, #tpu.memory_space<semaphore_mem>>)
          %dma_wait3A_141 = arith.constant 0 : i32
          %dma_wait3A_142 = tpu.memref_slice %arg8[%add3A_136, %dma_wait3A_141] : memref<161280x128xf32, #tpu.memory_space<hbm>> -> memref<80x128xf32, #tpu.memory_space<hbm>>
          %dma_wait3A_143 = arith.constant 0 : i32
          %dma_wait3A_144 = tpu.memref_slice %arg8[%add3A_136, %dma_wait3A_143] : memref<161280x128xf32, #tpu.memory_space<hbm>> -> memref<80x128xf32, #tpu.memory_space<hbm>>
          tpu.wait_dma2 semaphore(%run_scoped3A : memref<!tpu.dma_semaphore, #tpu.memory_space<semaphore_mem>>) src(%arg17 : memref<80x128xf32, #tpu.memory_space<vmem>>) dst(%dma_wait3A_144 : memref<80x128xf32, #tpu.memory_space<hbm>>)
          tpu.yield
        }) : () -> ()
      } else {
      }
    }
    %scan3A_37 = arith.constant 32 : i32
    return
  }
}

#map = affine_map<(d0, d1) -> (0, 0)>
#map1 = affine_map<(d0, d1) -> (0, 0, 0)>
module attributes {stable_mosaic.version = 14 : i64} {
  func.func @_sc_scatter_body(%arg0: i32, %arg1: i32, %arg2: memref<161280x128xf32, #tpu.memory_space<hbm>>, %arg3: memref<161280x16xf32, #tpu.memory_space<hbm>>, %arg4: memref<10000x16xf32, #tpu.memory_space<hbm>>, %arg5: memref<32x63x80xi32, #tpu.memory_space<hbm>>, %arg6: memref<32x63x80xi32, #tpu.memory_space<hbm>>, %arg7: memref<10000x128xf32, #tpu.memory_space<hbm>>, %arg8: memref<10000x16xf32, #tpu.memory_space<hbm>>, %arg9: memref<20000x128xf32, #tpu.memory_space<hbm>>, %arg10: memref<20000x16xf32, #tpu.memory_space<hbm>>, %arg11: memref<63x80xi32, #tpu.memory_space<vmem>>, %arg12: memref<63x80xi32, #tpu.memory_space<vmem>>, %arg13: memref<80x128xf32, #tpu.memory_space<vmem>>, %arg14: memref<80x16xf32, #tpu.memory_space<vmem>>, %arg15: memref<80x16xf32, #tpu.memory_space<vmem>>, %arg16: memref<80x16xf32, #tpu.memory_space<vmem>>, %arg17: memref<!tpu.dma_semaphore, #tpu.memory_space<semaphore_mem>>, %arg18: memref<80x128xf32, #tpu.memory_space<vmem>>, %arg19: memref<80x16xf32, #tpu.memory_space<vmem>>, %arg20: memref<80x16xf32, #tpu.memory_space<vmem>>, %arg21: memref<80x16xf32, #tpu.memory_space<vmem>>, %arg22: memref<!tpu.dma_semaphore, #tpu.memory_space<semaphore_mem>>, %arg23: memref<10000x128xf32, #tpu.memory_space<vmem_shared>>, %arg24: memref<10000x16xf32, #tpu.memory_space<vmem_shared>>) attributes {dimension_semantics = [#tpu.dimension_semantics<core_parallel>, #tpu.dimension_semantics<subcore_parallel>], iteration_bounds = array<i64: 2, 16>, scalar_prefetch = 0 : i64, scratch_operands = 14 : i64, tpu.core_type = #tpu.core_type<sc_vector_subcore>, window_params = [{transform_indices = #map}, {transform_indices = #map}, {transform_indices = #map}, {transform_indices = #map1}, {transform_indices = #map1}, {transform_indices = #map}, {transform_indices = #map}, {transform_indices = #map}, {transform_indices = #map}]} {
    %mul3A = arith.constant 2 : i32
    %mul3A_0 = arith.muli %arg1, %mul3A : i32
    %add3A = arith.addi %mul3A_0, %arg0 : i32
    %mul3A_1 = arith.constant 625 : i32
    %mul3A_2 = arith.muli %arg1, %mul3A_1 : i32
    "tpu.region"() ({
      %run_scoped3A = tpu.sem_alloc : memref<!tpu.dma_semaphore, #tpu.memory_space<semaphore_mem>>
      %dma_start3A_38 = arith.constant 0 : i32
      %dma_start3A_39 = arith.constant 0 : i32
      %dma_start3A_40 = tpu.memref_slice %arg5[%add3A, %dma_start3A_38, %dma_start3A_39] : memref<32x63x80xi32, #tpu.memory_space<hbm>> -> memref<1x63x80xi32, #tpu.memory_space<hbm>>
      %dma_start3A_41 = tpu.memref_squeeze %dma_start3A_40 : memref<1x63x80xi32, #tpu.memory_space<hbm>> -> memref<63x80xi32, #tpu.memory_space<hbm>>
      %dma_start3A_42 = arith.constant 0 : i32
      %dma_start3A_43 = arith.constant 0 : i32
      %dma_start3A_44 = tpu.memref_slice %arg5[%add3A, %dma_start3A_42, %dma_start3A_43] : memref<32x63x80xi32, #tpu.memory_space<hbm>> -> memref<1x63x80xi32, #tpu.memory_space<hbm>>
      %dma_start3A_45 = tpu.memref_squeeze %dma_start3A_44 : memref<1x63x80xi32, #tpu.memory_space<hbm>> -> memref<63x80xi32, #tpu.memory_space<hbm>>
      tpu.enqueue_dma source(%dma_start3A_45 : memref<63x80xi32, #tpu.memory_space<hbm>>) target(%arg11 : memref<63x80xi32, #tpu.memory_space<vmem>>) target_semaphore(%run_scoped3A : memref<!tpu.dma_semaphore, #tpu.memory_space<semaphore_mem>>)
      %dma_wait3A = arith.constant 0 : i32
      %dma_wait3A_46 = arith.constant 0 : i32
      %dma_wait3A_47 = tpu.memref_slice %arg5[%add3A, %dma_wait3A, %dma_wait3A_46] : memref<32x63x80xi32, #tpu.memory_space<hbm>> -> memref<1x63x80xi32, #tpu.memory_space<hbm>>
      %dma_wait3A_48 = tpu.memref_squeeze %dma_wait3A_47 : memref<1x63x80xi32, #tpu.memory_space<hbm>> -> memref<63x80xi32, #tpu.memory_space<hbm>>
      %dma_wait3A_49 = arith.constant 0 : i32
      %dma_wait3A_50 = arith.constant 0 : i32
      %dma_wait3A_51 = tpu.memref_slice %arg5[%add3A, %dma_wait3A_49, %dma_wait3A_50] : memref<32x63x80xi32, #tpu.memory_space<hbm>> -> memref<1x63x80xi32, #tpu.memory_space<hbm>>
      %dma_wait3A_52 = tpu.memref_squeeze %dma_wait3A_51 : memref<1x63x80xi32, #tpu.memory_space<hbm>> -> memref<63x80xi32, #tpu.memory_space<hbm>>
      tpu.wait_dma2 semaphore(%run_scoped3A : memref<!tpu.dma_semaphore, #tpu.memory_space<semaphore_mem>>) src(%dma_wait3A_52 : memref<63x80xi32, #tpu.memory_space<hbm>>) dst(%arg11 : memref<63x80xi32, #tpu.memory_space<vmem>>)
      tpu.yield
    }) : () -> ()
    "tpu.region"() ({
      %run_scoped3A = tpu.sem_alloc : memref<!tpu.dma_semaphore, #tpu.memory_space<semaphore_mem>>
      %dma_start3A_38 = arith.constant 0 : i32
      %dma_start3A_39 = arith.constant 0 : i32
      %dma_start3A_40 = tpu.memref_slice %arg6[%add3A, %dma_start3A_38, %dma_start3A_39] : memref<32x63x80xi32, #tpu.memory_space<hbm>> -> memref<1x63x80xi32, #tpu.memory_space<hbm>>
      %dma_start3A_41 = tpu.memref_squeeze %dma_start3A_40 : memref<1x63x80xi32, #tpu.memory_space<hbm>> -> memref<63x80xi32, #tpu.memory_space<hbm>>
      %dma_start3A_42 = arith.constant 0 : i32
      %dma_start3A_43 = arith.constant 0 : i32
      %dma_start3A_44 = tpu.memref_slice %arg6[%add3A, %dma_start3A_42, %dma_start3A_43] : memref<32x63x80xi32, #tpu.memory_space<hbm>> -> memref<1x63x80xi32, #tpu.memory_space<hbm>>
      %dma_start3A_45 = tpu.memref_squeeze %dma_start3A_44 : memref<1x63x80xi32, #tpu.memory_space<hbm>> -> memref<63x80xi32, #tpu.memory_space<hbm>>
      tpu.enqueue_dma source(%dma_start3A_45 : memref<63x80xi32, #tpu.memory_space<hbm>>) target(%arg12 : memref<63x80xi32, #tpu.memory_space<vmem>>) target_semaphore(%run_scoped3A : memref<!tpu.dma_semaphore, #tpu.memory_space<semaphore_mem>>)
      %dma_wait3A = arith.constant 0 : i32
      %dma_wait3A_46 = arith.constant 0 : i32
      %dma_wait3A_47 = tpu.memref_slice %arg6[%add3A, %dma_wait3A, %dma_wait3A_46] : memref<32x63x80xi32, #tpu.memory_space<hbm>> -> memref<1x63x80xi32, #tpu.memory_space<hbm>>
      %dma_wait3A_48 = tpu.memref_squeeze %dma_wait3A_47 : memref<1x63x80xi32, #tpu.memory_space<hbm>> -> memref<63x80xi32, #tpu.memory_space<hbm>>
      %dma_wait3A_49 = arith.constant 0 : i32
      %dma_wait3A_50 = arith.constant 0 : i32
      %dma_wait3A_51 = tpu.memref_slice %arg6[%add3A, %dma_wait3A_49, %dma_wait3A_50] : memref<32x63x80xi32, #tpu.memory_space<hbm>> -> memref<1x63x80xi32, #tpu.memory_space<hbm>>
      %dma_wait3A_52 = tpu.memref_squeeze %dma_wait3A_51 : memref<1x63x80xi32, #tpu.memory_space<hbm>> -> memref<63x80xi32, #tpu.memory_space<hbm>>
      tpu.wait_dma2 semaphore(%run_scoped3A : memref<!tpu.dma_semaphore, #tpu.memory_space<semaphore_mem>>) src(%dma_wait3A_52 : memref<63x80xi32, #tpu.memory_space<hbm>>) dst(%arg12 : memref<63x80xi32, #tpu.memory_space<vmem>>)
      tpu.yield
    }) : () -> ()
    "tpu.region"() ({
      %run_scoped3A = tpu.sem_alloc : memref<!tpu.dma_semaphore, #tpu.memory_space<semaphore_mem>>
      %dma_start3A_38 = arith.constant 0 : i32
      %dma_start3A_39 = tpu.memref_slice %arg23[%mul3A_2, %dma_start3A_38] : memref<10000x128xf32, #tpu.memory_space<vmem_shared>> -> memref<625x128xf32, #tpu.memory_space<vmem_shared>>
      %dma_start3A_40 = arith.constant 0 : i32
      %dma_start3A_41 = tpu.memref_slice %arg7[%mul3A_2, %dma_start3A_40] : memref<10000x128xf32, #tpu.memory_space<hbm>> -> memref<625x128xf32, #tpu.memory_space<hbm>>
      tpu.enqueue_dma source(%dma_start3A_41 : memref<625x128xf32, #tpu.memory_space<hbm>>) target(%dma_start3A_39 : memref<625x128xf32, #tpu.memory_space<vmem_shared>>) target_semaphore(%run_scoped3A : memref<!tpu.dma_semaphore, #tpu.memory_space<semaphore_mem>>)
      %dma_wait3A = arith.constant 0 : i32
      %dma_wait3A_42 = tpu.memref_slice %arg23[%mul3A_2, %dma_wait3A] : memref<10000x128xf32, #tpu.memory_space<vmem_shared>> -> memref<625x128xf32, #tpu.memory_space<vmem_shared>>
      %dma_wait3A_43 = arith.constant 0 : i32
      %dma_wait3A_44 = tpu.memref_slice %arg7[%mul3A_2, %dma_wait3A_43] : memref<10000x128xf32, #tpu.memory_space<hbm>> -> memref<625x128xf32, #tpu.memory_space<hbm>>
      tpu.wait_dma2 semaphore(%run_scoped3A : memref<!tpu.dma_semaphore, #tpu.memory_space<semaphore_mem>>) src(%dma_wait3A_44 : memref<625x128xf32, #tpu.memory_space<hbm>>) dst(%dma_wait3A_42 : memref<625x128xf32, #tpu.memory_space<vmem_shared>>)
      tpu.yield
    }) : () -> ()
    "tpu.region"() ({
      %run_scoped3A = tpu.sem_alloc : memref<!tpu.dma_semaphore, #tpu.memory_space<semaphore_mem>>
      %dma_start3A_38 = arith.constant 0 : i32
      %dma_start3A_39 = tpu.memref_slice %arg24[%mul3A_2, %dma_start3A_38] : memref<10000x16xf32, #tpu.memory_space<vmem_shared>> -> memref<625x16xf32, #tpu.memory_space<vmem_shared>>
      %dma_start3A_40 = arith.constant 0 : i32
      %dma_start3A_41 = tpu.memref_slice %arg8[%mul3A_2, %dma_start3A_40] : memref<10000x16xf32, #tpu.memory_space<hbm>> -> memref<625x16xf32, #tpu.memory_space<hbm>>
      tpu.enqueue_dma source(%dma_start3A_41 : memref<625x16xf32, #tpu.memory_space<hbm>>) target(%dma_start3A_39 : memref<625x16xf32, #tpu.memory_space<vmem_shared>>) target_semaphore(%run_scoped3A : memref<!tpu.dma_semaphore, #tpu.memory_space<semaphore_mem>>)
      %dma_wait3A = arith.constant 0 : i32
      %dma_wait3A_42 = tpu.memref_slice %arg24[%mul3A_2, %dma_wait3A] : memref<10000x16xf32, #tpu.memory_space<vmem_shared>> -> memref<625x16xf32, #tpu.memory_space<vmem_shared>>
      %dma_wait3A_43 = arith.constant 0 : i32
      %dma_wait3A_44 = tpu.memref_slice %arg8[%mul3A_2, %dma_wait3A_43] : memref<10000x16xf32, #tpu.memory_space<hbm>> -> memref<625x16xf32, #tpu.memory_space<hbm>>
      tpu.wait_dma2 semaphore(%run_scoped3A : memref<!tpu.dma_semaphore, #tpu.memory_space<semaphore_mem>>) src(%dma_wait3A_44 : memref<625x16xf32, #tpu.memory_space<hbm>>) dst(%dma_wait3A_42 : memref<625x16xf32, #tpu.memory_space<vmem_shared>>)
      tpu.yield
    }) : () -> ()
    %barrier3A = arith.constant 0 : index
    tpu.barrier barrier_id(%barrier3A)
    %broadcast_in_dim3A = arith.constant 0 : i32
    %broadcast_in_dim3A_3 = vector.broadcast %broadcast_in_dim3A : i32 to vector<16xi32>
    %mul3A_4 = arith.constant 5040 : i32
    %mul3A_5 = arith.muli %add3A, %mul3A_4 : i32
    %add3A_6 = arith.constant 0 : i32
    %add3A_7 = arith.addi %mul3A_5, %add3A_6 : i32
    %dma_start3A = arith.constant 0 : i32
    %dma_start3A_8 = tpu.memref_slice %arg2[%add3A_7, %dma_start3A] : memref<161280x128xf32, #tpu.memory_space<hbm>> -> memref<80x128xf32, #tpu.memory_space<hbm>>
    %dma_start3A_9 = arith.constant 0 : i32
    %dma_start3A_10 = tpu.memref_slice %arg2[%add3A_7, %dma_start3A_9] : memref<161280x128xf32, #tpu.memory_space<hbm>> -> memref<80x128xf32, #tpu.memory_space<hbm>>
    tpu.enqueue_dma source(%dma_start3A_10 : memref<80x128xf32, #tpu.memory_space<hbm>>) target(%arg13 : memref<80x128xf32, #tpu.memory_space<vmem>>) target_semaphore(%arg17 : memref<!tpu.dma_semaphore, #tpu.memory_space<semaphore_mem>>)
    %dma_start3A_11 = arith.constant 0 : i32
    %dma_start3A_12 = tpu.memref_slice %arg3[%add3A_7, %dma_start3A_11] : memref<161280x16xf32, #tpu.memory_space<hbm>> -> memref<80x16xf32, #tpu.memory_space<hbm>>
    %dma_start3A_13 = arith.constant 0 : i32
    %dma_start3A_14 = tpu.memref_slice %arg3[%add3A_7, %dma_start3A_13] : memref<161280x16xf32, #tpu.memory_space<hbm>> -> memref<80x16xf32, #tpu.memory_space<hbm>>
    tpu.enqueue_dma source(%dma_start3A_14 : memref<80x16xf32, #tpu.memory_space<hbm>>) target(%arg14 : memref<80x16xf32, #tpu.memory_space<vmem>>) target_semaphore(%arg17 : memref<!tpu.dma_semaphore, #tpu.memory_space<semaphore_mem>>)
    %dma_start3A_15 = arith.constant 0 : i32
    %dma_start3A_16 = arith.constant 0 : i32
    %dma_start3A_17 = tpu.memref_slice %arg11[%dma_start3A_15, %dma_start3A_16] : memref<63x80xi32, #tpu.memory_space<vmem>> -> memref<1x80xi32, #tpu.memory_space<vmem>>
    %dma_start3A_18 = tpu.memref_squeeze %dma_start3A_17 : memref<1x80xi32, #tpu.memory_space<vmem>> -> memref<80xi32, #tpu.memory_space<vmem>>
    %dma_start3A_19 = arith.constant 0 : i32
    %dma_start3A_20 = arith.constant 0 : i32
    %dma_start3A_21 = tpu.memref_slice %arg4[%dma_start3A_19, %dma_start3A_20] : memref<10000x16xf32, #tpu.memory_space<hbm>> -> memref<10000x16xf32, #tpu.memory_space<hbm>>
    tpu.enqueue_indirect_dma source(%dma_start3A_21 : memref<10000x16xf32, #tpu.memory_space<hbm>>) target(%arg15 : memref<80x16xf32, #tpu.memory_space<vmem>>) offsets(%dma_start3A_18 : memref<80xi32, #tpu.memory_space<vmem>>) semaphore(%arg17 : memref<!tpu.dma_semaphore, #tpu.memory_space<semaphore_mem>>)
    %dma_start3A_22 = arith.constant 0 : i32
    %dma_start3A_23 = arith.constant 0 : i32
    %dma_start3A_24 = tpu.memref_slice %arg12[%dma_start3A_22, %dma_start3A_23] : memref<63x80xi32, #tpu.memory_space<vmem>> -> memref<1x80xi32, #tpu.memory_space<vmem>>
    %dma_start3A_25 = tpu.memref_squeeze %dma_start3A_24 : memref<1x80xi32, #tpu.memory_space<vmem>> -> memref<80xi32, #tpu.memory_space<vmem>>
    %dma_start3A_26 = arith.constant 0 : i32
    %dma_start3A_27 = arith.constant 0 : i32
    %dma_start3A_28 = tpu.memref_slice %arg4[%dma_start3A_26, %dma_start3A_27] : memref<10000x16xf32, #tpu.memory_space<hbm>> -> memref<10000x16xf32, #tpu.memory_space<hbm>>
    tpu.enqueue_indirect_dma source(%dma_start3A_28 : memref<10000x16xf32, #tpu.memory_space<hbm>>) target(%arg16 : memref<80x16xf32, #tpu.memory_space<vmem>>) offsets(%dma_start3A_25 : memref<80xi32, #tpu.memory_space<vmem>>) semaphore(%arg17 : memref<!tpu.dma_semaphore, #tpu.memory_space<semaphore_mem>>)
    %scan3A = arith.constant 0 : i32
    %scan3A_29 = arith.constant 0 : i32
    %scan3A_30 = arith.constant 32 : i32
    %scan3A_31 = arith.addi %scan3A_29, %scan3A_30 : i32
    %scan3A_32 = arith.constant 1 : i32
    scf.for %scan3A_38 = %scan3A_29 to %scan3A_31 step %scan3A_32  : i32 {
      %mul3A_39 = arith.constant 2 : i32
      %mul3A_40 = arith.muli %scan3A_38, %mul3A_39 : i32
      %add3A_41 = arith.constant 0 : i32
      %add3A_42 = arith.addi %mul3A_40, %add3A_41 : i32
      %add3A_43 = arith.constant 1 : i32
      %add3A_44 = arith.addi %add3A_42, %add3A_43 : i32
      %lt3A = arith.constant 63 : i32
      %lt3A_45 = arith.cmpi slt, %add3A_44, %lt3A : i32
      %convert_element_type3A = arith.extui %lt3A_45 : i1 to i32
      %cond3A = arith.constant 0 : i32
      %cond3A_46 = arith.cmpi ne, %convert_element_type3A, %cond3A : i32
      scf.if %cond3A_46 {
        %add3A_68 = arith.constant 1 : i32
        %add3A_69 = arith.addi %add3A_42, %add3A_68 : i32
        %mul3A_70 = arith.constant 5040 : i32
        %mul3A_71 = arith.muli %add3A, %mul3A_70 : i32
        %mul3A_72 = arith.constant 80 : i32
        %mul3A_73 = arith.muli %add3A_69, %mul3A_72 : i32
        %add3A_74 = arith.addi %mul3A_71, %mul3A_73 : i32
        %dma_start3A_75 = arith.constant 0 : i32
        %dma_start3A_76 = tpu.memref_slice %arg2[%add3A_74, %dma_start3A_75] : memref<161280x128xf32, #tpu.memory_space<hbm>> -> memref<80x128xf32, #tpu.memory_space<hbm>>
        %dma_start3A_77 = arith.constant 0 : i32
        %dma_start3A_78 = tpu.memref_slice %arg2[%add3A_74, %dma_start3A_77] : memref<161280x128xf32, #tpu.memory_space<hbm>> -> memref<80x128xf32, #tpu.memory_space<hbm>>
        tpu.enqueue_dma source(%dma_start3A_78 : memref<80x128xf32, #tpu.memory_space<hbm>>) target(%arg18 : memref<80x128xf32, #tpu.memory_space<vmem>>) target_semaphore(%arg22 : memref<!tpu.dma_semaphore, #tpu.memory_space<semaphore_mem>>)
        %dma_start3A_79 = arith.constant 0 : i32
        %dma_start3A_80 = tpu.memref_slice %arg3[%add3A_74, %dma_start3A_79] : memref<161280x16xf32, #tpu.memory_space<hbm>> -> memref<80x16xf32, #tpu.memory_space<hbm>>
        %dma_start3A_81 = arith.constant 0 : i32
        %dma_start3A_82 = tpu.memref_slice %arg3[%add3A_74, %dma_start3A_81] : memref<161280x16xf32, #tpu.memory_space<hbm>> -> memref<80x16xf32, #tpu.memory_space<hbm>>
        tpu.enqueue_dma source(%dma_start3A_82 : memref<80x16xf32, #tpu.memory_space<hbm>>) target(%arg19 : memref<80x16xf32, #tpu.memory_space<vmem>>) target_semaphore(%arg22 : memref<!tpu.dma_semaphore, #tpu.memory_space<semaphore_mem>>)
        %dma_start3A_83 = arith.constant 0 : i32
        %dma_start3A_84 = tpu.memref_slice %arg11[%add3A_69, %dma_start3A_83] : memref<63x80xi32, #tpu.memory_space<vmem>> -> memref<1x80xi32, #tpu.memory_space<vmem>>
        %dma_start3A_85 = tpu.memref_squeeze %dma_start3A_84 : memref<1x80xi32, #tpu.memory_space<vmem>> -> memref<80xi32, #tpu.memory_space<vmem>>
        %dma_start3A_86 = arith.constant 0 : i32
        %dma_start3A_87 = arith.constant 0 : i32
        %dma_start3A_88 = tpu.memref_slice %arg4[%dma_start3A_86, %dma_start3A_87] : memref<10000x16xf32, #tpu.memory_space<hbm>> -> memref<10000x16xf32, #tpu.memory_space<hbm>>
        tpu.enqueue_indirect_dma source(%dma_start3A_88 : memref<10000x16xf32, #tpu.memory_space<hbm>>) target(%arg20 : memref<80x16xf32, #tpu.memory_space<vmem>>) offsets(%dma_start3A_85 : memref<80xi32, #tpu.memory_space<vmem>>) semaphore(%arg22 : memref<!tpu.dma_semaphore, #tpu.memory_space<semaphore_mem>>)
        %dma_start3A_89 = arith.constant 0 : i32
        %dma_start3A_90 = tpu.memref_slice %arg12[%add3A_69, %dma_start3A_89] : memref<63x80xi32, #tpu.memory_space<vmem>> -> memref<1x80xi32, #tpu.memory_space<vmem>>
        %dma_start3A_91 = tpu.memref_squeeze %dma_start3A_90 : memref<1x80xi32, #tpu.memory_space<vmem>> -> memref<80xi32, #tpu.memory_space<vmem>>
        %dma_start3A_92 = arith.constant 0 : i32
        %dma_start3A_93 = arith.constant 0 : i32
        %dma_start3A_94 = tpu.memref_slice %arg4[%dma_start3A_92, %dma_start3A_93] : memref<10000x16xf32, #tpu.memory_space<hbm>> -> memref<10000x16xf32, #tpu.memory_space<hbm>>
        tpu.enqueue_indirect_dma source(%dma_start3A_94 : memref<10000x16xf32, #tpu.memory_space<hbm>>) target(%arg21 : memref<80x16xf32, #tpu.memory_space<vmem>>) offsets(%dma_start3A_91 : memref<80xi32, #tpu.memory_space<vmem>>) semaphore(%arg22 : memref<!tpu.dma_semaphore, #tpu.memory_space<semaphore_mem>>)
      } else {
      }
      %lt3A_47 = arith.constant 63 : i32
      %lt3A_48 = arith.cmpi slt, %add3A_42, %lt3A_47 : i32
      %convert_element_type3A_49 = arith.extui %lt3A_48 : i1 to i32
      %cond3A_50 = arith.constant 0 : i32
      %cond3A_51 = arith.cmpi ne, %convert_element_type3A_49, %cond3A_50 : i32
      scf.if %cond3A_51 {
        %mul3A_68 = arith.constant 5040 : i32
        %mul3A_69 = arith.muli %add3A, %mul3A_68 : i32
        %mul3A_70 = arith.constant 80 : i32
        %mul3A_71 = arith.muli %add3A_42, %mul3A_70 : i32
        %add3A_72 = arith.addi %mul3A_69, %mul3A_71 : i32
        %dma_wait3A = arith.constant 0 : i32
        %dma_wait3A_73 = tpu.memref_slice %arg2[%add3A_72, %dma_wait3A] : memref<161280x128xf32, #tpu.memory_space<hbm>> -> memref<80x128xf32, #tpu.memory_space<hbm>>
        %dma_wait3A_74 = arith.constant 0 : i32
        %dma_wait3A_75 = tpu.memref_slice %arg2[%add3A_72, %dma_wait3A_74] : memref<161280x128xf32, #tpu.memory_space<hbm>> -> memref<80x128xf32, #tpu.memory_space<hbm>>
        tpu.wait_dma2 semaphore(%arg17 : memref<!tpu.dma_semaphore, #tpu.memory_space<semaphore_mem>>) src(%dma_wait3A_75 : memref<80x128xf32, #tpu.memory_space<hbm>>) dst(%arg13 : memref<80x128xf32, #tpu.memory_space<vmem>>)
        %dma_wait3A_76 = arith.constant 0 : i32
        %dma_wait3A_77 = tpu.memref_slice %arg3[%add3A_72, %dma_wait3A_76] : memref<161280x16xf32, #tpu.memory_space<hbm>> -> memref<80x16xf32, #tpu.memory_space<hbm>>
        %dma_wait3A_78 = arith.constant 0 : i32
        %dma_wait3A_79 = tpu.memref_slice %arg3[%add3A_72, %dma_wait3A_78] : memref<161280x16xf32, #tpu.memory_space<hbm>> -> memref<80x16xf32, #tpu.memory_space<hbm>>
        tpu.wait_dma2 semaphore(%arg17 : memref<!tpu.dma_semaphore, #tpu.memory_space<semaphore_mem>>) src(%dma_wait3A_79 : memref<80x16xf32, #tpu.memory_space<hbm>>) dst(%arg14 : memref<80x16xf32, #tpu.memory_space<vmem>>)
        %dma_wait3A_80 = arith.constant 0 : i32
        %dma_wait3A_81 = tpu.memref_slice %arg11[%add3A_42, %dma_wait3A_80] : memref<63x80xi32, #tpu.memory_space<vmem>> -> memref<1x80xi32, #tpu.memory_space<vmem>>
        %dma_wait3A_82 = tpu.memref_squeeze %dma_wait3A_81 : memref<1x80xi32, #tpu.memory_space<vmem>> -> memref<80xi32, #tpu.memory_space<vmem>>
        %dma_wait3A_83 = arith.constant 0 : i32
        %dma_wait3A_84 = arith.constant 0 : i32
        %dma_wait3A_85 = tpu.memref_slice %arg4[%dma_wait3A_83, %dma_wait3A_84] : memref<10000x16xf32, #tpu.memory_space<hbm>> -> memref<10000x16xf32, #tpu.memory_space<hbm>>
        tpu.wait_indirect_dma semaphore(%arg17 : memref<!tpu.dma_semaphore, #tpu.memory_space<semaphore_mem>>) src(%dma_wait3A_85 : memref<10000x16xf32, #tpu.memory_space<hbm>>) dst(%arg15 : memref<80x16xf32, #tpu.memory_space<vmem>>)
        %dma_wait3A_86 = arith.constant 0 : i32
        %dma_wait3A_87 = tpu.memref_slice %arg12[%add3A_42, %dma_wait3A_86] : memref<63x80xi32, #tpu.memory_space<vmem>> -> memref<1x80xi32, #tpu.memory_space<vmem>>
        %dma_wait3A_88 = tpu.memref_squeeze %dma_wait3A_87 : memref<1x80xi32, #tpu.memory_space<vmem>> -> memref<80xi32, #tpu.memory_space<vmem>>
        %dma_wait3A_89 = arith.constant 0 : i32
        %dma_wait3A_90 = arith.constant 0 : i32
        %dma_wait3A_91 = tpu.memref_slice %arg4[%dma_wait3A_89, %dma_wait3A_90] : memref<10000x16xf32, #tpu.memory_space<hbm>> -> memref<10000x16xf32, #tpu.memory_space<hbm>>
        tpu.wait_indirect_dma semaphore(%arg17 : memref<!tpu.dma_semaphore, #tpu.memory_space<semaphore_mem>>) src(%dma_wait3A_91 : memref<10000x16xf32, #tpu.memory_space<hbm>>) dst(%arg16 : memref<80x16xf32, #tpu.memory_space<vmem>>)
        %parallel_loop3A = arith.constant 0 : i32
        %parallel_loop3A_92 = arith.constant 80 : i32
        %parallel_loop3A_93 = arith.constant 1 : i32
        scf.for %parallel_loop3A_94 = %parallel_loop3A to %parallel_loop3A_92 step %parallel_loop3A_93  : i32 {
          %parallel_loop3A_95 = arith.index_cast %parallel_loop3A_94 : i32 to index
          %parallel_loop3A_96 = arith.constant 0 : index
          %parallel_loop3A_97 = tpu.vector_load %arg14[%parallel_loop3A_95, %parallel_loop3A_96] {strides = array<i32>} : memref<80x16xf32, #tpu.memory_space<vmem>>, vector<1x16xf32>,
          %parallel_loop3A_98 = vector.shape_cast %parallel_loop3A_97 : vector<1x16xf32> to vector<16xf32>
          %parallel_loop3A_99 = vector.shape_cast %broadcast_in_dim3A_3 : vector<16xi32> to vector<16x1xi32>
          %parallel_loop3A_100 = vector.shape_cast %parallel_loop3A_99 : vector<16x1xi32> to vector<16xi32>
          %parallel_loop3A_101 = tpu.dynamic_gather %parallel_loop3A_98[%parallel_loop3A_100] in [0] : vector<16xf32>, vector<16xi32> -> vector<16xf32>
          %parallel_loop3A_102 = arith.index_cast %parallel_loop3A_94 : i32 to index
          %parallel_loop3A_103 = arith.constant 0 : index
          %parallel_loop3A_104 = tpu.vector_load %arg15[%parallel_loop3A_102, %parallel_loop3A_103] {strides = array<i32>} : memref<80x16xf32, #tpu.memory_space<vmem>>, vector<1x16xf32>,
          %parallel_loop3A_105 = vector.shape_cast %parallel_loop3A_104 : vector<1x16xf32> to vector<16xf32>
          %parallel_loop3A_106 = arith.index_cast %parallel_loop3A_94 : i32 to index
          %parallel_loop3A_107 = arith.constant 0 : index
          %parallel_loop3A_108 = tpu.vector_load %arg16[%parallel_loop3A_106, %parallel_loop3A_107] {strides = array<i32>} : memref<80x16xf32, #tpu.memory_space<vmem>>, vector<1x16xf32>,
          %parallel_loop3A_109 = vector.shape_cast %parallel_loop3A_108 : vector<1x16xf32> to vector<16xf32>
          %parallel_loop3A_110 = arith.subf %parallel_loop3A_105, %parallel_loop3A_109 : vector<16xf32>
          %parallel_loop3A_111 = arith.mulf %parallel_loop3A_110, %parallel_loop3A_101 : vector<16xf32>
          %parallel_loop3A_112 = arith.index_cast %parallel_loop3A_94 : i32 to index
          %parallel_loop3A_113 = arith.constant 0 : index
          %parallel_loop3A_114 = tpu.vector_load %arg14[%parallel_loop3A_112, %parallel_loop3A_113] {strides = array<i32>} : memref<80x16xf32, #tpu.memory_space<vmem>>, vector<1x16xf32>,
          %parallel_loop3A_115 = vector.shape_cast %parallel_loop3A_114 : vector<1x16xf32> to vector<16xf32>
          %parallel_loop3A_116 = vector.shape_cast %parallel_loop3A_111 : vector<16xf32> to vector<1x16xf32>
          tpu.vector_store %arg14[%parallel_loop3A_112, %parallel_loop3A_113], %parallel_loop3A_116 {strides = array<i32>} : memref<80x16xf32, #tpu.memory_space<vmem>>, vector<1x16xf32>,
        } {sc.loop_unroll_factor = 4 : i64, sc.parallel_access}
        "tpu.region"() ({
          %run_scoped3A = tpu.sem_alloc : memref<!tpu.dma_semaphore, #tpu.memory_space<semaphore_mem>>
          %dma_start3A_94 = arith.constant 0 : i32
          %dma_start3A_95 = tpu.memref_slice %arg12[%add3A_42, %dma_start3A_94] : memref<63x80xi32, #tpu.memory_space<vmem>> -> memref<1x80xi32, #tpu.memory_space<vmem>>
          %dma_start3A_96 = tpu.memref_squeeze %dma_start3A_95 : memref<1x80xi32, #tpu.memory_space<vmem>> -> memref<80xi32, #tpu.memory_space<vmem>>
          %dma_start3A_97 = arith.constant 0 : i32
          %dma_start3A_98 = arith.constant 0 : i32
          %dma_start3A_99 = tpu.memref_slice %arg23[%dma_start3A_97, %dma_start3A_98] : memref<10000x128xf32, #tpu.memory_space<vmem_shared>> -> memref<10000x128xf32, #tpu.memory_space<vmem_shared>>
          tpu.enqueue_indirect_dma source(%arg13 : memref<80x128xf32, #tpu.memory_space<vmem>>) target(%dma_start3A_99 : memref<10000x128xf32, #tpu.memory_space<vmem_shared>>) offsets(%dma_start3A_96 : memref<80xi32, #tpu.memory_space<vmem>>) semaphore(%run_scoped3A : memref<!tpu.dma_semaphore, #tpu.memory_space<semaphore_mem>>) {add = true}
          %dma_wait3A_100 = arith.constant 0 : i32
          %dma_wait3A_101 = tpu.memref_slice %arg12[%add3A_42, %dma_wait3A_100] : memref<63x80xi32, #tpu.memory_space<vmem>> -> memref<1x80xi32, #tpu.memory_space<vmem>>
          %dma_wait3A_102 = tpu.memref_squeeze %dma_wait3A_101 : memref<1x80xi32, #tpu.memory_space<vmem>> -> memref<80xi32, #tpu.memory_space<vmem>>
          %dma_wait3A_103 = arith.constant 0 : i32
          %dma_wait3A_104 = arith.constant 0 : i32
          %dma_wait3A_105 = tpu.memref_slice %arg23[%dma_wait3A_103, %dma_wait3A_104] : memref<10000x128xf32, #tpu.memory_space<vmem_shared>> -> memref<10000x128xf32, #tpu.memory_space<vmem_shared>>
          tpu.wait_indirect_dma semaphore(%run_scoped3A : memref<!tpu.dma_semaphore, #tpu.memory_space<semaphore_mem>>) src(%arg13 : memref<80x128xf32, #tpu.memory_space<vmem>>) dst(%dma_wait3A_105 : memref<10000x128xf32, #tpu.memory_space<vmem_shared>>)
          tpu.yield
        }) : () -> ()
        "tpu.region"() ({
          %run_scoped3A = tpu.sem_alloc : memref<!tpu.dma_semaphore, #tpu.memory_space<semaphore_mem>>
          %dma_start3A_94 = arith.constant 0 : i32
          %dma_start3A_95 = tpu.memref_slice %arg12[%add3A_42, %dma_start3A_94] : memref<63x80xi32, #tpu.memory_space<vmem>> -> memref<1x80xi32, #tpu.memory_space<vmem>>
          %dma_start3A_96 = tpu.memref_squeeze %dma_start3A_95 : memref<1x80xi32, #tpu.memory_space<vmem>> -> memref<80xi32, #tpu.memory_space<vmem>>
          %dma_start3A_97 = arith.constant 0 : i32
          %dma_start3A_98 = arith.constant 0 : i32
          %dma_start3A_99 = tpu.memref_slice %arg24[%dma_start3A_97, %dma_start3A_98] : memref<10000x16xf32, #tpu.memory_space<vmem_shared>> -> memref<10000x16xf32, #tpu.memory_space<vmem_shared>>
          tpu.enqueue_indirect_dma source(%arg14 : memref<80x16xf32, #tpu.memory_space<vmem>>) target(%dma_start3A_99 : memref<10000x16xf32, #tpu.memory_space<vmem_shared>>) offsets(%dma_start3A_96 : memref<80xi32, #tpu.memory_space<vmem>>) semaphore(%run_scoped3A : memref<!tpu.dma_semaphore, #tpu.memory_space<semaphore_mem>>) {add = true}
          %dma_wait3A_100 = arith.constant 0 : i32
          %dma_wait3A_101 = tpu.memref_slice %arg12[%add3A_42, %dma_wait3A_100] : memref<63x80xi32, #tpu.memory_space<vmem>> -> memref<1x80xi32, #tpu.memory_space<vmem>>
          %dma_wait3A_102 = tpu.memref_squeeze %dma_wait3A_101 : memref<1x80xi32, #tpu.memory_space<vmem>> -> memref<80xi32, #tpu.memory_space<vmem>>
          %dma_wait3A_103 = arith.constant 0 : i32
          %dma_wait3A_104 = arith.constant 0 : i32
          %dma_wait3A_105 = tpu.memref_slice %arg24[%dma_wait3A_103, %dma_wait3A_104] : memref<10000x16xf32, #tpu.memory_space<vmem_shared>> -> memref<10000x16xf32, #tpu.memory_space<vmem_shared>>
          tpu.wait_indirect_dma semaphore(%run_scoped3A : memref<!tpu.dma_semaphore, #tpu.memory_space<semaphore_mem>>) src(%arg14 : memref<80x16xf32, #tpu.memory_space<vmem>>) dst(%dma_wait3A_105 : memref<10000x16xf32, #tpu.memory_space<vmem_shared>>)
          tpu.yield
        }) : () -> ()
      } else {
      }
      %mul3A_52 = arith.constant 2 : i32
      %mul3A_53 = arith.muli %scan3A_38, %mul3A_52 : i32
      %add3A_54 = arith.constant 1 : i32
      %add3A_55 = arith.addi %mul3A_53, %add3A_54 : i32
      %add3A_56 = arith.constant 1 : i32
      %add3A_57 = arith.addi %add3A_55, %add3A_56 : i32
      %lt3A_58 = arith.constant 63 : i32
      %lt3A_59 = arith.cmpi slt, %add3A_57, %lt3A_58 : i32
      %convert_element_type3A_60 = arith.extui %lt3A_59 : i1 to i32
      %cond3A_61 = arith.constant 0 : i32
      %cond3A_62 = arith.cmpi ne, %convert_element_type3A_60, %cond3A_61 : i32
      scf.if %cond3A_62 {
        %add3A_68 = arith.constant 1 : i32
        %add3A_69 = arith.addi %add3A_55, %add3A_68 : i32
        %mul3A_70 = arith.constant 5040 : i32
        %mul3A_71 = arith.muli %add3A, %mul3A_70 : i32
        %mul3A_72 = arith.constant 80 : i32
        %mul3A_73 = arith.muli %add3A_69, %mul3A_72 : i32
        %add3A_74 = arith.addi %mul3A_71, %mul3A_73 : i32
        %dma_start3A_75 = arith.constant 0 : i32
        %dma_start3A_76 = tpu.memref_slice %arg2[%add3A_74, %dma_start3A_75] : memref<161280x128xf32, #tpu.memory_space<hbm>> -> memref<80x128xf32, #tpu.memory_space<hbm>>
        %dma_start3A_77 = arith.constant 0 : i32
        %dma_start3A_78 = tpu.memref_slice %arg2[%add3A_74, %dma_start3A_77] : memref<161280x128xf32, #tpu.memory_space<hbm>> -> memref<80x128xf32, #tpu.memory_space<hbm>>
        tpu.enqueue_dma source(%dma_start3A_78 : memref<80x128xf32, #tpu.memory_space<hbm>>) target(%arg13 : memref<80x128xf32, #tpu.memory_space<vmem>>) target_semaphore(%arg17 : memref<!tpu.dma_semaphore, #tpu.memory_space<semaphore_mem>>)
        %dma_start3A_79 = arith.constant 0 : i32
        %dma_start3A_80 = tpu.memref_slice %arg3[%add3A_74, %dma_start3A_79] : memref<161280x16xf32, #tpu.memory_space<hbm>> -> memref<80x16xf32, #tpu.memory_space<hbm>>
        %dma_start3A_81 = arith.constant 0 : i32
        %dma_start3A_82 = tpu.memref_slice %arg3[%add3A_74, %dma_start3A_81] : memref<161280x16xf32, #tpu.memory_space<hbm>> -> memref<80x16xf32, #tpu.memory_space<hbm>>
        tpu.enqueue_dma source(%dma_start3A_82 : memref<80x16xf32, #tpu.memory_space<hbm>>) target(%arg14 : memref<80x16xf32, #tpu.memory_space<vmem>>) target_semaphore(%arg17 : memref<!tpu.dma_semaphore, #tpu.memory_space<semaphore_mem>>)
        %dma_start3A_83 = arith.constant 0 : i32
        %dma_start3A_84 = tpu.memref_slice %arg11[%add3A_69, %dma_start3A_83] : memref<63x80xi32, #tpu.memory_space<vmem>> -> memref<1x80xi32, #tpu.memory_space<vmem>>
        %dma_start3A_85 = tpu.memref_squeeze %dma_start3A_84 : memref<1x80xi32, #tpu.memory_space<vmem>> -> memref<80xi32, #tpu.memory_space<vmem>>
        %dma_start3A_86 = arith.constant 0 : i32
        %dma_start3A_87 = arith.constant 0 : i32
        %dma_start3A_88 = tpu.memref_slice %arg4[%dma_start3A_86, %dma_start3A_87] : memref<10000x16xf32, #tpu.memory_space<hbm>> -> memref<10000x16xf32, #tpu.memory_space<hbm>>
        tpu.enqueue_indirect_dma source(%dma_start3A_88 : memref<10000x16xf32, #tpu.memory_space<hbm>>) target(%arg15 : memref<80x16xf32, #tpu.memory_space<vmem>>) offsets(%dma_start3A_85 : memref<80xi32, #tpu.memory_space<vmem>>) semaphore(%arg17 : memref<!tpu.dma_semaphore, #tpu.memory_space<semaphore_mem>>)
        %dma_start3A_89 = arith.constant 0 : i32
        %dma_start3A_90 = tpu.memref_slice %arg12[%add3A_69, %dma_start3A_89] : memref<63x80xi32, #tpu.memory_space<vmem>> -> memref<1x80xi32, #tpu.memory_space<vmem>>
        %dma_start3A_91 = tpu.memref_squeeze %dma_start3A_90 : memref<1x80xi32, #tpu.memory_space<vmem>> -> memref<80xi32, #tpu.memory_space<vmem>>
        %dma_start3A_92 = arith.constant 0 : i32
        %dma_start3A_93 = arith.constant 0 : i32
        %dma_start3A_94 = tpu.memref_slice %arg4[%dma_start3A_92, %dma_start3A_93] : memref<10000x16xf32, #tpu.memory_space<hbm>> -> memref<10000x16xf32, #tpu.memory_space<hbm>>
        tpu.enqueue_indirect_dma source(%dma_start3A_94 : memref<10000x16xf32, #tpu.memory_space<hbm>>) target(%arg16 : memref<80x16xf32, #tpu.memory_space<vmem>>) offsets(%dma_start3A_91 : memref<80xi32, #tpu.memory_space<vmem>>) semaphore(%arg17 : memref<!tpu.dma_semaphore, #tpu.memory_space<semaphore_mem>>)
      } else {
      }
      %lt3A_63 = arith.constant 63 : i32
      %lt3A_64 = arith.cmpi slt, %add3A_55, %lt3A_63 : i32
      %convert_element_type3A_65 = arith.extui %lt3A_64 : i1 to i32
      %cond3A_66 = arith.constant 0 : i32
      %cond3A_67 = arith.cmpi ne, %convert_element_type3A_65, %cond3A_66 : i32
      scf.if %cond3A_67 {
        %mul3A_68 = arith.constant 5040 : i32
        %mul3A_69 = arith.muli %add3A, %mul3A_68 : i32
        %mul3A_70 = arith.constant 80 : i32
        %mul3A_71 = arith.muli %add3A_55, %mul3A_70 : i32
        %add3A_72 = arith.addi %mul3A_69, %mul3A_71 : i32
        %dma_wait3A = arith.constant 0 : i32
        %dma_wait3A_73 = tpu.memref_slice %arg2[%add3A_72, %dma_wait3A] : memref<161280x128xf32, #tpu.memory_space<hbm>> -> memref<80x128xf32, #tpu.memory_space<hbm>>
        %dma_wait3A_74 = arith.constant 0 : i32
        %dma_wait3A_75 = tpu.memref_slice %arg2[%add3A_72, %dma_wait3A_74] : memref<161280x128xf32, #tpu.memory_space<hbm>> -> memref<80x128xf32, #tpu.memory_space<hbm>>
        tpu.wait_dma2 semaphore(%arg22 : memref<!tpu.dma_semaphore, #tpu.memory_space<semaphore_mem>>) src(%dma_wait3A_75 : memref<80x128xf32, #tpu.memory_space<hbm>>) dst(%arg18 : memref<80x128xf32, #tpu.memory_space<vmem>>)
        %dma_wait3A_76 = arith.constant 0 : i32
        %dma_wait3A_77 = tpu.memref_slice %arg3[%add3A_72, %dma_wait3A_76] : memref<161280x16xf32, #tpu.memory_space<hbm>> -> memref<80x16xf32, #tpu.memory_space<hbm>>
        %dma_wait3A_78 = arith.constant 0 : i32
        %dma_wait3A_79 = tpu.memref_slice %arg3[%add3A_72, %dma_wait3A_78] : memref<161280x16xf32, #tpu.memory_space<hbm>> -> memref<80x16xf32, #tpu.memory_space<hbm>>
        tpu.wait_dma2 semaphore(%arg22 : memref<!tpu.dma_semaphore, #tpu.memory_space<semaphore_mem>>) src(%dma_wait3A_79 : memref<80x16xf32, #tpu.memory_space<hbm>>) dst(%arg19 : memref<80x16xf32, #tpu.memory_space<vmem>>)
        %dma_wait3A_80 = arith.constant 0 : i32
        %dma_wait3A_81 = tpu.memref_slice %arg11[%add3A_55, %dma_wait3A_80] : memref<63x80xi32, #tpu.memory_space<vmem>> -> memref<1x80xi32, #tpu.memory_space<vmem>>
        %dma_wait3A_82 = tpu.memref_squeeze %dma_wait3A_81 : memref<1x80xi32, #tpu.memory_space<vmem>> -> memref<80xi32, #tpu.memory_space<vmem>>
        %dma_wait3A_83 = arith.constant 0 : i32
        %dma_wait3A_84 = arith.constant 0 : i32
        %dma_wait3A_85 = tpu.memref_slice %arg4[%dma_wait3A_83, %dma_wait3A_84] : memref<10000x16xf32, #tpu.memory_space<hbm>> -> memref<10000x16xf32, #tpu.memory_space<hbm>>
        tpu.wait_indirect_dma semaphore(%arg22 : memref<!tpu.dma_semaphore, #tpu.memory_space<semaphore_mem>>) src(%dma_wait3A_85 : memref<10000x16xf32, #tpu.memory_space<hbm>>) dst(%arg20 : memref<80x16xf32, #tpu.memory_space<vmem>>)
        %dma_wait3A_86 = arith.constant 0 : i32
        %dma_wait3A_87 = tpu.memref_slice %arg12[%add3A_55, %dma_wait3A_86] : memref<63x80xi32, #tpu.memory_space<vmem>> -> memref<1x80xi32, #tpu.memory_space<vmem>>
        %dma_wait3A_88 = tpu.memref_squeeze %dma_wait3A_87 : memref<1x80xi32, #tpu.memory_space<vmem>> -> memref<80xi32, #tpu.memory_space<vmem>>
        %dma_wait3A_89 = arith.constant 0 : i32
        %dma_wait3A_90 = arith.constant 0 : i32
        %dma_wait3A_91 = tpu.memref_slice %arg4[%dma_wait3A_89, %dma_wait3A_90] : memref<10000x16xf32, #tpu.memory_space<hbm>> -> memref<10000x16xf32, #tpu.memory_space<hbm>>
        tpu.wait_indirect_dma semaphore(%arg22 : memref<!tpu.dma_semaphore, #tpu.memory_space<semaphore_mem>>) src(%dma_wait3A_91 : memref<10000x16xf32, #tpu.memory_space<hbm>>) dst(%arg21 : memref<80x16xf32, #tpu.memory_space<vmem>>)
        %parallel_loop3A = arith.constant 0 : i32
        %parallel_loop3A_92 = arith.constant 80 : i32
        %parallel_loop3A_93 = arith.constant 1 : i32
        scf.for %parallel_loop3A_94 = %parallel_loop3A to %parallel_loop3A_92 step %parallel_loop3A_93  : i32 {
          %parallel_loop3A_95 = arith.index_cast %parallel_loop3A_94 : i32 to index
          %parallel_loop3A_96 = arith.constant 0 : index
          %parallel_loop3A_97 = tpu.vector_load %arg19[%parallel_loop3A_95, %parallel_loop3A_96] {strides = array<i32>} : memref<80x16xf32, #tpu.memory_space<vmem>>, vector<1x16xf32>,
          %parallel_loop3A_98 = vector.shape_cast %parallel_loop3A_97 : vector<1x16xf32> to vector<16xf32>
          %parallel_loop3A_99 = vector.shape_cast %broadcast_in_dim3A_3 : vector<16xi32> to vector<16x1xi32>
          %parallel_loop3A_100 = vector.shape_cast %parallel_loop3A_99 : vector<16x1xi32> to vector<16xi32>
          %parallel_loop3A_101 = tpu.dynamic_gather %parallel_loop3A_98[%parallel_loop3A_100] in [0] : vector<16xf32>, vector<16xi32> -> vector<16xf32>
          %parallel_loop3A_102 = arith.index_cast %parallel_loop3A_94 : i32 to index
          %parallel_loop3A_103 = arith.constant 0 : index
          %parallel_loop3A_104 = tpu.vector_load %arg20[%parallel_loop3A_102, %parallel_loop3A_103] {strides = array<i32>} : memref<80x16xf32, #tpu.memory_space<vmem>>, vector<1x16xf32>,
          %parallel_loop3A_105 = vector.shape_cast %parallel_loop3A_104 : vector<1x16xf32> to vector<16xf32>
          %parallel_loop3A_106 = arith.index_cast %parallel_loop3A_94 : i32 to index
          %parallel_loop3A_107 = arith.constant 0 : index
          %parallel_loop3A_108 = tpu.vector_load %arg21[%parallel_loop3A_106, %parallel_loop3A_107] {strides = array<i32>} : memref<80x16xf32, #tpu.memory_space<vmem>>, vector<1x16xf32>,
          %parallel_loop3A_109 = vector.shape_cast %parallel_loop3A_108 : vector<1x16xf32> to vector<16xf32>
          %parallel_loop3A_110 = arith.subf %parallel_loop3A_105, %parallel_loop3A_109 : vector<16xf32>
          %parallel_loop3A_111 = arith.mulf %parallel_loop3A_110, %parallel_loop3A_101 : vector<16xf32>
          %parallel_loop3A_112 = arith.index_cast %parallel_loop3A_94 : i32 to index
          %parallel_loop3A_113 = arith.constant 0 : index
          %parallel_loop3A_114 = tpu.vector_load %arg19[%parallel_loop3A_112, %parallel_loop3A_113] {strides = array<i32>} : memref<80x16xf32, #tpu.memory_space<vmem>>, vector<1x16xf32>,
          %parallel_loop3A_115 = vector.shape_cast %parallel_loop3A_114 : vector<1x16xf32> to vector<16xf32>
          %parallel_loop3A_116 = vector.shape_cast %parallel_loop3A_111 : vector<16xf32> to vector<1x16xf32>
          tpu.vector_store %arg19[%parallel_loop3A_112, %parallel_loop3A_113], %parallel_loop3A_116 {strides = array<i32>} : memref<80x16xf32, #tpu.memory_space<vmem>>, vector<1x16xf32>,
        } {sc.loop_unroll_factor = 4 : i64, sc.parallel_access}
        "tpu.region"() ({
          %run_scoped3A = tpu.sem_alloc : memref<!tpu.dma_semaphore, #tpu.memory_space<semaphore_mem>>
          %dma_start3A_94 = arith.constant 0 : i32
          %dma_start3A_95 = tpu.memref_slice %arg12[%add3A_55, %dma_start3A_94] : memref<63x80xi32, #tpu.memory_space<vmem>> -> memref<1x80xi32, #tpu.memory_space<vmem>>
          %dma_start3A_96 = tpu.memref_squeeze %dma_start3A_95 : memref<1x80xi32, #tpu.memory_space<vmem>> -> memref<80xi32, #tpu.memory_space<vmem>>
          %dma_start3A_97 = arith.constant 0 : i32
          %dma_start3A_98 = arith.constant 0 : i32
          %dma_start3A_99 = tpu.memref_slice %arg23[%dma_start3A_97, %dma_start3A_98] : memref<10000x128xf32, #tpu.memory_space<vmem_shared>> -> memref<10000x128xf32, #tpu.memory_space<vmem_shared>>
          tpu.enqueue_indirect_dma source(%arg18 : memref<80x128xf32, #tpu.memory_space<vmem>>) target(%dma_start3A_99 : memref<10000x128xf32, #tpu.memory_space<vmem_shared>>) offsets(%dma_start3A_96 : memref<80xi32, #tpu.memory_space<vmem>>) semaphore(%run_scoped3A : memref<!tpu.dma_semaphore, #tpu.memory_space<semaphore_mem>>) {add = true}
          %dma_wait3A_100 = arith.constant 0 : i32
          %dma_wait3A_101 = tpu.memref_slice %arg12[%add3A_55, %dma_wait3A_100] : memref<63x80xi32, #tpu.memory_space<vmem>> -> memref<1x80xi32, #tpu.memory_space<vmem>>
          %dma_wait3A_102 = tpu.memref_squeeze %dma_wait3A_101 : memref<1x80xi32, #tpu.memory_space<vmem>> -> memref<80xi32, #tpu.memory_space<vmem>>
          %dma_wait3A_103 = arith.constant 0 : i32
          %dma_wait3A_104 = arith.constant 0 : i32
          %dma_wait3A_105 = tpu.memref_slice %arg23[%dma_wait3A_103, %dma_wait3A_104] : memref<10000x128xf32, #tpu.memory_space<vmem_shared>> -> memref<10000x128xf32, #tpu.memory_space<vmem_shared>>
          tpu.wait_indirect_dma semaphore(%run_scoped3A : memref<!tpu.dma_semaphore, #tpu.memory_space<semaphore_mem>>) src(%arg18 : memref<80x128xf32, #tpu.memory_space<vmem>>) dst(%dma_wait3A_105 : memref<10000x128xf32, #tpu.memory_space<vmem_shared>>)
          tpu.yield
        }) : () -> ()
        "tpu.region"() ({
          %run_scoped3A = tpu.sem_alloc : memref<!tpu.dma_semaphore, #tpu.memory_space<semaphore_mem>>
          %dma_start3A_94 = arith.constant 0 : i32
          %dma_start3A_95 = tpu.memref_slice %arg12[%add3A_55, %dma_start3A_94] : memref<63x80xi32, #tpu.memory_space<vmem>> -> memref<1x80xi32, #tpu.memory_space<vmem>>
          %dma_start3A_96 = tpu.memref_squeeze %dma_start3A_95 : memref<1x80xi32, #tpu.memory_space<vmem>> -> memref<80xi32, #tpu.memory_space<vmem>>
          %dma_start3A_97 = arith.constant 0 : i32
          %dma_start3A_98 = arith.constant 0 : i32
          %dma_start3A_99 = tpu.memref_slice %arg24[%dma_start3A_97, %dma_start3A_98] : memref<10000x16xf32, #tpu.memory_space<vmem_shared>> -> memref<10000x16xf32, #tpu.memory_space<vmem_shared>>
          tpu.enqueue_indirect_dma source(%arg19 : memref<80x16xf32, #tpu.memory_space<vmem>>) target(%dma_start3A_99 : memref<10000x16xf32, #tpu.memory_space<vmem_shared>>) offsets(%dma_start3A_96 : memref<80xi32, #tpu.memory_space<vmem>>) semaphore(%run_scoped3A : memref<!tpu.dma_semaphore, #tpu.memory_space<semaphore_mem>>) {add = true}
          %dma_wait3A_100 = arith.constant 0 : i32
          %dma_wait3A_101 = tpu.memref_slice %arg12[%add3A_55, %dma_wait3A_100] : memref<63x80xi32, #tpu.memory_space<vmem>> -> memref<1x80xi32, #tpu.memory_space<vmem>>
          %dma_wait3A_102 = tpu.memref_squeeze %dma_wait3A_101 : memref<1x80xi32, #tpu.memory_space<vmem>> -> memref<80xi32, #tpu.memory_space<vmem>>
          %dma_wait3A_103 = arith.constant 0 : i32
          %dma_wait3A_104 = arith.constant 0 : i32
          %dma_wait3A_105 = tpu.memref_slice %arg24[%dma_wait3A_103, %dma_wait3A_104] : memref<10000x16xf32, #tpu.memory_space<vmem_shared>> -> memref<10000x16xf32, #tpu.memory_space<vmem_shared>>
          tpu.wait_indirect_dma semaphore(%run_scoped3A : memref<!tpu.dma_semaphore, #tpu.memory_space<semaphore_mem>>) src(%arg19 : memref<80x16xf32, #tpu.memory_space<vmem>>) dst(%dma_wait3A_105 : memref<10000x16xf32, #tpu.memory_space<vmem_shared>>)
          tpu.yield
        }) : () -> ()
      } else {
      }
    }
    %scan3A_33 = arith.constant 32 : i32
    %barrier3A_34 = arith.constant 0 : index
    tpu.barrier barrier_id(%barrier3A_34)
    %mul3A_35 = arith.constant 10000 : i32
    %mul3A_36 = arith.muli %arg0, %mul3A_35 : i32
    %add3A_37 = arith.addi %mul3A_36, %mul3A_2 : i32
    "tpu.region"() ({
      %run_scoped3A = tpu.sem_alloc : memref<!tpu.dma_semaphore, #tpu.memory_space<semaphore_mem>>
      %dma_start3A_38 = arith.constant 0 : i32
      %dma_start3A_39 = tpu.memref_slice %arg9[%add3A_37, %dma_start3A_38] : memref<20000x128xf32, #tpu.memory_space<hbm>> -> memref<625x128xf32, #tpu.memory_space<hbm>>
      %dma_start3A_40 = arith.constant 0 : i32
      %dma_start3A_41 = tpu.memref_slice %arg23[%mul3A_2, %dma_start3A_40] : memref<10000x128xf32, #tpu.memory_space<vmem_shared>> -> memref<625x128xf32, #tpu.memory_space<vmem_shared>>
      tpu.enqueue_dma source(%dma_start3A_41 : memref<625x128xf32, #tpu.memory_space<vmem_shared>>) target(%dma_start3A_39 : memref<625x128xf32, #tpu.memory_space<hbm>>) target_semaphore(%run_scoped3A : memref<!tpu.dma_semaphore, #tpu.memory_space<semaphore_mem>>)
      %dma_wait3A = arith.constant 0 : i32
      %dma_wait3A_42 = tpu.memref_slice %arg9[%add3A_37, %dma_wait3A] : memref<20000x128xf32, #tpu.memory_space<hbm>> -> memref<625x128xf32, #tpu.memory_space<hbm>>
      %dma_wait3A_43 = arith.constant 0 : i32
      %dma_wait3A_44 = tpu.memref_slice %arg23[%mul3A_2, %dma_wait3A_43] : memref<10000x128xf32, #tpu.memory_space<vmem_shared>> -> memref<625x128xf32, #tpu.memory_space<vmem_shared>>
      tpu.wait_dma2 semaphore(%run_scoped3A : memref<!tpu.dma_semaphore, #tpu.memory_space<semaphore_mem>>) src(%dma_wait3A_44 : memref<625x128xf32, #tpu.memory_space<vmem_shared>>) dst(%dma_wait3A_42 : memref<625x128xf32, #tpu.memory_space<hbm>>)
      tpu.yield
    }) : () -> ()
    "tpu.region"() ({
      %run_scoped3A = tpu.sem_alloc : memref<!tpu.dma_semaphore, #tpu.memory_space<semaphore_mem>>
      %dma_start3A_38 = arith.constant 0 : i32
      %dma_start3A_39 = tpu.memref_slice %arg10[%add3A_37, %dma_start3A_38] : memref<20000x16xf32, #tpu.memory_space<hbm>> -> memref<625x16xf32, #tpu.memory_space<hbm>>
      %dma_start3A_40 = arith.constant 0 : i32
      %dma_start3A_41 = tpu.memref_slice %arg24[%mul3A_2, %dma_start3A_40] : memref<10000x16xf32, #tpu.memory_space<vmem_shared>> -> memref<625x16xf32, #tpu.memory_space<vmem_shared>>
      tpu.enqueue_dma source(%dma_start3A_41 : memref<625x16xf32, #tpu.memory_space<vmem_shared>>) target(%dma_start3A_39 : memref<625x16xf32, #tpu.memory_space<hbm>>) target_semaphore(%run_scoped3A : memref<!tpu.dma_semaphore, #tpu.memory_space<semaphore_mem>>)
      %dma_wait3A = arith.constant 0 : i32
      %dma_wait3A_42 = tpu.memref_slice %arg10[%add3A_37, %dma_wait3A] : memref<20000x16xf32, #tpu.memory_space<hbm>> -> memref<625x16xf32, #tpu.memory_space<hbm>>
      %dma_wait3A_43 = arith.constant 0 : i32
      %dma_wait3A_44 = tpu.memref_slice %arg24[%mul3A_2, %dma_wait3A_43] : memref<10000x16xf32, #tpu.memory_space<vmem_shared>> -> memref<625x16xf32, #tpu.memory_space<vmem_shared>>
      tpu.wait_dma2 semaphore(%run_scoped3A : memref<!tpu.dma_semaphore, #tpu.memory_space<semaphore_mem>>) src(%dma_wait3A_44 : memref<625x16xf32, #tpu.memory_space<vmem_shared>>) dst(%dma_wait3A_42 : memref<625x16xf32, #tpu.memory_space<hbm>>)
      tpu.yield
    }) : () -> ()
    return
  }
}

#map = affine_map<(d0, d1) -> (0, 0)>
#map1 = affine_map<(d0, d1) -> (0, 0, 0)>
module attributes {stable_mosaic.version = 14 : i64} {
  func.func @_sc_gather_body(%arg0: i32, %arg1: i32, %arg2: memref<10000x128xf32, #tpu.memory_space<hbm>>, %arg3: memref<10000x128xf32, #tpu.memory_space<hbm>>, %arg4: memref<10000x16xf32, #tpu.memory_space<hbm>>, %arg5: memref<32x62x80xi32, #tpu.memory_space<hbm>>, %arg6: memref<32x62x80xi32, #tpu.memory_space<hbm>>, %arg7: memref<1x128xf32, #tpu.memory_space<hbm>>, %arg8: memref<158720x128xf32, #tpu.memory_space<hbm>>, %arg9: memref<62x80xi32, #tpu.memory_space<vmem>>, %arg10: memref<62x80xi32, #tpu.memory_space<vmem>>, %arg11: memref<1x128xf32, #tpu.memory_space<vmem>>, %arg12: memref<80x128xf32, #tpu.memory_space<vmem>>, %arg13: memref<80x128xf32, #tpu.memory_space<vmem>>, %arg14: memref<80x16xf32, #tpu.memory_space<vmem>>, %arg15: memref<80x16xf32, #tpu.memory_space<vmem>>, %arg16: memref<!tpu.dma_semaphore, #tpu.memory_space<semaphore_mem>>, %arg17: memref<80x128xf32, #tpu.memory_space<vmem>>, %arg18: memref<80x128xf32, #tpu.memory_space<vmem>>, %arg19: memref<80x16xf32, #tpu.memory_space<vmem>>, %arg20: memref<80x16xf32, #tpu.memory_space<vmem>>, %arg21: memref<!tpu.dma_semaphore, #tpu.memory_space<semaphore_mem>>) attributes {dimension_semantics = [#tpu.dimension_semantics<core_parallel>, #tpu.dimension_semantics<subcore_parallel>], iteration_bounds = array<i64: 2, 16>, scalar_prefetch = 0 : i64, scratch_operands = 13 : i64, tpu.core_type = #tpu.core_type<sc_vector_subcore>, window_params = [{transform_indices = #map}, {transform_indices = #map}, {transform_indices = #map}, {transform_indices = #map1}, {transform_indices = #map1}, {transform_indices = #map}, {transform_indices = #map}]} {
    %mul3A = arith.constant 2 : i32
    %mul3A_0 = arith.muli %arg1, %mul3A : i32
    %add3A = arith.addi %mul3A_0, %arg0 : i32
    "tpu.region"() ({
      %run_scoped3A = tpu.sem_alloc : memref<!tpu.dma_semaphore, #tpu.memory_space<semaphore_mem>>
      %dma_start3A_38 = arith.constant 0 : i32
      %dma_start3A_39 = arith.constant 0 : i32
      %dma_start3A_40 = tpu.memref_slice %arg5[%add3A, %dma_start3A_38, %dma_start3A_39] : memref<32x62x80xi32, #tpu.memory_space<hbm>> -> memref<1x62x80xi32, #tpu.memory_space<hbm>>
      %dma_start3A_41 = tpu.memref_squeeze %dma_start3A_40 : memref<1x62x80xi32, #tpu.memory_space<hbm>> -> memref<62x80xi32, #tpu.memory_space<hbm>>
      %dma_start3A_42 = arith.constant 0 : i32
      %dma_start3A_43 = arith.constant 0 : i32
      %dma_start3A_44 = tpu.memref_slice %arg5[%add3A, %dma_start3A_42, %dma_start3A_43] : memref<32x62x80xi32, #tpu.memory_space<hbm>> -> memref<1x62x80xi32, #tpu.memory_space<hbm>>
      %dma_start3A_45 = tpu.memref_squeeze %dma_start3A_44 : memref<1x62x80xi32, #tpu.memory_space<hbm>> -> memref<62x80xi32, #tpu.memory_space<hbm>>
      tpu.enqueue_dma source(%dma_start3A_45 : memref<62x80xi32, #tpu.memory_space<hbm>>) target(%arg9 : memref<62x80xi32, #tpu.memory_space<vmem>>) target_semaphore(%run_scoped3A : memref<!tpu.dma_semaphore, #tpu.memory_space<semaphore_mem>>)
      %dma_wait3A = arith.constant 0 : i32
      %dma_wait3A_46 = arith.constant 0 : i32
      %dma_wait3A_47 = tpu.memref_slice %arg5[%add3A, %dma_wait3A, %dma_wait3A_46] : memref<32x62x80xi32, #tpu.memory_space<hbm>> -> memref<1x62x80xi32, #tpu.memory_space<hbm>>
      %dma_wait3A_48 = tpu.memref_squeeze %dma_wait3A_47 : memref<1x62x80xi32, #tpu.memory_space<hbm>> -> memref<62x80xi32, #tpu.memory_space<hbm>>
      %dma_wait3A_49 = arith.constant 0 : i32
      %dma_wait3A_50 = arith.constant 0 : i32
      %dma_wait3A_51 = tpu.memref_slice %arg5[%add3A, %dma_wait3A_49, %dma_wait3A_50] : memref<32x62x80xi32, #tpu.memory_space<hbm>> -> memref<1x62x80xi32, #tpu.memory_space<hbm>>
      %dma_wait3A_52 = tpu.memref_squeeze %dma_wait3A_51 : memref<1x62x80xi32, #tpu.memory_space<hbm>> -> memref<62x80xi32, #tpu.memory_space<hbm>>
      tpu.wait_dma2 semaphore(%run_scoped3A : memref<!tpu.dma_semaphore, #tpu.memory_space<semaphore_mem>>) src(%dma_wait3A_52 : memref<62x80xi32, #tpu.memory_space<hbm>>) dst(%arg9 : memref<62x80xi32, #tpu.memory_space<vmem>>)
      tpu.yield
    }) : () -> ()
    "tpu.region"() ({
      %run_scoped3A = tpu.sem_alloc : memref<!tpu.dma_semaphore, #tpu.memory_space<semaphore_mem>>
      %dma_start3A_38 = arith.constant 0 : i32
      %dma_start3A_39 = arith.constant 0 : i32
      %dma_start3A_40 = tpu.memref_slice %arg6[%add3A, %dma_start3A_38, %dma_start3A_39] : memref<32x62x80xi32, #tpu.memory_space<hbm>> -> memref<1x62x80xi32, #tpu.memory_space<hbm>>
      %dma_start3A_41 = tpu.memref_squeeze %dma_start3A_40 : memref<1x62x80xi32, #tpu.memory_space<hbm>> -> memref<62x80xi32, #tpu.memory_space<hbm>>
      %dma_start3A_42 = arith.constant 0 : i32
      %dma_start3A_43 = arith.constant 0 : i32
      %dma_start3A_44 = tpu.memref_slice %arg6[%add3A, %dma_start3A_42, %dma_start3A_43] : memref<32x62x80xi32, #tpu.memory_space<hbm>> -> memref<1x62x80xi32, #tpu.memory_space<hbm>>
      %dma_start3A_45 = tpu.memref_squeeze %dma_start3A_44 : memref<1x62x80xi32, #tpu.memory_space<hbm>> -> memref<62x80xi32, #tpu.memory_space<hbm>>
      tpu.enqueue_dma source(%dma_start3A_45 : memref<62x80xi32, #tpu.memory_space<hbm>>) target(%arg10 : memref<62x80xi32, #tpu.memory_space<vmem>>) target_semaphore(%run_scoped3A : memref<!tpu.dma_semaphore, #tpu.memory_space<semaphore_mem>>)
      %dma_wait3A = arith.constant 0 : i32
      %dma_wait3A_46 = arith.constant 0 : i32
      %dma_wait3A_47 = tpu.memref_slice %arg6[%add3A, %dma_wait3A, %dma_wait3A_46] : memref<32x62x80xi32, #tpu.memory_space<hbm>> -> memref<1x62x80xi32, #tpu.memory_space<hbm>>
      %dma_wait3A_48 = tpu.memref_squeeze %dma_wait3A_47 : memref<1x62x80xi32, #tpu.memory_space<hbm>> -> memref<62x80xi32, #tpu.memory_space<hbm>>
      %dma_wait3A_49 = arith.constant 0 : i32
      %dma_wait3A_50 = arith.constant 0 : i32
      %dma_wait3A_51 = tpu.memref_slice %arg6[%add3A, %dma_wait3A_49, %dma_wait3A_50] : memref<32x62x80xi32, #tpu.memory_space<hbm>> -> memref<1x62x80xi32, #tpu.memory_space<hbm>>
      %dma_wait3A_52 = tpu.memref_squeeze %dma_wait3A_51 : memref<1x62x80xi32, #tpu.memory_space<hbm>> -> memref<62x80xi32, #tpu.memory_space<hbm>>
      tpu.wait_dma2 semaphore(%run_scoped3A : memref<!tpu.dma_semaphore, #tpu.memory_space<semaphore_mem>>) src(%dma_wait3A_52 : memref<62x80xi32, #tpu.memory_space<hbm>>) dst(%arg10 : memref<62x80xi32, #tpu.memory_space<vmem>>)
      tpu.yield
    }) : () -> ()
    "tpu.region"() ({
      %run_scoped3A = tpu.sem_alloc : memref<!tpu.dma_semaphore, #tpu.memory_space<semaphore_mem>>
      tpu.enqueue_dma source(%arg7 : memref<1x128xf32, #tpu.memory_space<hbm>>) target(%arg11 : memref<1x128xf32, #tpu.memory_space<vmem>>) target_semaphore(%run_scoped3A : memref<!tpu.dma_semaphore, #tpu.memory_space<semaphore_mem>>)
      tpu.wait_dma2 semaphore(%run_scoped3A : memref<!tpu.dma_semaphore, #tpu.memory_space<semaphore_mem>>) src(%arg7 : memref<1x128xf32, #tpu.memory_space<hbm>>) dst(%arg11 : memref<1x128xf32, #tpu.memory_space<vmem>>)
      tpu.yield
    }) : () -> ()
    %broadcast_in_dim3A = arith.constant 0 : i32
    %broadcast_in_dim3A_1 = vector.broadcast %broadcast_in_dim3A : i32 to vector<16xi32>
    %broadcast_in_dim3A_2 = arith.constant 1 : i32
    %broadcast_in_dim3A_3 = vector.broadcast %broadcast_in_dim3A_2 : i32 to vector<16xi32>
    %broadcast_in_dim3A_4 = arith.constant 2 : i32
    %broadcast_in_dim3A_5 = vector.broadcast %broadcast_in_dim3A_4 : i32 to vector<16xi32>
    %dma_start3A = arith.constant 0 : i32
    %dma_start3A_6 = arith.constant 0 : i32
    %dma_start3A_7 = tpu.memref_slice %arg9[%dma_start3A, %dma_start3A_6] : memref<62x80xi32, #tpu.memory_space<vmem>> -> memref<1x80xi32, #tpu.memory_space<vmem>>
    %dma_start3A_8 = tpu.memref_squeeze %dma_start3A_7 : memref<1x80xi32, #tpu.memory_space<vmem>> -> memref<80xi32, #tpu.memory_space<vmem>>
    %dma_start3A_9 = arith.constant 0 : i32
    %dma_start3A_10 = arith.constant 0 : i32
    %dma_start3A_11 = tpu.memref_slice %arg2[%dma_start3A_9, %dma_start3A_10] : memref<10000x128xf32, #tpu.memory_space<hbm>> -> memref<10000x128xf32, #tpu.memory_space<hbm>>
    tpu.enqueue_indirect_dma source(%dma_start3A_11 : memref<10000x128xf32, #tpu.memory_space<hbm>>) target(%arg12 : memref<80x128xf32, #tpu.memory_space<vmem>>) offsets(%dma_start3A_8 : memref<80xi32, #tpu.memory_space<vmem>>) semaphore(%arg16 : memref<!tpu.dma_semaphore, #tpu.memory_space<semaphore_mem>>)
    %dma_start3A_12 = arith.constant 0 : i32
    %dma_start3A_13 = arith.constant 0 : i32
    %dma_start3A_14 = tpu.memref_slice %arg10[%dma_start3A_12, %dma_start3A_13] : memref<62x80xi32, #tpu.memory_space<vmem>> -> memref<1x80xi32, #tpu.memory_space<vmem>>
    %dma_start3A_15 = tpu.memref_squeeze %dma_start3A_14 : memref<1x80xi32, #tpu.memory_space<vmem>> -> memref<80xi32, #tpu.memory_space<vmem>>
    %dma_start3A_16 = arith.constant 0 : i32
    %dma_start3A_17 = arith.constant 0 : i32
    %dma_start3A_18 = tpu.memref_slice %arg3[%dma_start3A_16, %dma_start3A_17] : memref<10000x128xf32, #tpu.memory_space<hbm>> -> memref<10000x128xf32, #tpu.memory_space<hbm>>
    tpu.enqueue_indirect_dma source(%dma_start3A_18 : memref<10000x128xf32, #tpu.memory_space<hbm>>) target(%arg13 : memref<80x128xf32, #tpu.memory_space<vmem>>) offsets(%dma_start3A_15 : memref<80xi32, #tpu.memory_space<vmem>>) semaphore(%arg16 : memref<!tpu.dma_semaphore, #tpu.memory_space<semaphore_mem>>)
    %dma_start3A_19 = arith.constant 0 : i32
    %dma_start3A_20 = arith.constant 0 : i32
    %dma_start3A_21 = tpu.memref_slice %arg9[%dma_start3A_19, %dma_start3A_20] : memref<62x80xi32, #tpu.memory_space<vmem>> -> memref<1x80xi32, #tpu.memory_space<vmem>>
    %dma_start3A_22 = tpu.memref_squeeze %dma_start3A_21 : memref<1x80xi32, #tpu.memory_space<vmem>> -> memref<80xi32, #tpu.memory_space<vmem>>
    %dma_start3A_23 = arith.constant 0 : i32
    %dma_start3A_24 = arith.constant 0 : i32
    %dma_start3A_25 = tpu.memref_slice %arg4[%dma_start3A_23, %dma_start3A_24] : memref<10000x16xf32, #tpu.memory_space<hbm>> -> memref<10000x16xf32, #tpu.memory_space<hbm>>
    tpu.enqueue_indirect_dma source(%dma_start3A_25 : memref<10000x16xf32, #tpu.memory_space<hbm>>) target(%arg14 : memref<80x16xf32, #tpu.memory_space<vmem>>) offsets(%dma_start3A_22 : memref<80xi32, #tpu.memory_space<vmem>>) semaphore(%arg16 : memref<!tpu.dma_semaphore, #tpu.memory_space<semaphore_mem>>)
    %dma_start3A_26 = arith.constant 0 : i32
    %dma_start3A_27 = arith.constant 0 : i32
    %dma_start3A_28 = tpu.memref_slice %arg10[%dma_start3A_26, %dma_start3A_27] : memref<62x80xi32, #tpu.memory_space<vmem>> -> memref<1x80xi32, #tpu.memory_space<vmem>>
    %dma_start3A_29 = tpu.memref_squeeze %dma_start3A_28 : memref<1x80xi32, #tpu.memory_space<vmem>> -> memref<80xi32, #tpu.memory_space<vmem>>
    %dma_start3A_30 = arith.constant 0 : i32
    %dma_start3A_31 = arith.constant 0 : i32
    %dma_start3A_32 = tpu.memref_slice %arg4[%dma_start3A_30, %dma_start3A_31] : memref<10000x16xf32, #tpu.memory_space<hbm>> -> memref<10000x16xf32, #tpu.memory_space<hbm>>
    tpu.enqueue_indirect_dma source(%dma_start3A_32 : memref<10000x16xf32, #tpu.memory_space<hbm>>) target(%arg15 : memref<80x16xf32, #tpu.memory_space<vmem>>) offsets(%dma_start3A_29 : memref<80xi32, #tpu.memory_space<vmem>>) semaphore(%arg16 : memref<!tpu.dma_semaphore, #tpu.memory_space<semaphore_mem>>)
    %scan3A = arith.constant 0 : i32
    %scan3A_33 = arith.constant 0 : i32
    %scan3A_34 = arith.constant 31 : i32
    %scan3A_35 = arith.addi %scan3A_33, %scan3A_34 : i32
    %scan3A_36 = arith.constant 1 : i32
    scf.for %scan3A_38 = %scan3A_33 to %scan3A_35 step %scan3A_36  : i32 {
      %mul3A_39 = arith.constant 2 : i32
      %mul3A_40 = arith.muli %scan3A_38, %mul3A_39 : i32
      %add3A_41 = arith.constant 0 : i32
      %add3A_42 = arith.addi %mul3A_40, %add3A_41 : i32
      %add3A_43 = arith.constant 1 : i32
      %add3A_44 = arith.addi %add3A_42, %add3A_43 : i32
      %lt3A = arith.constant 62 : i32
      %lt3A_45 = arith.cmpi slt, %add3A_44, %lt3A : i32
      %convert_element_type3A = arith.extui %lt3A_45 : i1 to i32
      %cond3A = arith.constant 0 : i32
      %cond3A_46 = arith.cmpi ne, %convert_element_type3A, %cond3A : i32
      scf.if %cond3A_46 {
        %add3A_68 = arith.constant 1 : i32
        %add3A_69 = arith.addi %add3A_42, %add3A_68 : i32
        %dma_start3A_70 = arith.constant 0 : i32
        %dma_start3A_71 = tpu.memref_slice %arg9[%add3A_69, %dma_start3A_70] : memref<62x80xi32, #tpu.memory_space<vmem>> -> memref<1x80xi32, #tpu.memory_space<vmem>>
        %dma_start3A_72 = tpu.memref_squeeze %dma_start3A_71 : memref<1x80xi32, #tpu.memory_space<vmem>> -> memref<80xi32, #tpu.memory_space<vmem>>
        %dma_start3A_73 = arith.constant 0 : i32
        %dma_start3A_74 = arith.constant 0 : i32
        %dma_start3A_75 = tpu.memref_slice %arg2[%dma_start3A_73, %dma_start3A_74] : memref<10000x128xf32, #tpu.memory_space<hbm>> -> memref<10000x128xf32, #tpu.memory_space<hbm>>
        tpu.enqueue_indirect_dma source(%dma_start3A_75 : memref<10000x128xf32, #tpu.memory_space<hbm>>) target(%arg17 : memref<80x128xf32, #tpu.memory_space<vmem>>) offsets(%dma_start3A_72 : memref<80xi32, #tpu.memory_space<vmem>>) semaphore(%arg21 : memref<!tpu.dma_semaphore, #tpu.memory_space<semaphore_mem>>)
        %dma_start3A_76 = arith.constant 0 : i32
        %dma_start3A_77 = tpu.memref_slice %arg10[%add3A_69, %dma_start3A_76] : memref<62x80xi32, #tpu.memory_space<vmem>> -> memref<1x80xi32, #tpu.memory_space<vmem>>
        %dma_start3A_78 = tpu.memref_squeeze %dma_start3A_77 : memref<1x80xi32, #tpu.memory_space<vmem>> -> memref<80xi32, #tpu.memory_space<vmem>>
        %dma_start3A_79 = arith.constant 0 : i32
        %dma_start3A_80 = arith.constant 0 : i32
        %dma_start3A_81 = tpu.memref_slice %arg3[%dma_start3A_79, %dma_start3A_80] : memref<10000x128xf32, #tpu.memory_space<hbm>> -> memref<10000x128xf32, #tpu.memory_space<hbm>>
        tpu.enqueue_indirect_dma source(%dma_start3A_81 : memref<10000x128xf32, #tpu.memory_space<hbm>>) target(%arg18 : memref<80x128xf32, #tpu.memory_space<vmem>>) offsets(%dma_start3A_78 : memref<80xi32, #tpu.memory_space<vmem>>) semaphore(%arg21 : memref<!tpu.dma_semaphore, #tpu.memory_space<semaphore_mem>>)
        %dma_start3A_82 = arith.constant 0 : i32
        %dma_start3A_83 = tpu.memref_slice %arg9[%add3A_69, %dma_start3A_82] : memref<62x80xi32, #tpu.memory_space<vmem>> -> memref<1x80xi32, #tpu.memory_space<vmem>>
        %dma_start3A_84 = tpu.memref_squeeze %dma_start3A_83 : memref<1x80xi32, #tpu.memory_space<vmem>> -> memref<80xi32, #tpu.memory_space<vmem>>
        %dma_start3A_85 = arith.constant 0 : i32
        %dma_start3A_86 = arith.constant 0 : i32
        %dma_start3A_87 = tpu.memref_slice %arg4[%dma_start3A_85, %dma_start3A_86] : memref<10000x16xf32, #tpu.memory_space<hbm>> -> memref<10000x16xf32, #tpu.memory_space<hbm>>
        tpu.enqueue_indirect_dma source(%dma_start3A_87 : memref<10000x16xf32, #tpu.memory_space<hbm>>) target(%arg19 : memref<80x16xf32, #tpu.memory_space<vmem>>) offsets(%dma_start3A_84 : memref<80xi32, #tpu.memory_space<vmem>>) semaphore(%arg21 : memref<!tpu.dma_semaphore, #tpu.memory_space<semaphore_mem>>)
        %dma_start3A_88 = arith.constant 0 : i32
        %dma_start3A_89 = tpu.memref_slice %arg10[%add3A_69, %dma_start3A_88] : memref<62x80xi32, #tpu.memory_space<vmem>> -> memref<1x80xi32, #tpu.memory_space<vmem>>
        %dma_start3A_90 = tpu.memref_squeeze %dma_start3A_89 : memref<1x80xi32, #tpu.memory_space<vmem>> -> memref<80xi32, #tpu.memory_space<vmem>>
        %dma_start3A_91 = arith.constant 0 : i32
        %dma_start3A_92 = arith.constant 0 : i32
        %dma_start3A_93 = tpu.memref_slice %arg4[%dma_start3A_91, %dma_start3A_92] : memref<10000x16xf32, #tpu.memory_space<hbm>> -> memref<10000x16xf32, #tpu.memory_space<hbm>>
        tpu.enqueue_indirect_dma source(%dma_start3A_93 : memref<10000x16xf32, #tpu.memory_space<hbm>>) target(%arg20 : memref<80x16xf32, #tpu.memory_space<vmem>>) offsets(%dma_start3A_90 : memref<80xi32, #tpu.memory_space<vmem>>) semaphore(%arg21 : memref<!tpu.dma_semaphore, #tpu.memory_space<semaphore_mem>>)
      } else {
      }
      %lt3A_47 = arith.constant 62 : i32
      %lt3A_48 = arith.cmpi slt, %add3A_42, %lt3A_47 : i32
      %convert_element_type3A_49 = arith.extui %lt3A_48 : i1 to i32
      %cond3A_50 = arith.constant 0 : i32
      %cond3A_51 = arith.cmpi ne, %convert_element_type3A_49, %cond3A_50 : i32
      scf.if %cond3A_51 {
        %dma_wait3A = arith.constant 0 : i32
        %dma_wait3A_68 = tpu.memref_slice %arg9[%add3A_42, %dma_wait3A] : memref<62x80xi32, #tpu.memory_space<vmem>> -> memref<1x80xi32, #tpu.memory_space<vmem>>
        %dma_wait3A_69 = tpu.memref_squeeze %dma_wait3A_68 : memref<1x80xi32, #tpu.memory_space<vmem>> -> memref<80xi32, #tpu.memory_space<vmem>>
        %dma_wait3A_70 = arith.constant 0 : i32
        %dma_wait3A_71 = arith.constant 0 : i32
        %dma_wait3A_72 = tpu.memref_slice %arg2[%dma_wait3A_70, %dma_wait3A_71] : memref<10000x128xf32, #tpu.memory_space<hbm>> -> memref<10000x128xf32, #tpu.memory_space<hbm>>
        tpu.wait_indirect_dma semaphore(%arg16 : memref<!tpu.dma_semaphore, #tpu.memory_space<semaphore_mem>>) src(%dma_wait3A_72 : memref<10000x128xf32, #tpu.memory_space<hbm>>) dst(%arg12 : memref<80x128xf32, #tpu.memory_space<vmem>>)
        %dma_wait3A_73 = arith.constant 0 : i32
        %dma_wait3A_74 = tpu.memref_slice %arg10[%add3A_42, %dma_wait3A_73] : memref<62x80xi32, #tpu.memory_space<vmem>> -> memref<1x80xi32, #tpu.memory_space<vmem>>
        %dma_wait3A_75 = tpu.memref_squeeze %dma_wait3A_74 : memref<1x80xi32, #tpu.memory_space<vmem>> -> memref<80xi32, #tpu.memory_space<vmem>>
        %dma_wait3A_76 = arith.constant 0 : i32
        %dma_wait3A_77 = arith.constant 0 : i32
        %dma_wait3A_78 = tpu.memref_slice %arg3[%dma_wait3A_76, %dma_wait3A_77] : memref<10000x128xf32, #tpu.memory_space<hbm>> -> memref<10000x128xf32, #tpu.memory_space<hbm>>
        tpu.wait_indirect_dma semaphore(%arg16 : memref<!tpu.dma_semaphore, #tpu.memory_space<semaphore_mem>>) src(%dma_wait3A_78 : memref<10000x128xf32, #tpu.memory_space<hbm>>) dst(%arg13 : memref<80x128xf32, #tpu.memory_space<vmem>>)
        %dma_wait3A_79 = arith.constant 0 : i32
        %dma_wait3A_80 = tpu.memref_slice %arg9[%add3A_42, %dma_wait3A_79] : memref<62x80xi32, #tpu.memory_space<vmem>> -> memref<1x80xi32, #tpu.memory_space<vmem>>
        %dma_wait3A_81 = tpu.memref_squeeze %dma_wait3A_80 : memref<1x80xi32, #tpu.memory_space<vmem>> -> memref<80xi32, #tpu.memory_space<vmem>>
        %dma_wait3A_82 = arith.constant 0 : i32
        %dma_wait3A_83 = arith.constant 0 : i32
        %dma_wait3A_84 = tpu.memref_slice %arg4[%dma_wait3A_82, %dma_wait3A_83] : memref<10000x16xf32, #tpu.memory_space<hbm>> -> memref<10000x16xf32, #tpu.memory_space<hbm>>
        tpu.wait_indirect_dma semaphore(%arg16 : memref<!tpu.dma_semaphore, #tpu.memory_space<semaphore_mem>>) src(%dma_wait3A_84 : memref<10000x16xf32, #tpu.memory_space<hbm>>) dst(%arg14 : memref<80x16xf32, #tpu.memory_space<vmem>>)
        %dma_wait3A_85 = arith.constant 0 : i32
        %dma_wait3A_86 = tpu.memref_slice %arg10[%add3A_42, %dma_wait3A_85] : memref<62x80xi32, #tpu.memory_space<vmem>> -> memref<1x80xi32, #tpu.memory_space<vmem>>
        %dma_wait3A_87 = tpu.memref_squeeze %dma_wait3A_86 : memref<1x80xi32, #tpu.memory_space<vmem>> -> memref<80xi32, #tpu.memory_space<vmem>>
        %dma_wait3A_88 = arith.constant 0 : i32
        %dma_wait3A_89 = arith.constant 0 : i32
        %dma_wait3A_90 = tpu.memref_slice %arg4[%dma_wait3A_88, %dma_wait3A_89] : memref<10000x16xf32, #tpu.memory_space<hbm>> -> memref<10000x16xf32, #tpu.memory_space<hbm>>
        tpu.wait_indirect_dma semaphore(%arg16 : memref<!tpu.dma_semaphore, #tpu.memory_space<semaphore_mem>>) src(%dma_wait3A_90 : memref<10000x16xf32, #tpu.memory_space<hbm>>) dst(%arg15 : memref<80x16xf32, #tpu.memory_space<vmem>>)
        %get3A = arith.constant 0 : i32
        %get3A_91 = arith.index_cast %get3A : i32 to index
        %get3A_92 = arith.constant 0 : index
        %get3A_93 = tpu.vector_load %arg11[%get3A_91, %get3A_92] {strides = array<i32>} : memref<1x128xf32, #tpu.memory_space<vmem>>, vector<1x16xf32>,
        %get3A_94 = vector.shape_cast %get3A_93 : vector<1x16xf32> to vector<16xf32>
        %get3A_95 = arith.constant 0 : i32
        %get3A_96 = arith.index_cast %get3A_95 : i32 to index
        %get3A_97 = arith.constant 16 : index
        %get3A_98 = tpu.vector_load %arg11[%get3A_96, %get3A_97] {strides = array<i32>} : memref<1x128xf32, #tpu.memory_space<vmem>>, vector<1x16xf32>,
        %get3A_99 = vector.shape_cast %get3A_98 : vector<1x16xf32> to vector<16xf32>
        %get3A_100 = arith.constant 0 : i32
        %get3A_101 = arith.index_cast %get3A_100 : i32 to index
        %get3A_102 = arith.constant 32 : index
        %get3A_103 = tpu.vector_load %arg11[%get3A_101, %get3A_102] {strides = array<i32>} : memref<1x128xf32, #tpu.memory_space<vmem>>, vector<1x16xf32>,
        %get3A_104 = vector.shape_cast %get3A_103 : vector<1x16xf32> to vector<16xf32>
        %get3A_105 = arith.constant 0 : i32
        %get3A_106 = arith.index_cast %get3A_105 : i32 to index
        %get3A_107 = arith.constant 48 : index
        %get3A_108 = tpu.vector_load %arg11[%get3A_106, %get3A_107] {strides = array<i32>} : memref<1x128xf32, #tpu.memory_space<vmem>>, vector<1x16xf32>,
        %get3A_109 = vector.shape_cast %get3A_108 : vector<1x16xf32> to vector<16xf32>
        %get3A_110 = arith.constant 0 : i32
        %get3A_111 = arith.index_cast %get3A_110 : i32 to index
        %get3A_112 = arith.constant 64 : index
        %get3A_113 = tpu.vector_load %arg11[%get3A_111, %get3A_112] {strides = array<i32>} : memref<1x128xf32, #tpu.memory_space<vmem>>, vector<1x16xf32>,
        %get3A_114 = vector.shape_cast %get3A_113 : vector<1x16xf32> to vector<16xf32>
        %get3A_115 = arith.constant 0 : i32
        %get3A_116 = arith.index_cast %get3A_115 : i32 to index
        %get3A_117 = arith.constant 80 : index
        %get3A_118 = tpu.vector_load %arg11[%get3A_116, %get3A_117] {strides = array<i32>} : memref<1x128xf32, #tpu.memory_space<vmem>>, vector<1x16xf32>,
        %get3A_119 = vector.shape_cast %get3A_118 : vector<1x16xf32> to vector<16xf32>
        %get3A_120 = arith.constant 0 : i32
        %get3A_121 = arith.index_cast %get3A_120 : i32 to index
        %get3A_122 = arith.constant 96 : index
        %get3A_123 = tpu.vector_load %arg11[%get3A_121, %get3A_122] {strides = array<i32>} : memref<1x128xf32, #tpu.memory_space<vmem>>, vector<1x16xf32>,
        %get3A_124 = vector.shape_cast %get3A_123 : vector<1x16xf32> to vector<16xf32>
        %get3A_125 = arith.constant 0 : i32
        %get3A_126 = arith.index_cast %get3A_125 : i32 to index
        %get3A_127 = arith.constant 112 : index
        %get3A_128 = tpu.vector_load %arg11[%get3A_126, %get3A_127] {strides = array<i32>} : memref<1x128xf32, #tpu.memory_space<vmem>>, vector<1x16xf32>,
        %get3A_129 = vector.shape_cast %get3A_128 : vector<1x16xf32> to vector<16xf32>
        %parallel_loop3A = arith.constant 0 : i32
        %parallel_loop3A_130 = arith.constant 80 : i32
        %parallel_loop3A_131 = arith.constant 1 : i32
        scf.for %parallel_loop3A_137 = %parallel_loop3A to %parallel_loop3A_130 step %parallel_loop3A_131  : i32 {
          %parallel_loop3A_138 = arith.index_cast %parallel_loop3A_137 : i32 to index
          %parallel_loop3A_139 = arith.constant 0 : index
          %parallel_loop3A_140 = tpu.vector_load %arg14[%parallel_loop3A_138, %parallel_loop3A_139] {strides = array<i32>} : memref<80x16xf32, #tpu.memory_space<vmem>>, vector<1x16xf32>,
          %parallel_loop3A_141 = vector.shape_cast %parallel_loop3A_140 : vector<1x16xf32> to vector<16xf32>
          %parallel_loop3A_142 = arith.index_cast %parallel_loop3A_137 : i32 to index
          %parallel_loop3A_143 = arith.constant 0 : index
          %parallel_loop3A_144 = tpu.vector_load %arg15[%parallel_loop3A_142, %parallel_loop3A_143] {strides = array<i32>} : memref<80x16xf32, #tpu.memory_space<vmem>>, vector<1x16xf32>,
          %parallel_loop3A_145 = vector.shape_cast %parallel_loop3A_144 : vector<1x16xf32> to vector<16xf32>
          %parallel_loop3A_146 = arith.subf %parallel_loop3A_141, %parallel_loop3A_145 : vector<16xf32>
          %parallel_loop3A_147 = arith.mulf %parallel_loop3A_146, %parallel_loop3A_146 : vector<16xf32>
          %parallel_loop3A_148 = vector.shape_cast %broadcast_in_dim3A_1 : vector<16xi32> to vector<16x1xi32>
          %parallel_loop3A_149 = vector.shape_cast %parallel_loop3A_148 : vector<16x1xi32> to vector<16xi32>
          %parallel_loop3A_150 = tpu.dynamic_gather %parallel_loop3A_147[%parallel_loop3A_149] in [0] : vector<16xf32>, vector<16xi32> -> vector<16xf32>
          %parallel_loop3A_151 = vector.shape_cast %broadcast_in_dim3A_3 : vector<16xi32> to vector<16x1xi32>
          %parallel_loop3A_152 = vector.shape_cast %parallel_loop3A_151 : vector<16x1xi32> to vector<16xi32>
          %parallel_loop3A_153 = tpu.dynamic_gather %parallel_loop3A_147[%parallel_loop3A_152] in [0] : vector<16xf32>, vector<16xi32> -> vector<16xf32>
          %parallel_loop3A_154 = arith.addf %parallel_loop3A_150, %parallel_loop3A_153 : vector<16xf32>
          %parallel_loop3A_155 = vector.shape_cast %broadcast_in_dim3A_5 : vector<16xi32> to vector<16x1xi32>
          %parallel_loop3A_156 = vector.shape_cast %parallel_loop3A_155 : vector<16x1xi32> to vector<16xi32>
          %parallel_loop3A_157 = tpu.dynamic_gather %parallel_loop3A_147[%parallel_loop3A_156] in [0] : vector<16xf32>, vector<16xi32> -> vector<16xf32>
          %parallel_loop3A_158 = arith.addf %parallel_loop3A_154, %parallel_loop3A_157 : vector<16xf32>
          %parallel_loop3A_159 = arith.index_cast %parallel_loop3A_137 : i32 to index
          %parallel_loop3A_160 = arith.constant 0 : index
          %parallel_loop3A_161 = tpu.vector_load %arg12[%parallel_loop3A_159, %parallel_loop3A_160] {strides = array<i32>} : memref<80x128xf32, #tpu.memory_space<vmem>>, vector<1x16xf32>,
          %parallel_loop3A_162 = vector.shape_cast %parallel_loop3A_161 : vector<1x16xf32> to vector<16xf32>
          %parallel_loop3A_163 = arith.index_cast %parallel_loop3A_137 : i32 to index
          %parallel_loop3A_164 = arith.constant 0 : index
          %parallel_loop3A_165 = tpu.vector_load %arg13[%parallel_loop3A_163, %parallel_loop3A_164] {strides = array<i32>} : memref<80x128xf32, #tpu.memory_space<vmem>>, vector<1x16xf32>,
          %parallel_loop3A_166 = vector.shape_cast %parallel_loop3A_165 : vector<1x16xf32> to vector<16xf32>
          %parallel_loop3A_167 = arith.addf %parallel_loop3A_162, %parallel_loop3A_166 : vector<16xf32>
          %parallel_loop3A_168 = arith.mulf %parallel_loop3A_158, %get3A_94 : vector<16xf32>
          %parallel_loop3A_169 = arith.addf %parallel_loop3A_167, %parallel_loop3A_168 : vector<16xf32>
          %parallel_loop3A_170 = arith.index_cast %parallel_loop3A_137 : i32 to index
          %parallel_loop3A_171 = arith.constant 0 : index
          %parallel_loop3A_172 = tpu.vector_load %arg12[%parallel_loop3A_170, %parallel_loop3A_171] {strides = array<i32>} : memref<80x128xf32, #tpu.memory_space<vmem>>, vector<1x16xf32>,
          %parallel_loop3A_173 = vector.shape_cast %parallel_loop3A_172 : vector<1x16xf32> to vector<16xf32>
          %parallel_loop3A_174 = vector.shape_cast %parallel_loop3A_169 : vector<16xf32> to vector<1x16xf32>
          tpu.vector_store %arg12[%parallel_loop3A_170, %parallel_loop3A_171], %parallel_loop3A_174 {strides = array<i32>} : memref<80x128xf32, #tpu.memory_space<vmem>>, vector<1x16xf32>,
          %parallel_loop3A_175 = arith.index_cast %parallel_loop3A_137 : i32 to index
          %parallel_loop3A_176 = arith.constant 16 : index
          %parallel_loop3A_177 = tpu.vector_load %arg12[%parallel_loop3A_175, %parallel_loop3A_176] {strides = array<i32>} : memref<80x128xf32, #tpu.memory_space<vmem>>, vector<1x16xf32>,
          %parallel_loop3A_178 = vector.shape_cast %parallel_loop3A_177 : vector<1x16xf32> to vector<16xf32>
          %parallel_loop3A_179 = arith.index_cast %parallel_loop3A_137 : i32 to index
          %parallel_loop3A_180 = arith.constant 16 : index
          %parallel_loop3A_181 = tpu.vector_load %arg13[%parallel_loop3A_179, %parallel_loop3A_180] {strides = array<i32>} : memref<80x128xf32, #tpu.memory_space<vmem>>, vector<1x16xf32>,
          %parallel_loop3A_182 = vector.shape_cast %parallel_loop3A_181 : vector<1x16xf32> to vector<16xf32>
          %parallel_loop3A_183 = arith.addf %parallel_loop3A_178, %parallel_loop3A_182 : vector<16xf32>
          %parallel_loop3A_184 = arith.mulf %parallel_loop3A_158, %get3A_99 : vector<16xf32>
          %parallel_loop3A_185 = arith.addf %parallel_loop3A_183, %parallel_loop3A_184 : vector<16xf32>
          %parallel_loop3A_186 = arith.index_cast %parallel_loop3A_137 : i32 to index
          %parallel_loop3A_187 = arith.constant 16 : index
          %parallel_loop3A_188 = tpu.vector_load %arg12[%parallel_loop3A_186, %parallel_loop3A_187] {strides = array<i32>} : memref<80x128xf32, #tpu.memory_space<vmem>>, vector<1x16xf32>,
          %parallel_loop3A_189 = vector.shape_cast %parallel_loop3A_188 : vector<1x16xf32> to vector<16xf32>
          %parallel_loop3A_190 = vector.shape_cast %parallel_loop3A_185 : vector<16xf32> to vector<1x16xf32>
          tpu.vector_store %arg12[%parallel_loop3A_186, %parallel_loop3A_187], %parallel_loop3A_190 {strides = array<i32>} : memref<80x128xf32, #tpu.memory_space<vmem>>, vector<1x16xf32>,
          %parallel_loop3A_191 = arith.index_cast %parallel_loop3A_137 : i32 to index
          %parallel_loop3A_192 = arith.constant 32 : index
          %parallel_loop3A_193 = tpu.vector_load %arg12[%parallel_loop3A_191, %parallel_loop3A_192] {strides = array<i32>} : memref<80x128xf32, #tpu.memory_space<vmem>>, vector<1x16xf32>,
          %parallel_loop3A_194 = vector.shape_cast %parallel_loop3A_193 : vector<1x16xf32> to vector<16xf32>
          %parallel_loop3A_195 = arith.index_cast %parallel_loop3A_137 : i32 to index
          %parallel_loop3A_196 = arith.constant 32 : index
          %parallel_loop3A_197 = tpu.vector_load %arg13[%parallel_loop3A_195, %parallel_loop3A_196] {strides = array<i32>} : memref<80x128xf32, #tpu.memory_space<vmem>>, vector<1x16xf32>,
          %parallel_loop3A_198 = vector.shape_cast %parallel_loop3A_197 : vector<1x16xf32> to vector<16xf32>
          %parallel_loop3A_199 = arith.addf %parallel_loop3A_194, %parallel_loop3A_198 : vector<16xf32>
          %parallel_loop3A_200 = arith.mulf %parallel_loop3A_158, %get3A_104 : vector<16xf32>
          %parallel_loop3A_201 = arith.addf %parallel_loop3A_199, %parallel_loop3A_200 : vector<16xf32>
          %parallel_loop3A_202 = arith.index_cast %parallel_loop3A_137 : i32 to index
          %parallel_loop3A_203 = arith.constant 32 : index
          %parallel_loop3A_204 = tpu.vector_load %arg12[%parallel_loop3A_202, %parallel_loop3A_203] {strides = array<i32>} : memref<80x128xf32, #tpu.memory_space<vmem>>, vector<1x16xf32>,
          %parallel_loop3A_205 = vector.shape_cast %parallel_loop3A_204 : vector<1x16xf32> to vector<16xf32>
          %parallel_loop3A_206 = vector.shape_cast %parallel_loop3A_201 : vector<16xf32> to vector<1x16xf32>
          tpu.vector_store %arg12[%parallel_loop3A_202, %parallel_loop3A_203], %parallel_loop3A_206 {strides = array<i32>} : memref<80x128xf32, #tpu.memory_space<vmem>>, vector<1x16xf32>,
          %parallel_loop3A_207 = arith.index_cast %parallel_loop3A_137 : i32 to index
          %parallel_loop3A_208 = arith.constant 48 : index
          %parallel_loop3A_209 = tpu.vector_load %arg12[%parallel_loop3A_207, %parallel_loop3A_208] {strides = array<i32>} : memref<80x128xf32, #tpu.memory_space<vmem>>, vector<1x16xf32>,
          %parallel_loop3A_210 = vector.shape_cast %parallel_loop3A_209 : vector<1x16xf32> to vector<16xf32>
          %parallel_loop3A_211 = arith.index_cast %parallel_loop3A_137 : i32 to index
          %parallel_loop3A_212 = arith.constant 48 : index
          %parallel_loop3A_213 = tpu.vector_load %arg13[%parallel_loop3A_211, %parallel_loop3A_212] {strides = array<i32>} : memref<80x128xf32, #tpu.memory_space<vmem>>, vector<1x16xf32>,
          %parallel_loop3A_214 = vector.shape_cast %parallel_loop3A_213 : vector<1x16xf32> to vector<16xf32>
          %parallel_loop3A_215 = arith.addf %parallel_loop3A_210, %parallel_loop3A_214 : vector<16xf32>
          %parallel_loop3A_216 = arith.mulf %parallel_loop3A_158, %get3A_109 : vector<16xf32>
          %parallel_loop3A_217 = arith.addf %parallel_loop3A_215, %parallel_loop3A_216 : vector<16xf32>
          %parallel_loop3A_218 = arith.index_cast %parallel_loop3A_137 : i32 to index
          %parallel_loop3A_219 = arith.constant 48 : index
          %parallel_loop3A_220 = tpu.vector_load %arg12[%parallel_loop3A_218, %parallel_loop3A_219] {strides = array<i32>} : memref<80x128xf32, #tpu.memory_space<vmem>>, vector<1x16xf32>,
          %parallel_loop3A_221 = vector.shape_cast %parallel_loop3A_220 : vector<1x16xf32> to vector<16xf32>
          %parallel_loop3A_222 = vector.shape_cast %parallel_loop3A_217 : vector<16xf32> to vector<1x16xf32>
          tpu.vector_store %arg12[%parallel_loop3A_218, %parallel_loop3A_219], %parallel_loop3A_222 {strides = array<i32>} : memref<80x128xf32, #tpu.memory_space<vmem>>, vector<1x16xf32>,
          %parallel_loop3A_223 = arith.index_cast %parallel_loop3A_137 : i32 to index
          %parallel_loop3A_224 = arith.constant 64 : index
          %parallel_loop3A_225 = tpu.vector_load %arg12[%parallel_loop3A_223, %parallel_loop3A_224] {strides = array<i32>} : memref<80x128xf32, #tpu.memory_space<vmem>>, vector<1x16xf32>,
          %parallel_loop3A_226 = vector.shape_cast %parallel_loop3A_225 : vector<1x16xf32> to vector<16xf32>
          %parallel_loop3A_227 = arith.index_cast %parallel_loop3A_137 : i32 to index
          %parallel_loop3A_228 = arith.constant 64 : index
          %parallel_loop3A_229 = tpu.vector_load %arg13[%parallel_loop3A_227, %parallel_loop3A_228] {strides = array<i32>} : memref<80x128xf32, #tpu.memory_space<vmem>>, vector<1x16xf32>,
          %parallel_loop3A_230 = vector.shape_cast %parallel_loop3A_229 : vector<1x16xf32> to vector<16xf32>
          %parallel_loop3A_231 = arith.addf %parallel_loop3A_226, %parallel_loop3A_230 : vector<16xf32>
          %parallel_loop3A_232 = arith.mulf %parallel_loop3A_158, %get3A_114 : vector<16xf32>
          %parallel_loop3A_233 = arith.addf %parallel_loop3A_231, %parallel_loop3A_232 : vector<16xf32>
          %parallel_loop3A_234 = arith.index_cast %parallel_loop3A_137 : i32 to index
          %parallel_loop3A_235 = arith.constant 64 : index
          %parallel_loop3A_236 = tpu.vector_load %arg12[%parallel_loop3A_234, %parallel_loop3A_235] {strides = array<i32>} : memref<80x128xf32, #tpu.memory_space<vmem>>, vector<1x16xf32>,
          %parallel_loop3A_237 = vector.shape_cast %parallel_loop3A_236 : vector<1x16xf32> to vector<16xf32>
          %parallel_loop3A_238 = vector.shape_cast %parallel_loop3A_233 : vector<16xf32> to vector<1x16xf32>
          tpu.vector_store %arg12[%parallel_loop3A_234, %parallel_loop3A_235], %parallel_loop3A_238 {strides = array<i32>} : memref<80x128xf32, #tpu.memory_space<vmem>>, vector<1x16xf32>,
          %parallel_loop3A_239 = arith.index_cast %parallel_loop3A_137 : i32 to index
          %parallel_loop3A_240 = arith.constant 80 : index
          %parallel_loop3A_241 = tpu.vector_load %arg12[%parallel_loop3A_239, %parallel_loop3A_240] {strides = array<i32>} : memref<80x128xf32, #tpu.memory_space<vmem>>, vector<1x16xf32>,
          %parallel_loop3A_242 = vector.shape_cast %parallel_loop3A_241 : vector<1x16xf32> to vector<16xf32>
          %parallel_loop3A_243 = arith.index_cast %parallel_loop3A_137 : i32 to index
          %parallel_loop3A_244 = arith.constant 80 : index
          %parallel_loop3A_245 = tpu.vector_load %arg13[%parallel_loop3A_243, %parallel_loop3A_244] {strides = array<i32>} : memref<80x128xf32, #tpu.memory_space<vmem>>, vector<1x16xf32>,
          %parallel_loop3A_246 = vector.shape_cast %parallel_loop3A_245 : vector<1x16xf32> to vector<16xf32>
          %parallel_loop3A_247 = arith.addf %parallel_loop3A_242, %parallel_loop3A_246 : vector<16xf32>
          %parallel_loop3A_248 = arith.mulf %parallel_loop3A_158, %get3A_119 : vector<16xf32>
          %parallel_loop3A_249 = arith.addf %parallel_loop3A_247, %parallel_loop3A_248 : vector<16xf32>
          %parallel_loop3A_250 = arith.index_cast %parallel_loop3A_137 : i32 to index
          %parallel_loop3A_251 = arith.constant 80 : index
          %parallel_loop3A_252 = tpu.vector_load %arg12[%parallel_loop3A_250, %parallel_loop3A_251] {strides = array<i32>} : memref<80x128xf32, #tpu.memory_space<vmem>>, vector<1x16xf32>,
          %parallel_loop3A_253 = vector.shape_cast %parallel_loop3A_252 : vector<1x16xf32> to vector<16xf32>
          %parallel_loop3A_254 = vector.shape_cast %parallel_loop3A_249 : vector<16xf32> to vector<1x16xf32>
          tpu.vector_store %arg12[%parallel_loop3A_250, %parallel_loop3A_251], %parallel_loop3A_254 {strides = array<i32>} : memref<80x128xf32, #tpu.memory_space<vmem>>, vector<1x16xf32>,
          %parallel_loop3A_255 = arith.index_cast %parallel_loop3A_137 : i32 to index
          %parallel_loop3A_256 = arith.constant 96 : index
          %parallel_loop3A_257 = tpu.vector_load %arg12[%parallel_loop3A_255, %parallel_loop3A_256] {strides = array<i32>} : memref<80x128xf32, #tpu.memory_space<vmem>>, vector<1x16xf32>,
          %parallel_loop3A_258 = vector.shape_cast %parallel_loop3A_257 : vector<1x16xf32> to vector<16xf32>
          %parallel_loop3A_259 = arith.index_cast %parallel_loop3A_137 : i32 to index
          %parallel_loop3A_260 = arith.constant 96 : index
          %parallel_loop3A_261 = tpu.vector_load %arg13[%parallel_loop3A_259, %parallel_loop3A_260] {strides = array<i32>} : memref<80x128xf32, #tpu.memory_space<vmem>>, vector<1x16xf32>,
          %parallel_loop3A_262 = vector.shape_cast %parallel_loop3A_261 : vector<1x16xf32> to vector<16xf32>
          %parallel_loop3A_263 = arith.addf %parallel_loop3A_258, %parallel_loop3A_262 : vector<16xf32>
          %parallel_loop3A_264 = arith.mulf %parallel_loop3A_158, %get3A_124 : vector<16xf32>
          %parallel_loop3A_265 = arith.addf %parallel_loop3A_263, %parallel_loop3A_264 : vector<16xf32>
          %parallel_loop3A_266 = arith.index_cast %parallel_loop3A_137 : i32 to index
          %parallel_loop3A_267 = arith.constant 96 : index
          %parallel_loop3A_268 = tpu.vector_load %arg12[%parallel_loop3A_266, %parallel_loop3A_267] {strides = array<i32>} : memref<80x128xf32, #tpu.memory_space<vmem>>, vector<1x16xf32>,
          %parallel_loop3A_269 = vector.shape_cast %parallel_loop3A_268 : vector<1x16xf32> to vector<16xf32>
          %parallel_loop3A_270 = vector.shape_cast %parallel_loop3A_265 : vector<16xf32> to vector<1x16xf32>
          tpu.vector_store %arg12[%parallel_loop3A_266, %parallel_loop3A_267], %parallel_loop3A_270 {strides = array<i32>} : memref<80x128xf32, #tpu.memory_space<vmem>>, vector<1x16xf32>,
          %parallel_loop3A_271 = arith.index_cast %parallel_loop3A_137 : i32 to index
          %parallel_loop3A_272 = arith.constant 112 : index
          %parallel_loop3A_273 = tpu.vector_load %arg12[%parallel_loop3A_271, %parallel_loop3A_272] {strides = array<i32>} : memref<80x128xf32, #tpu.memory_space<vmem>>, vector<1x16xf32>,
          %parallel_loop3A_274 = vector.shape_cast %parallel_loop3A_273 : vector<1x16xf32> to vector<16xf32>
          %parallel_loop3A_275 = arith.index_cast %parallel_loop3A_137 : i32 to index
          %parallel_loop3A_276 = arith.constant 112 : index
          %parallel_loop3A_277 = tpu.vector_load %arg13[%parallel_loop3A_275, %parallel_loop3A_276] {strides = array<i32>} : memref<80x128xf32, #tpu.memory_space<vmem>>, vector<1x16xf32>,
          %parallel_loop3A_278 = vector.shape_cast %parallel_loop3A_277 : vector<1x16xf32> to vector<16xf32>
          %parallel_loop3A_279 = arith.addf %parallel_loop3A_274, %parallel_loop3A_278 : vector<16xf32>
          %parallel_loop3A_280 = arith.mulf %parallel_loop3A_158, %get3A_129 : vector<16xf32>
          %parallel_loop3A_281 = arith.addf %parallel_loop3A_279, %parallel_loop3A_280 : vector<16xf32>
          %parallel_loop3A_282 = arith.index_cast %parallel_loop3A_137 : i32 to index
          %parallel_loop3A_283 = arith.constant 112 : index
          %parallel_loop3A_284 = tpu.vector_load %arg12[%parallel_loop3A_282, %parallel_loop3A_283] {strides = array<i32>} : memref<80x128xf32, #tpu.memory_space<vmem>>, vector<1x16xf32>,
          %parallel_loop3A_285 = vector.shape_cast %parallel_loop3A_284 : vector<1x16xf32> to vector<16xf32>
          %parallel_loop3A_286 = vector.shape_cast %parallel_loop3A_281 : vector<16xf32> to vector<1x16xf32>
          tpu.vector_store %arg12[%parallel_loop3A_282, %parallel_loop3A_283], %parallel_loop3A_286 {strides = array<i32>} : memref<80x128xf32, #tpu.memory_space<vmem>>, vector<1x16xf32>,
        } {sc.loop_unroll_factor = 4 : i64, sc.parallel_access}
        %mul3A_132 = arith.constant 4960 : i32
        %mul3A_133 = arith.muli %add3A, %mul3A_132 : i32
        %mul3A_134 = arith.constant 80 : i32
        %mul3A_135 = arith.muli %add3A_42, %mul3A_134 : i32
        %add3A_136 = arith.addi %mul3A_133, %mul3A_135 : i32
        "tpu.region"() ({
          %run_scoped3A = tpu.sem_alloc : memref<!tpu.dma_semaphore, #tpu.memory_space<semaphore_mem>>
          %dma_start3A_137 = arith.constant 0 : i32
          %dma_start3A_138 = tpu.memref_slice %arg8[%add3A_136, %dma_start3A_137] : memref<158720x128xf32, #tpu.memory_space<hbm>> -> memref<80x128xf32, #tpu.memory_space<hbm>>
          %dma_start3A_139 = arith.constant 0 : i32
          %dma_start3A_140 = tpu.memref_slice %arg8[%add3A_136, %dma_start3A_139] : memref<158720x128xf32, #tpu.memory_space<hbm>> -> memref<80x128xf32, #tpu.memory_space<hbm>>
          tpu.enqueue_dma source(%arg12 : memref<80x128xf32, #tpu.memory_space<vmem>>) target(%dma_start3A_140 : memref<80x128xf32, #tpu.memory_space<hbm>>) target_semaphore(%run_scoped3A : memref<!tpu.dma_semaphore, #tpu.memory_space<semaphore_mem>>)
          %dma_wait3A_141 = arith.constant 0 : i32
          %dma_wait3A_142 = tpu.memref_slice %arg8[%add3A_136, %dma_wait3A_141] : memref<158720x128xf32, #tpu.memory_space<hbm>> -> memref<80x128xf32, #tpu.memory_space<hbm>>
          %dma_wait3A_143 = arith.constant 0 : i32
          %dma_wait3A_144 = tpu.memref_slice %arg8[%add3A_136, %dma_wait3A_143] : memref<158720x128xf32, #tpu.memory_space<hbm>> -> memref<80x128xf32, #tpu.memory_space<hbm>>
          tpu.wait_dma2 semaphore(%run_scoped3A : memref<!tpu.dma_semaphore, #tpu.memory_space<semaphore_mem>>) src(%arg12 : memref<80x128xf32, #tpu.memory_space<vmem>>) dst(%dma_wait3A_144 : memref<80x128xf32, #tpu.memory_space<hbm>>)
          tpu.yield
        }) : () -> ()
      } else {
      }
      %mul3A_52 = arith.constant 2 : i32
      %mul3A_53 = arith.muli %scan3A_38, %mul3A_52 : i32
      %add3A_54 = arith.constant 1 : i32
      %add3A_55 = arith.addi %mul3A_53, %add3A_54 : i32
      %add3A_56 = arith.constant 1 : i32
      %add3A_57 = arith.addi %add3A_55, %add3A_56 : i32
      %lt3A_58 = arith.constant 62 : i32
      %lt3A_59 = arith.cmpi slt, %add3A_57, %lt3A_58 : i32
      %convert_element_type3A_60 = arith.extui %lt3A_59 : i1 to i32
      %cond3A_61 = arith.constant 0 : i32
      %cond3A_62 = arith.cmpi ne, %convert_element_type3A_60, %cond3A_61 : i32
      scf.if %cond3A_62 {
        %add3A_68 = arith.constant 1 : i32
        %add3A_69 = arith.addi %add3A_55, %add3A_68 : i32
        %dma_start3A_70 = arith.constant 0 : i32
        %dma_start3A_71 = tpu.memref_slice %arg9[%add3A_69, %dma_start3A_70] : memref<62x80xi32, #tpu.memory_space<vmem>> -> memref<1x80xi32, #tpu.memory_space<vmem>>
        %dma_start3A_72 = tpu.memref_squeeze %dma_start3A_71 : memref<1x80xi32, #tpu.memory_space<vmem>> -> memref<80xi32, #tpu.memory_space<vmem>>
        %dma_start3A_73 = arith.constant 0 : i32
        %dma_start3A_74 = arith.constant 0 : i32
        %dma_start3A_75 = tpu.memref_slice %arg2[%dma_start3A_73, %dma_start3A_74] : memref<10000x128xf32, #tpu.memory_space<hbm>> -> memref<10000x128xf32, #tpu.memory_space<hbm>>
        tpu.enqueue_indirect_dma source(%dma_start3A_75 : memref<10000x128xf32, #tpu.memory_space<hbm>>) target(%arg12 : memref<80x128xf32, #tpu.memory_space<vmem>>) offsets(%dma_start3A_72 : memref<80xi32, #tpu.memory_space<vmem>>) semaphore(%arg16 : memref<!tpu.dma_semaphore, #tpu.memory_space<semaphore_mem>>)
        %dma_start3A_76 = arith.constant 0 : i32
        %dma_start3A_77 = tpu.memref_slice %arg10[%add3A_69, %dma_start3A_76] : memref<62x80xi32, #tpu.memory_space<vmem>> -> memref<1x80xi32, #tpu.memory_space<vmem>>
        %dma_start3A_78 = tpu.memref_squeeze %dma_start3A_77 : memref<1x80xi32, #tpu.memory_space<vmem>> -> memref<80xi32, #tpu.memory_space<vmem>>
        %dma_start3A_79 = arith.constant 0 : i32
        %dma_start3A_80 = arith.constant 0 : i32
        %dma_start3A_81 = tpu.memref_slice %arg3[%dma_start3A_79, %dma_start3A_80] : memref<10000x128xf32, #tpu.memory_space<hbm>> -> memref<10000x128xf32, #tpu.memory_space<hbm>>
        tpu.enqueue_indirect_dma source(%dma_start3A_81 : memref<10000x128xf32, #tpu.memory_space<hbm>>) target(%arg13 : memref<80x128xf32, #tpu.memory_space<vmem>>) offsets(%dma_start3A_78 : memref<80xi32, #tpu.memory_space<vmem>>) semaphore(%arg16 : memref<!tpu.dma_semaphore, #tpu.memory_space<semaphore_mem>>)
        %dma_start3A_82 = arith.constant 0 : i32
        %dma_start3A_83 = tpu.memref_slice %arg9[%add3A_69, %dma_start3A_82] : memref<62x80xi32, #tpu.memory_space<vmem>> -> memref<1x80xi32, #tpu.memory_space<vmem>>
        %dma_start3A_84 = tpu.memref_squeeze %dma_start3A_83 : memref<1x80xi32, #tpu.memory_space<vmem>> -> memref<80xi32, #tpu.memory_space<vmem>>
        %dma_start3A_85 = arith.constant 0 : i32
        %dma_start3A_86 = arith.constant 0 : i32
        %dma_start3A_87 = tpu.memref_slice %arg4[%dma_start3A_85, %dma_start3A_86] : memref<10000x16xf32, #tpu.memory_space<hbm>> -> memref<10000x16xf32, #tpu.memory_space<hbm>>
        tpu.enqueue_indirect_dma source(%dma_start3A_87 : memref<10000x16xf32, #tpu.memory_space<hbm>>) target(%arg14 : memref<80x16xf32, #tpu.memory_space<vmem>>) offsets(%dma_start3A_84 : memref<80xi32, #tpu.memory_space<vmem>>) semaphore(%arg16 : memref<!tpu.dma_semaphore, #tpu.memory_space<semaphore_mem>>)
        %dma_start3A_88 = arith.constant 0 : i32
        %dma_start3A_89 = tpu.memref_slice %arg10[%add3A_69, %dma_start3A_88] : memref<62x80xi32, #tpu.memory_space<vmem>> -> memref<1x80xi32, #tpu.memory_space<vmem>>
        %dma_start3A_90 = tpu.memref_squeeze %dma_start3A_89 : memref<1x80xi32, #tpu.memory_space<vmem>> -> memref<80xi32, #tpu.memory_space<vmem>>
        %dma_start3A_91 = arith.constant 0 : i32
        %dma_start3A_92 = arith.constant 0 : i32
        %dma_start3A_93 = tpu.memref_slice %arg4[%dma_start3A_91, %dma_start3A_92] : memref<10000x16xf32, #tpu.memory_space<hbm>> -> memref<10000x16xf32, #tpu.memory_space<hbm>>
        tpu.enqueue_indirect_dma source(%dma_start3A_93 : memref<10000x16xf32, #tpu.memory_space<hbm>>) target(%arg15 : memref<80x16xf32, #tpu.memory_space<vmem>>) offsets(%dma_start3A_90 : memref<80xi32, #tpu.memory_space<vmem>>) semaphore(%arg16 : memref<!tpu.dma_semaphore, #tpu.memory_space<semaphore_mem>>)
      } else {
      }
      %lt3A_63 = arith.constant 62 : i32
      %lt3A_64 = arith.cmpi slt, %add3A_55, %lt3A_63 : i32
      %convert_element_type3A_65 = arith.extui %lt3A_64 : i1 to i32
      %cond3A_66 = arith.constant 0 : i32
      %cond3A_67 = arith.cmpi ne, %convert_element_type3A_65, %cond3A_66 : i32
      scf.if %cond3A_67 {
        %dma_wait3A = arith.constant 0 : i32
        %dma_wait3A_68 = tpu.memref_slice %arg9[%add3A_55, %dma_wait3A] : memref<62x80xi32, #tpu.memory_space<vmem>> -> memref<1x80xi32, #tpu.memory_space<vmem>>
        %dma_wait3A_69 = tpu.memref_squeeze %dma_wait3A_68 : memref<1x80xi32, #tpu.memory_space<vmem>> -> memref<80xi32, #tpu.memory_space<vmem>>
        %dma_wait3A_70 = arith.constant 0 : i32
        %dma_wait3A_71 = arith.constant 0 : i32
        %dma_wait3A_72 = tpu.memref_slice %arg2[%dma_wait3A_70, %dma_wait3A_71] : memref<10000x128xf32, #tpu.memory_space<hbm>> -> memref<10000x128xf32, #tpu.memory_space<hbm>>
        tpu.wait_indirect_dma semaphore(%arg21 : memref<!tpu.dma_semaphore, #tpu.memory_space<semaphore_mem>>) src(%dma_wait3A_72 : memref<10000x128xf32, #tpu.memory_space<hbm>>) dst(%arg17 : memref<80x128xf32, #tpu.memory_space<vmem>>)
        %dma_wait3A_73 = arith.constant 0 : i32
        %dma_wait3A_74 = tpu.memref_slice %arg10[%add3A_55, %dma_wait3A_73] : memref<62x80xi32, #tpu.memory_space<vmem>> -> memref<1x80xi32, #tpu.memory_space<vmem>>
        %dma_wait3A_75 = tpu.memref_squeeze %dma_wait3A_74 : memref<1x80xi32, #tpu.memory_space<vmem>> -> memref<80xi32, #tpu.memory_space<vmem>>
        %dma_wait3A_76 = arith.constant 0 : i32
        %dma_wait3A_77 = arith.constant 0 : i32
        %dma_wait3A_78 = tpu.memref_slice %arg3[%dma_wait3A_76, %dma_wait3A_77] : memref<10000x128xf32, #tpu.memory_space<hbm>> -> memref<10000x128xf32, #tpu.memory_space<hbm>>
        tpu.wait_indirect_dma semaphore(%arg21 : memref<!tpu.dma_semaphore, #tpu.memory_space<semaphore_mem>>) src(%dma_wait3A_78 : memref<10000x128xf32, #tpu.memory_space<hbm>>) dst(%arg18 : memref<80x128xf32, #tpu.memory_space<vmem>>)
        %dma_wait3A_79 = arith.constant 0 : i32
        %dma_wait3A_80 = tpu.memref_slice %arg9[%add3A_55, %dma_wait3A_79] : memref<62x80xi32, #tpu.memory_space<vmem>> -> memref<1x80xi32, #tpu.memory_space<vmem>>
        %dma_wait3A_81 = tpu.memref_squeeze %dma_wait3A_80 : memref<1x80xi32, #tpu.memory_space<vmem>> -> memref<80xi32, #tpu.memory_space<vmem>>
        %dma_wait3A_82 = arith.constant 0 : i32
        %dma_wait3A_83 = arith.constant 0 : i32
        %dma_wait3A_84 = tpu.memref_slice %arg4[%dma_wait3A_82, %dma_wait3A_83] : memref<10000x16xf32, #tpu.memory_space<hbm>> -> memref<10000x16xf32, #tpu.memory_space<hbm>>
        tpu.wait_indirect_dma semaphore(%arg21 : memref<!tpu.dma_semaphore, #tpu.memory_space<semaphore_mem>>) src(%dma_wait3A_84 : memref<10000x16xf32, #tpu.memory_space<hbm>>) dst(%arg19 : memref<80x16xf32, #tpu.memory_space<vmem>>)
        %dma_wait3A_85 = arith.constant 0 : i32
        %dma_wait3A_86 = tpu.memref_slice %arg10[%add3A_55, %dma_wait3A_85] : memref<62x80xi32, #tpu.memory_space<vmem>> -> memref<1x80xi32, #tpu.memory_space<vmem>>
        %dma_wait3A_87 = tpu.memref_squeeze %dma_wait3A_86 : memref<1x80xi32, #tpu.memory_space<vmem>> -> memref<80xi32, #tpu.memory_space<vmem>>
        %dma_wait3A_88 = arith.constant 0 : i32
        %dma_wait3A_89 = arith.constant 0 : i32
        %dma_wait3A_90 = tpu.memref_slice %arg4[%dma_wait3A_88, %dma_wait3A_89] : memref<10000x16xf32, #tpu.memory_space<hbm>> -> memref<10000x16xf32, #tpu.memory_space<hbm>>
        tpu.wait_indirect_dma semaphore(%arg21 : memref<!tpu.dma_semaphore, #tpu.memory_space<semaphore_mem>>) src(%dma_wait3A_90 : memref<10000x16xf32, #tpu.memory_space<hbm>>) dst(%arg20 : memref<80x16xf32, #tpu.memory_space<vmem>>)
        %get3A = arith.constant 0 : i32
        %get3A_91 = arith.index_cast %get3A : i32 to index
        %get3A_92 = arith.constant 0 : index
        %get3A_93 = tpu.vector_load %arg11[%get3A_91, %get3A_92] {strides = array<i32>} : memref<1x128xf32, #tpu.memory_space<vmem>>, vector<1x16xf32>,
        %get3A_94 = vector.shape_cast %get3A_93 : vector<1x16xf32> to vector<16xf32>
        %get3A_95 = arith.constant 0 : i32
        %get3A_96 = arith.index_cast %get3A_95 : i32 to index
        %get3A_97 = arith.constant 16 : index
        %get3A_98 = tpu.vector_load %arg11[%get3A_96, %get3A_97] {strides = array<i32>} : memref<1x128xf32, #tpu.memory_space<vmem>>, vector<1x16xf32>,
        %get3A_99 = vector.shape_cast %get3A_98 : vector<1x16xf32> to vector<16xf32>
        %get3A_100 = arith.constant 0 : i32
        %get3A_101 = arith.index_cast %get3A_100 : i32 to index
        %get3A_102 = arith.constant 32 : index
        %get3A_103 = tpu.vector_load %arg11[%get3A_101, %get3A_102] {strides = array<i32>} : memref<1x128xf32, #tpu.memory_space<vmem>>, vector<1x16xf32>,
        %get3A_104 = vector.shape_cast %get3A_103 : vector<1x16xf32> to vector<16xf32>
        %get3A_105 = arith.constant 0 : i32
        %get3A_106 = arith.index_cast %get3A_105 : i32 to index
        %get3A_107 = arith.constant 48 : index
        %get3A_108 = tpu.vector_load %arg11[%get3A_106, %get3A_107] {strides = array<i32>} : memref<1x128xf32, #tpu.memory_space<vmem>>, vector<1x16xf32>,
        %get3A_109 = vector.shape_cast %get3A_108 : vector<1x16xf32> to vector<16xf32>
        %get3A_110 = arith.constant 0 : i32
        %get3A_111 = arith.index_cast %get3A_110 : i32 to index
        %get3A_112 = arith.constant 64 : index
        %get3A_113 = tpu.vector_load %arg11[%get3A_111, %get3A_112] {strides = array<i32>} : memref<1x128xf32, #tpu.memory_space<vmem>>, vector<1x16xf32>,
        %get3A_114 = vector.shape_cast %get3A_113 : vector<1x16xf32> to vector<16xf32>
        %get3A_115 = arith.constant 0 : i32
        %get3A_116 = arith.index_cast %get3A_115 : i32 to index
        %get3A_117 = arith.constant 80 : index
        %get3A_118 = tpu.vector_load %arg11[%get3A_116, %get3A_117] {strides = array<i32>} : memref<1x128xf32, #tpu.memory_space<vmem>>, vector<1x16xf32>,
        %get3A_119 = vector.shape_cast %get3A_118 : vector<1x16xf32> to vector<16xf32>
        %get3A_120 = arith.constant 0 : i32
        %get3A_121 = arith.index_cast %get3A_120 : i32 to index
        %get3A_122 = arith.constant 96 : index
        %get3A_123 = tpu.vector_load %arg11[%get3A_121, %get3A_122] {strides = array<i32>} : memref<1x128xf32, #tpu.memory_space<vmem>>, vector<1x16xf32>,
        %get3A_124 = vector.shape_cast %get3A_123 : vector<1x16xf32> to vector<16xf32>
        %get3A_125 = arith.constant 0 : i32
        %get3A_126 = arith.index_cast %get3A_125 : i32 to index
        %get3A_127 = arith.constant 112 : index
        %get3A_128 = tpu.vector_load %arg11[%get3A_126, %get3A_127] {strides = array<i32>} : memref<1x128xf32, #tpu.memory_space<vmem>>, vector<1x16xf32>,
        %get3A_129 = vector.shape_cast %get3A_128 : vector<1x16xf32> to vector<16xf32>
        %parallel_loop3A = arith.constant 0 : i32
        %parallel_loop3A_130 = arith.constant 80 : i32
        %parallel_loop3A_131 = arith.constant 1 : i32
        scf.for %parallel_loop3A_137 = %parallel_loop3A to %parallel_loop3A_130 step %parallel_loop3A_131  : i32 {
          %parallel_loop3A_138 = arith.index_cast %parallel_loop3A_137 : i32 to index
          %parallel_loop3A_139 = arith.constant 0 : index
          %parallel_loop3A_140 = tpu.vector_load %arg19[%parallel_loop3A_138, %parallel_loop3A_139] {strides = array<i32>} : memref<80x16xf32, #tpu.memory_space<vmem>>, vector<1x16xf32>,
          %parallel_loop3A_141 = vector.shape_cast %parallel_loop3A_140 : vector<1x16xf32> to vector<16xf32>
          %parallel_loop3A_142 = arith.index_cast %parallel_loop3A_137 : i32 to index
          %parallel_loop3A_143 = arith.constant 0 : index
          %parallel_loop3A_144 = tpu.vector_load %arg20[%parallel_loop3A_142, %parallel_loop3A_143] {strides = array<i32>} : memref<80x16xf32, #tpu.memory_space<vmem>>, vector<1x16xf32>,
          %parallel_loop3A_145 = vector.shape_cast %parallel_loop3A_144 : vector<1x16xf32> to vector<16xf32>
          %parallel_loop3A_146 = arith.subf %parallel_loop3A_141, %parallel_loop3A_145 : vector<16xf32>
          %parallel_loop3A_147 = arith.mulf %parallel_loop3A_146, %parallel_loop3A_146 : vector<16xf32>
          %parallel_loop3A_148 = vector.shape_cast %broadcast_in_dim3A_1 : vector<16xi32> to vector<16x1xi32>
          %parallel_loop3A_149 = vector.shape_cast %parallel_loop3A_148 : vector<16x1xi32> to vector<16xi32>
          %parallel_loop3A_150 = tpu.dynamic_gather %parallel_loop3A_147[%parallel_loop3A_149] in [0] : vector<16xf32>, vector<16xi32> -> vector<16xf32>
          %parallel_loop3A_151 = vector.shape_cast %broadcast_in_dim3A_3 : vector<16xi32> to vector<16x1xi32>
          %parallel_loop3A_152 = vector.shape_cast %parallel_loop3A_151 : vector<16x1xi32> to vector<16xi32>
          %parallel_loop3A_153 = tpu.dynamic_gather %parallel_loop3A_147[%parallel_loop3A_152] in [0] : vector<16xf32>, vector<16xi32> -> vector<16xf32>
          %parallel_loop3A_154 = arith.addf %parallel_loop3A_150, %parallel_loop3A_153 : vector<16xf32>
          %parallel_loop3A_155 = vector.shape_cast %broadcast_in_dim3A_5 : vector<16xi32> to vector<16x1xi32>
          %parallel_loop3A_156 = vector.shape_cast %parallel_loop3A_155 : vector<16x1xi32> to vector<16xi32>
          %parallel_loop3A_157 = tpu.dynamic_gather %parallel_loop3A_147[%parallel_loop3A_156] in [0] : vector<16xf32>, vector<16xi32> -> vector<16xf32>
          %parallel_loop3A_158 = arith.addf %parallel_loop3A_154, %parallel_loop3A_157 : vector<16xf32>
          %parallel_loop3A_159 = arith.index_cast %parallel_loop3A_137 : i32 to index
          %parallel_loop3A_160 = arith.constant 0 : index
          %parallel_loop3A_161 = tpu.vector_load %arg17[%parallel_loop3A_159, %parallel_loop3A_160] {strides = array<i32>} : memref<80x128xf32, #tpu.memory_space<vmem>>, vector<1x16xf32>,
          %parallel_loop3A_162 = vector.shape_cast %parallel_loop3A_161 : vector<1x16xf32> to vector<16xf32>
          %parallel_loop3A_163 = arith.index_cast %parallel_loop3A_137 : i32 to index
          %parallel_loop3A_164 = arith.constant 0 : index
          %parallel_loop3A_165 = tpu.vector_load %arg18[%parallel_loop3A_163, %parallel_loop3A_164] {strides = array<i32>} : memref<80x128xf32, #tpu.memory_space<vmem>>, vector<1x16xf32>,
          %parallel_loop3A_166 = vector.shape_cast %parallel_loop3A_165 : vector<1x16xf32> to vector<16xf32>
          %parallel_loop3A_167 = arith.addf %parallel_loop3A_162, %parallel_loop3A_166 : vector<16xf32>
          %parallel_loop3A_168 = arith.mulf %parallel_loop3A_158, %get3A_94 : vector<16xf32>
          %parallel_loop3A_169 = arith.addf %parallel_loop3A_167, %parallel_loop3A_168 : vector<16xf32>
          %parallel_loop3A_170 = arith.index_cast %parallel_loop3A_137 : i32 to index
          %parallel_loop3A_171 = arith.constant 0 : index
          %parallel_loop3A_172 = tpu.vector_load %arg17[%parallel_loop3A_170, %parallel_loop3A_171] {strides = array<i32>} : memref<80x128xf32, #tpu.memory_space<vmem>>, vector<1x16xf32>,
          %parallel_loop3A_173 = vector.shape_cast %parallel_loop3A_172 : vector<1x16xf32> to vector<16xf32>
          %parallel_loop3A_174 = vector.shape_cast %parallel_loop3A_169 : vector<16xf32> to vector<1x16xf32>
          tpu.vector_store %arg17[%parallel_loop3A_170, %parallel_loop3A_171], %parallel_loop3A_174 {strides = array<i32>} : memref<80x128xf32, #tpu.memory_space<vmem>>, vector<1x16xf32>,
          %parallel_loop3A_175 = arith.index_cast %parallel_loop3A_137 : i32 to index
          %parallel_loop3A_176 = arith.constant 16 : index
          %parallel_loop3A_177 = tpu.vector_load %arg17[%parallel_loop3A_175, %parallel_loop3A_176] {strides = array<i32>} : memref<80x128xf32, #tpu.memory_space<vmem>>, vector<1x16xf32>,
          %parallel_loop3A_178 = vector.shape_cast %parallel_loop3A_177 : vector<1x16xf32> to vector<16xf32>
          %parallel_loop3A_179 = arith.index_cast %parallel_loop3A_137 : i32 to index
          %parallel_loop3A_180 = arith.constant 16 : index
          %parallel_loop3A_181 = tpu.vector_load %arg18[%parallel_loop3A_179, %parallel_loop3A_180] {strides = array<i32>} : memref<80x128xf32, #tpu.memory_space<vmem>>, vector<1x16xf32>,
          %parallel_loop3A_182 = vector.shape_cast %parallel_loop3A_181 : vector<1x16xf32> to vector<16xf32>
          %parallel_loop3A_183 = arith.addf %parallel_loop3A_178, %parallel_loop3A_182 : vector<16xf32>
          %parallel_loop3A_184 = arith.mulf %parallel_loop3A_158, %get3A_99 : vector<16xf32>
          %parallel_loop3A_185 = arith.addf %parallel_loop3A_183, %parallel_loop3A_184 : vector<16xf32>
          %parallel_loop3A_186 = arith.index_cast %parallel_loop3A_137 : i32 to index
          %parallel_loop3A_187 = arith.constant 16 : index
          %parallel_loop3A_188 = tpu.vector_load %arg17[%parallel_loop3A_186, %parallel_loop3A_187] {strides = array<i32>} : memref<80x128xf32, #tpu.memory_space<vmem>>, vector<1x16xf32>,
          %parallel_loop3A_189 = vector.shape_cast %parallel_loop3A_188 : vector<1x16xf32> to vector<16xf32>
          %parallel_loop3A_190 = vector.shape_cast %parallel_loop3A_185 : vector<16xf32> to vector<1x16xf32>
          tpu.vector_store %arg17[%parallel_loop3A_186, %parallel_loop3A_187], %parallel_loop3A_190 {strides = array<i32>} : memref<80x128xf32, #tpu.memory_space<vmem>>, vector<1x16xf32>,
          %parallel_loop3A_191 = arith.index_cast %parallel_loop3A_137 : i32 to index
          %parallel_loop3A_192 = arith.constant 32 : index
          %parallel_loop3A_193 = tpu.vector_load %arg17[%parallel_loop3A_191, %parallel_loop3A_192] {strides = array<i32>} : memref<80x128xf32, #tpu.memory_space<vmem>>, vector<1x16xf32>,
          %parallel_loop3A_194 = vector.shape_cast %parallel_loop3A_193 : vector<1x16xf32> to vector<16xf32>
          %parallel_loop3A_195 = arith.index_cast %parallel_loop3A_137 : i32 to index
          %parallel_loop3A_196 = arith.constant 32 : index
          %parallel_loop3A_197 = tpu.vector_load %arg18[%parallel_loop3A_195, %parallel_loop3A_196] {strides = array<i32>} : memref<80x128xf32, #tpu.memory_space<vmem>>, vector<1x16xf32>,
          %parallel_loop3A_198 = vector.shape_cast %parallel_loop3A_197 : vector<1x16xf32> to vector<16xf32>
          %parallel_loop3A_199 = arith.addf %parallel_loop3A_194, %parallel_loop3A_198 : vector<16xf32>
          %parallel_loop3A_200 = arith.mulf %parallel_loop3A_158, %get3A_104 : vector<16xf32>
          %parallel_loop3A_201 = arith.addf %parallel_loop3A_199, %parallel_loop3A_200 : vector<16xf32>
          %parallel_loop3A_202 = arith.index_cast %parallel_loop3A_137 : i32 to index
          %parallel_loop3A_203 = arith.constant 32 : index
          %parallel_loop3A_204 = tpu.vector_load %arg17[%parallel_loop3A_202, %parallel_loop3A_203] {strides = array<i32>} : memref<80x128xf32, #tpu.memory_space<vmem>>, vector<1x16xf32>,
          %parallel_loop3A_205 = vector.shape_cast %parallel_loop3A_204 : vector<1x16xf32> to vector<16xf32>
          %parallel_loop3A_206 = vector.shape_cast %parallel_loop3A_201 : vector<16xf32> to vector<1x16xf32>
          tpu.vector_store %arg17[%parallel_loop3A_202, %parallel_loop3A_203], %parallel_loop3A_206 {strides = array<i32>} : memref<80x128xf32, #tpu.memory_space<vmem>>, vector<1x16xf32>,
          %parallel_loop3A_207 = arith.index_cast %parallel_loop3A_137 : i32 to index
          %parallel_loop3A_208 = arith.constant 48 : index
          %parallel_loop3A_209 = tpu.vector_load %arg17[%parallel_loop3A_207, %parallel_loop3A_208] {strides = array<i32>} : memref<80x128xf32, #tpu.memory_space<vmem>>, vector<1x16xf32>,
          %parallel_loop3A_210 = vector.shape_cast %parallel_loop3A_209 : vector<1x16xf32> to vector<16xf32>
          %parallel_loop3A_211 = arith.index_cast %parallel_loop3A_137 : i32 to index
          %parallel_loop3A_212 = arith.constant 48 : index
          %parallel_loop3A_213 = tpu.vector_load %arg18[%parallel_loop3A_211, %parallel_loop3A_212] {strides = array<i32>} : memref<80x128xf32, #tpu.memory_space<vmem>>, vector<1x16xf32>,
          %parallel_loop3A_214 = vector.shape_cast %parallel_loop3A_213 : vector<1x16xf32> to vector<16xf32>
          %parallel_loop3A_215 = arith.addf %parallel_loop3A_210, %parallel_loop3A_214 : vector<16xf32>
          %parallel_loop3A_216 = arith.mulf %parallel_loop3A_158, %get3A_109 : vector<16xf32>
          %parallel_loop3A_217 = arith.addf %parallel_loop3A_215, %parallel_loop3A_216 : vector<16xf32>
          %parallel_loop3A_218 = arith.index_cast %parallel_loop3A_137 : i32 to index
          %parallel_loop3A_219 = arith.constant 48 : index
          %parallel_loop3A_220 = tpu.vector_load %arg17[%parallel_loop3A_218, %parallel_loop3A_219] {strides = array<i32>} : memref<80x128xf32, #tpu.memory_space<vmem>>, vector<1x16xf32>,
          %parallel_loop3A_221 = vector.shape_cast %parallel_loop3A_220 : vector<1x16xf32> to vector<16xf32>
          %parallel_loop3A_222 = vector.shape_cast %parallel_loop3A_217 : vector<16xf32> to vector<1x16xf32>
          tpu.vector_store %arg17[%parallel_loop3A_218, %parallel_loop3A_219], %parallel_loop3A_222 {strides = array<i32>} : memref<80x128xf32, #tpu.memory_space<vmem>>, vector<1x16xf32>,
          %parallel_loop3A_223 = arith.index_cast %parallel_loop3A_137 : i32 to index
          %parallel_loop3A_224 = arith.constant 64 : index
          %parallel_loop3A_225 = tpu.vector_load %arg17[%parallel_loop3A_223, %parallel_loop3A_224] {strides = array<i32>} : memref<80x128xf32, #tpu.memory_space<vmem>>, vector<1x16xf32>,
          %parallel_loop3A_226 = vector.shape_cast %parallel_loop3A_225 : vector<1x16xf32> to vector<16xf32>
          %parallel_loop3A_227 = arith.index_cast %parallel_loop3A_137 : i32 to index
          %parallel_loop3A_228 = arith.constant 64 : index
          %parallel_loop3A_229 = tpu.vector_load %arg18[%parallel_loop3A_227, %parallel_loop3A_228] {strides = array<i32>} : memref<80x128xf32, #tpu.memory_space<vmem>>, vector<1x16xf32>,
          %parallel_loop3A_230 = vector.shape_cast %parallel_loop3A_229 : vector<1x16xf32> to vector<16xf32>
          %parallel_loop3A_231 = arith.addf %parallel_loop3A_226, %parallel_loop3A_230 : vector<16xf32>
          %parallel_loop3A_232 = arith.mulf %parallel_loop3A_158, %get3A_114 : vector<16xf32>
          %parallel_loop3A_233 = arith.addf %parallel_loop3A_231, %parallel_loop3A_232 : vector<16xf32>
          %parallel_loop3A_234 = arith.index_cast %parallel_loop3A_137 : i32 to index
          %parallel_loop3A_235 = arith.constant 64 : index
          %parallel_loop3A_236 = tpu.vector_load %arg17[%parallel_loop3A_234, %parallel_loop3A_235] {strides = array<i32>} : memref<80x128xf32, #tpu.memory_space<vmem>>, vector<1x16xf32>,
          %parallel_loop3A_237 = vector.shape_cast %parallel_loop3A_236 : vector<1x16xf32> to vector<16xf32>
          %parallel_loop3A_238 = vector.shape_cast %parallel_loop3A_233 : vector<16xf32> to vector<1x16xf32>
          tpu.vector_store %arg17[%parallel_loop3A_234, %parallel_loop3A_235], %parallel_loop3A_238 {strides = array<i32>} : memref<80x128xf32, #tpu.memory_space<vmem>>, vector<1x16xf32>,
          %parallel_loop3A_239 = arith.index_cast %parallel_loop3A_137 : i32 to index
          %parallel_loop3A_240 = arith.constant 80 : index
          %parallel_loop3A_241 = tpu.vector_load %arg17[%parallel_loop3A_239, %parallel_loop3A_240] {strides = array<i32>} : memref<80x128xf32, #tpu.memory_space<vmem>>, vector<1x16xf32>,
          %parallel_loop3A_242 = vector.shape_cast %parallel_loop3A_241 : vector<1x16xf32> to vector<16xf32>
          %parallel_loop3A_243 = arith.index_cast %parallel_loop3A_137 : i32 to index
          %parallel_loop3A_244 = arith.constant 80 : index
          %parallel_loop3A_245 = tpu.vector_load %arg18[%parallel_loop3A_243, %parallel_loop3A_244] {strides = array<i32>} : memref<80x128xf32, #tpu.memory_space<vmem>>, vector<1x16xf32>,
          %parallel_loop3A_246 = vector.shape_cast %parallel_loop3A_245 : vector<1x16xf32> to vector<16xf32>
          %parallel_loop3A_247 = arith.addf %parallel_loop3A_242, %parallel_loop3A_246 : vector<16xf32>
          %parallel_loop3A_248 = arith.mulf %parallel_loop3A_158, %get3A_119 : vector<16xf32>
          %parallel_loop3A_249 = arith.addf %parallel_loop3A_247, %parallel_loop3A_248 : vector<16xf32>
          %parallel_loop3A_250 = arith.index_cast %parallel_loop3A_137 : i32 to index
          %parallel_loop3A_251 = arith.constant 80 : index
          %parallel_loop3A_252 = tpu.vector_load %arg17[%parallel_loop3A_250, %parallel_loop3A_251] {strides = array<i32>} : memref<80x128xf32, #tpu.memory_space<vmem>>, vector<1x16xf32>,
          %parallel_loop3A_253 = vector.shape_cast %parallel_loop3A_252 : vector<1x16xf32> to vector<16xf32>
          %parallel_loop3A_254 = vector.shape_cast %parallel_loop3A_249 : vector<16xf32> to vector<1x16xf32>
          tpu.vector_store %arg17[%parallel_loop3A_250, %parallel_loop3A_251], %parallel_loop3A_254 {strides = array<i32>} : memref<80x128xf32, #tpu.memory_space<vmem>>, vector<1x16xf32>,
          %parallel_loop3A_255 = arith.index_cast %parallel_loop3A_137 : i32 to index
          %parallel_loop3A_256 = arith.constant 96 : index
          %parallel_loop3A_257 = tpu.vector_load %arg17[%parallel_loop3A_255, %parallel_loop3A_256] {strides = array<i32>} : memref<80x128xf32, #tpu.memory_space<vmem>>, vector<1x16xf32>,
          %parallel_loop3A_258 = vector.shape_cast %parallel_loop3A_257 : vector<1x16xf32> to vector<16xf32>
          %parallel_loop3A_259 = arith.index_cast %parallel_loop3A_137 : i32 to index
          %parallel_loop3A_260 = arith.constant 96 : index
          %parallel_loop3A_261 = tpu.vector_load %arg18[%parallel_loop3A_259, %parallel_loop3A_260] {strides = array<i32>} : memref<80x128xf32, #tpu.memory_space<vmem>>, vector<1x16xf32>,
          %parallel_loop3A_262 = vector.shape_cast %parallel_loop3A_261 : vector<1x16xf32> to vector<16xf32>
          %parallel_loop3A_263 = arith.addf %parallel_loop3A_258, %parallel_loop3A_262 : vector<16xf32>
          %parallel_loop3A_264 = arith.mulf %parallel_loop3A_158, %get3A_124 : vector<16xf32>
          %parallel_loop3A_265 = arith.addf %parallel_loop3A_263, %parallel_loop3A_264 : vector<16xf32>
          %parallel_loop3A_266 = arith.index_cast %parallel_loop3A_137 : i32 to index
          %parallel_loop3A_267 = arith.constant 96 : index
          %parallel_loop3A_268 = tpu.vector_load %arg17[%parallel_loop3A_266, %parallel_loop3A_267] {strides = array<i32>} : memref<80x128xf32, #tpu.memory_space<vmem>>, vector<1x16xf32>,
          %parallel_loop3A_269 = vector.shape_cast %parallel_loop3A_268 : vector<1x16xf32> to vector<16xf32>
          %parallel_loop3A_270 = vector.shape_cast %parallel_loop3A_265 : vector<16xf32> to vector<1x16xf32>
          tpu.vector_store %arg17[%parallel_loop3A_266, %parallel_loop3A_267], %parallel_loop3A_270 {strides = array<i32>} : memref<80x128xf32, #tpu.memory_space<vmem>>, vector<1x16xf32>,
          %parallel_loop3A_271 = arith.index_cast %parallel_loop3A_137 : i32 to index
          %parallel_loop3A_272 = arith.constant 112 : index
          %parallel_loop3A_273 = tpu.vector_load %arg17[%parallel_loop3A_271, %parallel_loop3A_272] {strides = array<i32>} : memref<80x128xf32, #tpu.memory_space<vmem>>, vector<1x16xf32>,
          %parallel_loop3A_274 = vector.shape_cast %parallel_loop3A_273 : vector<1x16xf32> to vector<16xf32>
          %parallel_loop3A_275 = arith.index_cast %parallel_loop3A_137 : i32 to index
          %parallel_loop3A_276 = arith.constant 112 : index
          %parallel_loop3A_277 = tpu.vector_load %arg18[%parallel_loop3A_275, %parallel_loop3A_276] {strides = array<i32>} : memref<80x128xf32, #tpu.memory_space<vmem>>, vector<1x16xf32>,
          %parallel_loop3A_278 = vector.shape_cast %parallel_loop3A_277 : vector<1x16xf32> to vector<16xf32>
          %parallel_loop3A_279 = arith.addf %parallel_loop3A_274, %parallel_loop3A_278 : vector<16xf32>
          %parallel_loop3A_280 = arith.mulf %parallel_loop3A_158, %get3A_129 : vector<16xf32>
          %parallel_loop3A_281 = arith.addf %parallel_loop3A_279, %parallel_loop3A_280 : vector<16xf32>
          %parallel_loop3A_282 = arith.index_cast %parallel_loop3A_137 : i32 to index
          %parallel_loop3A_283 = arith.constant 112 : index
          %parallel_loop3A_284 = tpu.vector_load %arg17[%parallel_loop3A_282, %parallel_loop3A_283] {strides = array<i32>} : memref<80x128xf32, #tpu.memory_space<vmem>>, vector<1x16xf32>,
          %parallel_loop3A_285 = vector.shape_cast %parallel_loop3A_284 : vector<1x16xf32> to vector<16xf32>
          %parallel_loop3A_286 = vector.shape_cast %parallel_loop3A_281 : vector<16xf32> to vector<1x16xf32>
          tpu.vector_store %arg17[%parallel_loop3A_282, %parallel_loop3A_283], %parallel_loop3A_286 {strides = array<i32>} : memref<80x128xf32, #tpu.memory_space<vmem>>, vector<1x16xf32>,
        } {sc.loop_unroll_factor = 4 : i64, sc.parallel_access}
        %mul3A_132 = arith.constant 4960 : i32
        %mul3A_133 = arith.muli %add3A, %mul3A_132 : i32
        %mul3A_134 = arith.constant 80 : i32
        %mul3A_135 = arith.muli %add3A_55, %mul3A_134 : i32
        %add3A_136 = arith.addi %mul3A_133, %mul3A_135 : i32
        "tpu.region"() ({
          %run_scoped3A = tpu.sem_alloc : memref<!tpu.dma_semaphore, #tpu.memory_space<semaphore_mem>>
          %dma_start3A_137 = arith.constant 0 : i32
          %dma_start3A_138 = tpu.memref_slice %arg8[%add3A_136, %dma_start3A_137] : memref<158720x128xf32, #tpu.memory_space<hbm>> -> memref<80x128xf32, #tpu.memory_space<hbm>>
          %dma_start3A_139 = arith.constant 0 : i32
          %dma_start3A_140 = tpu.memref_slice %arg8[%add3A_136, %dma_start3A_139] : memref<158720x128xf32, #tpu.memory_space<hbm>> -> memref<80x128xf32, #tpu.memory_space<hbm>>
          tpu.enqueue_dma source(%arg17 : memref<80x128xf32, #tpu.memory_space<vmem>>) target(%dma_start3A_140 : memref<80x128xf32, #tpu.memory_space<hbm>>) target_semaphore(%run_scoped3A : memref<!tpu.dma_semaphore, #tpu.memory_space<semaphore_mem>>)
          %dma_wait3A_141 = arith.constant 0 : i32
          %dma_wait3A_142 = tpu.memref_slice %arg8[%add3A_136, %dma_wait3A_141] : memref<158720x128xf32, #tpu.memory_space<hbm>> -> memref<80x128xf32, #tpu.memory_space<hbm>>
          %dma_wait3A_143 = arith.constant 0 : i32
          %dma_wait3A_144 = tpu.memref_slice %arg8[%add3A_136, %dma_wait3A_143] : memref<158720x128xf32, #tpu.memory_space<hbm>> -> memref<80x128xf32, #tpu.memory_space<hbm>>
          tpu.wait_dma2 semaphore(%run_scoped3A : memref<!tpu.dma_semaphore, #tpu.memory_space<semaphore_mem>>) src(%arg17 : memref<80x128xf32, #tpu.memory_space<vmem>>) dst(%dma_wait3A_144 : memref<80x128xf32, #tpu.memory_space<hbm>>)
          tpu.yield
        }) : () -> ()
      } else {
      }
    }
    %scan3A_37 = arith.constant 31 : i32
    return
  }
}

#map = affine_map<(d0, d1) -> (0, 0)>
#map1 = affine_map<(d0, d1) -> (0, 0, 0)>
module attributes {stable_mosaic.version = 14 : i64} {
  func.func @_sc_scatter_body(%arg0: i32, %arg1: i32, %arg2: memref<158720x128xf32, #tpu.memory_space<hbm>>, %arg3: memref<158720x16xf32, #tpu.memory_space<hbm>>, %arg4: memref<10000x16xf32, #tpu.memory_space<hbm>>, %arg5: memref<32x62x80xi32, #tpu.memory_space<hbm>>, %arg6: memref<32x62x80xi32, #tpu.memory_space<hbm>>, %arg7: memref<20000x128xf32, #tpu.memory_space<hbm>>, %arg8: memref<20000x16xf32, #tpu.memory_space<hbm>>, %arg9: memref<20000x128xf32, #tpu.memory_space<hbm>>, %arg10: memref<20000x16xf32, #tpu.memory_space<hbm>>, %arg11: memref<62x80xi32, #tpu.memory_space<vmem>>, %arg12: memref<62x80xi32, #tpu.memory_space<vmem>>, %arg13: memref<80x128xf32, #tpu.memory_space<vmem>>, %arg14: memref<80x16xf32, #tpu.memory_space<vmem>>, %arg15: memref<80x16xf32, #tpu.memory_space<vmem>>, %arg16: memref<80x16xf32, #tpu.memory_space<vmem>>, %arg17: memref<!tpu.dma_semaphore, #tpu.memory_space<semaphore_mem>>, %arg18: memref<80x128xf32, #tpu.memory_space<vmem>>, %arg19: memref<80x16xf32, #tpu.memory_space<vmem>>, %arg20: memref<80x16xf32, #tpu.memory_space<vmem>>, %arg21: memref<80x16xf32, #tpu.memory_space<vmem>>, %arg22: memref<!tpu.dma_semaphore, #tpu.memory_space<semaphore_mem>>, %arg23: memref<10000x128xf32, #tpu.memory_space<vmem_shared>>, %arg24: memref<10000x16xf32, #tpu.memory_space<vmem_shared>>) attributes {dimension_semantics = [#tpu.dimension_semantics<core_parallel>, #tpu.dimension_semantics<subcore_parallel>], iteration_bounds = array<i64: 2, 16>, scalar_prefetch = 0 : i64, scratch_operands = 14 : i64, tpu.core_type = #tpu.core_type<sc_vector_subcore>, window_params = [{transform_indices = #map}, {transform_indices = #map}, {transform_indices = #map}, {transform_indices = #map1}, {transform_indices = #map1}, {transform_indices = #map}, {transform_indices = #map}, {transform_indices = #map}, {transform_indices = #map}]} {
    %mul3A = arith.constant 2 : i32
    %mul3A_0 = arith.muli %arg1, %mul3A : i32
    %add3A = arith.addi %mul3A_0, %arg0 : i32
    %mul3A_1 = arith.constant 625 : i32
    %mul3A_2 = arith.muli %arg1, %mul3A_1 : i32
    %mul3A_3 = arith.constant 10000 : i32
    %mul3A_4 = arith.muli %arg0, %mul3A_3 : i32
    %add3A_5 = arith.addi %mul3A_4, %mul3A_2 : i32
    "tpu.region"() ({
      %run_scoped3A = tpu.sem_alloc : memref<!tpu.dma_semaphore, #tpu.memory_space<semaphore_mem>>
      %dma_start3A_41 = arith.constant 0 : i32
      %dma_start3A_42 = arith.constant 0 : i32
      %dma_start3A_43 = tpu.memref_slice %arg5[%add3A, %dma_start3A_41, %dma_start3A_42] : memref<32x62x80xi32, #tpu.memory_space<hbm>> -> memref<1x62x80xi32, #tpu.memory_space<hbm>>
      %dma_start3A_44 = tpu.memref_squeeze %dma_start3A_43 : memref<1x62x80xi32, #tpu.memory_space<hbm>> -> memref<62x80xi32, #tpu.memory_space<hbm>>
      %dma_start3A_45 = arith.constant 0 : i32
      %dma_start3A_46 = arith.constant 0 : i32
      %dma_start3A_47 = tpu.memref_slice %arg5[%add3A, %dma_start3A_45, %dma_start3A_46] : memref<32x62x80xi32, #tpu.memory_space<hbm>> -> memref<1x62x80xi32, #tpu.memory_space<hbm>>
      %dma_start3A_48 = tpu.memref_squeeze %dma_start3A_47 : memref<1x62x80xi32, #tpu.memory_space<hbm>> -> memref<62x80xi32, #tpu.memory_space<hbm>>
      tpu.enqueue_dma source(%dma_start3A_48 : memref<62x80xi32, #tpu.memory_space<hbm>>) target(%arg11 : memref<62x80xi32, #tpu.memory_space<vmem>>) target_semaphore(%run_scoped3A : memref<!tpu.dma_semaphore, #tpu.memory_space<semaphore_mem>>)
      %dma_wait3A = arith.constant 0 : i32
      %dma_wait3A_49 = arith.constant 0 : i32
      %dma_wait3A_50 = tpu.memref_slice %arg5[%add3A, %dma_wait3A, %dma_wait3A_49] : memref<32x62x80xi32, #tpu.memory_space<hbm>> -> memref<1x62x80xi32, #tpu.memory_space<hbm>>
      %dma_wait3A_51 = tpu.memref_squeeze %dma_wait3A_50 : memref<1x62x80xi32, #tpu.memory_space<hbm>> -> memref<62x80xi32, #tpu.memory_space<hbm>>
      %dma_wait3A_52 = arith.constant 0 : i32
      %dma_wait3A_53 = arith.constant 0 : i32
      %dma_wait3A_54 = tpu.memref_slice %arg5[%add3A, %dma_wait3A_52, %dma_wait3A_53] : memref<32x62x80xi32, #tpu.memory_space<hbm>> -> memref<1x62x80xi32, #tpu.memory_space<hbm>>
      %dma_wait3A_55 = tpu.memref_squeeze %dma_wait3A_54 : memref<1x62x80xi32, #tpu.memory_space<hbm>> -> memref<62x80xi32, #tpu.memory_space<hbm>>
      tpu.wait_dma2 semaphore(%run_scoped3A : memref<!tpu.dma_semaphore, #tpu.memory_space<semaphore_mem>>) src(%dma_wait3A_55 : memref<62x80xi32, #tpu.memory_space<hbm>>) dst(%arg11 : memref<62x80xi32, #tpu.memory_space<vmem>>)
      tpu.yield
    }) : () -> ()
    "tpu.region"() ({
      %run_scoped3A = tpu.sem_alloc : memref<!tpu.dma_semaphore, #tpu.memory_space<semaphore_mem>>
      %dma_start3A_41 = arith.constant 0 : i32
      %dma_start3A_42 = arith.constant 0 : i32
      %dma_start3A_43 = tpu.memref_slice %arg6[%add3A, %dma_start3A_41, %dma_start3A_42] : memref<32x62x80xi32, #tpu.memory_space<hbm>> -> memref<1x62x80xi32, #tpu.memory_space<hbm>>
      %dma_start3A_44 = tpu.memref_squeeze %dma_start3A_43 : memref<1x62x80xi32, #tpu.memory_space<hbm>> -> memref<62x80xi32, #tpu.memory_space<hbm>>
      %dma_start3A_45 = arith.constant 0 : i32
      %dma_start3A_46 = arith.constant 0 : i32
      %dma_start3A_47 = tpu.memref_slice %arg6[%add3A, %dma_start3A_45, %dma_start3A_46] : memref<32x62x80xi32, #tpu.memory_space<hbm>> -> memref<1x62x80xi32, #tpu.memory_space<hbm>>
      %dma_start3A_48 = tpu.memref_squeeze %dma_start3A_47 : memref<1x62x80xi32, #tpu.memory_space<hbm>> -> memref<62x80xi32, #tpu.memory_space<hbm>>
      tpu.enqueue_dma source(%dma_start3A_48 : memref<62x80xi32, #tpu.memory_space<hbm>>) target(%arg12 : memref<62x80xi32, #tpu.memory_space<vmem>>) target_semaphore(%run_scoped3A : memref<!tpu.dma_semaphore, #tpu.memory_space<semaphore_mem>>)
      %dma_wait3A = arith.constant 0 : i32
      %dma_wait3A_49 = arith.constant 0 : i32
      %dma_wait3A_50 = tpu.memref_slice %arg6[%add3A, %dma_wait3A, %dma_wait3A_49] : memref<32x62x80xi32, #tpu.memory_space<hbm>> -> memref<1x62x80xi32, #tpu.memory_space<hbm>>
      %dma_wait3A_51 = tpu.memref_squeeze %dma_wait3A_50 : memref<1x62x80xi32, #tpu.memory_space<hbm>> -> memref<62x80xi32, #tpu.memory_space<hbm>>
      %dma_wait3A_52 = arith.constant 0 : i32
      %dma_wait3A_53 = arith.constant 0 : i32
      %dma_wait3A_54 = tpu.memref_slice %arg6[%add3A, %dma_wait3A_52, %dma_wait3A_53] : memref<32x62x80xi32, #tpu.memory_space<hbm>> -> memref<1x62x80xi32, #tpu.memory_space<hbm>>
      %dma_wait3A_55 = tpu.memref_squeeze %dma_wait3A_54 : memref<1x62x80xi32, #tpu.memory_space<hbm>> -> memref<62x80xi32, #tpu.memory_space<hbm>>
      tpu.wait_dma2 semaphore(%run_scoped3A : memref<!tpu.dma_semaphore, #tpu.memory_space<semaphore_mem>>) src(%dma_wait3A_55 : memref<62x80xi32, #tpu.memory_space<hbm>>) dst(%arg12 : memref<62x80xi32, #tpu.memory_space<vmem>>)
      tpu.yield
    }) : () -> ()
    "tpu.region"() ({
      %run_scoped3A = tpu.sem_alloc : memref<!tpu.dma_semaphore, #tpu.memory_space<semaphore_mem>>
      %dma_start3A_41 = arith.constant 0 : i32
      %dma_start3A_42 = tpu.memref_slice %arg23[%mul3A_2, %dma_start3A_41] : memref<10000x128xf32, #tpu.memory_space<vmem_shared>> -> memref<625x128xf32, #tpu.memory_space<vmem_shared>>
      %dma_start3A_43 = arith.constant 0 : i32
      %dma_start3A_44 = tpu.memref_slice %arg7[%add3A_5, %dma_start3A_43] : memref<20000x128xf32, #tpu.memory_space<hbm>> -> memref<625x128xf32, #tpu.memory_space<hbm>>
      tpu.enqueue_dma source(%dma_start3A_44 : memref<625x128xf32, #tpu.memory_space<hbm>>) target(%dma_start3A_42 : memref<625x128xf32, #tpu.memory_space<vmem_shared>>) target_semaphore(%run_scoped3A : memref<!tpu.dma_semaphore, #tpu.memory_space<semaphore_mem>>)
      %dma_wait3A = arith.constant 0 : i32
      %dma_wait3A_45 = tpu.memref_slice %arg23[%mul3A_2, %dma_wait3A] : memref<10000x128xf32, #tpu.memory_space<vmem_shared>> -> memref<625x128xf32, #tpu.memory_space<vmem_shared>>
      %dma_wait3A_46 = arith.constant 0 : i32
      %dma_wait3A_47 = tpu.memref_slice %arg7[%add3A_5, %dma_wait3A_46] : memref<20000x128xf32, #tpu.memory_space<hbm>> -> memref<625x128xf32, #tpu.memory_space<hbm>>
      tpu.wait_dma2 semaphore(%run_scoped3A : memref<!tpu.dma_semaphore, #tpu.memory_space<semaphore_mem>>) src(%dma_wait3A_47 : memref<625x128xf32, #tpu.memory_space<hbm>>) dst(%dma_wait3A_45 : memref<625x128xf32, #tpu.memory_space<vmem_shared>>)
      tpu.yield
    }) : () -> ()
    "tpu.region"() ({
      %run_scoped3A = tpu.sem_alloc : memref<!tpu.dma_semaphore, #tpu.memory_space<semaphore_mem>>
      %dma_start3A_41 = arith.constant 0 : i32
      %dma_start3A_42 = tpu.memref_slice %arg24[%mul3A_2, %dma_start3A_41] : memref<10000x16xf32, #tpu.memory_space<vmem_shared>> -> memref<625x16xf32, #tpu.memory_space<vmem_shared>>
      %dma_start3A_43 = arith.constant 0 : i32
      %dma_start3A_44 = tpu.memref_slice %arg8[%add3A_5, %dma_start3A_43] : memref<20000x16xf32, #tpu.memory_space<hbm>> -> memref<625x16xf32, #tpu.memory_space<hbm>>
      tpu.enqueue_dma source(%dma_start3A_44 : memref<625x16xf32, #tpu.memory_space<hbm>>) target(%dma_start3A_42 : memref<625x16xf32, #tpu.memory_space<vmem_shared>>) target_semaphore(%run_scoped3A : memref<!tpu.dma_semaphore, #tpu.memory_space<semaphore_mem>>)
      %dma_wait3A = arith.constant 0 : i32
      %dma_wait3A_45 = tpu.memref_slice %arg24[%mul3A_2, %dma_wait3A] : memref<10000x16xf32, #tpu.memory_space<vmem_shared>> -> memref<625x16xf32, #tpu.memory_space<vmem_shared>>
      %dma_wait3A_46 = arith.constant 0 : i32
      %dma_wait3A_47 = tpu.memref_slice %arg8[%add3A_5, %dma_wait3A_46] : memref<20000x16xf32, #tpu.memory_space<hbm>> -> memref<625x16xf32, #tpu.memory_space<hbm>>
      tpu.wait_dma2 semaphore(%run_scoped3A : memref<!tpu.dma_semaphore, #tpu.memory_space<semaphore_mem>>) src(%dma_wait3A_47 : memref<625x16xf32, #tpu.memory_space<hbm>>) dst(%dma_wait3A_45 : memref<625x16xf32, #tpu.memory_space<vmem_shared>>)
      tpu.yield
    }) : () -> ()
    %barrier3A = arith.constant 0 : index
    tpu.barrier barrier_id(%barrier3A)
    %broadcast_in_dim3A = arith.constant 0 : i32
    %broadcast_in_dim3A_6 = vector.broadcast %broadcast_in_dim3A : i32 to vector<16xi32>
    %mul3A_7 = arith.constant 4960 : i32
    %mul3A_8 = arith.muli %add3A, %mul3A_7 : i32
    %add3A_9 = arith.constant 0 : i32
    %add3A_10 = arith.addi %mul3A_8, %add3A_9 : i32
    %dma_start3A = arith.constant 0 : i32
    %dma_start3A_11 = tpu.memref_slice %arg2[%add3A_10, %dma_start3A] : memref<158720x128xf32, #tpu.memory_space<hbm>> -> memref<80x128xf32, #tpu.memory_space<hbm>>
    %dma_start3A_12 = arith.constant 0 : i32
    %dma_start3A_13 = tpu.memref_slice %arg2[%add3A_10, %dma_start3A_12] : memref<158720x128xf32, #tpu.memory_space<hbm>> -> memref<80x128xf32, #tpu.memory_space<hbm>>
    tpu.enqueue_dma source(%dma_start3A_13 : memref<80x128xf32, #tpu.memory_space<hbm>>) target(%arg13 : memref<80x128xf32, #tpu.memory_space<vmem>>) target_semaphore(%arg17 : memref<!tpu.dma_semaphore, #tpu.memory_space<semaphore_mem>>)
    %dma_start3A_14 = arith.constant 0 : i32
    %dma_start3A_15 = tpu.memref_slice %arg3[%add3A_10, %dma_start3A_14] : memref<158720x16xf32, #tpu.memory_space<hbm>> -> memref<80x16xf32, #tpu.memory_space<hbm>>
    %dma_start3A_16 = arith.constant 0 : i32
    %dma_start3A_17 = tpu.memref_slice %arg3[%add3A_10, %dma_start3A_16] : memref<158720x16xf32, #tpu.memory_space<hbm>> -> memref<80x16xf32, #tpu.memory_space<hbm>>
    tpu.enqueue_dma source(%dma_start3A_17 : memref<80x16xf32, #tpu.memory_space<hbm>>) target(%arg14 : memref<80x16xf32, #tpu.memory_space<vmem>>) target_semaphore(%arg17 : memref<!tpu.dma_semaphore, #tpu.memory_space<semaphore_mem>>)
    %dma_start3A_18 = arith.constant 0 : i32
    %dma_start3A_19 = arith.constant 0 : i32
    %dma_start3A_20 = tpu.memref_slice %arg11[%dma_start3A_18, %dma_start3A_19] : memref<62x80xi32, #tpu.memory_space<vmem>> -> memref<1x80xi32, #tpu.memory_space<vmem>>
    %dma_start3A_21 = tpu.memref_squeeze %dma_start3A_20 : memref<1x80xi32, #tpu.memory_space<vmem>> -> memref<80xi32, #tpu.memory_space<vmem>>
    %dma_start3A_22 = arith.constant 0 : i32
    %dma_start3A_23 = arith.constant 0 : i32
    %dma_start3A_24 = tpu.memref_slice %arg4[%dma_start3A_22, %dma_start3A_23] : memref<10000x16xf32, #tpu.memory_space<hbm>> -> memref<10000x16xf32, #tpu.memory_space<hbm>>
    tpu.enqueue_indirect_dma source(%dma_start3A_24 : memref<10000x16xf32, #tpu.memory_space<hbm>>) target(%arg15 : memref<80x16xf32, #tpu.memory_space<vmem>>) offsets(%dma_start3A_21 : memref<80xi32, #tpu.memory_space<vmem>>) semaphore(%arg17 : memref<!tpu.dma_semaphore, #tpu.memory_space<semaphore_mem>>)
    %dma_start3A_25 = arith.constant 0 : i32
    %dma_start3A_26 = arith.constant 0 : i32
    %dma_start3A_27 = tpu.memref_slice %arg12[%dma_start3A_25, %dma_start3A_26] : memref<62x80xi32, #tpu.memory_space<vmem>> -> memref<1x80xi32, #tpu.memory_space<vmem>>
    %dma_start3A_28 = tpu.memref_squeeze %dma_start3A_27 : memref<1x80xi32, #tpu.memory_space<vmem>> -> memref<80xi32, #tpu.memory_space<vmem>>
    %dma_start3A_29 = arith.constant 0 : i32
    %dma_start3A_30 = arith.constant 0 : i32
    %dma_start3A_31 = tpu.memref_slice %arg4[%dma_start3A_29, %dma_start3A_30] : memref<10000x16xf32, #tpu.memory_space<hbm>> -> memref<10000x16xf32, #tpu.memory_space<hbm>>
    tpu.enqueue_indirect_dma source(%dma_start3A_31 : memref<10000x16xf32, #tpu.memory_space<hbm>>) target(%arg16 : memref<80x16xf32, #tpu.memory_space<vmem>>) offsets(%dma_start3A_28 : memref<80xi32, #tpu.memory_space<vmem>>) semaphore(%arg17 : memref<!tpu.dma_semaphore, #tpu.memory_space<semaphore_mem>>)
    %scan3A = arith.constant 0 : i32
    %scan3A_32 = arith.constant 0 : i32
    %scan3A_33 = arith.constant 31 : i32
    %scan3A_34 = arith.addi %scan3A_32, %scan3A_33 : i32
    %scan3A_35 = arith.constant 1 : i32
    scf.for %scan3A_41 = %scan3A_32 to %scan3A_34 step %scan3A_35  : i32 {
      %mul3A_42 = arith.constant 2 : i32
      %mul3A_43 = arith.muli %scan3A_41, %mul3A_42 : i32
      %add3A_44 = arith.constant 0 : i32
      %add3A_45 = arith.addi %mul3A_43, %add3A_44 : i32
      %add3A_46 = arith.constant 1 : i32
      %add3A_47 = arith.addi %add3A_45, %add3A_46 : i32
      %lt3A = arith.constant 62 : i32
      %lt3A_48 = arith.cmpi slt, %add3A_47, %lt3A : i32
      %convert_element_type3A = arith.extui %lt3A_48 : i1 to i32
      %cond3A = arith.constant 0 : i32
      %cond3A_49 = arith.cmpi ne, %convert_element_type3A, %cond3A : i32
      scf.if %cond3A_49 {
        %add3A_71 = arith.constant 1 : i32
        %add3A_72 = arith.addi %add3A_45, %add3A_71 : i32
        %mul3A_73 = arith.constant 4960 : i32
        %mul3A_74 = arith.muli %add3A, %mul3A_73 : i32
        %mul3A_75 = arith.constant 80 : i32
        %mul3A_76 = arith.muli %add3A_72, %mul3A_75 : i32
        %add3A_77 = arith.addi %mul3A_74, %mul3A_76 : i32
        %dma_start3A_78 = arith.constant 0 : i32
        %dma_start3A_79 = tpu.memref_slice %arg2[%add3A_77, %dma_start3A_78] : memref<158720x128xf32, #tpu.memory_space<hbm>> -> memref<80x128xf32, #tpu.memory_space<hbm>>
        %dma_start3A_80 = arith.constant 0 : i32
        %dma_start3A_81 = tpu.memref_slice %arg2[%add3A_77, %dma_start3A_80] : memref<158720x128xf32, #tpu.memory_space<hbm>> -> memref<80x128xf32, #tpu.memory_space<hbm>>
        tpu.enqueue_dma source(%dma_start3A_81 : memref<80x128xf32, #tpu.memory_space<hbm>>) target(%arg18 : memref<80x128xf32, #tpu.memory_space<vmem>>) target_semaphore(%arg22 : memref<!tpu.dma_semaphore, #tpu.memory_space<semaphore_mem>>)
        %dma_start3A_82 = arith.constant 0 : i32
        %dma_start3A_83 = tpu.memref_slice %arg3[%add3A_77, %dma_start3A_82] : memref<158720x16xf32, #tpu.memory_space<hbm>> -> memref<80x16xf32, #tpu.memory_space<hbm>>
        %dma_start3A_84 = arith.constant 0 : i32
        %dma_start3A_85 = tpu.memref_slice %arg3[%add3A_77, %dma_start3A_84] : memref<158720x16xf32, #tpu.memory_space<hbm>> -> memref<80x16xf32, #tpu.memory_space<hbm>>
        tpu.enqueue_dma source(%dma_start3A_85 : memref<80x16xf32, #tpu.memory_space<hbm>>) target(%arg19 : memref<80x16xf32, #tpu.memory_space<vmem>>) target_semaphore(%arg22 : memref<!tpu.dma_semaphore, #tpu.memory_space<semaphore_mem>>)
        %dma_start3A_86 = arith.constant 0 : i32
        %dma_start3A_87 = tpu.memref_slice %arg11[%add3A_72, %dma_start3A_86] : memref<62x80xi32, #tpu.memory_space<vmem>> -> memref<1x80xi32, #tpu.memory_space<vmem>>
        %dma_start3A_88 = tpu.memref_squeeze %dma_start3A_87 : memref<1x80xi32, #tpu.memory_space<vmem>> -> memref<80xi32, #tpu.memory_space<vmem>>
        %dma_start3A_89 = arith.constant 0 : i32
        %dma_start3A_90 = arith.constant 0 : i32
        %dma_start3A_91 = tpu.memref_slice %arg4[%dma_start3A_89, %dma_start3A_90] : memref<10000x16xf32, #tpu.memory_space<hbm>> -> memref<10000x16xf32, #tpu.memory_space<hbm>>
        tpu.enqueue_indirect_dma source(%dma_start3A_91 : memref<10000x16xf32, #tpu.memory_space<hbm>>) target(%arg20 : memref<80x16xf32, #tpu.memory_space<vmem>>) offsets(%dma_start3A_88 : memref<80xi32, #tpu.memory_space<vmem>>) semaphore(%arg22 : memref<!tpu.dma_semaphore, #tpu.memory_space<semaphore_mem>>)
        %dma_start3A_92 = arith.constant 0 : i32
        %dma_start3A_93 = tpu.memref_slice %arg12[%add3A_72, %dma_start3A_92] : memref<62x80xi32, #tpu.memory_space<vmem>> -> memref<1x80xi32, #tpu.memory_space<vmem>>
        %dma_start3A_94 = tpu.memref_squeeze %dma_start3A_93 : memref<1x80xi32, #tpu.memory_space<vmem>> -> memref<80xi32, #tpu.memory_space<vmem>>
        %dma_start3A_95 = arith.constant 0 : i32
        %dma_start3A_96 = arith.constant 0 : i32
        %dma_start3A_97 = tpu.memref_slice %arg4[%dma_start3A_95, %dma_start3A_96] : memref<10000x16xf32, #tpu.memory_space<hbm>> -> memref<10000x16xf32, #tpu.memory_space<hbm>>
        tpu.enqueue_indirect_dma source(%dma_start3A_97 : memref<10000x16xf32, #tpu.memory_space<hbm>>) target(%arg21 : memref<80x16xf32, #tpu.memory_space<vmem>>) offsets(%dma_start3A_94 : memref<80xi32, #tpu.memory_space<vmem>>) semaphore(%arg22 : memref<!tpu.dma_semaphore, #tpu.memory_space<semaphore_mem>>)
      } else {
      }
      %lt3A_50 = arith.constant 62 : i32
      %lt3A_51 = arith.cmpi slt, %add3A_45, %lt3A_50 : i32
      %convert_element_type3A_52 = arith.extui %lt3A_51 : i1 to i32
      %cond3A_53 = arith.constant 0 : i32
      %cond3A_54 = arith.cmpi ne, %convert_element_type3A_52, %cond3A_53 : i32
      scf.if %cond3A_54 {
        %mul3A_71 = arith.constant 4960 : i32
        %mul3A_72 = arith.muli %add3A, %mul3A_71 : i32
        %mul3A_73 = arith.constant 80 : i32
        %mul3A_74 = arith.muli %add3A_45, %mul3A_73 : i32
        %add3A_75 = arith.addi %mul3A_72, %mul3A_74 : i32
        %dma_wait3A = arith.constant 0 : i32
        %dma_wait3A_76 = tpu.memref_slice %arg2[%add3A_75, %dma_wait3A] : memref<158720x128xf32, #tpu.memory_space<hbm>> -> memref<80x128xf32, #tpu.memory_space<hbm>>
        %dma_wait3A_77 = arith.constant 0 : i32
        %dma_wait3A_78 = tpu.memref_slice %arg2[%add3A_75, %dma_wait3A_77] : memref<158720x128xf32, #tpu.memory_space<hbm>> -> memref<80x128xf32, #tpu.memory_space<hbm>>
        tpu.wait_dma2 semaphore(%arg17 : memref<!tpu.dma_semaphore, #tpu.memory_space<semaphore_mem>>) src(%dma_wait3A_78 : memref<80x128xf32, #tpu.memory_space<hbm>>) dst(%arg13 : memref<80x128xf32, #tpu.memory_space<vmem>>)
        %dma_wait3A_79 = arith.constant 0 : i32
        %dma_wait3A_80 = tpu.memref_slice %arg3[%add3A_75, %dma_wait3A_79] : memref<158720x16xf32, #tpu.memory_space<hbm>> -> memref<80x16xf32, #tpu.memory_space<hbm>>
        %dma_wait3A_81 = arith.constant 0 : i32
        %dma_wait3A_82 = tpu.memref_slice %arg3[%add3A_75, %dma_wait3A_81] : memref<158720x16xf32, #tpu.memory_space<hbm>> -> memref<80x16xf32, #tpu.memory_space<hbm>>
        tpu.wait_dma2 semaphore(%arg17 : memref<!tpu.dma_semaphore, #tpu.memory_space<semaphore_mem>>) src(%dma_wait3A_82 : memref<80x16xf32, #tpu.memory_space<hbm>>) dst(%arg14 : memref<80x16xf32, #tpu.memory_space<vmem>>)
        %dma_wait3A_83 = arith.constant 0 : i32
        %dma_wait3A_84 = tpu.memref_slice %arg11[%add3A_45, %dma_wait3A_83] : memref<62x80xi32, #tpu.memory_space<vmem>> -> memref<1x80xi32, #tpu.memory_space<vmem>>
        %dma_wait3A_85 = tpu.memref_squeeze %dma_wait3A_84 : memref<1x80xi32, #tpu.memory_space<vmem>> -> memref<80xi32, #tpu.memory_space<vmem>>
        %dma_wait3A_86 = arith.constant 0 : i32
        %dma_wait3A_87 = arith.constant 0 : i32
        %dma_wait3A_88 = tpu.memref_slice %arg4[%dma_wait3A_86, %dma_wait3A_87] : memref<10000x16xf32, #tpu.memory_space<hbm>> -> memref<10000x16xf32, #tpu.memory_space<hbm>>
        tpu.wait_indirect_dma semaphore(%arg17 : memref<!tpu.dma_semaphore, #tpu.memory_space<semaphore_mem>>) src(%dma_wait3A_88 : memref<10000x16xf32, #tpu.memory_space<hbm>>) dst(%arg15 : memref<80x16xf32, #tpu.memory_space<vmem>>)
        %dma_wait3A_89 = arith.constant 0 : i32
        %dma_wait3A_90 = tpu.memref_slice %arg12[%add3A_45, %dma_wait3A_89] : memref<62x80xi32, #tpu.memory_space<vmem>> -> memref<1x80xi32, #tpu.memory_space<vmem>>
        %dma_wait3A_91 = tpu.memref_squeeze %dma_wait3A_90 : memref<1x80xi32, #tpu.memory_space<vmem>> -> memref<80xi32, #tpu.memory_space<vmem>>
        %dma_wait3A_92 = arith.constant 0 : i32
        %dma_wait3A_93 = arith.constant 0 : i32
        %dma_wait3A_94 = tpu.memref_slice %arg4[%dma_wait3A_92, %dma_wait3A_93] : memref<10000x16xf32, #tpu.memory_space<hbm>> -> memref<10000x16xf32, #tpu.memory_space<hbm>>
        tpu.wait_indirect_dma semaphore(%arg17 : memref<!tpu.dma_semaphore, #tpu.memory_space<semaphore_mem>>) src(%dma_wait3A_94 : memref<10000x16xf32, #tpu.memory_space<hbm>>) dst(%arg16 : memref<80x16xf32, #tpu.memory_space<vmem>>)
        %parallel_loop3A = arith.constant 0 : i32
        %parallel_loop3A_95 = arith.constant 80 : i32
        %parallel_loop3A_96 = arith.constant 1 : i32
        scf.for %parallel_loop3A_97 = %parallel_loop3A to %parallel_loop3A_95 step %parallel_loop3A_96  : i32 {
          %parallel_loop3A_98 = arith.index_cast %parallel_loop3A_97 : i32 to index
          %parallel_loop3A_99 = arith.constant 0 : index
          %parallel_loop3A_100 = tpu.vector_load %arg14[%parallel_loop3A_98, %parallel_loop3A_99] {strides = array<i32>} : memref<80x16xf32, #tpu.memory_space<vmem>>, vector<1x16xf32>,
          %parallel_loop3A_101 = vector.shape_cast %parallel_loop3A_100 : vector<1x16xf32> to vector<16xf32>
          %parallel_loop3A_102 = vector.shape_cast %broadcast_in_dim3A_6 : vector<16xi32> to vector<16x1xi32>
          %parallel_loop3A_103 = vector.shape_cast %parallel_loop3A_102 : vector<16x1xi32> to vector<16xi32>
          %parallel_loop3A_104 = tpu.dynamic_gather %parallel_loop3A_101[%parallel_loop3A_103] in [0] : vector<16xf32>, vector<16xi32> -> vector<16xf32>
          %parallel_loop3A_105 = arith.index_cast %parallel_loop3A_97 : i32 to index
          %parallel_loop3A_106 = arith.constant 0 : index
          %parallel_loop3A_107 = tpu.vector_load %arg15[%parallel_loop3A_105, %parallel_loop3A_106] {strides = array<i32>} : memref<80x16xf32, #tpu.memory_space<vmem>>, vector<1x16xf32>,
          %parallel_loop3A_108 = vector.shape_cast %parallel_loop3A_107 : vector<1x16xf32> to vector<16xf32>
          %parallel_loop3A_109 = arith.index_cast %parallel_loop3A_97 : i32 to index
          %parallel_loop3A_110 = arith.constant 0 : index
          %parallel_loop3A_111 = tpu.vector_load %arg16[%parallel_loop3A_109, %parallel_loop3A_110] {strides = array<i32>} : memref<80x16xf32, #tpu.memory_space<vmem>>, vector<1x16xf32>,
          %parallel_loop3A_112 = vector.shape_cast %parallel_loop3A_111 : vector<1x16xf32> to vector<16xf32>
          %parallel_loop3A_113 = arith.subf %parallel_loop3A_108, %parallel_loop3A_112 : vector<16xf32>
          %parallel_loop3A_114 = arith.mulf %parallel_loop3A_113, %parallel_loop3A_104 : vector<16xf32>
          %parallel_loop3A_115 = arith.index_cast %parallel_loop3A_97 : i32 to index
          %parallel_loop3A_116 = arith.constant 0 : index
          %parallel_loop3A_117 = tpu.vector_load %arg14[%parallel_loop3A_115, %parallel_loop3A_116] {strides = array<i32>} : memref<80x16xf32, #tpu.memory_space<vmem>>, vector<1x16xf32>,
          %parallel_loop3A_118 = vector.shape_cast %parallel_loop3A_117 : vector<1x16xf32> to vector<16xf32>
          %parallel_loop3A_119 = vector.shape_cast %parallel_loop3A_114 : vector<16xf32> to vector<1x16xf32>
          tpu.vector_store %arg14[%parallel_loop3A_115, %parallel_loop3A_116], %parallel_loop3A_119 {strides = array<i32>} : memref<80x16xf32, #tpu.memory_space<vmem>>, vector<1x16xf32>,
        } {sc.loop_unroll_factor = 4 : i64, sc.parallel_access}
        "tpu.region"() ({
          %run_scoped3A = tpu.sem_alloc : memref<!tpu.dma_semaphore, #tpu.memory_space<semaphore_mem>>
          %dma_start3A_97 = arith.constant 0 : i32
          %dma_start3A_98 = tpu.memref_slice %arg12[%add3A_45, %dma_start3A_97] : memref<62x80xi32, #tpu.memory_space<vmem>> -> memref<1x80xi32, #tpu.memory_space<vmem>>
          %dma_start3A_99 = tpu.memref_squeeze %dma_start3A_98 : memref<1x80xi32, #tpu.memory_space<vmem>> -> memref<80xi32, #tpu.memory_space<vmem>>
          %dma_start3A_100 = arith.constant 0 : i32
          %dma_start3A_101 = arith.constant 0 : i32
          %dma_start3A_102 = tpu.memref_slice %arg23[%dma_start3A_100, %dma_start3A_101] : memref<10000x128xf32, #tpu.memory_space<vmem_shared>> -> memref<10000x128xf32, #tpu.memory_space<vmem_shared>>
          tpu.enqueue_indirect_dma source(%arg13 : memref<80x128xf32, #tpu.memory_space<vmem>>) target(%dma_start3A_102 : memref<10000x128xf32, #tpu.memory_space<vmem_shared>>) offsets(%dma_start3A_99 : memref<80xi32, #tpu.memory_space<vmem>>) semaphore(%run_scoped3A : memref<!tpu.dma_semaphore, #tpu.memory_space<semaphore_mem>>) {add = true}
          %dma_wait3A_103 = arith.constant 0 : i32
          %dma_wait3A_104 = tpu.memref_slice %arg12[%add3A_45, %dma_wait3A_103] : memref<62x80xi32, #tpu.memory_space<vmem>> -> memref<1x80xi32, #tpu.memory_space<vmem>>
          %dma_wait3A_105 = tpu.memref_squeeze %dma_wait3A_104 : memref<1x80xi32, #tpu.memory_space<vmem>> -> memref<80xi32, #tpu.memory_space<vmem>>
          %dma_wait3A_106 = arith.constant 0 : i32
          %dma_wait3A_107 = arith.constant 0 : i32
          %dma_wait3A_108 = tpu.memref_slice %arg23[%dma_wait3A_106, %dma_wait3A_107] : memref<10000x128xf32, #tpu.memory_space<vmem_shared>> -> memref<10000x128xf32, #tpu.memory_space<vmem_shared>>
          tpu.wait_indirect_dma semaphore(%run_scoped3A : memref<!tpu.dma_semaphore, #tpu.memory_space<semaphore_mem>>) src(%arg13 : memref<80x128xf32, #tpu.memory_space<vmem>>) dst(%dma_wait3A_108 : memref<10000x128xf32, #tpu.memory_space<vmem_shared>>)
          tpu.yield
        }) : () -> ()
        "tpu.region"() ({
          %run_scoped3A = tpu.sem_alloc : memref<!tpu.dma_semaphore, #tpu.memory_space<semaphore_mem>>
          %dma_start3A_97 = arith.constant 0 : i32
          %dma_start3A_98 = tpu.memref_slice %arg12[%add3A_45, %dma_start3A_97] : memref<62x80xi32, #tpu.memory_space<vmem>> -> memref<1x80xi32, #tpu.memory_space<vmem>>
          %dma_start3A_99 = tpu.memref_squeeze %dma_start3A_98 : memref<1x80xi32, #tpu.memory_space<vmem>> -> memref<80xi32, #tpu.memory_space<vmem>>
          %dma_start3A_100 = arith.constant 0 : i32
          %dma_start3A_101 = arith.constant 0 : i32
          %dma_start3A_102 = tpu.memref_slice %arg24[%dma_start3A_100, %dma_start3A_101] : memref<10000x16xf32, #tpu.memory_space<vmem_shared>> -> memref<10000x16xf32, #tpu.memory_space<vmem_shared>>
          tpu.enqueue_indirect_dma source(%arg14 : memref<80x16xf32, #tpu.memory_space<vmem>>) target(%dma_start3A_102 : memref<10000x16xf32, #tpu.memory_space<vmem_shared>>) offsets(%dma_start3A_99 : memref<80xi32, #tpu.memory_space<vmem>>) semaphore(%run_scoped3A : memref<!tpu.dma_semaphore, #tpu.memory_space<semaphore_mem>>) {add = true}
          %dma_wait3A_103 = arith.constant 0 : i32
          %dma_wait3A_104 = tpu.memref_slice %arg12[%add3A_45, %dma_wait3A_103] : memref<62x80xi32, #tpu.memory_space<vmem>> -> memref<1x80xi32, #tpu.memory_space<vmem>>
          %dma_wait3A_105 = tpu.memref_squeeze %dma_wait3A_104 : memref<1x80xi32, #tpu.memory_space<vmem>> -> memref<80xi32, #tpu.memory_space<vmem>>
          %dma_wait3A_106 = arith.constant 0 : i32
          %dma_wait3A_107 = arith.constant 0 : i32
          %dma_wait3A_108 = tpu.memref_slice %arg24[%dma_wait3A_106, %dma_wait3A_107] : memref<10000x16xf32, #tpu.memory_space<vmem_shared>> -> memref<10000x16xf32, #tpu.memory_space<vmem_shared>>
          tpu.wait_indirect_dma semaphore(%run_scoped3A : memref<!tpu.dma_semaphore, #tpu.memory_space<semaphore_mem>>) src(%arg14 : memref<80x16xf32, #tpu.memory_space<vmem>>) dst(%dma_wait3A_108 : memref<10000x16xf32, #tpu.memory_space<vmem_shared>>)
          tpu.yield
        }) : () -> ()
      } else {
      }
      %mul3A_55 = arith.constant 2 : i32
      %mul3A_56 = arith.muli %scan3A_41, %mul3A_55 : i32
      %add3A_57 = arith.constant 1 : i32
      %add3A_58 = arith.addi %mul3A_56, %add3A_57 : i32
      %add3A_59 = arith.constant 1 : i32
      %add3A_60 = arith.addi %add3A_58, %add3A_59 : i32
      %lt3A_61 = arith.constant 62 : i32
      %lt3A_62 = arith.cmpi slt, %add3A_60, %lt3A_61 : i32
      %convert_element_type3A_63 = arith.extui %lt3A_62 : i1 to i32
      %cond3A_64 = arith.constant 0 : i32
      %cond3A_65 = arith.cmpi ne, %convert_element_type3A_63, %cond3A_64 : i32
      scf.if %cond3A_65 {
        %add3A_71 = arith.constant 1 : i32
        %add3A_72 = arith.addi %add3A_58, %add3A_71 : i32
        %mul3A_73 = arith.constant 4960 : i32
        %mul3A_74 = arith.muli %add3A, %mul3A_73 : i32
        %mul3A_75 = arith.constant 80 : i32
        %mul3A_76 = arith.muli %add3A_72, %mul3A_75 : i32
        %add3A_77 = arith.addi %mul3A_74, %mul3A_76 : i32
        %dma_start3A_78 = arith.constant 0 : i32
        %dma_start3A_79 = tpu.memref_slice %arg2[%add3A_77, %dma_start3A_78] : memref<158720x128xf32, #tpu.memory_space<hbm>> -> memref<80x128xf32, #tpu.memory_space<hbm>>
        %dma_start3A_80 = arith.constant 0 : i32
        %dma_start3A_81 = tpu.memref_slice %arg2[%add3A_77, %dma_start3A_80] : memref<158720x128xf32, #tpu.memory_space<hbm>> -> memref<80x128xf32, #tpu.memory_space<hbm>>
        tpu.enqueue_dma source(%dma_start3A_81 : memref<80x128xf32, #tpu.memory_space<hbm>>) target(%arg13 : memref<80x128xf32, #tpu.memory_space<vmem>>) target_semaphore(%arg17 : memref<!tpu.dma_semaphore, #tpu.memory_space<semaphore_mem>>)
        %dma_start3A_82 = arith.constant 0 : i32
        %dma_start3A_83 = tpu.memref_slice %arg3[%add3A_77, %dma_start3A_82] : memref<158720x16xf32, #tpu.memory_space<hbm>> -> memref<80x16xf32, #tpu.memory_space<hbm>>
        %dma_start3A_84 = arith.constant 0 : i32
        %dma_start3A_85 = tpu.memref_slice %arg3[%add3A_77, %dma_start3A_84] : memref<158720x16xf32, #tpu.memory_space<hbm>> -> memref<80x16xf32, #tpu.memory_space<hbm>>
        tpu.enqueue_dma source(%dma_start3A_85 : memref<80x16xf32, #tpu.memory_space<hbm>>) target(%arg14 : memref<80x16xf32, #tpu.memory_space<vmem>>) target_semaphore(%arg17 : memref<!tpu.dma_semaphore, #tpu.memory_space<semaphore_mem>>)
        %dma_start3A_86 = arith.constant 0 : i32
        %dma_start3A_87 = tpu.memref_slice %arg11[%add3A_72, %dma_start3A_86] : memref<62x80xi32, #tpu.memory_space<vmem>> -> memref<1x80xi32, #tpu.memory_space<vmem>>
        %dma_start3A_88 = tpu.memref_squeeze %dma_start3A_87 : memref<1x80xi32, #tpu.memory_space<vmem>> -> memref<80xi32, #tpu.memory_space<vmem>>
        %dma_start3A_89 = arith.constant 0 : i32
        %dma_start3A_90 = arith.constant 0 : i32
        %dma_start3A_91 = tpu.memref_slice %arg4[%dma_start3A_89, %dma_start3A_90] : memref<10000x16xf32, #tpu.memory_space<hbm>> -> memref<10000x16xf32, #tpu.memory_space<hbm>>
        tpu.enqueue_indirect_dma source(%dma_start3A_91 : memref<10000x16xf32, #tpu.memory_space<hbm>>) target(%arg15 : memref<80x16xf32, #tpu.memory_space<vmem>>) offsets(%dma_start3A_88 : memref<80xi32, #tpu.memory_space<vmem>>) semaphore(%arg17 : memref<!tpu.dma_semaphore, #tpu.memory_space<semaphore_mem>>)
        %dma_start3A_92 = arith.constant 0 : i32
        %dma_start3A_93 = tpu.memref_slice %arg12[%add3A_72, %dma_start3A_92] : memref<62x80xi32, #tpu.memory_space<vmem>> -> memref<1x80xi32, #tpu.memory_space<vmem>>
        %dma_start3A_94 = tpu.memref_squeeze %dma_start3A_93 : memref<1x80xi32, #tpu.memory_space<vmem>> -> memref<80xi32, #tpu.memory_space<vmem>>
        %dma_start3A_95 = arith.constant 0 : i32
        %dma_start3A_96 = arith.constant 0 : i32
        %dma_start3A_97 = tpu.memref_slice %arg4[%dma_start3A_95, %dma_start3A_96] : memref<10000x16xf32, #tpu.memory_space<hbm>> -> memref<10000x16xf32, #tpu.memory_space<hbm>>
        tpu.enqueue_indirect_dma source(%dma_start3A_97 : memref<10000x16xf32, #tpu.memory_space<hbm>>) target(%arg16 : memref<80x16xf32, #tpu.memory_space<vmem>>) offsets(%dma_start3A_94 : memref<80xi32, #tpu.memory_space<vmem>>) semaphore(%arg17 : memref<!tpu.dma_semaphore, #tpu.memory_space<semaphore_mem>>)
      } else {
      }
      %lt3A_66 = arith.constant 62 : i32
      %lt3A_67 = arith.cmpi slt, %add3A_58, %lt3A_66 : i32
      %convert_element_type3A_68 = arith.extui %lt3A_67 : i1 to i32
      %cond3A_69 = arith.constant 0 : i32
      %cond3A_70 = arith.cmpi ne, %convert_element_type3A_68, %cond3A_69 : i32
      scf.if %cond3A_70 {
        %mul3A_71 = arith.constant 4960 : i32
        %mul3A_72 = arith.muli %add3A, %mul3A_71 : i32
        %mul3A_73 = arith.constant 80 : i32
        %mul3A_74 = arith.muli %add3A_58, %mul3A_73 : i32
        %add3A_75 = arith.addi %mul3A_72, %mul3A_74 : i32
        %dma_wait3A = arith.constant 0 : i32
        %dma_wait3A_76 = tpu.memref_slice %arg2[%add3A_75, %dma_wait3A] : memref<158720x128xf32, #tpu.memory_space<hbm>> -> memref<80x128xf32, #tpu.memory_space<hbm>>
        %dma_wait3A_77 = arith.constant 0 : i32
        %dma_wait3A_78 = tpu.memref_slice %arg2[%add3A_75, %dma_wait3A_77] : memref<158720x128xf32, #tpu.memory_space<hbm>> -> memref<80x128xf32, #tpu.memory_space<hbm>>
        tpu.wait_dma2 semaphore(%arg22 : memref<!tpu.dma_semaphore, #tpu.memory_space<semaphore_mem>>) src(%dma_wait3A_78 : memref<80x128xf32, #tpu.memory_space<hbm>>) dst(%arg18 : memref<80x128xf32, #tpu.memory_space<vmem>>)
        %dma_wait3A_79 = arith.constant 0 : i32
        %dma_wait3A_80 = tpu.memref_slice %arg3[%add3A_75, %dma_wait3A_79] : memref<158720x16xf32, #tpu.memory_space<hbm>> -> memref<80x16xf32, #tpu.memory_space<hbm>>
        %dma_wait3A_81 = arith.constant 0 : i32
        %dma_wait3A_82 = tpu.memref_slice %arg3[%add3A_75, %dma_wait3A_81] : memref<158720x16xf32, #tpu.memory_space<hbm>> -> memref<80x16xf32, #tpu.memory_space<hbm>>
        tpu.wait_dma2 semaphore(%arg22 : memref<!tpu.dma_semaphore, #tpu.memory_space<semaphore_mem>>) src(%dma_wait3A_82 : memref<80x16xf32, #tpu.memory_space<hbm>>) dst(%arg19 : memref<80x16xf32, #tpu.memory_space<vmem>>)
        %dma_wait3A_83 = arith.constant 0 : i32
        %dma_wait3A_84 = tpu.memref_slice %arg11[%add3A_58, %dma_wait3A_83] : memref<62x80xi32, #tpu.memory_space<vmem>> -> memref<1x80xi32, #tpu.memory_space<vmem>>
        %dma_wait3A_85 = tpu.memref_squeeze %dma_wait3A_84 : memref<1x80xi32, #tpu.memory_space<vmem>> -> memref<80xi32, #tpu.memory_space<vmem>>
        %dma_wait3A_86 = arith.constant 0 : i32
        %dma_wait3A_87 = arith.constant 0 : i32
        %dma_wait3A_88 = tpu.memref_slice %arg4[%dma_wait3A_86, %dma_wait3A_87] : memref<10000x16xf32, #tpu.memory_space<hbm>> -> memref<10000x16xf32, #tpu.memory_space<hbm>>
        tpu.wait_indirect_dma semaphore(%arg22 : memref<!tpu.dma_semaphore, #tpu.memory_space<semaphore_mem>>) src(%dma_wait3A_88 : memref<10000x16xf32, #tpu.memory_space<hbm>>) dst(%arg20 : memref<80x16xf32, #tpu.memory_space<vmem>>)
        %dma_wait3A_89 = arith.constant 0 : i32
        %dma_wait3A_90 = tpu.memref_slice %arg12[%add3A_58, %dma_wait3A_89] : memref<62x80xi32, #tpu.memory_space<vmem>> -> memref<1x80xi32, #tpu.memory_space<vmem>>
        %dma_wait3A_91 = tpu.memref_squeeze %dma_wait3A_90 : memref<1x80xi32, #tpu.memory_space<vmem>> -> memref<80xi32, #tpu.memory_space<vmem>>
        %dma_wait3A_92 = arith.constant 0 : i32
        %dma_wait3A_93 = arith.constant 0 : i32
        %dma_wait3A_94 = tpu.memref_slice %arg4[%dma_wait3A_92, %dma_wait3A_93] : memref<10000x16xf32, #tpu.memory_space<hbm>> -> memref<10000x16xf32, #tpu.memory_space<hbm>>
        tpu.wait_indirect_dma semaphore(%arg22 : memref<!tpu.dma_semaphore, #tpu.memory_space<semaphore_mem>>) src(%dma_wait3A_94 : memref<10000x16xf32, #tpu.memory_space<hbm>>) dst(%arg21 : memref<80x16xf32, #tpu.memory_space<vmem>>)
        %parallel_loop3A = arith.constant 0 : i32
        %parallel_loop3A_95 = arith.constant 80 : i32
        %parallel_loop3A_96 = arith.constant 1 : i32
        scf.for %parallel_loop3A_97 = %parallel_loop3A to %parallel_loop3A_95 step %parallel_loop3A_96  : i32 {
          %parallel_loop3A_98 = arith.index_cast %parallel_loop3A_97 : i32 to index
          %parallel_loop3A_99 = arith.constant 0 : index
          %parallel_loop3A_100 = tpu.vector_load %arg19[%parallel_loop3A_98, %parallel_loop3A_99] {strides = array<i32>} : memref<80x16xf32, #tpu.memory_space<vmem>>, vector<1x16xf32>,
          %parallel_loop3A_101 = vector.shape_cast %parallel_loop3A_100 : vector<1x16xf32> to vector<16xf32>
          %parallel_loop3A_102 = vector.shape_cast %broadcast_in_dim3A_6 : vector<16xi32> to vector<16x1xi32>
          %parallel_loop3A_103 = vector.shape_cast %parallel_loop3A_102 : vector<16x1xi32> to vector<16xi32>
          %parallel_loop3A_104 = tpu.dynamic_gather %parallel_loop3A_101[%parallel_loop3A_103] in [0] : vector<16xf32>, vector<16xi32> -> vector<16xf32>
          %parallel_loop3A_105 = arith.index_cast %parallel_loop3A_97 : i32 to index
          %parallel_loop3A_106 = arith.constant 0 : index
          %parallel_loop3A_107 = tpu.vector_load %arg20[%parallel_loop3A_105, %parallel_loop3A_106] {strides = array<i32>} : memref<80x16xf32, #tpu.memory_space<vmem>>, vector<1x16xf32>,
          %parallel_loop3A_108 = vector.shape_cast %parallel_loop3A_107 : vector<1x16xf32> to vector<16xf32>
          %parallel_loop3A_109 = arith.index_cast %parallel_loop3A_97 : i32 to index
          %parallel_loop3A_110 = arith.constant 0 : index
          %parallel_loop3A_111 = tpu.vector_load %arg21[%parallel_loop3A_109, %parallel_loop3A_110] {strides = array<i32>} : memref<80x16xf32, #tpu.memory_space<vmem>>, vector<1x16xf32>,
          %parallel_loop3A_112 = vector.shape_cast %parallel_loop3A_111 : vector<1x16xf32> to vector<16xf32>
          %parallel_loop3A_113 = arith.subf %parallel_loop3A_108, %parallel_loop3A_112 : vector<16xf32>
          %parallel_loop3A_114 = arith.mulf %parallel_loop3A_113, %parallel_loop3A_104 : vector<16xf32>
          %parallel_loop3A_115 = arith.index_cast %parallel_loop3A_97 : i32 to index
          %parallel_loop3A_116 = arith.constant 0 : index
          %parallel_loop3A_117 = tpu.vector_load %arg19[%parallel_loop3A_115, %parallel_loop3A_116] {strides = array<i32>} : memref<80x16xf32, #tpu.memory_space<vmem>>, vector<1x16xf32>,
          %parallel_loop3A_118 = vector.shape_cast %parallel_loop3A_117 : vector<1x16xf32> to vector<16xf32>
          %parallel_loop3A_119 = vector.shape_cast %parallel_loop3A_114 : vector<16xf32> to vector<1x16xf32>
          tpu.vector_store %arg19[%parallel_loop3A_115, %parallel_loop3A_116], %parallel_loop3A_119 {strides = array<i32>} : memref<80x16xf32, #tpu.memory_space<vmem>>, vector<1x16xf32>,
        } {sc.loop_unroll_factor = 4 : i64, sc.parallel_access}
        "tpu.region"() ({
          %run_scoped3A = tpu.sem_alloc : memref<!tpu.dma_semaphore, #tpu.memory_space<semaphore_mem>>
          %dma_start3A_97 = arith.constant 0 : i32
          %dma_start3A_98 = tpu.memref_slice %arg12[%add3A_58, %dma_start3A_97] : memref<62x80xi32, #tpu.memory_space<vmem>> -> memref<1x80xi32, #tpu.memory_space<vmem>>
          %dma_start3A_99 = tpu.memref_squeeze %dma_start3A_98 : memref<1x80xi32, #tpu.memory_space<vmem>> -> memref<80xi32, #tpu.memory_space<vmem>>
          %dma_start3A_100 = arith.constant 0 : i32
          %dma_start3A_101 = arith.constant 0 : i32
          %dma_start3A_102 = tpu.memref_slice %arg23[%dma_start3A_100, %dma_start3A_101] : memref<10000x128xf32, #tpu.memory_space<vmem_shared>> -> memref<10000x128xf32, #tpu.memory_space<vmem_shared>>
          tpu.enqueue_indirect_dma source(%arg18 : memref<80x128xf32, #tpu.memory_space<vmem>>) target(%dma_start3A_102 : memref<10000x128xf32, #tpu.memory_space<vmem_shared>>) offsets(%dma_start3A_99 : memref<80xi32, #tpu.memory_space<vmem>>) semaphore(%run_scoped3A : memref<!tpu.dma_semaphore, #tpu.memory_space<semaphore_mem>>) {add = true}
          %dma_wait3A_103 = arith.constant 0 : i32
          %dma_wait3A_104 = tpu.memref_slice %arg12[%add3A_58, %dma_wait3A_103] : memref<62x80xi32, #tpu.memory_space<vmem>> -> memref<1x80xi32, #tpu.memory_space<vmem>>
          %dma_wait3A_105 = tpu.memref_squeeze %dma_wait3A_104 : memref<1x80xi32, #tpu.memory_space<vmem>> -> memref<80xi32, #tpu.memory_space<vmem>>
          %dma_wait3A_106 = arith.constant 0 : i32
          %dma_wait3A_107 = arith.constant 0 : i32
          %dma_wait3A_108 = tpu.memref_slice %arg23[%dma_wait3A_106, %dma_wait3A_107] : memref<10000x128xf32, #tpu.memory_space<vmem_shared>> -> memref<10000x128xf32, #tpu.memory_space<vmem_shared>>
          tpu.wait_indirect_dma semaphore(%run_scoped3A : memref<!tpu.dma_semaphore, #tpu.memory_space<semaphore_mem>>) src(%arg18 : memref<80x128xf32, #tpu.memory_space<vmem>>) dst(%dma_wait3A_108 : memref<10000x128xf32, #tpu.memory_space<vmem_shared>>)
          tpu.yield
        }) : () -> ()
        "tpu.region"() ({
          %run_scoped3A = tpu.sem_alloc : memref<!tpu.dma_semaphore, #tpu.memory_space<semaphore_mem>>
          %dma_start3A_97 = arith.constant 0 : i32
          %dma_start3A_98 = tpu.memref_slice %arg12[%add3A_58, %dma_start3A_97] : memref<62x80xi32, #tpu.memory_space<vmem>> -> memref<1x80xi32, #tpu.memory_space<vmem>>
          %dma_start3A_99 = tpu.memref_squeeze %dma_start3A_98 : memref<1x80xi32, #tpu.memory_space<vmem>> -> memref<80xi32, #tpu.memory_space<vmem>>
          %dma_start3A_100 = arith.constant 0 : i32
          %dma_start3A_101 = arith.constant 0 : i32
          %dma_start3A_102 = tpu.memref_slice %arg24[%dma_start3A_100, %dma_start3A_101] : memref<10000x16xf32, #tpu.memory_space<vmem_shared>> -> memref<10000x16xf32, #tpu.memory_space<vmem_shared>>
          tpu.enqueue_indirect_dma source(%arg19 : memref<80x16xf32, #tpu.memory_space<vmem>>) target(%dma_start3A_102 : memref<10000x16xf32, #tpu.memory_space<vmem_shared>>) offsets(%dma_start3A_99 : memref<80xi32, #tpu.memory_space<vmem>>) semaphore(%run_scoped3A : memref<!tpu.dma_semaphore, #tpu.memory_space<semaphore_mem>>) {add = true}
          %dma_wait3A_103 = arith.constant 0 : i32
          %dma_wait3A_104 = tpu.memref_slice %arg12[%add3A_58, %dma_wait3A_103] : memref<62x80xi32, #tpu.memory_space<vmem>> -> memref<1x80xi32, #tpu.memory_space<vmem>>
          %dma_wait3A_105 = tpu.memref_squeeze %dma_wait3A_104 : memref<1x80xi32, #tpu.memory_space<vmem>> -> memref<80xi32, #tpu.memory_space<vmem>>
          %dma_wait3A_106 = arith.constant 0 : i32
          %dma_wait3A_107 = arith.constant 0 : i32
          %dma_wait3A_108 = tpu.memref_slice %arg24[%dma_wait3A_106, %dma_wait3A_107] : memref<10000x16xf32, #tpu.memory_space<vmem_shared>> -> memref<10000x16xf32, #tpu.memory_space<vmem_shared>>
          tpu.wait_indirect_dma semaphore(%run_scoped3A : memref<!tpu.dma_semaphore, #tpu.memory_space<semaphore_mem>>) src(%arg19 : memref<80x16xf32, #tpu.memory_space<vmem>>) dst(%dma_wait3A_108 : memref<10000x16xf32, #tpu.memory_space<vmem_shared>>)
          tpu.yield
        }) : () -> ()
      } else {
      }
    }
    %scan3A_36 = arith.constant 31 : i32
    %barrier3A_37 = arith.constant 0 : index
    tpu.barrier barrier_id(%barrier3A_37)
    %mul3A_38 = arith.constant 10000 : i32
    %mul3A_39 = arith.muli %arg0, %mul3A_38 : i32
    %add3A_40 = arith.addi %mul3A_39, %mul3A_2 : i32
    "tpu.region"() ({
      %run_scoped3A = tpu.sem_alloc : memref<!tpu.dma_semaphore, #tpu.memory_space<semaphore_mem>>
      %dma_start3A_41 = arith.constant 0 : i32
      %dma_start3A_42 = tpu.memref_slice %arg9[%add3A_40, %dma_start3A_41] : memref<20000x128xf32, #tpu.memory_space<hbm>> -> memref<625x128xf32, #tpu.memory_space<hbm>>
      %dma_start3A_43 = arith.constant 0 : i32
      %dma_start3A_44 = tpu.memref_slice %arg23[%mul3A_2, %dma_start3A_43] : memref<10000x128xf32, #tpu.memory_space<vmem_shared>> -> memref<625x128xf32, #tpu.memory_space<vmem_shared>>
      tpu.enqueue_dma source(%dma_start3A_44 : memref<625x128xf32, #tpu.memory_space<vmem_shared>>) target(%dma_start3A_42 : memref<625x128xf32, #tpu.memory_space<hbm>>) target_semaphore(%run_scoped3A : memref<!tpu.dma_semaphore, #tpu.memory_space<semaphore_mem>>)
      %dma_wait3A = arith.constant 0 : i32
      %dma_wait3A_45 = tpu.memref_slice %arg9[%add3A_40, %dma_wait3A] : memref<20000x128xf32, #tpu.memory_space<hbm>> -> memref<625x128xf32, #tpu.memory_space<hbm>>
      %dma_wait3A_46 = arith.constant 0 : i32
      %dma_wait3A_47 = tpu.memref_slice %arg23[%mul3A_2, %dma_wait3A_46] : memref<10000x128xf32, #tpu.memory_space<vmem_shared>> -> memref<625x128xf32, #tpu.memory_space<vmem_shared>>
      tpu.wait_dma2 semaphore(%run_scoped3A : memref<!tpu.dma_semaphore, #tpu.memory_space<semaphore_mem>>) src(%dma_wait3A_47 : memref<625x128xf32, #tpu.memory_space<vmem_shared>>) dst(%dma_wait3A_45 : memref<625x128xf32, #tpu.memory_space<hbm>>)
      tpu.yield
    }) : () -> ()
    "tpu.region"() ({
      %run_scoped3A = tpu.sem_alloc : memref<!tpu.dma_semaphore, #tpu.memory_space<semaphore_mem>>
      %dma_start3A_41 = arith.constant 0 : i32
      %dma_start3A_42 = tpu.memref_slice %arg10[%add3A_40, %dma_start3A_41] : memref<20000x16xf32, #tpu.memory_space<hbm>> -> memref<625x16xf32, #tpu.memory_space<hbm>>
      %dma_start3A_43 = arith.constant 0 : i32
      %dma_start3A_44 = tpu.memref_slice %arg24[%mul3A_2, %dma_start3A_43] : memref<10000x16xf32, #tpu.memory_space<vmem_shared>> -> memref<625x16xf32, #tpu.memory_space<vmem_shared>>
      tpu.enqueue_dma source(%dma_start3A_44 : memref<625x16xf32, #tpu.memory_space<vmem_shared>>) target(%dma_start3A_42 : memref<625x16xf32, #tpu.memory_space<hbm>>) target_semaphore(%run_scoped3A : memref<!tpu.dma_semaphore, #tpu.memory_space<semaphore_mem>>)
      %dma_wait3A = arith.constant 0 : i32
      %dma_wait3A_45 = tpu.memref_slice %arg10[%add3A_40, %dma_wait3A] : memref<20000x16xf32, #tpu.memory_space<hbm>> -> memref<625x16xf32, #tpu.memory_space<hbm>>
      %dma_wait3A_46 = arith.constant 0 : i32
      %dma_wait3A_47 = tpu.memref_slice %arg24[%mul3A_2, %dma_wait3A_46] : memref<10000x16xf32, #tpu.memory_space<vmem_shared>> -> memref<625x16xf32, #tpu.memory_space<vmem_shared>>
      tpu.wait_dma2 semaphore(%run_scoped3A : memref<!tpu.dma_semaphore, #tpu.memory_space<semaphore_mem>>) src(%dma_wait3A_47 : memref<625x16xf32, #tpu.memory_space<vmem_shared>>) dst(%dma_wait3A_45 : memref<625x16xf32, #tpu.memory_space<hbm>>)
      tpu.yield
    }) : () -> ()
    return
  }
}

module attributes {stable_mosaic.version = 14 : i64} {
  func.func @_tc_pre_body(%arg0: i32, %arg1: memref<1000x128xf32, #tpu.memory_space<vmem>>, %arg2: memref<128x128xf32, #tpu.memory_space<vmem>>, %arg3: memref<128x128xf32, #tpu.memory_space<vmem>>, %arg4: memref<128x128xf32, #tpu.memory_space<vmem>>, %arg5: memref<1x128xf32, #tpu.memory_space<vmem>>, %arg6: memref<1000x128xf32, #tpu.memory_space<vmem>>, %arg7: memref<1000x128xf32, #tpu.memory_space<vmem>>, %arg8: memref<1000x128xf32, #tpu.memory_space<vmem>>) attributes {dimension_semantics = [#tpu.dimension_semantics<arbitrary>], iteration_bounds = array<i64: 10>, scalar_prefetch = 0 : i64, scratch_operands = 0 : i64, tpu.core_type = #tpu.core_type<tc>, window_params = [{transform_indices = @transform_0, window_bounds = array<i64: 1000, 128>}, {pipeline_mode = #tpu.pipeline_mode<synchronous>, transform_indices = @transform_1, window_bounds = array<i64: 128, 128>}, {pipeline_mode = #tpu.pipeline_mode<synchronous>, transform_indices = @transform_2, window_bounds = array<i64: 128, 128>}, {pipeline_mode = #tpu.pipeline_mode<synchronous>, transform_indices = @transform_3, window_bounds = array<i64: 128, 128>}, {pipeline_mode = #tpu.pipeline_mode<synchronous>, transform_indices = @transform_4, window_bounds = array<i64: 1, 128>}, {transform_indices = @transform_5, window_bounds = array<i64: 1000, 128>}, {transform_indices = @transform_6, window_bounds = array<i64: 1000, 128>}, {transform_indices = @transform_7, window_bounds = array<i64: 1000, 128>}]} {
    %get3A = arith.constant 0 : index
    %get3A_0 = arith.constant 0 : index
    %get3A_1 = vector.load %arg1[%get3A, %get3A_0] : memref<1000x128xf32, #tpu.memory_space<vmem>>, vector<1000x128xf32>
    %get3A_2 = arith.constant 0 : index
    %get3A_3 = arith.constant 0 : index
    %get3A_4 = vector.load %arg2[%get3A_2, %get3A_3] : memref<128x128xf32, #tpu.memory_space<vmem>>, vector<128x128xf32>
    %dot_general3A = arith.constant dense<0.000000e+00> : vector<1000x128xf32>
    %dot_general3A_5 = tpu.matmul %get3A_1, %get3A_4, %dot_general3A {dimension_numbers = #tpu.dot_dimension_numbers<[1], [0], [0], [1], [0, 0, 1, 1], [], []>, transpose_lhs_hint = false} : vector<1000x128xf32>, vector<128x128xf32>, vector<1000x128xf32> -> vector<1000x128xf32>
    %swap3A = arith.constant 0 : index
    %swap3A_6 = arith.constant 0 : index
    %swap3A_7 = vector.load %arg6[%swap3A, %swap3A_6] : memref<1000x128xf32, #tpu.memory_space<vmem>>, vector<1000x128xf32>
    tpu.vector_store %arg6[%swap3A, %swap3A_6], %dot_general3A_5 {strides = array<i32>} : memref<1000x128xf32, #tpu.memory_space<vmem>>, vector<1000x128xf32>,
    %get3A_8 = arith.constant 0 : index
    %get3A_9 = arith.constant 0 : index
    %get3A_10 = vector.load %arg3[%get3A_8, %get3A_9] : memref<128x128xf32, #tpu.memory_space<vmem>>, vector<128x128xf32>
    %dot_general3A_11 = arith.constant dense<0.000000e+00> : vector<1000x128xf32>
    %dot_general3A_12 = tpu.matmul %get3A_1, %get3A_10, %dot_general3A_11 {dimension_numbers = #tpu.dot_dimension_numbers<[1], [0], [0], [1], [0, 0, 1, 1], [], []>, transpose_lhs_hint = false} : vector<1000x128xf32>, vector<128x128xf32>, vector<1000x128xf32> -> vector<1000x128xf32>
    %swap3A_13 = arith.constant 0 : index
    %swap3A_14 = arith.constant 0 : index
    %swap3A_15 = vector.load %arg7[%swap3A_13, %swap3A_14] : memref<1000x128xf32, #tpu.memory_space<vmem>>, vector<1000x128xf32>
    tpu.vector_store %arg7[%swap3A_13, %swap3A_14], %dot_general3A_12 {strides = array<i32>} : memref<1000x128xf32, #tpu.memory_space<vmem>>, vector<1000x128xf32>,
    %get3A_16 = arith.constant 0 : index
    %get3A_17 = arith.constant 0 : index
    %get3A_18 = vector.load %arg4[%get3A_16, %get3A_17] : memref<128x128xf32, #tpu.memory_space<vmem>>, vector<128x128xf32>
    %dot_general3A_19 = arith.constant dense<0.000000e+00> : vector<1000x128xf32>
    %dot_general3A_20 = tpu.matmul %get3A_1, %get3A_18, %dot_general3A_19 {dimension_numbers = #tpu.dot_dimension_numbers<[1], [0], [0], [1], [0, 0, 1, 1], [], []>, transpose_lhs_hint = false} : vector<1000x128xf32>, vector<128x128xf32>, vector<1000x128xf32> -> vector<1000x128xf32>
    %get3A_21 = arith.constant 0 : index
    %get3A_22 = arith.constant 0 : index
    %get3A_23 = vector.load %arg5[%get3A_21, %get3A_22] : memref<1x128xf32, #tpu.memory_space<vmem>>, vector<1x128xf32>
    %add3A = vector.broadcast %get3A_23 : vector<1x128xf32> to vector<1000x128xf32>
    %add3A_24 = arith.addf %dot_general3A_20, %add3A : vector<1000x128xf32>
    %swap3A_25 = arith.constant 0 : index
    %swap3A_26 = arith.constant 0 : index
    %swap3A_27 = vector.load %arg8[%swap3A_25, %swap3A_26] : memref<1000x128xf32, #tpu.memory_space<vmem>>, vector<1000x128xf32>
    tpu.vector_store %arg8[%swap3A_25, %swap3A_26], %add3A_24 {strides = array<i32>} : memref<1000x128xf32, #tpu.memory_space<vmem>>, vector<1000x128xf32>,
    return
  }
  func.func @transform_0(%arg0: i32) -> (i32, i32) {
    %c0_i32 = arith.constant 0 : i32
    %c0_i32_0 = arith.constant 0 : i32
    return %arg0, %c0_i32 : i32, i32
  }
  func.func @transform_1(%arg0: i32) -> (i32, i32) {
    %c0_i32 = arith.constant 0 : i32
    %c0_i32_0 = arith.constant 0 : i32
    %c0_i32_1 = arith.constant 0 : i32
    return %c0_i32, %c0_i32_0 : i32, i32
  }
  func.func @transform_2(%arg0: i32) -> (i32, i32) {
    %c0_i32 = arith.constant 0 : i32
    %c0_i32_0 = arith.constant 0 : i32
    %c0_i32_1 = arith.constant 0 : i32
    return %c0_i32, %c0_i32_0 : i32, i32
  }
  func.func @transform_3(%arg0: i32) -> (i32, i32) {
    %c0_i32 = arith.constant 0 : i32
    %c0_i32_0 = arith.constant 0 : i32
    %c0_i32_1 = arith.constant 0 : i32
    return %c0_i32, %c0_i32_0 : i32, i32
  }
  func.func @transform_4(%arg0: i32) -> (i32, i32) {
    %c0_i32 = arith.constant 0 : i32
    %c0_i32_0 = arith.constant 0 : i32
    %c0_i32_1 = arith.constant 0 : i32
    return %c0_i32, %c0_i32_0 : i32, i32
  }
  func.func @transform_5(%arg0: i32) -> (i32, i32) {
    %c0_i32 = arith.constant 0 : i32
    %c0_i32_0 = arith.constant 0 : i32
    return %arg0, %c0_i32 : i32, i32
  }
  func.func @transform_6(%arg0: i32) -> (i32, i32) {
    %c0_i32 = arith.constant 0 : i32
    %c0_i32_0 = arith.constant 0 : i32
    return %arg0, %c0_i32 : i32, i32
  }
  func.func @transform_7(%arg0: i32) -> (i32, i32) {
    %c0_i32 = arith.constant 0 : i32
    %c0_i32_0 = arith.constant 0 : i32
    return %arg0, %c0_i32 : i32, i32
  }
}

module attributes {stable_mosaic.version = 14 : i64} {
  func.func @_tc_edge_body(%arg0: i32, %arg1: memref<2560x128xf32, #tpu.memory_space<vmem>>, %arg2: memref<2560x16xf32, #tpu.memory_space<vmem>>, %arg3: memref<16x128xf32, #tpu.memory_space<vmem>>, %arg4: memref<1x128xf32, #tpu.memory_space<vmem>>, %arg5: memref<1x128xf32, #tpu.memory_space<vmem>>, %arg6: memref<1x128xf32, #tpu.memory_space<vmem>>, %arg7: memref<128x256xf32, #tpu.memory_space<vmem>>, %arg8: memref<1x256xf32, #tpu.memory_space<vmem>>, %arg9: memref<128x128xf32, #tpu.memory_space<vmem>>, %arg10: memref<1x128xf32, #tpu.memory_space<vmem>>, %arg11: memref<128x128xf32, #tpu.memory_space<vmem>>, %arg12: memref<1x1xf32, #tpu.memory_space<vmem>>, %arg13: memref<2560x128xf32, #tpu.memory_space<vmem>>, %arg14: memref<2560x16xf32, #tpu.memory_space<vmem>>) attributes {dimension_semantics = [#tpu.dimension_semantics<arbitrary>], iteration_bounds = array<i64: 63>, scalar_prefetch = 0 : i64, scratch_operands = 0 : i64, tpu.core_type = #tpu.core_type<tc>, window_params = [{transform_indices = @transform_0, window_bounds = array<i64: 2560, 128>}, {transform_indices = @transform_1, window_bounds = array<i64: 2560, 16>}, {pipeline_mode = #tpu.pipeline_mode<synchronous>, transform_indices = @transform_2, window_bounds = array<i64: 16, 128>}, {pipeline_mode = #tpu.pipeline_mode<synchronous>, transform_indices = @transform_3, window_bounds = array<i64: 1, 128>}, {pipeline_mode = #tpu.pipeline_mode<synchronous>, transform_indices = @transform_4, window_bounds = array<i64: 1, 128>}, {pipeline_mode = #tpu.pipeline_mode<synchronous>, transform_indices = @transform_5, window_bounds = array<i64: 1, 128>}, {pipeline_mode = #tpu.pipeline_mode<synchronous>, transform_indices = @transform_6, window_bounds = array<i64: 128, 256>}, {pipeline_mode = #tpu.pipeline_mode<synchronous>, transform_indices = @transform_7, window_bounds = array<i64: 1, 256>}, {pipeline_mode = #tpu.pipeline_mode<synchronous>, transform_indices = @transform_8, window_bounds = array<i64: 128, 128>}, {pipeline_mode = #tpu.pipeline_mode<synchronous>, transform_indices = @transform_9, window_bounds = array<i64: 1, 128>}, {pipeline_mode = #tpu.pipeline_mode<synchronous>, transform_indices = @transform_10, window_bounds = array<i64: 128, 128>}, {pipeline_mode = #tpu.pipeline_mode<synchronous>, transform_indices = @transform_11, window_bounds = array<i64: 1, 1>}, {transform_indices = @transform_12, window_bounds = array<i64: 2560, 128>}, {transform_indices = @transform_13, window_bounds = array<i64: 2560, 16>}]} {
    %get3A = arith.constant 0 : index
    %get3A_0 = arith.constant 0 : index
    %get3A_1 = vector.load %arg1[%get3A, %get3A_0] : memref<2560x128xf32, #tpu.memory_space<vmem>>, vector<2560x128xf32>
    %get3A_2 = arith.constant 0 : index
    %get3A_3 = arith.constant 0 : index
    %get3A_4 = vector.load %arg2[%get3A_2, %get3A_3] : memref<2560x16xf32, #tpu.memory_space<vmem>>, vector<2560x16xf32>
    %get3A_5 = arith.constant 0 : index
    %get3A_6 = arith.constant 0 : index
    %get3A_7 = vector.load %arg3[%get3A_5, %get3A_6] : memref<16x128xf32, #tpu.memory_space<vmem>>, vector<16x128xf32>
    %dot_general3A = arith.constant dense<0.000000e+00> : vector<2560x128xf32>
    %dot_general3A_8 = tpu.matmul %get3A_4, %get3A_7, %dot_general3A {dimension_numbers = #tpu.dot_dimension_numbers<[1], [0], [0], [1], [0, 0, 1, 1], [], []>, transpose_lhs_hint = false} : vector<2560x16xf32>, vector<16x128xf32>, vector<2560x128xf32> -> vector<2560x128xf32>
    %add3A = arith.addf %get3A_1, %dot_general3A_8 : vector<2560x128xf32>
    %get3A_9 = arith.constant 0 : index
    %get3A_10 = arith.constant 0 : index
    %get3A_11 = vector.load %arg4[%get3A_9, %get3A_10] : memref<1x128xf32, #tpu.memory_space<vmem>>, vector<1x128xf32>
    %add3A_12 = vector.broadcast %get3A_11 : vector<1x128xf32> to vector<2560x128xf32>
    %add3A_13 = arith.addf %add3A, %add3A_12 : vector<2560x128xf32>
    %get3A_14 = arith.constant 0 : index
    %get3A_15 = arith.constant 0 : index
    %get3A_16 = vector.load %arg5[%get3A_14, %get3A_15] : memref<1x128xf32, #tpu.memory_space<vmem>>, vector<1x128xf32>
    %get3A_17 = arith.constant 0 : index
    %get3A_18 = arith.constant 0 : index
    %get3A_19 = vector.load %arg6[%get3A_17, %get3A_18] : memref<1x128xf32, #tpu.memory_space<vmem>>, vector<1x128xf32>
    %reduce_sum3A = arith.constant dense<0.000000e+00> : vector<2560xf32>
    %reduce_sum3A_20 = vector.multi_reduction <add>, %add3A_13, %reduce_sum3A [1] : vector<2560x128xf32> to vector<2560xf32>
    %broadcast_in_dim3A = vector.shape_cast %reduce_sum3A_20 : vector<2560xf32> to vector<2560x1xf32>
    %div3A = arith.constant 1.280000e+02 : f32
    %div3A_21 = vector.broadcast %div3A : f32 to vector<2560x1xf32>
    %div3A_22 = arith.divf %broadcast_in_dim3A, %div3A_21 : vector<2560x1xf32>
    %sub3A = vector.broadcast %div3A_22 : vector<2560x1xf32> to vector<2560x128xf32>
    %sub3A_23 = arith.subf %add3A_13, %sub3A : vector<2560x128xf32>
    %integer_pow3A = arith.mulf %sub3A_23, %sub3A_23 : vector<2560x128xf32>
    %reduce_sum3A_24 = arith.constant dense<0.000000e+00> : vector<2560xf32>
    %reduce_sum3A_25 = vector.multi_reduction <add>, %integer_pow3A, %reduce_sum3A_24 [1] : vector<2560x128xf32> to vector<2560xf32>
    %broadcast_in_dim3A_26 = vector.shape_cast %reduce_sum3A_25 : vector<2560xf32> to vector<2560x1xf32>
    %div3A_27 = arith.constant 1.280000e+02 : f32
    %div3A_28 = vector.broadcast %div3A_27 : f32 to vector<2560x1xf32>
    %div3A_29 = arith.divf %broadcast_in_dim3A_26, %div3A_28 : vector<2560x1xf32>
    %sub3A_30 = vector.broadcast %div3A_22 : vector<2560x1xf32> to vector<2560x128xf32>
    %sub3A_31 = arith.subf %add3A_13, %sub3A_30 : vector<2560x128xf32>
    %add3A_32 = arith.constant 9.99999974E-6 : f32
    %add3A_33 = vector.broadcast %add3A_32 : f32 to vector<2560x1xf32>
    %add3A_34 = arith.addf %div3A_29, %add3A_33 : vector<2560x1xf32>
    %sqrt3A = math.sqrt %add3A_34 : vector<2560x1xf32>
    %div3A_35 = vector.broadcast %sqrt3A : vector<2560x1xf32> to vector<2560x128xf32>
    %div3A_36 = arith.divf %sub3A_31, %div3A_35 : vector<2560x128xf32>
    %mul3A = vector.broadcast %get3A_16 : vector<1x128xf32> to vector<2560x128xf32>
    %mul3A_37 = arith.mulf %div3A_36, %mul3A : vector<2560x128xf32>
    %add3A_38 = vector.broadcast %get3A_19 : vector<1x128xf32> to vector<2560x128xf32>
    %add3A_39 = arith.addf %mul3A_37, %add3A_38 : vector<2560x128xf32>
    %logistic3A = arith.negf %add3A_39 : vector<2560x128xf32>
    %logistic3A_40 = math.exp %logistic3A : vector<2560x128xf32>
    %logistic3A_41 = arith.constant 1.000000e+00 : f32
    %logistic3A_42 = vector.broadcast %logistic3A_41 : f32 to vector<2560x128xf32>
    %logistic3A_43 = arith.addf %logistic3A_42, %logistic3A_40 : vector<2560x128xf32>
    %logistic3A_44 = arith.divf %logistic3A_42, %logistic3A_43 : vector<2560x128xf32>
    %mul3A_45 = arith.mulf %add3A_39, %logistic3A_44 : vector<2560x128xf32>
    %get3A_46 = arith.constant 0 : index
    %get3A_47 = arith.constant 0 : index
    %get3A_48 = vector.load %arg7[%get3A_46, %get3A_47] : memref<128x256xf32, #tpu.memory_space<vmem>>, vector<128x256xf32>
    %dot_general3A_49 = arith.constant dense<0.000000e+00> : vector<2560x256xf32>
    %dot_general3A_50 = tpu.matmul %mul3A_45, %get3A_48, %dot_general3A_49 {dimension_numbers = #tpu.dot_dimension_numbers<[1], [0], [0], [1], [0, 0, 1, 1], [], []>, transpose_lhs_hint = false} : vector<2560x128xf32>, vector<128x256xf32>, vector<2560x256xf32> -> vector<2560x256xf32>
    %get3A_51 = arith.constant 0 : index
    %get3A_52 = arith.constant 0 : index
    %get3A_53 = vector.load %arg8[%get3A_51, %get3A_52] : memref<1x256xf32, #tpu.memory_space<vmem>>, vector<1x256xf32>
    %add3A_54 = vector.broadcast %get3A_53 : vector<1x256xf32> to vector<2560x256xf32>
    %add3A_55 = arith.addf %dot_general3A_50, %add3A_54 : vector<2560x256xf32>
    %slice3A = vector.extract_strided_slice %add3A_55 {offsets = [0, 128], sizes = [2560, 1], strides = [1, 1]} : vector<2560x256xf32> to vector<2560x1xf32>
    %logistic3A_56 = arith.negf %slice3A : vector<2560x1xf32>
    %logistic3A_57 = math.exp %logistic3A_56 : vector<2560x1xf32>
    %logistic3A_58 = arith.constant 1.000000e+00 : f32
    %logistic3A_59 = vector.broadcast %logistic3A_58 : f32 to vector<2560x1xf32>
    %logistic3A_60 = arith.addf %logistic3A_59, %logistic3A_57 : vector<2560x1xf32>
    %logistic3A_61 = arith.divf %logistic3A_59, %logistic3A_60 : vector<2560x1xf32>
    %slice3A_62 = vector.extract_strided_slice %add3A_55 {offsets = [0, 0], sizes = [2560, 128], strides = [1, 1]} : vector<2560x256xf32> to vector<2560x128xf32>
    %mul3A_63 = vector.broadcast %logistic3A_61 : vector<2560x1xf32> to vector<2560x128xf32>
    %mul3A_64 = arith.mulf %slice3A_62, %mul3A_63 : vector<2560x128xf32>
    %swap3A = arith.constant 0 : index
    %swap3A_65 = arith.constant 0 : index
    %swap3A_66 = vector.load %arg13[%swap3A, %swap3A_65] : memref<2560x128xf32, #tpu.memory_space<vmem>>, vector<2560x128xf32>
    tpu.vector_store %arg13[%swap3A, %swap3A_65], %mul3A_64 {strides = array<i32>} : memref<2560x128xf32, #tpu.memory_space<vmem>>, vector<2560x128xf32>,
    %get3A_67 = arith.constant 0 : index
    %get3A_68 = arith.constant 0 : index
    %get3A_69 = vector.load %arg9[%get3A_67, %get3A_68] : memref<128x128xf32, #tpu.memory_space<vmem>>, vector<128x128xf32>
    %dot_general3A_70 = arith.constant dense<0.000000e+00> : vector<2560x128xf32>
    %dot_general3A_71 = tpu.matmul %mul3A_64, %get3A_69, %dot_general3A_70 {dimension_numbers = #tpu.dot_dimension_numbers<[1], [0], [0], [1], [0, 0, 1, 1], [], []>, transpose_lhs_hint = false} : vector<2560x128xf32>, vector<128x128xf32>, vector<2560x128xf32> -> vector<2560x128xf32>
    %get3A_72 = arith.constant 0 : index
    %get3A_73 = arith.constant 0 : index
    %get3A_74 = vector.load %arg10[%get3A_72, %get3A_73] : memref<1x128xf32, #tpu.memory_space<vmem>>, vector<1x128xf32>
    %add3A_75 = vector.broadcast %get3A_74 : vector<1x128xf32> to vector<2560x128xf32>
    %add3A_76 = arith.addf %dot_general3A_71, %add3A_75 : vector<2560x128xf32>
    %logistic3A_77 = arith.negf %add3A_76 : vector<2560x128xf32>
    %logistic3A_78 = math.exp %logistic3A_77 : vector<2560x128xf32>
    %logistic3A_79 = arith.constant 1.000000e+00 : f32
    %logistic3A_80 = vector.broadcast %logistic3A_79 : f32 to vector<2560x128xf32>
    %logistic3A_81 = arith.addf %logistic3A_80, %logistic3A_78 : vector<2560x128xf32>
    %logistic3A_82 = arith.divf %logistic3A_80, %logistic3A_81 : vector<2560x128xf32>
    %mul3A_83 = arith.mulf %add3A_76, %logistic3A_82 : vector<2560x128xf32>
    %get3A_84 = arith.constant 0 : index
    %get3A_85 = arith.constant 0 : index
    %get3A_86 = vector.load %arg11[%get3A_84, %get3A_85] : memref<128x128xf32, #tpu.memory_space<vmem>>, vector<128x128xf32>
    %dot_general3A_87 = arith.constant dense<0.000000e+00> : vector<2560x128xf32>
    %dot_general3A_88 = tpu.matmul %mul3A_83, %get3A_86, %dot_general3A_87 {dimension_numbers = #tpu.dot_dimension_numbers<[1], [0], [0], [1], [0, 0, 1, 1], [], []>, transpose_lhs_hint = false} : vector<2560x128xf32>, vector<128x128xf32>, vector<2560x128xf32> -> vector<2560x128xf32>
    %slice3A_89 = vector.extract_strided_slice %dot_general3A_88 {offsets = [0, 0], sizes = [2560, 1], strides = [1, 1]} : vector<2560x128xf32> to vector<2560x1xf32>
    %get3A_90 = arith.constant 0 : index
    %get3A_91 = arith.constant 0 : index
    %get3A_92 = vector.load %arg12[%get3A_90, %get3A_91] : memref<1x1xf32, #tpu.memory_space<vmem>>, vector<1x1xf32>
    %add3A_93 = vector.broadcast %get3A_92 : vector<1x1xf32> to vector<2560x1xf32>
    %add3A_94 = arith.addf %slice3A_89, %add3A_93 : vector<2560x1xf32>
    %jit3A = arith.constant -1.000000e+02 : f32
    %jit3A_95 = arith.constant 1.000000e+02 : f32
    %max3A = vector.broadcast %jit3A : f32 to vector<2560x1xf32>
    %max3A_96 = arith.maximumf %max3A, %add3A_94 : vector<2560x1xf32>
    %min3A = vector.broadcast %jit3A_95 : f32 to vector<2560x1xf32>
    %min3A_97 = arith.minimumf %min3A, %max3A_96 : vector<2560x1xf32>
    %iota3A = tpu.iota {dimensions = array<i32: 1>} : vector<1x16xi32>
    %eq3A = arith.constant 0 : i32
    %eq3A_98 = vector.broadcast %eq3A : i32 to vector<1x16xi32>
    %eq3A_99 = arith.cmpi eq, %iota3A, %eq3A_98 : vector<1x16xi32>
    %jit3A_100 = arith.constant 0.000000e+00 : f32
    %broadcast_in_dim3A_101 = vector.shape_cast %eq3A_99 : vector<1x16xi1> to vector<1x16xi1>
    %broadcast_in_dim3A_102 = vector.broadcast %broadcast_in_dim3A_101 : vector<1x16xi1> to vector<2560x16xi1>
    %broadcast_in_dim3A_103 = vector.shape_cast %min3A_97 : vector<2560x1xf32> to vector<2560x1xf32>
    %broadcast_in_dim3A_104 = vector.broadcast %broadcast_in_dim3A_103 : vector<2560x1xf32> to vector<2560x16xf32>
    %broadcast_in_dim3A_105 = vector.broadcast %jit3A_100 : f32 to vector<2560x16xf32>
    %select_n3A = arith.select %broadcast_in_dim3A_102, %broadcast_in_dim3A_104, %broadcast_in_dim3A_105 : vector<2560x16xi1>, vector<2560x16xf32>
    %swap3A_106 = arith.constant 0 : index
    %swap3A_107 = arith.constant 0 : index
    %swap3A_108 = vector.load %arg14[%swap3A_106, %swap3A_107] : memref<2560x16xf32, #tpu.memory_space<vmem>>, vector<2560x16xf32>
    tpu.vector_store %arg14[%swap3A_106, %swap3A_107], %select_n3A {strides = array<i32>} : memref<2560x16xf32, #tpu.memory_space<vmem>>, vector<2560x16xf32>,
    return
  }
  func.func @transform_0(%arg0: i32) -> (i32, i32) {
    %c0_i32 = arith.constant 0 : i32
    %c0_i32_0 = arith.constant 0 : i32
    return %arg0, %c0_i32 : i32, i32
  }
  func.func @transform_1(%arg0: i32) -> (i32, i32) {
    %add3A = arith.constant 0 : i32
    %add3A_0 = arith.addi %arg0, %add3A : i32
    %c0_i32 = arith.constant 0 : i32
    %c0_i32_1 = arith.constant 0 : i32
    return %add3A_0, %c0_i32 : i32, i32
  }
  func.func @transform_2(%arg0: i32) -> (i32, i32) {
    %c0_i32 = arith.constant 0 : i32
    %c0_i32_0 = arith.constant 0 : i32
    %c0_i32_1 = arith.constant 0 : i32
    return %c0_i32, %c0_i32_0 : i32, i32
  }
  func.func @transform_3(%arg0: i32) -> (i32, i32) {
    %c0_i32 = arith.constant 0 : i32
    %c0_i32_0 = arith.constant 0 : i32
    %c0_i32_1 = arith.constant 0 : i32
    return %c0_i32, %c0_i32_0 : i32, i32
  }
  func.func @transform_4(%arg0: i32) -> (i32, i32) {
    %c0_i32 = arith.constant 0 : i32
    %c0_i32_0 = arith.constant 0 : i32
    %c0_i32_1 = arith.constant 0 : i32
    return %c0_i32, %c0_i32_0 : i32, i32
  }
  func.func @transform_5(%arg0: i32) -> (i32, i32) {
    %c0_i32 = arith.constant 0 : i32
    %c0_i32_0 = arith.constant 0 : i32
    %c0_i32_1 = arith.constant 0 : i32
    return %c0_i32, %c0_i32_0 : i32, i32
  }
  func.func @transform_6(%arg0: i32) -> (i32, i32) {
    %c0_i32 = arith.constant 0 : i32
    %c0_i32_0 = arith.constant 0 : i32
    %c0_i32_1 = arith.constant 0 : i32
    return %c0_i32, %c0_i32_0 : i32, i32
  }
  func.func @transform_7(%arg0: i32) -> (i32, i32) {
    %c0_i32 = arith.constant 0 : i32
    %c0_i32_0 = arith.constant 0 : i32
    %c0_i32_1 = arith.constant 0 : i32
    return %c0_i32, %c0_i32_0 : i32, i32
  }
  func.func @transform_8(%arg0: i32) -> (i32, i32) {
    %c0_i32 = arith.constant 0 : i32
    %c0_i32_0 = arith.constant 0 : i32
    %c0_i32_1 = arith.constant 0 : i32
    return %c0_i32, %c0_i32_0 : i32, i32
  }
  func.func @transform_9(%arg0: i32) -> (i32, i32) {
    %c0_i32 = arith.constant 0 : i32
    %c0_i32_0 = arith.constant 0 : i32
    %c0_i32_1 = arith.constant 0 : i32
    return %c0_i32, %c0_i32_0 : i32, i32
  }
  func.func @transform_10(%arg0: i32) -> (i32, i32) {
    %c0_i32 = arith.constant 0 : i32
    %c0_i32_0 = arith.constant 0 : i32
    %c0_i32_1 = arith.constant 0 : i32
    return %c0_i32, %c0_i32_0 : i32, i32
  }
  func.func @transform_11(%arg0: i32) -> (i32, i32) {
    %c0_i32 = arith.constant 0 : i32
    %c0_i32_0 = arith.constant 0 : i32
    %c0_i32_1 = arith.constant 0 : i32
    return %c0_i32, %c0_i32_0 : i32, i32
  }
  func.func @transform_12(%arg0: i32) -> (i32, i32) {
    %c0_i32 = arith.constant 0 : i32
    %c0_i32_0 = arith.constant 0 : i32
    return %arg0, %c0_i32 : i32, i32
  }
  func.func @transform_13(%arg0: i32) -> (i32, i32) {
    %c0_i32 = arith.constant 0 : i32
    %c0_i32_0 = arith.constant 0 : i32
    return %arg0, %c0_i32 : i32, i32
  }
}

module attributes {stable_mosaic.version = 14 : i64} {
  func.func @_tc_edge_body(%arg0: i32, %arg1: memref<2560x128xf32, #tpu.memory_space<vmem>>, %arg2: memref<2560x16xf32, #tpu.memory_space<vmem>>, %arg3: memref<16x128xf32, #tpu.memory_space<vmem>>, %arg4: memref<1x128xf32, #tpu.memory_space<vmem>>, %arg5: memref<1x128xf32, #tpu.memory_space<vmem>>, %arg6: memref<1x128xf32, #tpu.memory_space<vmem>>, %arg7: memref<128x256xf32, #tpu.memory_space<vmem>>, %arg8: memref<1x256xf32, #tpu.memory_space<vmem>>, %arg9: memref<128x128xf32, #tpu.memory_space<vmem>>, %arg10: memref<1x128xf32, #tpu.memory_space<vmem>>, %arg11: memref<128x128xf32, #tpu.memory_space<vmem>>, %arg12: memref<1x1xf32, #tpu.memory_space<vmem>>, %arg13: memref<2560x128xf32, #tpu.memory_space<vmem>>, %arg14: memref<2560x16xf32, #tpu.memory_space<vmem>>) attributes {dimension_semantics = [#tpu.dimension_semantics<arbitrary>], iteration_bounds = array<i64: 62>, scalar_prefetch = 0 : i64, scratch_operands = 0 : i64, tpu.core_type = #tpu.core_type<tc>, window_params = [{transform_indices = @transform_0, window_bounds = array<i64: 2560, 128>}, {transform_indices = @transform_1, window_bounds = array<i64: 2560, 16>}, {pipeline_mode = #tpu.pipeline_mode<synchronous>, transform_indices = @transform_2, window_bounds = array<i64: 16, 128>}, {pipeline_mode = #tpu.pipeline_mode<synchronous>, transform_indices = @transform_3, window_bounds = array<i64: 1, 128>}, {pipeline_mode = #tpu.pipeline_mode<synchronous>, transform_indices = @transform_4, window_bounds = array<i64: 1, 128>}, {pipeline_mode = #tpu.pipeline_mode<synchronous>, transform_indices = @transform_5, window_bounds = array<i64: 1, 128>}, {pipeline_mode = #tpu.pipeline_mode<synchronous>, transform_indices = @transform_6, window_bounds = array<i64: 128, 256>}, {pipeline_mode = #tpu.pipeline_mode<synchronous>, transform_indices = @transform_7, window_bounds = array<i64: 1, 256>}, {pipeline_mode = #tpu.pipeline_mode<synchronous>, transform_indices = @transform_8, window_bounds = array<i64: 128, 128>}, {pipeline_mode = #tpu.pipeline_mode<synchronous>, transform_indices = @transform_9, window_bounds = array<i64: 1, 128>}, {pipeline_mode = #tpu.pipeline_mode<synchronous>, transform_indices = @transform_10, window_bounds = array<i64: 128, 128>}, {pipeline_mode = #tpu.pipeline_mode<synchronous>, transform_indices = @transform_11, window_bounds = array<i64: 1, 1>}, {transform_indices = @transform_12, window_bounds = array<i64: 2560, 128>}, {transform_indices = @transform_13, window_bounds = array<i64: 2560, 16>}]} {
    %get3A = arith.constant 0 : index
    %get3A_0 = arith.constant 0 : index
    %get3A_1 = vector.load %arg1[%get3A, %get3A_0] : memref<2560x128xf32, #tpu.memory_space<vmem>>, vector<2560x128xf32>
    %get3A_2 = arith.constant 0 : index
    %get3A_3 = arith.constant 0 : index
    %get3A_4 = vector.load %arg2[%get3A_2, %get3A_3] : memref<2560x16xf32, #tpu.memory_space<vmem>>, vector<2560x16xf32>
    %get3A_5 = arith.constant 0 : index
    %get3A_6 = arith.constant 0 : index
    %get3A_7 = vector.load %arg3[%get3A_5, %get3A_6] : memref<16x128xf32, #tpu.memory_space<vmem>>, vector<16x128xf32>
    %dot_general3A = arith.constant dense<0.000000e+00> : vector<2560x128xf32>
    %dot_general3A_8 = tpu.matmul %get3A_4, %get3A_7, %dot_general3A {dimension_numbers = #tpu.dot_dimension_numbers<[1], [0], [0], [1], [0, 0, 1, 1], [], []>, transpose_lhs_hint = false} : vector<2560x16xf32>, vector<16x128xf32>, vector<2560x128xf32> -> vector<2560x128xf32>
    %add3A = arith.addf %get3A_1, %dot_general3A_8 : vector<2560x128xf32>
    %get3A_9 = arith.constant 0 : index
    %get3A_10 = arith.constant 0 : index
    %get3A_11 = vector.load %arg4[%get3A_9, %get3A_10] : memref<1x128xf32, #tpu.memory_space<vmem>>, vector<1x128xf32>
    %add3A_12 = vector.broadcast %get3A_11 : vector<1x128xf32> to vector<2560x128xf32>
    %add3A_13 = arith.addf %add3A, %add3A_12 : vector<2560x128xf32>
    %get3A_14 = arith.constant 0 : index
    %get3A_15 = arith.constant 0 : index
    %get3A_16 = vector.load %arg5[%get3A_14, %get3A_15] : memref<1x128xf32, #tpu.memory_space<vmem>>, vector<1x128xf32>
    %get3A_17 = arith.constant 0 : index
    %get3A_18 = arith.constant 0 : index
    %get3A_19 = vector.load %arg6[%get3A_17, %get3A_18] : memref<1x128xf32, #tpu.memory_space<vmem>>, vector<1x128xf32>
    %reduce_sum3A = arith.constant dense<0.000000e+00> : vector<2560xf32>
    %reduce_sum3A_20 = vector.multi_reduction <add>, %add3A_13, %reduce_sum3A [1] : vector<2560x128xf32> to vector<2560xf32>
    %broadcast_in_dim3A = vector.shape_cast %reduce_sum3A_20 : vector<2560xf32> to vector<2560x1xf32>
    %div3A = arith.constant 1.280000e+02 : f32
    %div3A_21 = vector.broadcast %div3A : f32 to vector<2560x1xf32>
    %div3A_22 = arith.divf %broadcast_in_dim3A, %div3A_21 : vector<2560x1xf32>
    %sub3A = vector.broadcast %div3A_22 : vector<2560x1xf32> to vector<2560x128xf32>
    %sub3A_23 = arith.subf %add3A_13, %sub3A : vector<2560x128xf32>
    %integer_pow3A = arith.mulf %sub3A_23, %sub3A_23 : vector<2560x128xf32>
    %reduce_sum3A_24 = arith.constant dense<0.000000e+00> : vector<2560xf32>
    %reduce_sum3A_25 = vector.multi_reduction <add>, %integer_pow3A, %reduce_sum3A_24 [1] : vector<2560x128xf32> to vector<2560xf32>
    %broadcast_in_dim3A_26 = vector.shape_cast %reduce_sum3A_25 : vector<2560xf32> to vector<2560x1xf32>
    %div3A_27 = arith.constant 1.280000e+02 : f32
    %div3A_28 = vector.broadcast %div3A_27 : f32 to vector<2560x1xf32>
    %div3A_29 = arith.divf %broadcast_in_dim3A_26, %div3A_28 : vector<2560x1xf32>
    %sub3A_30 = vector.broadcast %div3A_22 : vector<2560x1xf32> to vector<2560x128xf32>
    %sub3A_31 = arith.subf %add3A_13, %sub3A_30 : vector<2560x128xf32>
    %add3A_32 = arith.constant 9.99999974E-6 : f32
    %add3A_33 = vector.broadcast %add3A_32 : f32 to vector<2560x1xf32>
    %add3A_34 = arith.addf %div3A_29, %add3A_33 : vector<2560x1xf32>
    %sqrt3A = math.sqrt %add3A_34 : vector<2560x1xf32>
    %div3A_35 = vector.broadcast %sqrt3A : vector<2560x1xf32> to vector<2560x128xf32>
    %div3A_36 = arith.divf %sub3A_31, %div3A_35 : vector<2560x128xf32>
    %mul3A = vector.broadcast %get3A_16 : vector<1x128xf32> to vector<2560x128xf32>
    %mul3A_37 = arith.mulf %div3A_36, %mul3A : vector<2560x128xf32>
    %add3A_38 = vector.broadcast %get3A_19 : vector<1x128xf32> to vector<2560x128xf32>
    %add3A_39 = arith.addf %mul3A_37, %add3A_38 : vector<2560x128xf32>
    %logistic3A = arith.negf %add3A_39 : vector<2560x128xf32>
    %logistic3A_40 = math.exp %logistic3A : vector<2560x128xf32>
    %logistic3A_41 = arith.constant 1.000000e+00 : f32
    %logistic3A_42 = vector.broadcast %logistic3A_41 : f32 to vector<2560x128xf32>
    %logistic3A_43 = arith.addf %logistic3A_42, %logistic3A_40 : vector<2560x128xf32>
    %logistic3A_44 = arith.divf %logistic3A_42, %logistic3A_43 : vector<2560x128xf32>
    %mul3A_45 = arith.mulf %add3A_39, %logistic3A_44 : vector<2560x128xf32>
    %get3A_46 = arith.constant 0 : index
    %get3A_47 = arith.constant 0 : index
    %get3A_48 = vector.load %arg7[%get3A_46, %get3A_47] : memref<128x256xf32, #tpu.memory_space<vmem>>, vector<128x256xf32>
    %dot_general3A_49 = arith.constant dense<0.000000e+00> : vector<2560x256xf32>
    %dot_general3A_50 = tpu.matmul %mul3A_45, %get3A_48, %dot_general3A_49 {dimension_numbers = #tpu.dot_dimension_numbers<[1], [0], [0], [1], [0, 0, 1, 1], [], []>, transpose_lhs_hint = false} : vector<2560x128xf32>, vector<128x256xf32>, vector<2560x256xf32> -> vector<2560x256xf32>
    %get3A_51 = arith.constant 0 : index
    %get3A_52 = arith.constant 0 : index
    %get3A_53 = vector.load %arg8[%get3A_51, %get3A_52] : memref<1x256xf32, #tpu.memory_space<vmem>>, vector<1x256xf32>
    %add3A_54 = vector.broadcast %get3A_53 : vector<1x256xf32> to vector<2560x256xf32>
    %add3A_55 = arith.addf %dot_general3A_50, %add3A_54 : vector<2560x256xf32>
    %slice3A = vector.extract_strided_slice %add3A_55 {offsets = [0, 128], sizes = [2560, 1], strides = [1, 1]} : vector<2560x256xf32> to vector<2560x1xf32>
    %logistic3A_56 = arith.negf %slice3A : vector<2560x1xf32>
    %logistic3A_57 = math.exp %logistic3A_56 : vector<2560x1xf32>
    %logistic3A_58 = arith.constant 1.000000e+00 : f32
    %logistic3A_59 = vector.broadcast %logistic3A_58 : f32 to vector<2560x1xf32>
    %logistic3A_60 = arith.addf %logistic3A_59, %logistic3A_57 : vector<2560x1xf32>
    %logistic3A_61 = arith.divf %logistic3A_59, %logistic3A_60 : vector<2560x1xf32>
    %slice3A_62 = vector.extract_strided_slice %add3A_55 {offsets = [0, 0], sizes = [2560, 128], strides = [1, 1]} : vector<2560x256xf32> to vector<2560x128xf32>
    %mul3A_63 = vector.broadcast %logistic3A_61 : vector<2560x1xf32> to vector<2560x128xf32>
    %mul3A_64 = arith.mulf %slice3A_62, %mul3A_63 : vector<2560x128xf32>
    %swap3A = arith.constant 0 : index
    %swap3A_65 = arith.constant 0 : index
    %swap3A_66 = vector.load %arg13[%swap3A, %swap3A_65] : memref<2560x128xf32, #tpu.memory_space<vmem>>, vector<2560x128xf32>
    tpu.vector_store %arg13[%swap3A, %swap3A_65], %mul3A_64 {strides = array<i32>} : memref<2560x128xf32, #tpu.memory_space<vmem>>, vector<2560x128xf32>,
    %get3A_67 = arith.constant 0 : index
    %get3A_68 = arith.constant 0 : index
    %get3A_69 = vector.load %arg9[%get3A_67, %get3A_68] : memref<128x128xf32, #tpu.memory_space<vmem>>, vector<128x128xf32>
    %dot_general3A_70 = arith.constant dense<0.000000e+00> : vector<2560x128xf32>
    %dot_general3A_71 = tpu.matmul %mul3A_64, %get3A_69, %dot_general3A_70 {dimension_numbers = #tpu.dot_dimension_numbers<[1], [0], [0], [1], [0, 0, 1, 1], [], []>, transpose_lhs_hint = false} : vector<2560x128xf32>, vector<128x128xf32>, vector<2560x128xf32> -> vector<2560x128xf32>
    %get3A_72 = arith.constant 0 : index
    %get3A_73 = arith.constant 0 : index
    %get3A_74 = vector.load %arg10[%get3A_72, %get3A_73] : memref<1x128xf32, #tpu.memory_space<vmem>>, vector<1x128xf32>
    %add3A_75 = vector.broadcast %get3A_74 : vector<1x128xf32> to vector<2560x128xf32>
    %add3A_76 = arith.addf %dot_general3A_71, %add3A_75 : vector<2560x128xf32>
    %logistic3A_77 = arith.negf %add3A_76 : vector<2560x128xf32>
    %logistic3A_78 = math.exp %logistic3A_77 : vector<2560x128xf32>
    %logistic3A_79 = arith.constant 1.000000e+00 : f32
    %logistic3A_80 = vector.broadcast %logistic3A_79 : f32 to vector<2560x128xf32>
    %logistic3A_81 = arith.addf %logistic3A_80, %logistic3A_78 : vector<2560x128xf32>
    %logistic3A_82 = arith.divf %logistic3A_80, %logistic3A_81 : vector<2560x128xf32>
    %mul3A_83 = arith.mulf %add3A_76, %logistic3A_82 : vector<2560x128xf32>
    %get3A_84 = arith.constant 0 : index
    %get3A_85 = arith.constant 0 : index
    %get3A_86 = vector.load %arg11[%get3A_84, %get3A_85] : memref<128x128xf32, #tpu.memory_space<vmem>>, vector<128x128xf32>
    %dot_general3A_87 = arith.constant dense<0.000000e+00> : vector<2560x128xf32>
    %dot_general3A_88 = tpu.matmul %mul3A_83, %get3A_86, %dot_general3A_87 {dimension_numbers = #tpu.dot_dimension_numbers<[1], [0], [0], [1], [0, 0, 1, 1], [], []>, transpose_lhs_hint = false} : vector<2560x128xf32>, vector<128x128xf32>, vector<2560x128xf32> -> vector<2560x128xf32>
    %slice3A_89 = vector.extract_strided_slice %dot_general3A_88 {offsets = [0, 0], sizes = [2560, 1], strides = [1, 1]} : vector<2560x128xf32> to vector<2560x1xf32>
    %get3A_90 = arith.constant 0 : index
    %get3A_91 = arith.constant 0 : index
    %get3A_92 = vector.load %arg12[%get3A_90, %get3A_91] : memref<1x1xf32, #tpu.memory_space<vmem>>, vector<1x1xf32>
    %add3A_93 = vector.broadcast %get3A_92 : vector<1x1xf32> to vector<2560x1xf32>
    %add3A_94 = arith.addf %slice3A_89, %add3A_93 : vector<2560x1xf32>
    %jit3A = arith.constant -1.000000e+02 : f32
    %jit3A_95 = arith.constant 1.000000e+02 : f32
    %max3A = vector.broadcast %jit3A : f32 to vector<2560x1xf32>
    %max3A_96 = arith.maximumf %max3A, %add3A_94 : vector<2560x1xf32>
    %min3A = vector.broadcast %jit3A_95 : f32 to vector<2560x1xf32>
    %min3A_97 = arith.minimumf %min3A, %max3A_96 : vector<2560x1xf32>
    %iota3A = tpu.iota {dimensions = array<i32: 1>} : vector<1x16xi32>
    %eq3A = arith.constant 0 : i32
    %eq3A_98 = vector.broadcast %eq3A : i32 to vector<1x16xi32>
    %eq3A_99 = arith.cmpi eq, %iota3A, %eq3A_98 : vector<1x16xi32>
    %jit3A_100 = arith.constant 0.000000e+00 : f32
    %broadcast_in_dim3A_101 = vector.shape_cast %eq3A_99 : vector<1x16xi1> to vector<1x16xi1>
    %broadcast_in_dim3A_102 = vector.broadcast %broadcast_in_dim3A_101 : vector<1x16xi1> to vector<2560x16xi1>
    %broadcast_in_dim3A_103 = vector.shape_cast %min3A_97 : vector<2560x1xf32> to vector<2560x1xf32>
    %broadcast_in_dim3A_104 = vector.broadcast %broadcast_in_dim3A_103 : vector<2560x1xf32> to vector<2560x16xf32>
    %broadcast_in_dim3A_105 = vector.broadcast %jit3A_100 : f32 to vector<2560x16xf32>
    %select_n3A = arith.select %broadcast_in_dim3A_102, %broadcast_in_dim3A_104, %broadcast_in_dim3A_105 : vector<2560x16xi1>, vector<2560x16xf32>
    %swap3A_106 = arith.constant 0 : index
    %swap3A_107 = arith.constant 0 : index
    %swap3A_108 = vector.load %arg14[%swap3A_106, %swap3A_107] : memref<2560x16xf32, #tpu.memory_space<vmem>>, vector<2560x16xf32>
    tpu.vector_store %arg14[%swap3A_106, %swap3A_107], %select_n3A {strides = array<i32>} : memref<2560x16xf32, #tpu.memory_space<vmem>>, vector<2560x16xf32>,
    return
  }
  func.func @transform_0(%arg0: i32) -> (i32, i32) {
    %c0_i32 = arith.constant 0 : i32
    %c0_i32_0 = arith.constant 0 : i32
    return %arg0, %c0_i32 : i32, i32
  }
  func.func @transform_1(%arg0: i32) -> (i32, i32) {
    %add3A = arith.constant 63 : i32
    %add3A_0 = arith.addi %arg0, %add3A : i32
    %c0_i32 = arith.constant 0 : i32
    %c0_i32_1 = arith.constant 0 : i32
    return %add3A_0, %c0_i32 : i32, i32
  }
  func.func @transform_2(%arg0: i32) -> (i32, i32) {
    %c0_i32 = arith.constant 0 : i32
    %c0_i32_0 = arith.constant 0 : i32
    %c0_i32_1 = arith.constant 0 : i32
    return %c0_i32, %c0_i32_0 : i32, i32
  }
  func.func @transform_3(%arg0: i32) -> (i32, i32) {
    %c0_i32 = arith.constant 0 : i32
    %c0_i32_0 = arith.constant 0 : i32
    %c0_i32_1 = arith.constant 0 : i32
    return %c0_i32, %c0_i32_0 : i32, i32
  }
  func.func @transform_4(%arg0: i32) -> (i32, i32) {
    %c0_i32 = arith.constant 0 : i32
    %c0_i32_0 = arith.constant 0 : i32
    %c0_i32_1 = arith.constant 0 : i32
    return %c0_i32, %c0_i32_0 : i32, i32
  }
  func.func @transform_5(%arg0: i32) -> (i32, i32) {
    %c0_i32 = arith.constant 0 : i32
    %c0_i32_0 = arith.constant 0 : i32
    %c0_i32_1 = arith.constant 0 : i32
    return %c0_i32, %c0_i32_0 : i32, i32
  }
  func.func @transform_6(%arg0: i32) -> (i32, i32) {
    %c0_i32 = arith.constant 0 : i32
    %c0_i32_0 = arith.constant 0 : i32
    %c0_i32_1 = arith.constant 0 : i32
    return %c0_i32, %c0_i32_0 : i32, i32
  }
  func.func @transform_7(%arg0: i32) -> (i32, i32) {
    %c0_i32 = arith.constant 0 : i32
    %c0_i32_0 = arith.constant 0 : i32
    %c0_i32_1 = arith.constant 0 : i32
    return %c0_i32, %c0_i32_0 : i32, i32
  }
  func.func @transform_8(%arg0: i32) -> (i32, i32) {
    %c0_i32 = arith.constant 0 : i32
    %c0_i32_0 = arith.constant 0 : i32
    %c0_i32_1 = arith.constant 0 : i32
    return %c0_i32, %c0_i32_0 : i32, i32
  }
  func.func @transform_9(%arg0: i32) -> (i32, i32) {
    %c0_i32 = arith.constant 0 : i32
    %c0_i32_0 = arith.constant 0 : i32
    %c0_i32_1 = arith.constant 0 : i32
    return %c0_i32, %c0_i32_0 : i32, i32
  }
  func.func @transform_10(%arg0: i32) -> (i32, i32) {
    %c0_i32 = arith.constant 0 : i32
    %c0_i32_0 = arith.constant 0 : i32
    %c0_i32_1 = arith.constant 0 : i32
    return %c0_i32, %c0_i32_0 : i32, i32
  }
  func.func @transform_11(%arg0: i32) -> (i32, i32) {
    %c0_i32 = arith.constant 0 : i32
    %c0_i32_0 = arith.constant 0 : i32
    %c0_i32_1 = arith.constant 0 : i32
    return %c0_i32, %c0_i32_0 : i32, i32
  }
  func.func @transform_12(%arg0: i32) -> (i32, i32) {
    %c0_i32 = arith.constant 0 : i32
    %c0_i32_0 = arith.constant 0 : i32
    return %arg0, %c0_i32 : i32, i32
  }
  func.func @transform_13(%arg0: i32) -> (i32, i32) {
    %c0_i32 = arith.constant 0 : i32
    %c0_i32_0 = arith.constant 0 : i32
    return %arg0, %c0_i32 : i32, i32
  }
}

module attributes {stable_mosaic.version = 14 : i64} {
  func.func @_tc_node_body(%arg0: i32, %arg1: memref<1000x128xf32, #tpu.memory_space<vmem>>, %arg2: memref<1000x128xf32, #tpu.memory_space<vmem>>, %arg3: memref<1000x128xf32, #tpu.memory_space<vmem>>, %arg4: memref<1000x128xf32, #tpu.memory_space<vmem>>, %arg5: memref<1000x16xf32, #tpu.memory_space<vmem>>, %arg6: memref<1000x16xf32, #tpu.memory_space<vmem>>, %arg7: memref<1000x16xf32, #tpu.memory_space<vmem>>, %arg8: memref<128x128xf32, #tpu.memory_space<vmem>>, %arg9: memref<1x128xf32, #tpu.memory_space<vmem>>, %arg10: memref<1x128xf32, #tpu.memory_space<vmem>>, %arg11: memref<128x128xf32, #tpu.memory_space<vmem>>, %arg12: memref<1x128xf32, #tpu.memory_space<vmem>>, %arg13: memref<1000x128xf32, #tpu.memory_space<vmem>>, %arg14: memref<1000x16xf32, #tpu.memory_space<vmem>>) attributes {dimension_semantics = [#tpu.dimension_semantics<arbitrary>], iteration_bounds = array<i64: 10>, scalar_prefetch = 0 : i64, scratch_operands = 0 : i64, tpu.core_type = #tpu.core_type<tc>, window_params = [{transform_indices = @transform_0, window_bounds = array<i64: 1000, 128>}, {transform_indices = @transform_1, window_bounds = array<i64: 1000, 128>}, {transform_indices = @transform_2, window_bounds = array<i64: 1000, 128>}, {transform_indices = @transform_3, window_bounds = array<i64: 1000, 128>}, {transform_indices = @transform_4, window_bounds = array<i64: 1000, 16>}, {transform_indices = @transform_5, window_bounds = array<i64: 1000, 16>}, {transform_indices = @transform_6, window_bounds = array<i64: 1000, 16>}, {pipeline_mode = #tpu.pipeline_mode<synchronous>, transform_indices = @transform_7, window_bounds = array<i64: 128, 128>}, {pipeline_mode = #tpu.pipeline_mode<synchronous>, transform_indices = @transform_8, window_bounds = array<i64: 1, 128>}, {pipeline_mode = #tpu.pipeline_mode<synchronous>, transform_indices = @transform_9, window_bounds = array<i64: 1, 128>}, {pipeline_mode = #tpu.pipeline_mode<synchronous>, transform_indices = @transform_10, window_bounds = array<i64: 128, 128>}, {pipeline_mode = #tpu.pipeline_mode<synchronous>, transform_indices = @transform_11, window_bounds = array<i64: 1, 128>}, {transform_indices = @transform_12, window_bounds = array<i64: 1000, 128>}, {transform_indices = @transform_13, window_bounds = array<i64: 1000, 16>}]} {
    %get3A = arith.constant 0 : index
    %get3A_0 = arith.constant 0 : index
    %get3A_1 = vector.load %arg2[%get3A, %get3A_0] : memref<1000x128xf32, #tpu.memory_space<vmem>>, vector<1000x128xf32>
    %get3A_2 = arith.constant 0 : index
    %get3A_3 = arith.constant 0 : index
    %get3A_4 = vector.load %arg3[%get3A_2, %get3A_3] : memref<1000x128xf32, #tpu.memory_space<vmem>>, vector<1000x128xf32>
    %get3A_5 = arith.constant 0 : index
    %get3A_6 = arith.constant 0 : index
    %get3A_7 = vector.load %arg4[%get3A_5, %get3A_6] : memref<1000x128xf32, #tpu.memory_space<vmem>>, vector<1000x128xf32>
    %add3A = arith.addf %get3A_4, %get3A_7 : vector<1000x128xf32>
    %get3A_8 = arith.constant 0 : index
    %get3A_9 = arith.constant 0 : index
    %get3A_10 = vector.load %arg8[%get3A_8, %get3A_9] : memref<128x128xf32, #tpu.memory_space<vmem>>, vector<128x128xf32>
    %dot_general3A = arith.constant dense<0.000000e+00> : vector<1000x128xf32>
    %dot_general3A_11 = tpu.matmul %add3A, %get3A_10, %dot_general3A {dimension_numbers = #tpu.dot_dimension_numbers<[1], [0], [0], [1], [0, 0, 1, 1], [], []>, transpose_lhs_hint = false} : vector<1000x128xf32>, vector<128x128xf32>, vector<1000x128xf32> -> vector<1000x128xf32>
    %add3A_12 = arith.addf %get3A_1, %dot_general3A_11 : vector<1000x128xf32>
    %get3A_13 = arith.constant 0 : index
    %get3A_14 = arith.constant 0 : index
    %get3A_15 = vector.load %arg9[%get3A_13, %get3A_14] : memref<1x128xf32, #tpu.memory_space<vmem>>, vector<1x128xf32>
    %get3A_16 = arith.constant 0 : index
    %get3A_17 = arith.constant 0 : index
    %get3A_18 = vector.load %arg10[%get3A_16, %get3A_17] : memref<1x128xf32, #tpu.memory_space<vmem>>, vector<1x128xf32>
    %reduce_sum3A = arith.constant dense<0.000000e+00> : vector<1000xf32>
    %reduce_sum3A_19 = vector.multi_reduction <add>, %add3A_12, %reduce_sum3A [1] : vector<1000x128xf32> to vector<1000xf32>
    %broadcast_in_dim3A = vector.shape_cast %reduce_sum3A_19 : vector<1000xf32> to vector<1000x1xf32>
    %div3A = arith.constant 1.280000e+02 : f32
    %div3A_20 = vector.broadcast %div3A : f32 to vector<1000x1xf32>
    %div3A_21 = arith.divf %broadcast_in_dim3A, %div3A_20 : vector<1000x1xf32>
    %sub3A = vector.broadcast %div3A_21 : vector<1000x1xf32> to vector<1000x128xf32>
    %sub3A_22 = arith.subf %add3A_12, %sub3A : vector<1000x128xf32>
    %integer_pow3A = arith.mulf %sub3A_22, %sub3A_22 : vector<1000x128xf32>
    %reduce_sum3A_23 = arith.constant dense<0.000000e+00> : vector<1000xf32>
    %reduce_sum3A_24 = vector.multi_reduction <add>, %integer_pow3A, %reduce_sum3A_23 [1] : vector<1000x128xf32> to vector<1000xf32>
    %broadcast_in_dim3A_25 = vector.shape_cast %reduce_sum3A_24 : vector<1000xf32> to vector<1000x1xf32>
    %div3A_26 = arith.constant 1.280000e+02 : f32
    %div3A_27 = vector.broadcast %div3A_26 : f32 to vector<1000x1xf32>
    %div3A_28 = arith.divf %broadcast_in_dim3A_25, %div3A_27 : vector<1000x1xf32>
    %sub3A_29 = vector.broadcast %div3A_21 : vector<1000x1xf32> to vector<1000x128xf32>
    %sub3A_30 = arith.subf %add3A_12, %sub3A_29 : vector<1000x128xf32>
    %add3A_31 = arith.constant 9.99999974E-6 : f32
    %add3A_32 = vector.broadcast %add3A_31 : f32 to vector<1000x1xf32>
    %add3A_33 = arith.addf %div3A_28, %add3A_32 : vector<1000x1xf32>
    %sqrt3A = math.sqrt %add3A_33 : vector<1000x1xf32>
    %div3A_34 = vector.broadcast %sqrt3A : vector<1000x1xf32> to vector<1000x128xf32>
    %div3A_35 = arith.divf %sub3A_30, %div3A_34 : vector<1000x128xf32>
    %mul3A = vector.broadcast %get3A_15 : vector<1x128xf32> to vector<1000x128xf32>
    %mul3A_36 = arith.mulf %div3A_35, %mul3A : vector<1000x128xf32>
    %add3A_37 = vector.broadcast %get3A_18 : vector<1x128xf32> to vector<1000x128xf32>
    %add3A_38 = arith.addf %mul3A_36, %add3A_37 : vector<1000x128xf32>
    %logistic3A = arith.negf %add3A_38 : vector<1000x128xf32>
    %logistic3A_39 = math.exp %logistic3A : vector<1000x128xf32>
    %logistic3A_40 = arith.constant 1.000000e+00 : f32
    %logistic3A_41 = vector.broadcast %logistic3A_40 : f32 to vector<1000x128xf32>
    %logistic3A_42 = arith.addf %logistic3A_41, %logistic3A_39 : vector<1000x128xf32>
    %logistic3A_43 = arith.divf %logistic3A_41, %logistic3A_42 : vector<1000x128xf32>
    %mul3A_44 = arith.mulf %add3A_38, %logistic3A_43 : vector<1000x128xf32>
    %get3A_45 = arith.constant 0 : index
    %get3A_46 = arith.constant 0 : index
    %get3A_47 = vector.load %arg1[%get3A_45, %get3A_46] : memref<1000x128xf32, #tpu.memory_space<vmem>>, vector<1000x128xf32>
    %get3A_48 = arith.constant 0 : index
    %get3A_49 = arith.constant 0 : index
    %get3A_50 = vector.load %arg11[%get3A_48, %get3A_49] : memref<128x128xf32, #tpu.memory_space<vmem>>, vector<128x128xf32>
    %dot_general3A_51 = arith.constant dense<0.000000e+00> : vector<1000x128xf32>
    %dot_general3A_52 = tpu.matmul %mul3A_44, %get3A_50, %dot_general3A_51 {dimension_numbers = #tpu.dot_dimension_numbers<[1], [0], [0], [1], [0, 0, 1, 1], [], []>, transpose_lhs_hint = false} : vector<1000x128xf32>, vector<128x128xf32>, vector<1000x128xf32> -> vector<1000x128xf32>
    %add3A_53 = arith.addf %get3A_47, %dot_general3A_52 : vector<1000x128xf32>
    %get3A_54 = arith.constant 0 : index
    %get3A_55 = arith.constant 0 : index
    %get3A_56 = vector.load %arg12[%get3A_54, %get3A_55] : memref<1x128xf32, #tpu.memory_space<vmem>>, vector<1x128xf32>
    %add3A_57 = vector.broadcast %get3A_56 : vector<1x128xf32> to vector<1000x128xf32>
    %add3A_58 = arith.addf %add3A_53, %add3A_57 : vector<1000x128xf32>
    %swap3A = arith.constant 0 : index
    %swap3A_59 = arith.constant 0 : index
    %swap3A_60 = vector.load %arg13[%swap3A, %swap3A_59] : memref<1000x128xf32, #tpu.memory_space<vmem>>, vector<1000x128xf32>
    tpu.vector_store %arg13[%swap3A, %swap3A_59], %add3A_58 {strides = array<i32>} : memref<1000x128xf32, #tpu.memory_space<vmem>>, vector<1000x128xf32>,
    %get3A_61 = arith.constant 0 : index
    %get3A_62 = arith.constant 0 : index
    %get3A_63 = vector.load %arg7[%get3A_61, %get3A_62] : memref<1000x16xf32, #tpu.memory_space<vmem>>, vector<1000x16xf32>
    %get3A_64 = arith.constant 0 : index
    %get3A_65 = arith.constant 0 : index
    %get3A_66 = vector.load %arg5[%get3A_64, %get3A_65] : memref<1000x16xf32, #tpu.memory_space<vmem>>, vector<1000x16xf32>
    %add3A_67 = arith.addf %get3A_63, %get3A_66 : vector<1000x16xf32>
    %get3A_68 = arith.constant 0 : index
    %get3A_69 = arith.constant 0 : index
    %get3A_70 = vector.load %arg6[%get3A_68, %get3A_69] : memref<1000x16xf32, #tpu.memory_space<vmem>>, vector<1000x16xf32>
    %add3A_71 = arith.addf %add3A_67, %get3A_70 : vector<1000x16xf32>
    %swap3A_72 = arith.constant 0 : index
    %swap3A_73 = arith.constant 0 : index
    %swap3A_74 = vector.load %arg14[%swap3A_72, %swap3A_73] : memref<1000x16xf32, #tpu.memory_space<vmem>>, vector<1000x16xf32>
    tpu.vector_store %arg14[%swap3A_72, %swap3A_73], %add3A_71 {strides = array<i32>} : memref<1000x16xf32, #tpu.memory_space<vmem>>, vector<1000x16xf32>,
    return
  }
  func.func @transform_0(%arg0: i32) -> (i32, i32) {
    %c0_i32 = arith.constant 0 : i32
    %c0_i32_0 = arith.constant 0 : i32
    return %arg0, %c0_i32 : i32, i32
  }
  func.func @transform_1(%arg0: i32) -> (i32, i32) {
    %c0_i32 = arith.constant 0 : i32
    %c0_i32_0 = arith.constant 0 : i32
    return %arg0, %c0_i32 : i32, i32
  }
  func.func @transform_2(%arg0: i32) -> (i32, i32) {
    %c0_i32 = arith.constant 0 : i32
    %c0_i32_0 = arith.constant 0 : i32
    return %arg0, %c0_i32 : i32, i32
  }
  func.func @transform_3(%arg0: i32) -> (i32, i32) {
    %add3A = arith.constant 10 : i32
    %add3A_0 = arith.addi %arg0, %add3A : i32
    %c0_i32 = arith.constant 0 : i32
    %c0_i32_1 = arith.constant 0 : i32
    return %add3A_0, %c0_i32 : i32, i32
  }
  func.func @transform_4(%arg0: i32) -> (i32, i32) {
    %c0_i32 = arith.constant 0 : i32
    %c0_i32_0 = arith.constant 0 : i32
    return %arg0, %c0_i32 : i32, i32
  }
  func.func @transform_5(%arg0: i32) -> (i32, i32) {
    %add3A = arith.constant 10 : i32
    %add3A_0 = arith.addi %arg0, %add3A : i32
    %c0_i32 = arith.constant 0 : i32
    %c0_i32_1 = arith.constant 0 : i32
    return %add3A_0, %c0_i32 : i32, i32
  }
  func.func @transform_6(%arg0: i32) -> (i32, i32) {
    %c0_i32 = arith.constant 0 : i32
    %c0_i32_0 = arith.constant 0 : i32
    return %arg0, %c0_i32 : i32, i32
  }
  func.func @transform_7(%arg0: i32) -> (i32, i32) {
    %c0_i32 = arith.constant 0 : i32
    %c0_i32_0 = arith.constant 0 : i32
    %c0_i32_1 = arith.constant 0 : i32
    return %c0_i32, %c0_i32_0 : i32, i32
  }
  func.func @transform_8(%arg0: i32) -> (i32, i32) {
    %c0_i32 = arith.constant 0 : i32
    %c0_i32_0 = arith.constant 0 : i32
    %c0_i32_1 = arith.constant 0 : i32
    return %c0_i32, %c0_i32_0 : i32, i32
  }
  func.func @transform_9(%arg0: i32) -> (i32, i32) {
    %c0_i32 = arith.constant 0 : i32
    %c0_i32_0 = arith.constant 0 : i32
    %c0_i32_1 = arith.constant 0 : i32
    return %c0_i32, %c0_i32_0 : i32, i32
  }
  func.func @transform_10(%arg0: i32) -> (i32, i32) {
    %c0_i32 = arith.constant 0 : i32
    %c0_i32_0 = arith.constant 0 : i32
    %c0_i32_1 = arith.constant 0 : i32
    return %c0_i32, %c0_i32_0 : i32, i32
  }
  func.func @transform_11(%arg0: i32) -> (i32, i32) {
    %c0_i32 = arith.constant 0 : i32
    %c0_i32_0 = arith.constant 0 : i32
    %c0_i32_1 = arith.constant 0 : i32
    return %c0_i32, %c0_i32_0 : i32, i32
  }
  func.func @transform_12(%arg0: i32) -> (i32, i32) {
    %c0_i32 = arith.constant 0 : i32
    %c0_i32_0 = arith.constant 0 : i32
    return %arg0, %c0_i32 : i32, i32
  }
  func.func @transform_13(%arg0: i32) -> (i32, i32) {
    %c0_i32 = arith.constant 0 : i32
    %c0_i32_0 = arith.constant 0 : i32
    return %arg0, %c0_i32 : i32, i32
  }
}

</mosaic_0001>

<sc_bundles>
// kernel: kernel.10.cloned.1.call-start
scs
__scs_entry_jumppad:
0x0: {  	(pc) =	sbr.rel $0x88, $3  }
0x1: {  	(tag) =	ssettag $0x0;
	lr =	simm.s32 $0x1  }
0x2: {  	[smem:$0x3F8B] =	sst lr;
	_ =	strace $0xD0000000  }
0x3: {  	_ = 	snop  }
0x4: {  	_ = 	snop  }
0x5: {  	_ = 	snop  }
0x6: {  	_ = 	snop  }
0x7: {  	_ = 	snop  }
__scs_overlays_trampoline_lowered:
0x8: {  	[smem:$0x3F9A] =	sst s0  }
0x9: {  	[smem:$0x3F9B] =	sst s1  }
0xa: {  	[smem:$0x3F9C] =	sst s2  }
0xb: {  	[smem:$0x3F9D] =	sst s3  }
0xc: {  	[smem:$0x3F9E] =	sst s4  }
0xd: {  	[smem:$0x3F9F] =	sst s5  }
0xe: {  	[smem:$0x3FA0] =	sst s6  }
0xf: {  	[smem:$0x3FA1] =	sst s7  }
0x10: {  	[smem:$0x3FA2] =	sst s8  }
0x11: {  	[smem:$0x3FA3] =	sst s9;
	s0 =	simm.s32 @!p0 $0x0  }
0x12: {  	s1 =	sld [smem:$0x3F89];
	s0 =	simm.s32 @p0 $0x1  }
0x13: {  	[smem:$0x3FA4] =	sst s0;
	s0 =	simm.s32 @!p1 $0x0  }
0x14: {  	s2 =	sld [smem:$0x3F88];
	s0 =	simm.s32 @p1 $0x1  }
0x15: {  	[smem:$0x3FA5] =	sst s0;
	s0 =	simm.s32 @!p2 $0x0  }
0x16: {  	s3 =	sld [smem:$0x3FDB];
	s0 =	simm.s32 @p2 $0x1  }
0x17: {  	s4 =	simm.s32 $0x1BF5;
	[smem:$0x3FA7] =	sst s0  }
0x18: {  	s0 =	sld [smem:$0x3F8A];
	_ =	swait.ge [sflag:s4], $0x0  }
0x19: {  	s7 =	sld [smem:$0x3F8B]  }
0x1a: {  	s8 =	sadd.s32 $0xFFFFE003, lr  }
0x1b: {  	s9 =	sadd.s32 $0xFFFFFEF7, lr;
	s5 =	simm.s32 $0xFFFFFFFF;
	p2 =	slt.u32 s8, $0xFFFFF086  }
0x1c: {  	p1 =	slt.u32 s9, $0xF7A;
	s5 =	simm.s32 @!p2 $0x0  }
0x1d: {  	s5 =	simm.s32 @p1 $0x1;
	p0 =	seq.s32 s7, s2  }
0x1e: {  	s7 =	smul.u32 @!p0 $0xF7A, s2;
	p2 =	seq.s32 @!p0 s5, $0x0  }
0x1f: {  	s9 =	smul.u32 $0xF7A, s1;
	s8 =	simm.s32 @!p0 $0x1BF5;
	p2 =	por !p2, p0  }
0x20: {  	[sflag:s8] =	ssyncset.s32 @!p0 $0xFFFFF086;
	s6 =	sadd.s32 @!p0 s3, s7;
	s7 =	simm.s32 @!p0 $0x108  }
0x21: {  	s3 =	sadd.s32 s3, s9;
	s6 =	sadd.s32 @!p0 $0x88, s6;
	s7 =	simm.s32 @p2 $0x1082  }
0x22: {  	[simem:s7], [sflag:s8] =	dma.local @!p0 [hbm:s6], $0xF7A  }
0x23: {  	s9 =	sor.u32 $0xD0000000, s2;
	s6 =	simm.s32 $0x108;
	_ =	swait.ge @!p0 [sflag:s8], $0x0  }
0x24: {  	s3 =	sadd.s32 $0x88, s3;
	s6 =	simm.s32 @!p1 $0x1082;
	[sflag:s4] =	ssyncset.s32 $0xFFFFF086  }
0x25: {  	[simem:s6], [sflag:s4] =	dma.local [hbm:s3], $0xF7A  }
0x26: {  	[smem:$0x3F8B] =	sst s1;
	(tag) =	ssettag s2;
	_ =	strace s9  }
0x27: {  	s1 =	sld [smem:$0x3F9B]  }
0x28: {  	s2 =	sld [smem:$0x3F9C]  }
0x29: {  	s4 =	sld [smem:$0x3F9E]  }
0x2a: {  	p0 =	seq.s32 s5, $0x0;
	s5 =	sld [smem:$0x3F9F]  }
0x2b: {  	s6 =	sld [smem:$0x3FA0]  }
0x2c: {  	s7 =	sld [smem:$0x3FA1]  }
0x2d: {  	s3 =	simm.s32 $0x108;
	s8 =	sld [smem:$0x3FA2]  }
0x2e: {  	s3 =	simm.s32 @!p0 $0x1082;
	s9 =	sld [smem:$0x3FA3]  }
0x2f: {  	lr =	sadd.s32 s0, s3;
	s0 =	sld [smem:$0x3F9A]  }
0x30: {  	s3 =	sld [smem:$0x3F9D]  }
0x31: {  	[smem:$0x3FA6] =	sst s10  }
0x32: {  	s10 =	sld [smem:$0x3FA4];
	_ =	sdelay $0x3  }
0x33: {  	p0 =	seq.s32 s10, $0x1;
	s10 =	sld [smem:$0x3FA6];
	_ =	sdelay $0x3  }
0x34: {  	[smem:$0x3FA6] =	sst s10  }
0x35: {  	s10 =	sld [smem:$0x3FA5];
	_ =	sdelay $0x3  }
0x36: {  	p1 =	seq.s32 s10, $0x1;
	s10 =	sld [smem:$0x3FA6];
	_ =	sdelay $0x3  }
0x37: {  	[smem:$0x3FA6] =	sst s10  }
0x38: {  	s10 =	sld [smem:$0x3FA7]  }
0x39: {  	_ = 	snop;
	(pc) =	sbr.ind lr, $3  }
0x3a: {  	_ = 	snop  }
0x3b: {  	_ = 	snop  }
0x3c: {  	p2 =	seq.s32 s10, $0x1;
	s10 =	sld [smem:$0x3FA6]  }
0x3d: {  	_ =	shalt  }
0x3e: {  	_ =	shalt  }
0x3f: {  	_ =	shalt  }
0x40: {  	_ =	shalt  }
0x41: {  	_ =	shalt  }
0x42: {  	_ =	shalt  }
0x43: {  	_ =	shalt  }
0x44: {  	_ =	shalt  }
0x45: {  	_ =	shalt  }
0x46: {  	_ =	shalt  }
0x47: {  	_ =	shalt  }
0x48: {  	_ =	shalt  }
0x49: {  	_ =	shalt  }
0x4a: {  	_ =	shalt  }
0x4b: {  	_ =	shalt  }
0x4c: {  	_ =	shalt  }
0x4d: {  	_ =	shalt  }
0x4e: {  	_ =	shalt  }
0x4f: {  	_ =	shalt  }
0x50: {  	_ =	shalt  }
0x51: {  	_ =	shalt  }
0x52: {  	_ =	shalt  }
0x53: {  	_ =	shalt  }
0x54: {  	_ =	shalt  }
0x55: {  	_ =	shalt  }
0x56: {  	_ =	shalt  }
0x57: {  	_ =	shalt  }
0x58: {  	_ =	shalt  }
0x59: {  	_ =	shalt  }
0x5a: {  	_ =	shalt  }
0x5b: {  	_ =	shalt  }
0x5c: {  	_ =	shalt  }
0x5d: {  	_ =	shalt  }
0x5e: {  	_ =	shalt  }
0x5f: {  	_ =	shalt  }
0x60: {  	_ =	shalt  }
0x61: {  	_ =	shalt  }
0x62: {  	_ =	shalt  }
0x63: {  	_ =	shalt  }
0x64: {  	_ =	shalt  }
0x65: {  	_ =	shalt  }
0x66: {  	_ =	shalt  }
0x67: {  	_ =	shalt  }
0x68: {  	_ =	shalt  }
0x69: {  	_ =	shalt  }
0x6a: {  	_ =	shalt  }
0x6b: {  	_ =	shalt  }
0x6c: {  	_ =	shalt  }
0x6d: {  	_ =	shalt  }
0x6e: {  	_ =	shalt  }
0x6f: {  	_ =	shalt  }
0x70: {  	_ =	shalt  }
0x71: {  	_ =	shalt  }
0x72: {  	_ =	shalt  }
0x73: {  	_ =	shalt  }
0x74: {  	_ =	shalt  }
0x75: {  	_ =	shalt  }
0x76: {  	_ =	shalt  }
0x77: {  	_ =	shalt  }
0x78: {  	_ =	shalt  }
0x79: {  	_ =	shalt  }
0x7a: {  	_ =	shalt  }
0x7b: {  	_ =	shalt  }
0x7c: {  	_ =	shalt  }
0x7d: {  	_ =	shalt  }
0x7e: {  	_ =	shalt  }
0x7f: {  	_ =	shalt  }
0x80: {  	_ =	shalt  }
0x81: {  	_ =	shalt  }
0x82: {  	_ =	shalt  }
0x83: {  	_ =	shalt  }
0x84: {  	_ =	shalt  }
0x85: {  	_ =	shalt  }
0x86: {  	_ =	shalt  }
0x87: {  	_ =	shalt  }
.Lfunc_end0:
.L_simem_size_0:
called_computation_lowered:
.L_overlay_start_0:
0x88: {  	s2 =	sld [smem:$0x3FD9]  }
0x89: {  	s3 =	sld [smem:$0x3FFE];
	_ =	sdelay $0x1  }
0x8a: {  	s1 =	srdreg.scid  }
0x8b: {  	s0 =	sand.u32 $0x1, s1  }
0x8c: {  	s16 =	sshll.u32 s0, $0xA;
	s2 =	sadd.s32 s3, s2  }
0x8d: {  	s2 =	sadd.s32 s2, s16  }
0x8e: {  	[smem:$0x3FB2] =	sst s2  }
0x8f: {  	_ = 	snop  }
0x90: {  	(tm) =	ssettm $0x1  }
0x91: {  	s17 =	sld [smem:$0x3FFB];
	_ =	sdelay $0x3  }
0x92: {  	_ =	strace s17  }
0x93: {  	s2 =	sld [smem:$0x3FFC];
	_ =	sdelay $0x3  }
0x94: {  	_ =	strace s2  }
0x95: {  	s2 =	sld [smem:$0x3FFD];
	_ =	sdelay $0x3  }
0x96: {  	_ =	strace s2  }
0x97: {  	_ =	strace $0x8FFFFFFF  }
0x98: {  	s18 =	sld [smem:$0x3FDB];
	_ =	sdelay $0x1  }
0x99: {  	s19 =	simm.s32 $_scs_section_size  }
0x9a: {  	s4 =	simm.s32 $_size__tile_overlayer_lowered;
	s5 =	simm.s32 $_tile_overlayer_lowered  }
0x9b: {  	s22 =	simm.s32 $0x1BFF;
	s21 =	sshll.u32 s5, $0x1;
	s2 =	sadd.s32 s19, s18  }
0x9c: {  	s6 =	simm.s32 $0x0;
	s20 =	sshll.u32 s4, $0x1;
	s4 =	sadd.s32 s21, s2  }
0x9d: {  	[timem:s6], [sflag:s22] =	dma.local [hbm:s4], s20  }
0x9e: {  	_ =	swait.ge [sflag:s22], s20  }
0x9f: {  	s3 =	ssub.s32 $0x0, s20;
	[sflag:s22] =	ssyncset.done $0x0  }
0xa0: {  	[sflag:s22] =	ssyncadd.s32 s3;
	_ =	sdelay $0x1  }
0xa1: {  	s23 =	simm.s32 $0x1B8B  }
0xa2: {  	_ =	swait.ge [sflag:s23], $0x1  }
0xa3: {  	[sflag:s23] =	ssyncset.done $0x0  }
0xa4: {  	s25 =	simm.s32 $0x1B8E;
	s24 =	sld [smem:$0x3FFE];
	[sflag:s23] =	ssyncadd.s32 $0xFFFFFFFF  }
0xa5: {  	s26 =	simm.s32 $execute0_lowered;
	[smem:$0x3FD2] =	sst s25  }
0xa6: {  	s4 =	sshll.u32 s26, $0x1;
	_ =	strace $0x80000046;
	[dreg:$0x1] =	wrdreg $0xFFFFFFFF  }
0xa7: {  	s28 =	simm.s32 $_size_execute0_lowered;
	s2 =	sadd.s32 s2, s4;
	[dreg:$0x0] =	wrdreg $0x0  }
0xa8: {  	s4 =	sshll.u32 s28, $0x1;
	[dreg:$0x2] =	wrdreg s2  }
0xa9: {  	[dreg:$0x3] =	wrdreg s4  }
0xaa: {  	[dreg:$0x4] =	wrdreg $0xC0  }
0xab: {  	_ =	task [dreg:s6], $0x5FFFF  }
0xac: {  	[dreg:$0x1] =	wrdreg $0xFFFFFFFF  }
0xad: {  	[dreg:$0x0] =	wrdreg $0x60  }
0xae: {  	[dreg:$0x2] =	wrdreg s24  }
0xaf: {  	[dreg:$0x3] =	wrdreg $0xA  }
0xb0: {  	_ =	task.clear_ibuf [dreg:s6], $0x4FFFF;
	_ =	strace $0x90000046  }
0xb1: {  	s29 =	simm.s32 $0xA;
	_ =	strace $0x80000048  }
0xb2: {  	_ =	swait.ge [sflag:s29], $0x1  }
0xb3: {  	[sflag:s29] =	ssyncadd.s32 $0xFFFFFFFF  }
0xb4: {  	_ =	strace $0x90000048  }
0xb5: {  	_ =	sfence  }
0xb6: {  	s30 =	sld [smem:$0x0];
	_ =	sdelay $0x2  }
0xb7: {  	s31 =	sshll.u32 s1, $0xD;
	s1 =	sshrl.u32 s1, $0x2  }
0xb8: {  	s3 =	sand.u32 $0x4000, s31;
	s1 =	sadd.s32 s1, s30  }
0xb9: {  	s0 =	sor.u32 s3, s0;
	s1 =	sshll.u32 s1, $0x11  }
0xba: {  	s0 =	sor.u32 s1, s0  }
0xbb: {  	s0 =	sadd.s32 $0x8F2B, s0  }
0xbc: {  	[sflag:s0] =	ssyncadd.remote.s32 $0x1  }
0xbd: {  	_ =	sfence.sel $0xFFFF  }
0xbe: {  	[dreg:$0x0] =	wrdreg $0xFFFFFFFF;
	(pc) =	sbr.abs _section_cstart, $3  }
0xbf: {  	[dreg:$0x1] =	wrdreg $0xFFFFFFFF  }
0xc0: {  	_ =	task.clear_ibuf [dreg:s6], $0x2FFFF;
	_ =	strace $0x9FFFFFFF  }
0xc1: {  	(tm) =	ssettm $0x7FFFFFFF  }
tec
execute0_lowered:
.L_overlay_start_1:
0x0: {  	(tag) =	ssettag $0x1  }
0x1: {  	s0 =	srdreg.scid  }
0x2: {  	s2 =	stileid.u32;
	s1 =	rddreg [dreg:$0x0]  }
0x3: {  	s12 =	simm.s32 $0x3;
	s13 =	simm.s32 $0x13B0;
	s15 =	simm.s32 $0x50  }
0x4: {  	s16 =	simm.s32 $0x27E0;
	s17 =	simm.s32 $0x4FE0;
	s18 =	simm.s32 $0x77E0  }
0x5: {  	s19 =	simm.s32 $0x7CE0;
	s20 =	simm.s32 $0x1;
	s21 =	simm.s32 $0x4  }
0x6: {  	s22 =	simm.s32 $0x2;
	s0 =	sand.u32 $0x1, s0;
	s3 =	sshll.u32 s2, $0x1  }
0x7: {  	s23 =	simm.s32 $0x81E0;
	s24 =	simm.s32 $0x0;
	s3 =	sor.u32 s0, s3  }
0x8: {  	s2 =	simm.s32 $0x0;
	s4 =	sadd.s32 $0x3CC00, s1;
	s3 =	smul.u32 $0x13B0, s3  }
.Ltmp0:
0x9: {  	s5 =	sadd.s32 $0x63E00, s1;
	s0 =	ssub.s32 $0x2, s0;
	(pc) =	sbr.rel .LBB2_1-.Ltmp0, $4  }
0xa: {  	s6 =	sadd.s32 $0x2DC00, s1;
	s8 =	sadd.s32 $0x8B000, s1;
	s9 =	sshrl.u32 s0, $0x1  }
0xb: {  	[smem:$0x7FF] =	sst s2;
	s0 =	ssub.s32 s0, s9;
	s7 =	sshrl.u32 s3, $0x3  }
0xc: {  	_ =	strace $0x80000047;
	s11 =	smax.u32 s0, $0x1;
	s10 =	sadd.s32 s7, s1  }
0xd: {  	v0 =	vimm.s32 $0x0;
	v1 =	vimm.s32 $0x1;
	v2 =	vimm.s32 $0x2;
	s7 =	sadd.s32 $0x6800, s1;
	s9 =	sadd.s32 $0x37C00, s10;
	s10 =	sadd.s32 $0x32C00, s10  }
.LBB2_9:
0xe: {  	s24 =	sadd.s32 $0x1, s24  }
0xf: {  	p0 =	sne.s32 s24, s11  }
.Ltmp1:
0x10: {  	_ = 	snop;
	(pc) =	sbr.rel @!p0 .LBB2_10-.Ltmp1, $1  }
0x11: {  	_ =	sdelay $0x3  }
.LBB2_1:
0x12: {  	[tilespmem:s2], [sflag:$0x3] =	stream.linear.gather [hbm4b:s9+s2], $0x13B0, $0x38;
	[tilespmem:$0xDBE0] =	vst v63  }
0x13: {  	_ =	swait.ge [sflag:s12], $0x13B0  }
0x14: {  	[sflag:s12] =	ssyncset.done $0x0  }
0x15: {  	[sflag:s12] =	ssyncadd.s32 $0xFFFFEC50  }
0x16: {  	[tilespmem:s13], [sflag:$0x3] =	stream.linear.gather [hbm4b:s10+s2], $0x13B0, $0x38;
	[tilespmem:$0xDBE0] =	vst v63  }
0x17: {  	_ =	swait.ge [sflag:s12], $0x13B0  }
0x18: {  	[sflag:s12] =	ssyncset.done $0x0  }
0x19: {  	s0 =	simm.s32 $0x2760;
	[sflag:s12] =	ssyncadd.s32 $0xFFFFEC50  }
0x1a: {  	[tilespmem:s0], [sflag:$0x3] =	stream.linear.gather [hbm4b:s7+s2], $0x80, $0x38;
	[tilespmem:$0xDBE0] =	vst v63  }
0x1b: {  	_ =	swait.ge [sflag:s12], $0x80  }
0x1c: {  	[sflag:s12] =	ssyncset.done $0x0  }
0x1d: {  	[sflag:s12] =	ssyncadd.s32 $0xFFFFFF80  }
0x1e: {  	[tilespmem:s16], [sflag:$0x1] =	stream.indirect.gather [hbm4b:s4+s15], $0x80, s2, s15, $0xb8;
	[tilespmem:$0xDBE0] =	vst v63  }
0x1f: {  	_ = 	snop  }
0x20: {  	[tilespmem:s17], [sflag:$0x1] =	stream.indirect.gather [hbm4b:s5+s15], $0x80, s13, s15, $0xb8;
	[tilespmem:$0xDBE0] =	vst v63  }
.Ltmp2:
0x21: {  	_ = 	snop;
	(pc) =	sbr.rel .LBB2_2-.Ltmp2, $4  }
0x22: {  	_ = 	snop  }
0x23: {  	[tilespmem:s18], [sflag:$0x1] =	stream.indirect.gather [hbm4b:s6+s15], $0x10, s2, s15, $0xb8;
	[tilespmem:$0xDBE0] =	vst v63  }
0x24: {  	s25 =	simm.s32 $0x0  }
0x25: {  	[tilespmem:s19], [sflag:$0x1] =	stream.indirect.gather [hbm4b:s6+s15], $0x10, s13, s15, $0xb8;
	[tilespmem:$0xDBE0] =	vst v63  }
.LBB2_8:
0x26: {  	s25 =	sadd.s32 $0x1, s25  }
0x27: {  	p0 =	sne.s32 s25, $0x20  }
.Ltmp3:
0x28: {  	_ = 	snop;
	(pc) =	sbr.rel @!p0 .LBB2_9-.Ltmp3, $1  }
0x29: {  	_ =	sdelay $0x3  }
.LBB2_2:
0x2a: {  	s26 =	sshllo.u32 s25, $0x1  }
0x2b: {  	p0 =	sgt.u32 s26, $0x3E  }
0x2c: {  	s0 =	smul.u32 @!p0 $0x50, s26  }
0x2d: {  	s1 =	simm.s32 @!p0 $0x50;
	s14 =	simm.s32 @!p0 $0x81E0  }
0x2e: {  	[tilespmem:s14], [sflag:$0x2] =	stream.indirect.gather @!p0 [hbm4b:s4+s1], $0x80, s0, s1, $0xb8;
	[tilespmem:$0xDBE0] =	vst v63  }
0x2f: {  	s28 =	simm.s32 @!p0 $0xA9E0;
	s14 =	sadd.s32 @!p0 $0x13B0, s0  }
0x30: {  	[tilespmem:s28], [sflag:$0x2] =	stream.indirect.gather @!p0 [hbm4b:s5+s1], $0x80, s14, s1, $0xb8;
	[tilespmem:$0xDBE0] =	vst v63  }
0x31: {  	s28 =	simm.s32 @!p0 $0xD1E0  }
0x32: {  	[tilespmem:s28], [sflag:$0x2] =	stream.indirect.gather @!p0 [hbm4b:s6+s1], $0x10, s0, s1, $0xb8;
	[tilespmem:$0xDBE0] =	vst v63  }
0x33: {  	s0 =	simm.s32 @!p0 $0xD6E0  }
0x34: {  	[tilespmem:s0], [sflag:$0x2] =	stream.indirect.gather @!p0 [hbm4b:s6+s1], $0x10, s14, s1, $0xb8;
	[tilespmem:$0xDBE0] =	vst v63  }
0x35: {  	_ =	swait.ge [sflag:s20], $0x2800  }
0x36: {  	[sflag:s20] =	ssyncset.done $0x0  }
0x37: {  	[sflag:s20] =	ssyncadd.s32 $0xFFFFD800  }
0x38: {  	_ =	swait.ge [sflag:s20], $0x2800  }
0x39: {  	[sflag:s20] =	ssyncset.done $0x0  }
0x3a: {  	[sflag:s20] =	ssyncadd.s32 $0xFFFFD800  }
0x3b: {  	_ =	swait.ge [sflag:s20], $0x500  }
0x3c: {  	[sflag:s20] =	ssyncset.done $0x0  }
0x3d: {  	[sflag:s20] =	ssyncadd.s32 $0xFFFFFB00  }
0x3e: {  	_ =	swait.ge [sflag:s20], $0x500  }
0x3f: {  	[sflag:s20] =	ssyncset.done $0x0  }
0x40: {  	[sflag:s20] =	ssyncadd.s32 $0xFFFFFB00  }
0x41: {  	v4 =	vld [tilespmem:$0x2760]  }
0x42: {  	s0 =	simm.s32 $0x7800;
	v5 =	vld [tilespmem:$0x2770]  }
0x43: {  	s14 =	simm.s32 $0x7D00;
	v3 =	vld [tilespmem:s0+$0x10]  }
0x44: {  	v7 =	vld [tilespmem:s14+$0x10]  }
0x45: {  	v6 =	vld [tilespmem:$0x2780]  }
0x46: {  	v8 =	vld [tilespmem:$0x2790]  }
0x47: {  	v9 =	vld [tilespmem:$0x27A0]  }
0x48: {  	v10 =	vld [tilespmem:$0x27B0]  }
0x49: {  	v11 =	vld [tilespmem:s14+$0xFFFFFFE0]  }
0x4a: {  	v12 =	vld [tilespmem:s0+$0xFFFFFFF0]  }
0x4b: {  	v13 =	vld [tilespmem:s14+$0xFFFFFFF0];
	v3 =	vsub.f32 v3, v7  }
0x4c: {  	s28 =	simm.s32 $0x28E0;
	v14 =	vld [tilespmem:s0+$0xFFFFFFE0]  }
0x4d: {  	s1 =	simm.s32 $0x50E0;
	v17 =	vld [tilespmem:s28+$0x80];
	v3 =	vmul.f32 v3, v3  }
0x4e: {  	v18 =	vld [tilespmem:s1+$0x80]  }
0x4f: {  	v19 =	vld [tilespmem:s0+$0x0];
	v15 =	vperm.xlane v3, v0;
	v16 =	vperm.xlane v3, v1  }
0x50: {  	v20 =	vld [tilespmem:s1+$0xFFFFFF00]  }
0x51: {  	v21 =	vld [tilespmem:s28+$0xFFFFFF80];
	v15 =	vadd.f32 v16, v15;
	v16 =	vperm.xlane v3, v2  }
0x52: {  	v22 =	vld [tilespmem:s1+$0xFFFFFF80]  }
0x53: {  	v25 =	vld [tilespmem:s28+$0x0];
	v11 =	vsub.f32 v14, v11;
	v16 =	vadd.f32 v16, v15  }
0x54: {  	v12 =	vsub.f32 v12, v13;
	v15 =	vld [tilespmem:s14+$0x0]  }
0x55: {  	v28 =	vld [tilespmem:s28+$0xFFFFFFA0];
	v14 =	vadd.f32 v18, v17;
	v11 =	vmul.f32 v11, v11;
	v17 =	vmul.f32 v16, v4  }
0x56: {  	v29 =	vld [tilespmem:s28+$0x30];
	v12 =	vmul.f32 v12, v12  }
0x57: {  	v7 =	vld [tilespmem:$0x27C0];
	v18 =	vperm.xlane v11, v1;
	v14 =	vadd.f32 v14, v17;
	v17 =	vperm.xlane v11, v0  }
0x58: {  	v13 =	vld [tilespmem:s28+$0xFFFFFF00];
	v23 =	vperm.xlane v12, v0;
	v24 =	vperm.xlane v12, v1  }
0x59: {  	v3 =	vld [tilespmem:$0x27D0];
	v11 =	vperm.xlane v11, v2;
	[tilespmem:s28+$0x80] =	vst v14;
	v14 =	vsub.f32 v19, v15;
	v15 =	vadd.f32 v18, v17  }
0x5a: {  	v19 =	vld [tilespmem:s28+$0x90]  }
0x5b: {  	v12 =	vperm.xlane v12, v2;
	v18 =	vadd.f32 v24, v23;
	v23 =	vld [tilespmem:s1+$0x90];
	v17 =	vadd.f32 v11, v15  }
0x5c: {  	v30 =	vld [tilespmem:s28+$0xFFFFFF40];
	v14 =	vmul.f32 v14, v14  }
0x5d: {  	s31 =	simm.s32 $0x7D40;
	v31 =	vld [tilespmem:s28+$0xFFFFFFC0];
	v13 =	vadd.f32 v20, v13;
	v18 =	vadd.f32 v12, v18;
	v20 =	vmul.f32 v17, v4  }
0x5e: {  	v32 =	vld [tilespmem:s31+$0xFFFFFFE0];
	v21 =	vadd.f32 v22, v21;
	v12 =	vperm.xlane v14, v0;
	v26 =	vperm.xlane v14, v1  }
0x5f: {  	v24 =	vld [tilespmem:s1+$0x0];
	v27 =	vmul.f32 v18, v4;
	v14 =	vperm.xlane v14, v2;
	v13 =	vadd.f32 v13, v20  }
0x60: {  	v33 =	vld [tilespmem:s31+$0xFFFFFFF0];
	v19 =	vadd.f32 v23, v19;
	v20 =	vmul.f32 v16, v5;
	v12 =	vadd.f32 v26, v12  }
0x61: {  	v11 =	vld [tilespmem:s28+$0xFFFFFF10];
	v21 =	vadd.f32 v21, v27  }
0x62: {  	v15 =	vld [tilespmem:s28+$0xFFFFFF90];
	[tilespmem:s28+$0xFFFFFF00] =	vst v13;
	v13 =	vadd.f32 v19, v20;
	v19 =	vadd.f32 v14, v12  }
0x63: {  	[tilespmem:s28+$0xFFFFFF80] =	vst v21;
	v12 =	vld [tilespmem:s1+$0xFFFFFF10]  }
0x64: {  	v14 =	vld [tilespmem:s1+$0xFFFFFF90];
	[tilespmem:s28+$0x90] =	vst v13;
	v13 =	vadd.f32 v24, v25;
	v20 =	vmul.f32 v19, v4  }
0x65: {  	v21 =	vld [tilespmem:s28+$0xA0]  }
0x66: {  	s29 =	simm.s32 $0x2AE0;
	v24 =	vld [tilespmem:s1+$0xA0];
	v13 =	vadd.f32 v13, v20  }
0x67: {  	v36 =	vld [tilespmem:s29+$0x80]  }
0x68: {  	v26 =	vmul.f32 v17, v5;
	v25 =	vld [tilespmem:s28+$0x10];
	[tilespmem:s28+$0x0] =	vst v13;
	v11 =	vadd.f32 v12, v11  }
0x69: {  	s30 =	simm.s32 $0x52E0;
	v12 =	vmul.f32 v18, v5;
	v14 =	vadd.f32 v14, v15;
	v13 =	vld [tilespmem:s1+$0x10]  }
0x6a: {  	v37 =	vld [tilespmem:s30+$0x80];
	v11 =	vadd.f32 v11, v26  }
0x6b: {  	v38 =	vld [tilespmem:s28+$0xE0];
	v15 =	vadd.f32 v24, v21;
	v21 =	vmul.f32 v16, v6;
	v12 =	vadd.f32 v14, v12  }
0x6c: {  	v22 =	vld [tilespmem:s28+$0xFFFFFF20];
	[tilespmem:s28+$0xFFFFFF10] =	vst v11  }
0x6d: {  	v11 =	vadd.f32 v15, v21;
	[tilespmem:s28+$0xFFFFFF90] =	vst v12;
	v14 =	vld [tilespmem:s1+$0xFFFFFF20]  }
0x6e: {  	v12 =	vmul.f32 v19, v5;
	v15 =	vld [tilespmem:s1+$0xFFFFFFA0];
	v13 =	vadd.f32 v13, v25  }
0x6f: {  	[tilespmem:s28+$0xA0] =	vst v11;
	v11 =	vld [tilespmem:s28+$0xB0]  }
0x70: {  	v12 =	vadd.f32 v13, v12;
	v13 =	vld [tilespmem:s1+$0xB0]  }
0x71: {  	v60 =	vld [tilespmem:s29+$0xFFFFFF00]  }
0x72: {  	v63 =	vld [tilespmem:s30+$0xFFFFFF00];
	v21 =	vmul.f32 v17, v6;
	v14 =	vadd.f32 v14, v22  }
0x73: {  	v23 =	vld [tilespmem:s28+$0xFFFFFF30];
	v22 =	vmul.f32 v18, v6;
	v25 =	vadd.f32 v15, v28  }
0x74: {  	v20 =	vld [tilespmem:s28+$0x20];
	[tilespmem:s28+$0x10] =	vst v12;
	v14 =	vadd.f32 v14, v21  }
0x75: {  	v24 =	vld [tilespmem:s1+$0x20];
	v21 =	vmul.f32 v16, v8;
	v22 =	vadd.f32 v25, v22;
	v11 =	vadd.f32 v13, v11  }
0x76: {  	v27 =	vld [tilespmem:s28+$0xFFFFFFB0];
	[tilespmem:s28+$0xFFFFFF20] =	vst v14  }
0x77: {  	[tilespmem:s28+$0xFFFFFFA0] =	vst v22;
	v11 =	vadd.f32 v11, v21;
	v21 =	vld [tilespmem:s1+$0xFFFFFF30]  }
0x78: {  	v22 =	vld [tilespmem:s1+$0xFFFFFFB0]  }
0x79: {  	v39 =	vld [tilespmem:s29+$0xFFFFFF80]  }
0x7a: {  	v48 =	vld [tilespmem:s30+$0xFFFFFF80];
	v14 =	vmul.f32 v19, v6;
	v20 =	vadd.f32 v24, v20  }
0x7b: {  	v44 =	vld [tilespmem:s29+$0x0]  }
0x7c: {  	v50 =	vld [tilespmem:s29+$0x90];
	v25 =	vmul.f32 v17, v8;
	[tilespmem:s28+$0xB0] =	vst v11;
	v11 =	vadd.f32 v20, v14;
	v21 =	vadd.f32 v21, v23  }
0x7d: {  	v20 =	vld [tilespmem:s28+$0xC0];
	v23 =	vmul.f32 v18, v8;
	v22 =	vadd.f32 v22, v27  }
0x7e: {  	v24 =	vld [tilespmem:s1+$0xC0];
	[tilespmem:s28+$0x20] =	vst v11;
	v21 =	vadd.f32 v21, v25  }
0x7f: {  	v11 =	vld [tilespmem:s1+$0x30];
	v23 =	vadd.f32 v22, v23  }
0x80: {  	v54 =	vld [tilespmem:s30+$0x0];
	[tilespmem:s28+$0xFFFFFF30] =	vst v21  }
0x81: {  	[tilespmem:s28+$0xFFFFFFB0] =	vst v23;
	v21 =	vld [tilespmem:s1+$0xFFFFFF40]  }
0x82: {  	v23 =	vld [tilespmem:s1+$0xFFFFFFC0]  }
0x83: {  	v55 =	vld [tilespmem:s29+$0xFFFFFF10];
	v25 =	vmul.f32 v16, v9;
	v20 =	vadd.f32 v24, v20  }
0x84: {  	v56 =	vld [tilespmem:s29+$0xFFFFFF90];
	v27 =	vmul.f32 v19, v8;
	v11 =	vadd.f32 v11, v29  }
0x85: {  	s14 =	simm.s32 $0x7840;
	v20 =	vadd.f32 v20, v25;
	v25 =	vld [tilespmem:s28+$0xD0]  }
0x86: {  	v11 =	vadd.f32 v11, v27;
	v28 =	vadd.f32 v21, v30;
	v30 =	vld [tilespmem:s14+$0x10]  }
0x87: {  	[tilespmem:s28+$0xC0] =	vst v20;
	v23 =	vadd.f32 v23, v31;
	v31 =	vld [tilespmem:s31+$0x10]  }
0x88: {  	[tilespmem:s28+$0x30] =	vst v11;
	v11 =	vld [tilespmem:s1+$0xD0]  }
0x89: {  	v47 =	vld [tilespmem:s29+$0xFFFFFFA0]  }
0x8a: {  	v61 =	vadd.f32 v37, v36;
	v36 =	vadd.f32 v48, v39;
	v39 =	vld [tilespmem:s29+$0xFFFFFF20]  }
0x8b: {  	v59 =	vld [tilespmem:s14+$0x0]  }
0x8c: {  	v26 =	vld [tilespmem:s28+$0x40];
	v30 =	vsub.f32 v30, v31  }
0x8d: {  	v12 =	vld [tilespmem:s28+$0xFFFFFF50];
	v11 =	vadd.f32 v11, v25;
	v25 =	vmul.f32 v16, v10  }
0x8e: {  	v31 =	vld [tilespmem:s14+$0xFFFFFFF0];
	v30 =	vmul.f32 v30, v30  }
0x8f: {  	v20 =	vmul.f32 v17, v9;
	v11 =	vadd.f32 v11, v25;
	v25 =	vld [tilespmem:s14+$0xFFFFFFE0]  }
0x90: {  	v15 =	vld [tilespmem:s28+$0xFFFFFFD0];
	v34 =	vperm.xlane v30, v0;
	v35 =	vperm.xlane v30, v1  }
0x91: {  	v13 =	vld [tilespmem:s28+$0x50]  }
0x92: {  	v14 =	vld [tilespmem:s28+$0xFFFFFF60];
	v20 =	vadd.f32 v28, v20;
	[tilespmem:s28+$0xD0] =	vst v11;
	v30 =	vperm.xlane v30, v2;
	v11 =	vadd.f32 v35, v34  }
0x93: {  	v22 =	vld [tilespmem:s28+$0x60];
	v29 =	vmul.f32 v18, v9;
	v31 =	vsub.f32 v31, v33  }
0x94: {  	[tilespmem:s28+$0xFFFFFF40] =	vst v20;
	v25 =	vsub.f32 v25, v32;
	v11 =	vadd.f32 v30, v11;
	v30 =	vld [tilespmem:s31+$0x0]  }
0x95: {  	v28 =	vadd.f32 v23, v29;
	v29 =	vld [tilespmem:s1+$0xFFFFFF50];
	v31 =	vmul.f32 v31, v31  }
0x96: {  	v24 =	vld [tilespmem:s28+$0xFFFFFFE0];
	v25 =	vmul.f32 v25, v25  }
0x97: {  	v21 =	vld [tilespmem:s28+$0xFFFFFF70];
	v42 =	vperm.xlane v31, v0;
	v62 =	vmul.f32 v11, v4  }
0x98: {  	v27 =	vld [tilespmem:s1+$0x40];
	v40 =	vperm.xlane v25, v0;
	v41 =	vperm.xlane v25, v1  }
0x99: {  	v34 =	vld [tilespmem:s1+$0xE0];
	v43 =	vperm.xlane v31, v1;
	v33 =	vadd.f32 v61, v62;
	v30 =	vsub.f32 v59, v30  }
0x9a: {  	v23 =	vld [tilespmem:s28+$0xFFFFFFF0];
	v29 =	vadd.f32 v29, v12;
	v25 =	vperm.xlane v25, v2;
	v49 =	vadd.f32 v41, v40  }
0x9b: {  	v20 =	vld [tilespmem:s28+$0x70];
	v31 =	vperm.xlane v31, v2;
	v51 =	vadd.f32 v43, v42;
	[tilespmem:s29+$0x80] =	vst v33;
	v53 =	vmul.f32 v30, v30  }
0x9c: {  	[tilespmem:s28+$0xFFFFFFC0] =	vst v28;
	v32 =	vadd.f32 v63, v60;
	v52 =	vld [tilespmem:s30+$0x90];
	v25 =	vadd.f32 v25, v49  }
0x9d: {  	v28 =	vld [tilespmem:s1+$0xFFFFFFD0];
	v30 =	vadd.f32 v31, v51;
	v31 =	vperm.xlane v53, v0;
	v45 =	vperm.xlane v53, v1  }
0x9e: {  	v12 =	vld [tilespmem:s29+$0x50];
	v34 =	vadd.f32 v34, v38;
	v59 =	vmul.f32 v16, v7;
	v57 =	vmul.f32 v25, v4  }
0x9f: {  	v43 =	vld [tilespmem:s28+$0xF0];
	v62 =	vadd.f32 v54, v44;
	v42 =	vperm.xlane v53, v2;
	v31 =	vadd.f32 v45, v31  }
0xa0: {  	v61 =	vld [tilespmem:s29+$0xA0];
	v34 =	vadd.f32 v34, v59;
	v46 =	vmul.f32 v30, v4;
	v32 =	vadd.f32 v32, v57  }
0xa1: {  	v58 =	vmul.f32 v11, v5;
	v44 =	vld [tilespmem:s29+$0x30];
	v35 =	vadd.f32 v52, v50;
	v31 =	vadd.f32 v42, v31  }
0xa2: {  	v41 =	vld [tilespmem:s29+$0xFFFFFF30];
	[tilespmem:s28+$0xE0] =	vst v34;
	v36 =	vadd.f32 v36, v46  }
0xa3: {  	v40 =	vld [tilespmem:s29+$0xFFFFFF40];
	[tilespmem:s29+$0xFFFFFF00] =	vst v32;
	v35 =	vadd.f32 v35, v58;
	v63 =	vmul.f32 v31, v4  }
0xa4: {  	[tilespmem:s29+$0xFFFFFF80] =	vst v36;
	v60 =	vld [tilespmem:s30+$0xFFFFFF10]  }
0xa5: {  	v36 =	vld [tilespmem:s30+$0xFFFFFF90];
	[tilespmem:s29+$0x90] =	vst v35;
	v34 =	vadd.f32 v62, v63  }
0xa6: {  	v48 =	vld [tilespmem:s30+$0xA0]  }
0xa7: {  	v49 =	vld [tilespmem:s29+$0x10];
	[tilespmem:s29+$0x0] =	vst v34  }
0xa8: {  	v53 =	vld [tilespmem:s30+$0x10]  }
0xa9: {  	v59 =	vld [tilespmem:s29+$0xB0];
	v50 =	vmul.f32 v25, v5;
	v33 =	vadd.f32 v60, v55  }
0xaa: {  	v51 =	vmul.f32 v30, v5;
	v37 =	vld [tilespmem:s1+$0xF0];
	v52 =	vadd.f32 v36, v56  }
0xab: {  	v54 =	vmul.f32 v11, v6;
	v45 =	vld [tilespmem:s29+$0x20];
	v33 =	vadd.f32 v33, v50;
	v35 =	vadd.f32 v48, v61  }
0xac: {  	v26 =	vadd.f32 v27, v26;
	v57 =	vmul.f32 v19, v9;
	v32 =	vld [tilespmem:s29+$0xFFFFFFB0];
	v34 =	vadd.f32 v52, v51  }
0xad: {  	v42 =	vld [tilespmem:s29+$0xFFFFFFC0];
	v58 =	vmul.f32 v31, v5;
	[tilespmem:s29+$0xFFFFFF10] =	vst v33;
	v55 =	vadd.f32 v35, v54;
	v36 =	vadd.f32 v53, v49  }
0xae: {  	v26 =	vadd.f32 v26, v57;
	[tilespmem:s29+$0xFFFFFF90] =	vst v34;
	v56 =	vld [tilespmem:s30+$0xFFFFFF20]  }
0xaf: {  	v27 =	vld [tilespmem:s30+$0xFFFFFFA0];
	[tilespmem:s29+$0xA0] =	vst v55;
	v33 =	vadd.f32 v36, v58  }
0xb0: {  	[tilespmem:s28+$0x40] =	vst v26;
	v60 =	vld [tilespmem:s30+$0xB0]  }
0xb1: {  	v15 =	vadd.f32 v28, v15;
	v26 =	vld [tilespmem:s29+$0xFFFFFF50];
	v53 =	vmul.f32 v18, v10;
	[tilespmem:s29+$0x10] =	vst v33  }
0xb2: {  	v51 =	vmul.f32 v17, v10;
	v49 =	vld [tilespmem:s30+$0x20]  }
0xb3: {  	v61 =	vmul.f32 v25, v6;
	v48 =	vld [tilespmem:s1+$0x50];
	v15 =	vadd.f32 v15, v53;
	v62 =	vadd.f32 v56, v39  }
0xb4: {  	v63 =	vmul.f32 v30, v6;
	v29 =	vadd.f32 v29, v51;
	v36 =	vld [tilespmem:s29+$0x40];
	v47 =	vadd.f32 v27, v47  }
0xb5: {  	v50 =	vmul.f32 v11, v8;
	v58 =	vld [tilespmem:s29+$0xC0];
	[tilespmem:s28+$0xFFFFFFD0] =	vst v15;
	v33 =	vadd.f32 v62, v61;
	v34 =	vadd.f32 v60, v59  }
0xb6: {  	[tilespmem:s28+$0xFFFFFF50] =	vst v29;
	v35 =	vadd.f32 v47, v63;
	v61 =	vld [tilespmem:s1+$0xFFFFFFE0]  }
0xb7: {  	v54 =	vmul.f32 v31, v6;
	v60 =	vld [tilespmem:s1+$0xFFFFFF60];
	[tilespmem:s29+$0xFFFFFF20] =	vst v33;
	v52 =	vadd.f32 v34, v50;
	v55 =	vadd.f32 v49, v45  }
0xb8: {  	[tilespmem:s29+$0xFFFFFFA0] =	vst v35;
	v28 =	vld [tilespmem:s30+$0xFFFFFF30]  }
0xb9: {  	v57 =	vmul.f32 v19, v10;
	v13 =	vadd.f32 v48, v13;
	v56 =	vld [tilespmem:s30+$0xFFFFFFB0];
	[tilespmem:s29+$0xB0] =	vst v52;
	v29 =	vadd.f32 v55, v54  }
0xba: {  	v59 =	vld [tilespmem:s30+$0xC0]  }
0xbb: {  	v27 =	vld [tilespmem:s29+$0xFFFFFFD0];
	v13 =	vadd.f32 v13, v57;
	v50 =	vmul.f32 v18, v7;
	v24 =	vadd.f32 v61, v24;
	[tilespmem:s29+$0x20] =	vst v29  }
0xbc: {  	v47 =	vmul.f32 v17, v7;
	v33 =	vadd.f32 v60, v14;
	v29 =	vld [tilespmem:s30+$0x30]  }
0xbd: {  	v15 =	vmul.f32 v25, v8;
	[tilespmem:s28+$0x50] =	vst v13;
	v13 =	vld [tilespmem:s29+$0xFFFFFF60];
	v24 =	vadd.f32 v24, v50;
	v28 =	vadd.f32 v28, v41  }
0xbe: {  	v62 =	vmul.f32 v30, v8;
	v63 =	vld [tilespmem:s1+$0x60];
	v32 =	vadd.f32 v56, v32;
	v33 =	vadd.f32 v33, v47  }
0xbf: {  	v46 =	vmul.f32 v11, v9;
	v52 =	vld [tilespmem:s29+$0xD0];
	[tilespmem:s28+$0xFFFFFFE0] =	vst v24;
	v28 =	vadd.f32 v28, v15;
	v34 =	vadd.f32 v59, v58  }
0xc0: {  	v48 =	vmul.f32 v31, v8;
	v14 =	vld [tilespmem:s29+$0x60];
	v32 =	vadd.f32 v32, v62;
	[tilespmem:s28+$0xFFFFFF60] =	vst v33  }
0xc1: {  	v54 =	vmul.f32 v18, v3;
	v18 =	vld [tilespmem:s1+$0xFFFFFF70];
	[tilespmem:s29+$0xFFFFFF30] =	vst v28;
	v28 =	vadd.f32 v34, v46;
	v29 =	vadd.f32 v29, v44  }
0xc2: {  	[tilespmem:s29+$0xFFFFFFB0] =	vst v32;
	v49 =	vld [tilespmem:s30+$0xFFFFFF40]  }
0xc3: {  	v22 =	vadd.f32 v63, v22;
	v51 =	vld [tilespmem:s30+$0xFFFFFFC0];
	[tilespmem:s29+$0xC0] =	vst v28;
	v28 =	vmul.f32 v19, v7;
	v29 =	vadd.f32 v29, v48  }
0xc4: {  	v16 =	vmul.f32 v16, v3;
	v58 =	vld [tilespmem:s1+$0xFFFFFFF0]  }
0xc5: {  	v37 =	vadd.f32 v37, v43;
	v57 =	vmul.f32 v31, v9;
	v53 =	vld [tilespmem:s30+$0xD0];
	v22 =	vadd.f32 v22, v28;
	[tilespmem:s29+$0x30] =	vst v29  }
0xc6: {  	v17 =	vmul.f32 v17, v3;
	v55 =	vmul.f32 v19, v3;
	v56 =	vld [tilespmem:s30+$0x40]  }
0xc7: {  	v15 =	vld [tilespmem:s29+$0xFFFFFFE0];
	v19 =	vadd.f32 v37, v16;
	v16 =	vmul.f32 v25, v9;
	[tilespmem:s28+$0x60] =	vst v22;
	v22 =	vadd.f32 v49, v40  }
0xc8: {  	v24 =	vmul.f32 v30, v9;
	v18 =	vadd.f32 v18, v21;
	v59 =	vadd.f32 v51, v42;
	v60 =	vld [tilespmem:s1+$0x70]  }
0xc9: {  	v61 =	vmul.f32 v11, v10;
	v33 =	vld [tilespmem:s29+$0x70];
	v63 =	vadd.f32 v58, v23;
	v22 =	vadd.f32 v22, v16  }
0xca: {  	v21 =	vld [tilespmem:s29+$0xFFFFFFF0];
	v23 =	vmul.f32 v31, v7;
	[tilespmem:s28+$0xF0] =	vst v19;
	v42 =	vadd.f32 v59, v24;
	v32 =	vadd.f32 v53, v52  }
0xcb: {  	v28 =	vmul.f32 v30, v10;
	v18 =	vadd.f32 v18, v17;
	v16 =	vld [tilespmem:s29+$0xFFFFFF70];
	[tilespmem:s29+$0xFFFFFF40] =	vst v22;
	v62 =	vadd.f32 v56, v36  }
0xcc: {  	v19 =	vmul.f32 v25, v7;
	v29 =	vmul.f32 v25, v10;
	[tilespmem:s29+$0xFFFFFFC0] =	vst v42;
	v32 =	vadd.f32 v32, v61;
	v35 =	vld [tilespmem:s30+$0xFFFFFF50]  }
0xcd: {  	v17 =	vmul.f32 v30, v3;
	[tilespmem:s28+$0xFFFFFF70] =	vst v18;
	v36 =	vld [tilespmem:s30+$0xFFFFFFD0];
	v38 =	vadd.f32 v60, v20;
	v37 =	vadd.f32 v62, v57  }
0xce: {  	v22 =	vmul.f32 v30, v7;
	v30 =	vld [tilespmem:s29+$0xE0];
	[tilespmem:s29+$0xD0] =	vst v32;
	v20 =	vmul.f32 v25, v3;
	v25 =	vadd.f32 v63, v54  }
0xcf: {  	s0 =	simm.s32 $0x4;
	s14 =	simm.s32 $0x7880;
	v24 =	vmul.f32 v31, v10;
	v18 =	vmul.f32 v31, v3;
	s1 =	simm.s32 $0x52E0;
	v32 =	vld [tilespmem:s30+$0xE0];
	v31 =	vadd.f32 v38, v55;
	[tilespmem:s29+$0x40] =	vst v37  }
.LBB2_3:
0xd0: {  	v34 =	vld [tilespmem:s14+$0x10];
	s31 =	sadd.s32 $0x40, s31;
	[tilespmem:s28+$0xFFFFFFF0] =	vst v25;
	v25 =	vmov v33  }
0xd1: {  	s0 =	sadd.s32 $0x4, s0;
	v33 =	vld [tilespmem:s31+$0x10];
	v26 =	vadd.f32 v35, v26;
	[tilespmem:s28+$0x70] =	vst v31;
	s28 =	smov.u32 s29  }
0xd2: {  	p1 =	slt.u32 s0, $0x4C;
	v31 =	vld [tilespmem:s31+$0xFFFFFFE0];
	v27 =	vadd.f32 v36, v27  }
0xd3: {  	v35 =	vld [tilespmem:s14+$0xFFFFFFF0];
	v26 =	vadd.f32 v26, v29  }
0xd4: {  	v29 =	vld [tilespmem:s31+$0xFFFFFFF0];
	v27 =	vadd.f32 v27, v28;
	v28 =	vadd.f32 v32, v30;
	v30 =	vmul.f32 v11, v7  }
0xd5: {  	v32 =	vld [tilespmem:s14+$0x0];
	[tilespmem:s29+$0xFFFFFF50] =	vst v26  }
0xd6: {  	v26 =	vld [tilespmem:s31+$0x0];
	v33 =	vsub.f32 v34, v33;
	[tilespmem:s29+$0xFFFFFFD0] =	vst v27;
	v27 =	vadd.f32 v28, v30  }
0xd7: {  	v28 =	vld [tilespmem:s14+$0xFFFFFFE0]  }
0xd8: {  	v30 =	vmul.f32 v33, v33;
	[tilespmem:s29+$0xE0] =	vst v27;
	v27 =	vld [tilespmem:s29+$0xF0]  }
0xd9: {  	s29 =	sadd.s32 $0x200, s29;
	v29 =	vsub.f32 v35, v29;
	v33 =	vld [tilespmem:s30+$0xF0]  }
0xda: {  	s30 =	sadd.s32 $0x200, s30;
	v34 =	vperm.xlane v30, v0;
	v35 =	vperm.xlane v30, v1;
	v36 =	vld [tilespmem:s29+$0x80]  }
0xdb: {  	v29 =	vmul.f32 v29, v29;
	v26 =	vsub.f32 v32, v26;
	v32 =	vld [tilespmem:s30+$0x80]  }
0xdc: {  	v30 =	vperm.xlane v30, v2;
	v28 =	vsub.f32 v28, v31;
	v31 =	vld [tilespmem:s29+$0xFFFFFF00];
	v34 =	vadd.f32 v35, v34  }
0xdd: {  	v35 =	vld [tilespmem:s30+$0xFFFFFF00];
	v37 =	vperm.xlane v29, v0;
	v26 =	vmul.f32 v26, v26  }
0xde: {  	v38 =	vld [tilespmem:s29+$0xFFFFFF80];
	v27 =	vadd.f32 v33, v27;
	v33 =	vmul.f32 v11, v3;
	v11 =	vadd.f32 v30, v34  }
0xdf: {  	v28 =	vmul.f32 v28, v28;
	v30 =	vperm.xlane v29, v1;
	v34 =	vld [tilespmem:s30+$0xFFFFFF80]  }
0xe0: {  	v39 =	vld [tilespmem:s29+$0x0];
	v32 =	vadd.f32 v32, v36;
	v36 =	vmul.f32 v11, v4;
	v27 =	vadd.f32 v27, v33  }
0xe1: {  	v33 =	vperm.xlane v28, v0;
	v40 =	vperm.xlane v28, v1;
	v30 =	vadd.f32 v30, v37;
	v37 =	vld [tilespmem:s30+$0x0]  }
0xe2: {  	v42 =	vperm.xlane v26, v0;
	v43 =	vperm.xlane v26, v1;
	v41 =	vld [tilespmem:s29+$0xFFFFFF10];
	v32 =	vadd.f32 v32, v36;
	[tilespmem:s28+$0xF0] =	vst v27  }
0xe3: {  	v29 =	vperm.xlane v29, v2;
	v28 =	vperm.xlane v28, v2;
	v27 =	vadd.f32 v40, v33;
	v36 =	vld [tilespmem:s29+$0xFFFFFF90]  }
0xe4: {  	v26 =	vperm.xlane v26, v2;
	v31 =	vadd.f32 v35, v31;
	v33 =	vadd.f32 v43, v42;
	[tilespmem:s29+$0x80] =	vst v32;
	v32 =	vld [tilespmem:s29+$0x90]  }
0xe5: {  	v35 =	vadd.f32 v29, v30;
	v27 =	vadd.f32 v28, v27;
	v28 =	vld [tilespmem:s30+$0x90]  }
0xe6: {  	v29 =	vadd.f32 v34, v38;
	v26 =	vadd.f32 v26, v33;
	v34 =	vld [tilespmem:s29+$0x10]  }
0xe7: {  	v33 =	vmul.f32 v35, v4;
	v30 =	vmul.f32 v27, v4;
	v37 =	vadd.f32 v37, v39;
	v38 =	vld [tilespmem:s29+$0xFFFFFF20]  }
0xe8: {  	v39 =	vmul.f32 v27, v5;
	v42 =	vmul.f32 v26, v4;
	v40 =	vld [tilespmem:s29+$0xFFFFFFA0]  }
0xe9: {  	v43 =	vmul.f32 v35, v5;
	v29 =	vadd.f32 v29, v33;
	v30 =	vadd.f32 v31, v30;
	v44 =	vld [tilespmem:s29+$0x20]  }
0xea: {  	v31 =	vadd.f32 v37, v42;
	v45 =	vld [tilespmem:s29+$0xFFFFFF30];
	v28 =	vadd.f32 v28, v32;
	v32 =	vmul.f32 v11, v5  }
0xeb: {  	v46 =	vmul.f32 v26, v5;
	v37 =	vmul.f32 v27, v6;
	[tilespmem:s29+$0xFFFFFF00] =	vst v30;
	v42 =	vld [tilespmem:s29+$0xFFFFFFB0]  }
0xec: {  	v48 =	vmul.f32 v35, v6;
	v49 =	vmul.f32 v26, v6;
	v47 =	vld [tilespmem:s30+$0xFFFFFF10];
	[tilespmem:s29+$0xFFFFFF80] =	vst v29;
	v28 =	vadd.f32 v28, v32  }
0xed: {  	v51 =	vmul.f32 v35, v8;
	v50 =	vmul.f32 v27, v8;
	v32 =	vld [tilespmem:s30+$0xFFFFFF90];
	[tilespmem:s29+$0x0] =	vst v31  }
0xee: {  	v52 =	vmul.f32 v26, v8;
	v31 =	vmul.f32 v27, v9;
	[tilespmem:s29+$0x90] =	vst v28;
	v53 =	vld [tilespmem:s29+$0xA0]  }
0xef: {  	v33 =	vmul.f32 v35, v9;
	v30 =	vmul.f32 v26, v9;
	v54 =	vld [tilespmem:s30+$0xA0]  }
0xf0: {  	v29 =	vmul.f32 v27, v10;
	v28 =	vmul.f32 v35, v10;
	v55 =	vld [tilespmem:s30+$0x10]  }
0xf1: {  	v57 =	vmul.f32 v26, v10;
	v41 =	vadd.f32 v47, v41;
	v47 =	vmul.f32 v27, v7;
	v56 =	vld [tilespmem:s29+$0x30]  }
0xf2: {  	v59 =	vmul.f32 v35, v7;
	v60 =	vmul.f32 v26, v7;
	v58 =	vld [tilespmem:s29+$0xFFFFFF40];
	v36 =	vadd.f32 v32, v36  }
0xf3: {  	v32 =	vmul.f32 v35, v3;
	v39 =	vadd.f32 v41, v39;
	v41 =	vmul.f32 v27, v3;
	v61 =	vld [tilespmem:s29+$0xFFFFFFC0]  }
0xf4: {  	v27 =	vadd.f32 v36, v43;
	v35 =	vld [tilespmem:s29+$0x40];
	v36 =	vadd.f32 v54, v53;
	v43 =	vmul.f32 v11, v6  }
0xf5: {  	[tilespmem:s29+$0xFFFFFF10] =	vst v39;
	v39 =	vadd.f32 v55, v34;
	v34 =	vmul.f32 v26, v3;
	v26 =	vld [tilespmem:s1+$0x50]  }
0xf6: {  	v53 =	vld [tilespmem:s30+$0xFFFFFF20];
	[tilespmem:s29+$0xFFFFFF90] =	vst v27;
	v27 =	vadd.f32 v36, v43  }
0xf7: {  	v36 =	vld [tilespmem:s30+$0xFFFFFFA0];
	v39 =	vadd.f32 v39, v46  }
0xf8: {  	[tilespmem:s29+$0xA0] =	vst v27;
	v43 =	vld [tilespmem:s29+$0xB0]  }
0xf9: {  	[tilespmem:s29+$0x10] =	vst v39;
	v39 =	vld [tilespmem:s30+$0xB0]  }
0xfa: {  	v46 =	vld [tilespmem:s30+$0x20];
	v12 =	vadd.f32 v26, v12  }
0xfb: {  	v38 =	vadd.f32 v53, v38;
	v26 =	vld [tilespmem:s29+$0xFFFFFF50]  }
0xfc: {  	v36 =	vadd.f32 v36, v40;
	v27 =	vld [tilespmem:s29+$0xFFFFFFD0];
	v40 =	vadd.f32 v12, v24;
	v24 =	vmov v57  }
0xfd: {  	v37 =	vadd.f32 v38, v37;
	v12 =	vld [tilespmem:s29+$0x50]  }
0xfe: {  	v36 =	vadd.f32 v36, v48;
	v38 =	vadd.f32 v39, v43;
	v39 =	vmul.f32 v11, v8;
	v43 =	vld [tilespmem:s1+$0xFFFFFF60];
	[tilespmem:s28+$0x50] =	vst v40  }
0xff: {  	[tilespmem:s29+$0xFFFFFF20] =	vst v37;
	v37 =	vadd.f32 v46, v44;
	v40 =	vld [tilespmem:s1+$0xFFFFFFE0]  }
0x100: {  	v44 =	vld [tilespmem:s30+$0xFFFFFF30];
	[tilespmem:s29+$0xFFFFFFA0] =	vst v36;
	v36 =	vadd.f32 v38, v39  }
0x101: {  	v38 =	vld [tilespmem:s30+$0xFFFFFFB0];
	v37 =	vadd.f32 v37, v49  }
0x102: {  	[tilespmem:s29+$0xB0] =	vst v36;
	v36 =	vld [tilespmem:s29+$0xC0]  }
0x103: {  	[tilespmem:s29+$0x20] =	vst v37;
	v37 =	vld [tilespmem:s30+$0xC0];
	v13 =	vadd.f32 v43, v13  }
0x104: {  	v39 =	vld [tilespmem:s30+$0x30];
	v15 =	vadd.f32 v40, v15  }
0x105: {  	v40 =	vadd.f32 v44, v45;
	v43 =	vadd.f32 v13, v19;
	v44 =	vld [tilespmem:s1+$0x60];
	v19 =	vmov v47  }
0x106: {  	v13 =	vld [tilespmem:s29+$0xFFFFFF60];
	v38 =	vadd.f32 v38, v42;
	v42 =	vadd.f32 v15, v22;
	v22 =	vmov v59  }
0x107: {  	v40 =	vadd.f32 v40, v50;
	v15 =	vld [tilespmem:s29+$0xFFFFFFE0];
	[tilespmem:s28+$0xFFFFFF60] =	vst v43  }
0x108: {  	v38 =	vadd.f32 v38, v51;
	v43 =	vld [tilespmem:s29+$0x60];
	v36 =	vadd.f32 v37, v36;
	v37 =	vmul.f32 v11, v9;
	[tilespmem:s28+$0xFFFFFFE0] =	vst v42  }
0x109: {  	[tilespmem:s29+$0xFFFFFF30] =	vst v40;
	v39 =	vadd.f32 v39, v56;
	v40 =	vld [tilespmem:s1+$0xFFFFFF70]  }
0x10a: {  	v42 =	vld [tilespmem:s30+$0xFFFFFF40];
	[tilespmem:s29+$0xFFFFFFB0] =	vst v38;
	v36 =	vadd.f32 v36, v37;
	v44 =	vadd.f32 v44, v14  }
0x10b: {  	v37 =	vld [tilespmem:s30+$0xFFFFFFC0];
	v38 =	vadd.f32 v39, v52  }
0x10c: {  	[tilespmem:s29+$0xC0] =	vst v36;
	v36 =	vld [tilespmem:s29+$0xD0];
	v39 =	vadd.f32 v44, v23;
	v23 =	vmov v60  }
0x10d: {  	[tilespmem:s29+$0x30] =	vst v38;
	v38 =	vld [tilespmem:s30+$0xD0];
	v14 =	vmov v43  }
0x10e: {  	v43 =	vld [tilespmem:s30+$0x40];
	v16 =	vadd.f32 v40, v16;
	[tilespmem:s28+$0x60] =	vst v39  }
0x10f: {  	v39 =	vadd.f32 v42, v58;
	v40 =	vld [tilespmem:s1+$0xFFFFFFF0]  }
0x110: {  	v37 =	vadd.f32 v37, v61;
	v42 =	vadd.f32 v16, v20;
	v44 =	vld [tilespmem:s1+$0x70];
	v20 =	vmov v41;
	s1 =	smov.u32 s30  }
0x111: {  	v31 =	vadd.f32 v39, v31;
	v16 =	vld [tilespmem:s29+$0xFFFFFF70]  }
0x112: {  	v37 =	vadd.f32 v37, v33;
	v39 =	vld [tilespmem:s29+$0xFFFFFFF0];
	v36 =	vadd.f32 v38, v36;
	v38 =	vmul.f32 v11, v10;
	[tilespmem:s28+$0xFFFFFF70] =	vst v42  }
.Ltmp4:
0x113: {  	[tilespmem:s29+$0xFFFFFF40] =	vst v31;
	v31 =	vadd.f32 v43, v35;
	v33 =	vld [tilespmem:s29+$0x70];
	(pc) =	sbr.rel @p1 .LBB2_3-.Ltmp4, $4  }
0x114: {  	v35 =	vld [tilespmem:s30+$0xFFFFFF50];
	[tilespmem:s29+$0xFFFFFFC0] =	vst v37;
	v37 =	vadd.f32 v36, v38;
	v40 =	vadd.f32 v40, v21  }
0x115: {  	v36 =	vld [tilespmem:s30+$0xFFFFFFD0];
	v31 =	vadd.f32 v31, v30;
	v38 =	vadd.f32 v44, v25  }
0x116: {  	[tilespmem:s29+$0xD0] =	vst v37;
	v30 =	vld [tilespmem:s29+$0xE0];
	v25 =	vadd.f32 v40, v17;
	v17 =	vmov v32  }
0x117: {  	s14 =	sadd.s32 $0x40, s14;
	[tilespmem:s29+$0x40] =	vst v31;
	v32 =	vld [tilespmem:s30+$0xE0];
	v31 =	vadd.f32 v38, v18;
	v18 =	vmov v34;
	v21 =	vmov v39  }
0x118: {  	v4 =	vld [tilespmem:s1+$0x50];
	_ =	sdelay $0x2  }
0x119: {  	v5 =	vadd.f32 v35, v26  }
0x11a: {  	v6 =	vadd.f32 v36, v27  }
0x11b: {  	v5 =	vadd.f32 v5, v29;
	v4 =	vadd.f32 v4, v12  }
0x11c: {  	v6 =	vadd.f32 v6, v28  }
0x11d: {  	[tilespmem:s29+$0xFFFFFF50] =	vst v5;
	v4 =	vadd.f32 v4, v24  }
0x11e: {  	[tilespmem:s29+$0xFFFFFFD0] =	vst v6;
	v5 =	vld [tilespmem:s1+$0xFFFFFF60]  }
0x11f: {  	v55 =	vld [tilespmem:s1+$0xFFFFFFE0];
	[tilespmem:s29+$0x50] =	vst v4  }
0x120: {  	v56 =	vld [tilespmem:s1+$0x60];
	_ =	sdelay $0x1  }
0x121: {  	v7 =	vmul.f32 v11, v7;
	v8 =	vadd.f32 v32, v30  }
0x122: {  	v5 =	vadd.f32 v5, v13  }
0x123: {  	v7 =	vadd.f32 v8, v7;
	v4 =	vadd.f32 v55, v15  }
0x124: {  	v5 =	vadd.f32 v5, v19;
	v6 =	vadd.f32 v56, v14  }
0x125: {  	v57 =	vld [tilespmem:s29+$0xF0];
	[tilespmem:s29+$0xE0] =	vst v7;
	v4 =	vadd.f32 v4, v22  }
0x126: {  	v58 =	vld [tilespmem:s30+$0xF0];
	[tilespmem:s29+$0xFFFFFF60] =	vst v5;
	v59 =	vadd.f32 v6, v23  }
0x127: {  	[tilespmem:s29+$0xFFFFFFE0] =	vst v4;
	v60 =	vld [tilespmem:s1+$0xFFFFFF70]  }
0x128: {  	v61 =	vld [tilespmem:s1+$0xFFFFFFF0];
	[tilespmem:s29+$0x60] =	vst v59  }
0x129: {  	v62 =	vld [tilespmem:s1+$0x70];
	_ =	sdelay $0x1  }
0x12a: {  	v3 =	vmul.f32 v11, v3;
	v7 =	vadd.f32 v58, v57  }
0x12b: {  	v4 =	vadd.f32 v60, v16  }
0x12c: {  	[tilespmem:s28+$0xFFFFFFF0] =	vst v25;
	v3 =	vadd.f32 v7, v3;
	v5 =	vadd.f32 v61, v21  }
0x12d: {  	s0 =	smul.u32 $0xA0, s25;
	[tilespmem:s28+$0x70] =	vst v31;
	v4 =	vadd.f32 v4, v20;
	v6 =	vadd.f32 v62, v33  }
0x12e: {  	[tilespmem:s29+$0xF0] =	vst v3;
	v3 =	vadd.f32 v5, v17  }
0x12f: {  	s31 =	sadd.s32 s3, s0;
	[tilespmem:s29+$0xFFFFFF70] =	vst v4;
	v63 =	vadd.f32 v6, v18  }
0x130: {  	s1 =	sshll.u32 s31, $0x4;
	[tilespmem:s29+$0xFFFFFFF0] =	vst v3  }
0x131: {  	s1 =	sadd.s32 s8, s1;
	[tilespmem:s29+$0x70] =	vst v63  }
0x132: {  	[hbm4b:s1+s2] =	stream.linear.scatter [tilespmem:s16], [sflag:$0x4], $0x2800, $0x38;
	[tilespmem:$0xDBE0] =	vst v63  }
0x133: {  	p1 =	seq.s32 s25, $0x1F;
	_ =	swait.ge [sflag:s21], $0x2800  }
0x134: {  	s14 =	simm.s32 @!p1 $0x50;
	[sflag:s21] =	ssyncset.done $0x0  }
0x135: {  	s28 =	simm.s32 @!p1 $0x27E0;
	s1 =	sadd.s32 @!p1 $0xA0, s0;
	[sflag:s21] =	ssyncadd.s32 $0xFFFFD800  }
0x136: {  	[tilespmem:s28], [sflag:$0x1] =	stream.indirect.gather @!p1 [hbm4b:s4+s14], $0x80, s1, s14, $0xb8;
	[tilespmem:$0xDBE0] =	vst v63  }
0x137: {  	s0 =	sadd.s32 @!p1 $0x1450, s0;
	s28 =	simm.s32 @!p1 $0x4FE0  }
0x138: {  	[tilespmem:s28], [sflag:$0x1] =	stream.indirect.gather @!p1 [hbm4b:s5+s14], $0x80, s0, s14, $0xb8;
	[tilespmem:$0xDBE0] =	vst v63  }
.Ltmp5:
0x139: {  	_ = 	snop;
	(pc) =	sbr.rel @p0 .LBB2_8-.Ltmp5, $4  }
0x13a: {  	s28 =	simm.s32 @!p1 $0x77E0  }
0x13b: {  	[tilespmem:s28], [sflag:$0x1] =	stream.indirect.gather @!p1 [hbm4b:s6+s14], $0x10, s1, s14, $0xb8;
	[tilespmem:$0xDBE0] =	vst v63  }
0x13c: {  	s1 =	simm.s32 @!p1 $0x7CE0  }
0x13d: {  	[tilespmem:s1], [sflag:$0x1] =	stream.indirect.gather @!p1 [hbm4b:s6+s14], $0x10, s0, s14, $0xb8;
	[tilespmem:$0xDBE0] =	vst v63  }
0x13e: {  	_ =	swait.ge [sflag:s22], $0x2800  }
0x13f: {  	[sflag:s22] =	ssyncset.done $0x0  }
0x140: {  	[sflag:s22] =	ssyncadd.s32 $0xFFFFD800  }
0x141: {  	_ =	swait.ge [sflag:s22], $0x2800  }
0x142: {  	[sflag:s22] =	ssyncset.done $0x0  }
0x143: {  	[sflag:s22] =	ssyncadd.s32 $0xFFFFD800  }
0x144: {  	_ =	swait.ge [sflag:s22], $0x500  }
0x145: {  	[sflag:s22] =	ssyncset.done $0x0  }
0x146: {  	[sflag:s22] =	ssyncadd.s32 $0xFFFFFB00  }
0x147: {  	_ =	swait.ge [sflag:s22], $0x500  }
0x148: {  	[sflag:s22] =	ssyncset.done $0x0  }
0x149: {  	[sflag:s22] =	ssyncadd.s32 $0xFFFFFB00  }
0x14a: {  	v4 =	vld [tilespmem:$0x2760]  }
0x14b: {  	s0 =	simm.s32 $0xD200;
	v5 =	vld [tilespmem:$0x2770]  }
0x14c: {  	s14 =	simm.s32 $0xD700;
	v3 =	vld [tilespmem:s0+$0x10]  }
0x14d: {  	v7 =	vld [tilespmem:s14+$0x10]  }
0x14e: {  	v6 =	vld [tilespmem:$0x2780]  }
0x14f: {  	v8 =	vld [tilespmem:$0x2790]  }
0x150: {  	v9 =	vld [tilespmem:$0x27A0]  }
0x151: {  	v10 =	vld [tilespmem:$0x27B0]  }
0x152: {  	v11 =	vld [tilespmem:s14+$0xFFFFFFE0]  }
0x153: {  	v12 =	vld [tilespmem:s0+$0xFFFFFFF0];
	v3 =	vsub.f32 v3, v7  }
0x154: {  	v13 =	vld [tilespmem:s14+$0xFFFFFFF0]  }
0x155: {  	s28 =	simm.s32 $0x82E0;
	v14 =	vld [tilespmem:s0+$0xFFFFFFE0];
	v3 =	vmul.f32 v3, v3  }
0x156: {  	s1 =	simm.s32 $0xAAE0;
	v17 =	vld [tilespmem:s28+$0x80]  }
0x157: {  	v18 =	vld [tilespmem:s1+$0x80];
	v15 =	vperm.xlane v3, v0;
	v16 =	vperm.xlane v3, v1  }
0x158: {  	v19 =	vld [tilespmem:s0+$0x0]  }
0x159: {  	v20 =	vld [tilespmem:s1+$0xFFFFFF00];
	v15 =	vadd.f32 v16, v15;
	v16 =	vperm.xlane v3, v2  }
0x15a: {  	v21 =	vld [tilespmem:s28+$0xFFFFFF80]  }
0x15b: {  	v22 =	vld [tilespmem:s1+$0xFFFFFF80];
	v11 =	vsub.f32 v14, v11;
	v16 =	vadd.f32 v16, v15  }
0x15c: {  	v12 =	vsub.f32 v12, v13;
	v15 =	vld [tilespmem:s14+$0x0]  }
0x15d: {  	v25 =	vld [tilespmem:s28+$0x0];
	v14 =	vadd.f32 v18, v17;
	v11 =	vmul.f32 v11, v11;
	v17 =	vmul.f32 v16, v4  }
0x15e: {  	v28 =	vld [tilespmem:s28+$0xFFFFFFA0];
	v12 =	vmul.f32 v12, v12  }
0x15f: {  	v7 =	vld [tilespmem:$0x27C0];
	v18 =	vperm.xlane v11, v1;
	v14 =	vadd.f32 v14, v17;
	v17 =	vperm.xlane v11, v0  }
0x160: {  	v13 =	vld [tilespmem:s28+$0xFFFFFF00];
	v23 =	vperm.xlane v12, v0;
	v24 =	vperm.xlane v12, v1  }
0x161: {  	v3 =	vld [tilespmem:$0x27D0];
	v11 =	vperm.xlane v11, v2;
	[tilespmem:s28+$0x80] =	vst v14;
	v14 =	vsub.f32 v19, v15;
	v15 =	vadd.f32 v18, v17  }
0x162: {  	v19 =	vld [tilespmem:s28+$0x90]  }
0x163: {  	v12 =	vperm.xlane v12, v2;
	v18 =	vadd.f32 v24, v23;
	v23 =	vld [tilespmem:s1+$0x90];
	v17 =	vadd.f32 v11, v15  }
0x164: {  	v29 =	vld [tilespmem:s28+$0x30];
	v14 =	vmul.f32 v14, v14  }
0x165: {  	s31 =	simm.s32 $0xD740;
	v30 =	vld [tilespmem:s28+$0xFFFFFFC0];
	v13 =	vadd.f32 v20, v13;
	v18 =	vadd.f32 v12, v18;
	v20 =	vmul.f32 v17, v4  }
0x166: {  	v31 =	vld [tilespmem:s31+$0x10];
	v21 =	vadd.f32 v22, v21;
	v12 =	vperm.xlane v14, v0;
	v26 =	vperm.xlane v14, v1  }
0x167: {  	v24 =	vld [tilespmem:s1+$0x0];
	v27 =	vmul.f32 v18, v4;
	v14 =	vperm.xlane v14, v2;
	v13 =	vadd.f32 v13, v20  }
0x168: {  	v32 =	vld [tilespmem:s31+$0xFFFFFFF0];
	v19 =	vadd.f32 v23, v19;
	v20 =	vmul.f32 v16, v5;
	v12 =	vadd.f32 v26, v12  }
0x169: {  	v11 =	vld [tilespmem:s28+$0xFFFFFF10];
	v21 =	vadd.f32 v21, v27  }
0x16a: {  	v15 =	vld [tilespmem:s28+$0xFFFFFF90];
	[tilespmem:s28+$0xFFFFFF00] =	vst v13;
	v13 =	vadd.f32 v19, v20;
	v19 =	vadd.f32 v14, v12  }
0x16b: {  	[tilespmem:s28+$0xFFFFFF80] =	vst v21;
	v12 =	vld [tilespmem:s1+$0xFFFFFF10]  }
0x16c: {  	v14 =	vld [tilespmem:s1+$0xFFFFFF90];
	[tilespmem:s28+$0x90] =	vst v13;
	v13 =	vadd.f32 v24, v25;
	v20 =	vmul.f32 v19, v4  }
0x16d: {  	v21 =	vld [tilespmem:s28+$0xA0]  }
0x16e: {  	s29 =	simm.s32 $0x84E0;
	v24 =	vld [tilespmem:s1+$0xA0];
	v13 =	vadd.f32 v13, v20  }
0x16f: {  	v36 =	vld [tilespmem:s29+$0x80]  }
0x170: {  	v27 =	vmul.f32 v17, v5;
	v25 =	vld [tilespmem:s28+$0x10];
	[tilespmem:s28+$0x0] =	vst v13;
	v11 =	vadd.f32 v12, v11  }
0x171: {  	s30 =	simm.s32 $0xACE0;
	v12 =	vmul.f32 v18, v5;
	v14 =	vadd.f32 v14, v15;
	v13 =	vld [tilespmem:s1+$0x10]  }
0x172: {  	v37 =	vld [tilespmem:s30+$0x80];
	v11 =	vadd.f32 v11, v27  }
0x173: {  	v38 =	vld [tilespmem:s28+$0xE0];
	v15 =	vadd.f32 v24, v21;
	v21 =	vmul.f32 v16, v6;
	v12 =	vadd.f32 v14, v12  }
0x174: {  	v22 =	vld [tilespmem:s28+$0xFFFFFF20];
	[tilespmem:s28+$0xFFFFFF10] =	vst v11  }
0x175: {  	v11 =	vadd.f32 v15, v21;
	[tilespmem:s28+$0xFFFFFF90] =	vst v12;
	v14 =	vld [tilespmem:s1+$0xFFFFFF20]  }
0x176: {  	v12 =	vmul.f32 v19, v5;
	v15 =	vld [tilespmem:s1+$0xFFFFFFA0];
	v13 =	vadd.f32 v13, v25  }
0x177: {  	[tilespmem:s28+$0xA0] =	vst v11;
	v11 =	vld [tilespmem:s28+$0xB0]  }
0x178: {  	v12 =	vadd.f32 v13, v12;
	v13 =	vld [tilespmem:s1+$0xB0]  }
0x179: {  	v52 =	vld [tilespmem:s29+$0xFFFFFF00]  }
0x17a: {  	v54 =	vld [tilespmem:s30+$0xFFFFFF00];
	v21 =	vmul.f32 v17, v6;
	v14 =	vadd.f32 v14, v22  }
0x17b: {  	v23 =	vld [tilespmem:s28+$0xFFFFFF30];
	v22 =	vmul.f32 v18, v6;
	v28 =	vadd.f32 v15, v28  }
0x17c: {  	v20 =	vld [tilespmem:s28+$0x20];
	[tilespmem:s28+$0x10] =	vst v12;
	v14 =	vadd.f32 v14, v21  }
0x17d: {  	v25 =	vld [tilespmem:s1+$0x20];
	v21 =	vmul.f32 v16, v8;
	v22 =	vadd.f32 v28, v22;
	v11 =	vadd.f32 v13, v11  }
0x17e: {  	v26 =	vld [tilespmem:s28+$0xFFFFFFB0];
	[tilespmem:s28+$0xFFFFFF20] =	vst v14  }
0x17f: {  	[tilespmem:s28+$0xFFFFFFA0] =	vst v22;
	v11 =	vadd.f32 v11, v21;
	v21 =	vld [tilespmem:s1+$0xFFFFFF30]  }
0x180: {  	v22 =	vld [tilespmem:s1+$0xFFFFFFB0]  }
0x181: {  	v39 =	vld [tilespmem:s29+$0xFFFFFF80]  }
0x182: {  	v55 =	vld [tilespmem:s30+$0xFFFFFF80];
	v14 =	vmul.f32 v19, v6;
	v20 =	vadd.f32 v25, v20  }
0x183: {  	v44 =	vld [tilespmem:s29+$0x0]  }
0x184: {  	v56 =	vld [tilespmem:s29+$0x90];
	[tilespmem:s28+$0xB0] =	vst v11;
	v11 =	vadd.f32 v20, v14  }
0x185: {  	v20 =	vld [tilespmem:s28+$0xC0];
	v21 =	vadd.f32 v21, v23;
	v23 =	vmul.f32 v18, v8;
	v26 =	vadd.f32 v22, v26  }
0x186: {  	v25 =	vld [tilespmem:s1+$0xC0];
	[tilespmem:s28+$0x20] =	vst v11  }
0x187: {  	v11 =	vld [tilespmem:s1+$0x30];
	v23 =	vadd.f32 v26, v23  }
0x188: {  	v60 =	vld [tilespmem:s30+$0x0];
	v28 =	vmul.f32 v17, v8  }
0x189: {  	v61 =	vld [tilespmem:s29+$0xFFFFFF90];
	[tilespmem:s28+$0xFFFFFFB0] =	vst v23  }
0x18a: {  	v21 =	vadd.f32 v21, v28;
	v23 =	vld [tilespmem:s1+$0xFFFFFFC0]  }
0x18b: {  	v63 =	vld [tilespmem:s29+$0xFFFFFF20];
	v28 =	vmul.f32 v16, v9;
	v25 =	vadd.f32 v25, v20  }
0x18c: {  	v27 =	vld [tilespmem:s28+$0xFFFFFF40];
	v26 =	vmul.f32 v19, v8;
	[tilespmem:s28+$0xFFFFFF30] =	vst v21;
	v11 =	vadd.f32 v11, v29  }
0x18d: {  	v21 =	vadd.f32 v25, v28;
	v25 =	vld [tilespmem:s1+$0xFFFFFF40]  }
0x18e: {  	s14 =	simm.s32 $0xD240;
	v11 =	vadd.f32 v11, v26;
	v26 =	vld [tilespmem:s28+$0xD0]  }
0x18f: {  	[tilespmem:s28+$0xC0] =	vst v21;
	v23 =	vadd.f32 v23, v30;
	v30 =	vld [tilespmem:s14+$0x10]  }
0x190: {  	[tilespmem:s28+$0x30] =	vst v11;
	v11 =	vld [tilespmem:s1+$0xD0]  }
0x191: {  	v47 =	vld [tilespmem:s29+$0xFFFFFFA0]  }
0x192: {  	v51 =	vld [tilespmem:s14+$0x0];
	v25 =	vadd.f32 v25, v27;
	v27 =	vmul.f32 v18, v9  }
0x193: {  	v24 =	vld [tilespmem:s28+$0x40]  }
0x194: {  	v12 =	vld [tilespmem:s28+$0xFFFFFF50];
	v27 =	vadd.f32 v23, v27;
	v30 =	vsub.f32 v30, v31  }
0x195: {  	v15 =	vld [tilespmem:s28+$0xFFFFFFD0];
	v11 =	vadd.f32 v11, v26;
	v26 =	vmul.f32 v16, v10  }
0x196: {  	[tilespmem:s28+$0xFFFFFFC0] =	vst v27;
	v27 =	vld [tilespmem:s31+$0xFFFFFFE0];
	v30 =	vmul.f32 v30, v30  }
0x197: {  	v11 =	vadd.f32 v11, v26;
	v26 =	vld [tilespmem:s14+$0xFFFFFFE0]  }
0x198: {  	v31 =	vld [tilespmem:s14+$0xFFFFFFF0];
	v34 =	vperm.xlane v30, v0;
	v35 =	vperm.xlane v30, v1  }
0x199: {  	v13 =	vld [tilespmem:s28+$0x50];
	v28 =	vmul.f32 v17, v9  }
0x19a: {  	v14 =	vld [tilespmem:s28+$0xFFFFFF60];
	[tilespmem:s28+$0xD0] =	vst v11;
	v30 =	vperm.xlane v30, v2;
	v11 =	vadd.f32 v35, v34  }
0x19b: {  	v22 =	vld [tilespmem:s28+$0xFFFFFFE0];
	v25 =	vadd.f32 v25, v28  }
0x19c: {  	v26 =	vsub.f32 v26, v27;
	v11 =	vadd.f32 v30, v11;
	v30 =	vld [tilespmem:s31+$0x0]  }
0x19d: {  	v20 =	vld [tilespmem:s28+$0x60];
	v27 =	vsub.f32 v31, v32  }
0x19e: {  	v21 =	vld [tilespmem:s28+$0xFFFFFF70];
	[tilespmem:s28+$0xFFFFFF40] =	vst v25;
	v31 =	vadd.f32 v37, v36;
	v26 =	vmul.f32 v26, v26;
	v53 =	vmul.f32 v11, v4  }
0x19f: {  	v29 =	vld [tilespmem:s1+$0xFFFFFF50];
	v27 =	vmul.f32 v27, v27  }
0x1a0: {  	v33 =	vld [tilespmem:s1+$0x40];
	v40 =	vperm.xlane v26, v0;
	v41 =	vperm.xlane v26, v1;
	v31 =	vadd.f32 v31, v53  }
0x1a1: {  	v23 =	vld [tilespmem:s28+$0xFFFFFFF0];
	v42 =	vperm.xlane v27, v0;
	v43 =	vperm.xlane v27, v1;
	v30 =	vsub.f32 v51, v30  }
0x1a2: {  	v25 =	vld [tilespmem:s28+$0x70];
	v26 =	vperm.xlane v26, v2;
	[tilespmem:s29+$0x80] =	vst v31;
	v31 =	vadd.f32 v41, v40  }
0x1a3: {  	v27 =	vperm.xlane v27, v2;
	v57 =	vadd.f32 v43, v42;
	v58 =	vld [tilespmem:s30+$0x90];
	v59 =	vmul.f32 v30, v30  }
0x1a4: {  	v50 =	vld [tilespmem:s1+$0xE0];
	v29 =	vadd.f32 v29, v12;
	v30 =	vadd.f32 v26, v31  }
0x1a5: {  	v28 =	vld [tilespmem:s1+$0xFFFFFFD0];
	v31 =	vadd.f32 v27, v57;
	v27 =	vperm.xlane v59, v0;
	v45 =	vperm.xlane v59, v1  }
0x1a6: {  	v12 =	vld [tilespmem:s29+$0x50];
	v32 =	vadd.f32 v54, v52;
	v36 =	vadd.f32 v55, v39;
	v62 =	vmul.f32 v30, v4  }
0x1a7: {  	v52 =	vadd.f32 v60, v44;
	v55 =	vld [tilespmem:s29+$0x10];
	v48 =	vmul.f32 v11, v5;
	v27 =	vadd.f32 v45, v27  }
0x1a8: {  	v44 =	vld [tilespmem:s29+$0x20];
	v42 =	vperm.xlane v59, v2;
	v32 =	vadd.f32 v32, v62;
	v35 =	vadd.f32 v58, v56  }
0x1a9: {  	v34 =	vadd.f32 v50, v38;
	v38 =	vld [tilespmem:s29+$0xFFFFFF40];
	v46 =	vmul.f32 v31, v4  }
0x1aa: {  	v49 =	vmul.f32 v16, v7;
	v26 =	vld [tilespmem:s29+$0xFFFFFF10];
	[tilespmem:s29+$0xFFFFFF00] =	vst v32;
	v35 =	vadd.f32 v35, v48;
	v32 =	vadd.f32 v42, v27  }
0x1ab: {  	v36 =	vadd.f32 v36, v46;
	v50 =	vld [tilespmem:s30+$0xFFFFFF10]  }
0x1ac: {  	v34 =	vadd.f32 v34, v49;
	v51 =	vld [tilespmem:s29+$0xA0];
	[tilespmem:s29+$0x90] =	vst v35;
	v53 =	vmul.f32 v32, v4  }
0x1ad: {  	[tilespmem:s29+$0xFFFFFF80] =	vst v36;
	v54 =	vld [tilespmem:s30+$0xA0]  }
0x1ae: {  	[tilespmem:s28+$0xE0] =	vst v34;
	v27 =	vld [tilespmem:s30+$0xFFFFFF90];
	v34 =	vadd.f32 v52, v53  }
0x1af: {  	v43 =	vld [tilespmem:s29+$0x30]  }
0x1b0: {  	v41 =	vld [tilespmem:s29+$0xFFFFFF30];
	v56 =	vmul.f32 v30, v5;
	v26 =	vadd.f32 v50, v26;
	[tilespmem:s29+$0x0] =	vst v34  }
0x1b1: {  	v34 =	vld [tilespmem:s30+$0x10]  }
0x1b2: {  	v40 =	vld [tilespmem:s29+$0xFFFFFFC0];
	v58 =	vmul.f32 v11, v6;
	v26 =	vadd.f32 v26, v56;
	v35 =	vadd.f32 v54, v51  }
0x1b3: {  	v37 =	vld [tilespmem:s1+$0xF0];
	v57 =	vmul.f32 v31, v5;
	v27 =	vadd.f32 v27, v61  }
0x1b4: {  	v45 =	vld [tilespmem:s29+$0xFFFFFFB0];
	[tilespmem:s29+$0xFFFFFF10] =	vst v26;
	v26 =	vadd.f32 v35, v58  }
0x1b5: {  	v42 =	vld [tilespmem:s28+$0xF0];
	v27 =	vadd.f32 v27, v57  }
0x1b6: {  	v61 =	vld [tilespmem:s29+$0xB0];
	[tilespmem:s29+$0xA0] =	vst v26;
	v26 =	vmul.f32 v32, v5;
	v34 =	vadd.f32 v34, v55  }
0x1b7: {  	v24 =	vadd.f32 v33, v24;
	[tilespmem:s29+$0xFFFFFF90] =	vst v27;
	v27 =	vmul.f32 v19, v9;
	v59 =	vld [tilespmem:s30+$0xFFFFFF20]  }
0x1b8: {  	v60 =	vld [tilespmem:s30+$0xFFFFFFA0];
	v26 =	vadd.f32 v34, v26  }
0x1b9: {  	v24 =	vadd.f32 v24, v27;
	v27 =	vld [tilespmem:s30+$0xB0]  }
0x1ba: {  	v54 =	vmul.f32 v17, v10;
	v34 =	vld [tilespmem:s29+$0x40];
	[tilespmem:s29+$0x10] =	vst v26  }
0x1bb: {  	v15 =	vadd.f32 v28, v15;
	v55 =	vmul.f32 v18, v10;
	[tilespmem:s28+$0x40] =	vst v24;
	v48 =	vld [tilespmem:s30+$0x20]  }
0x1bc: {  	v29 =	vadd.f32 v29, v54;
	v24 =	vmul.f32 v30, v6;
	v62 =	vld [tilespmem:s1+$0x50];
	v35 =	vadd.f32 v59, v63  }
0x1bd: {  	v15 =	vadd.f32 v15, v55;
	v63 =	vmul.f32 v31, v6;
	v33 =	vadd.f32 v60, v47;
	v26 =	vld [tilespmem:s29+$0xFFFFFF50]  }
0x1be: {  	v53 =	vmul.f32 v11, v8;
	[tilespmem:s28+$0xFFFFFF50] =	vst v29;
	v59 =	vld [tilespmem:s29+$0xC0];
	v24 =	vadd.f32 v35, v24;
	v52 =	vadd.f32 v27, v61  }
0x1bf: {  	[tilespmem:s28+$0xFFFFFFD0] =	vst v15;
	v27 =	vld [tilespmem:s29+$0xFFFFFFD0];
	v33 =	vadd.f32 v33, v63  }
0x1c0: {  	v56 =	vmul.f32 v32, v6;
	v61 =	vld [tilespmem:s1+$0xFFFFFFE0];
	[tilespmem:s29+$0xFFFFFF20] =	vst v24;
	v24 =	vadd.f32 v52, v53;
	v57 =	vadd.f32 v48, v44  }
0x1c1: {  	[tilespmem:s29+$0xFFFFFFA0] =	vst v33;
	v28 =	vld [tilespmem:s30+$0xFFFFFF30]  }
0x1c2: {  	v13 =	vadd.f32 v62, v13;
	v58 =	vld [tilespmem:s30+$0xFFFFFFB0];
	[tilespmem:s29+$0xB0] =	vst v24;
	v24 =	vmul.f32 v19, v10;
	v29 =	vadd.f32 v57, v56  }
0x1c3: {  	v60 =	vld [tilespmem:s30+$0xC0]  }
0x1c4: {  	v13 =	vadd.f32 v13, v24;
	v24 =	vld [tilespmem:s1+$0xFFFFFF60];
	[tilespmem:s29+$0x20] =	vst v29  }
0x1c5: {  	v50 =	vmul.f32 v18, v7;
	v22 =	vadd.f32 v61, v22;
	v29 =	vld [tilespmem:s30+$0x30]  }
0x1c6: {  	v15 =	vmul.f32 v30, v8;
	v52 =	vld [tilespmem:s29+$0xD0];
	[tilespmem:s28+$0x50] =	vst v13;
	v28 =	vadd.f32 v28, v41  }
0x1c7: {  	v62 =	vmul.f32 v31, v8;
	v22 =	vadd.f32 v22, v50;
	v39 =	vadd.f32 v58, v45;
	v63 =	vld [tilespmem:s1+$0x60]  }
0x1c8: {  	v46 =	vmul.f32 v11, v9;
	v13 =	vld [tilespmem:s29+$0xFFFFFF60];
	v28 =	vadd.f32 v28, v15;
	v33 =	vadd.f32 v60, v59  }
0x1c9: {  	v47 =	vmul.f32 v17, v7;
	[tilespmem:s28+$0xFFFFFFE0] =	vst v22;
	v15 =	vld [tilespmem:s29+$0xFFFFFFE0];
	v39 =	vadd.f32 v39, v62;
	v24 =	vadd.f32 v24, v14  }
0x1ca: {  	v48 =	vmul.f32 v32, v8;
	v57 =	vld [tilespmem:s1+$0xFFFFFFF0];
	[tilespmem:s29+$0xFFFFFF30] =	vst v28;
	v28 =	vadd.f32 v33, v46;
	v29 =	vadd.f32 v29, v43  }
0x1cb: {  	[tilespmem:s29+$0xFFFFFFB0] =	vst v39;
	v49 =	vld [tilespmem:s30+$0xFFFFFF40];
	v24 =	vadd.f32 v24, v47  }
0x1cc: {  	v51 =	vld [tilespmem:s30+$0xFFFFFFC0];
	[tilespmem:s29+$0xC0] =	vst v28;
	v28 =	vmul.f32 v19, v7;
	v20 =	vadd.f32 v63, v20;
	v29 =	vadd.f32 v29, v48  }
0x1cd: {  	v16 =	vmul.f32 v16, v3;
	v37 =	vadd.f32 v37, v42;
	[tilespmem:s28+$0xFFFFFF60] =	vst v24;
	v24 =	vld [tilespmem:s30+$0xD0]  }
0x1ce: {  	v54 =	vmul.f32 v19, v3;
	v53 =	vmul.f32 v18, v3;
	v18 =	vld [tilespmem:s1+$0xFFFFFF70];
	v20 =	vadd.f32 v20, v28;
	[tilespmem:s29+$0x30] =	vst v29  }
0x1cf: {  	v55 =	vmul.f32 v31, v9;
	v17 =	vmul.f32 v17, v3;
	v22 =	vld [tilespmem:s30+$0x40]  }
0x1d0: {  	v14 =	vld [tilespmem:s29+$0x60];
	v19 =	vadd.f32 v37, v16;
	v16 =	vmul.f32 v30, v9;
	[tilespmem:s28+$0x60] =	vst v20;
	v20 =	vadd.f32 v49, v38  }
0x1d1: {  	v56 =	vmul.f32 v32, v9;
	v58 =	vadd.f32 v51, v40;
	v38 =	vadd.f32 v57, v23;
	v59 =	vld [tilespmem:s1+$0x70]  }
0x1d2: {  	v62 =	vmul.f32 v11, v10;
	v33 =	vld [tilespmem:s29+$0x70];
	v60 =	vadd.f32 v20, v16;
	v61 =	vadd.f32 v24, v52  }
0x1d3: {  	v28 =	vmul.f32 v31, v10;
	[tilespmem:s28+$0xF0] =	vst v19;
	v16 =	vld [tilespmem:s29+$0xFFFFFF70];
	v19 =	vadd.f32 v58, v55;
	v18 =	vadd.f32 v18, v21  }
0x1d4: {  	v29 =	vmul.f32 v30, v10;
	v21 =	vld [tilespmem:s29+$0xFFFFFFF0];
	[tilespmem:s29+$0xFFFFFF40] =	vst v60;
	v63 =	vadd.f32 v61, v62;
	v34 =	vadd.f32 v22, v34  }
0x1d5: {  	v23 =	vmul.f32 v32, v7;
	v20 =	vmul.f32 v30, v7;
	[tilespmem:s29+$0xFFFFFFC0] =	vst v19;
	v18 =	vadd.f32 v18, v17;
	v35 =	vld [tilespmem:s30+$0xFFFFFF50]  }
0x1d6: {  	v24 =	vmul.f32 v32, v10;
	v36 =	vld [tilespmem:s30+$0xFFFFFFD0];
	v40 =	vadd.f32 v59, v25;
	[tilespmem:s29+$0xD0] =	vst v63;
	v34 =	vadd.f32 v34, v56  }
0x1d7: {  	v19 =	vmul.f32 v30, v3;
	v30 =	vld [tilespmem:s29+$0xE0];
	v17 =	vmul.f32 v31, v3;
	v25 =	vadd.f32 v38, v53;
	[tilespmem:s28+$0xFFFFFF70] =	vst v18  }
0x1d8: {  	s0 =	simm.s32 $0x4;
	s14 =	simm.s32 $0xD280;
	s1 =	simm.s32 $0xACE0;
	v22 =	vmul.f32 v31, v7;
	v18 =	vmul.f32 v32, v3;
	v32 =	vld [tilespmem:s30+$0xE0];
	v31 =	vadd.f32 v40, v54;
	[tilespmem:s29+$0x40] =	vst v34  }
.LBB2_6:
0x1d9: {  	v34 =	vld [tilespmem:s14+$0x10];
	s31 =	sadd.s32 $0x40, s31;
	[tilespmem:s28+$0xFFFFFFF0] =	vst v25;
	v25 =	vmov v33  }
0x1da: {  	s0 =	sadd.s32 $0x4, s0;
	v33 =	vld [tilespmem:s31+$0x10];
	v26 =	vadd.f32 v35, v26;
	[tilespmem:s28+$0x70] =	vst v31;
	s28 =	smov.u32 s29  }
0x1db: {  	p0 =	slt.u32 s0, $0x4C;
	v31 =	vld [tilespmem:s31+$0xFFFFFFE0];
	v27 =	vadd.f32 v36, v27  }
0x1dc: {  	v35 =	vld [tilespmem:s14+$0xFFFFFFF0];
	v26 =	vadd.f32 v26, v29  }
0x1dd: {  	v29 =	vld [tilespmem:s31+$0xFFFFFFF0];
	v27 =	vadd.f32 v27, v28;
	v28 =	vadd.f32 v32, v30;
	v30 =	vmul.f32 v11, v7  }
0x1de: {  	v32 =	vld [tilespmem:s14+$0x0];
	[tilespmem:s29+$0xFFFFFF50] =	vst v26  }
0x1df: {  	v26 =	vld [tilespmem:s31+$0x0];
	v33 =	vsub.f32 v34, v33;
	[tilespmem:s29+$0xFFFFFFD0] =	vst v27;
	v27 =	vadd.f32 v28, v30  }
0x1e0: {  	v28 =	vld [tilespmem:s14+$0xFFFFFFE0]  }
0x1e1: {  	v30 =	vmul.f32 v33, v33;
	[tilespmem:s29+$0xE0] =	vst v27;
	v27 =	vld [tilespmem:s29+$0xF0]  }
0x1e2: {  	s29 =	sadd.s32 $0x200, s29;
	v29 =	vsub.f32 v35, v29;
	v33 =	vld [tilespmem:s30+$0xF0]  }
0x1e3: {  	s30 =	sadd.s32 $0x200, s30;
	v34 =	vperm.xlane v30, v0;
	v35 =	vperm.xlane v30, v1;
	v36 =	vld [tilespmem:s29+$0x80]  }
0x1e4: {  	v29 =	vmul.f32 v29, v29;
	v26 =	vsub.f32 v32, v26;
	v32 =	vld [tilespmem:s30+$0x80]  }
0x1e5: {  	v30 =	vperm.xlane v30, v2;
	v28 =	vsub.f32 v28, v31;
	v31 =	vld [tilespmem:s29+$0xFFFFFF00];
	v34 =	vadd.f32 v35, v34  }
0x1e6: {  	v35 =	vld [tilespmem:s30+$0xFFFFFF00];
	v37 =	vperm.xlane v29, v0;
	v26 =	vmul.f32 v26, v26  }
0x1e7: {  	v38 =	vld [tilespmem:s29+$0xFFFFFF80];
	v27 =	vadd.f32 v33, v27;
	v33 =	vmul.f32 v11, v3;
	v11 =	vadd.f32 v30, v34  }
0x1e8: {  	v28 =	vmul.f32 v28, v28;
	v30 =	vperm.xlane v29, v1;
	v34 =	vld [tilespmem:s30+$0xFFFFFF80]  }
0x1e9: {  	v39 =	vld [tilespmem:s29+$0x0];
	v32 =	vadd.f32 v32, v36;
	v36 =	vmul.f32 v11, v4;
	v27 =	vadd.f32 v27, v33  }
0x1ea: {  	v33 =	vperm.xlane v28, v0;
	v40 =	vperm.xlane v28, v1;
	v30 =	vadd.f32 v30, v37;
	v37 =	vld [tilespmem:s30+$0x0]  }
0x1eb: {  	v42 =	vperm.xlane v26, v0;
	v43 =	vperm.xlane v26, v1;
	v41 =	vld [tilespmem:s29+$0xFFFFFF10];
	v32 =	vadd.f32 v32, v36;
	[tilespmem:s28+$0xF0] =	vst v27  }
0x1ec: {  	v29 =	vperm.xlane v29, v2;
	v28 =	vperm.xlane v28, v2;
	v27 =	vadd.f32 v40, v33;
	v36 =	vld [tilespmem:s29+$0xFFFFFF90]  }
0x1ed: {  	v26 =	vperm.xlane v26, v2;
	v31 =	vadd.f32 v35, v31;
	v33 =	vadd.f32 v43, v42;
	[tilespmem:s29+$0x80] =	vst v32;
	v32 =	vld [tilespmem:s29+$0x90]  }
0x1ee: {  	v35 =	vadd.f32 v29, v30;
	v27 =	vadd.f32 v28, v27;
	v28 =	vld [tilespmem:s30+$0x90]  }
0x1ef: {  	v29 =	vadd.f32 v34, v38;
	v26 =	vadd.f32 v26, v33;
	v34 =	vld [tilespmem:s29+$0x10]  }
0x1f0: {  	v33 =	vmul.f32 v35, v4;
	v30 =	vmul.f32 v27, v4;
	v37 =	vadd.f32 v37, v39;
	v38 =	vld [tilespmem:s29+$0xFFFFFF20]  }
0x1f1: {  	v39 =	vmul.f32 v27, v5;
	v42 =	vmul.f32 v26, v4;
	v40 =	vld [tilespmem:s29+$0xFFFFFFA0]  }
0x1f2: {  	v43 =	vmul.f32 v35, v5;
	v29 =	vadd.f32 v29, v33;
	v30 =	vadd.f32 v31, v30;
	v44 =	vld [tilespmem:s29+$0x20]  }
0x1f3: {  	v31 =	vadd.f32 v37, v42;
	v45 =	vld [tilespmem:s29+$0xFFFFFF30];
	v28 =	vadd.f32 v28, v32;
	v32 =	vmul.f32 v11, v5  }
0x1f4: {  	v46 =	vmul.f32 v26, v5;
	v37 =	vmul.f32 v27, v6;
	[tilespmem:s29+$0xFFFFFF00] =	vst v30;
	v42 =	vld [tilespmem:s29+$0xFFFFFFB0]  }
0x1f5: {  	v48 =	vmul.f32 v35, v6;
	v49 =	vmul.f32 v26, v6;
	v47 =	vld [tilespmem:s30+$0xFFFFFF10];
	[tilespmem:s29+$0xFFFFFF80] =	vst v29;
	v28 =	vadd.f32 v28, v32  }
0x1f6: {  	v51 =	vmul.f32 v35, v8;
	v50 =	vmul.f32 v27, v8;
	v32 =	vld [tilespmem:s30+$0xFFFFFF90];
	[tilespmem:s29+$0x0] =	vst v31  }
0x1f7: {  	v52 =	vmul.f32 v26, v8;
	v31 =	vmul.f32 v27, v9;
	[tilespmem:s29+$0x90] =	vst v28;
	v53 =	vld [tilespmem:s29+$0xA0]  }
0x1f8: {  	v33 =	vmul.f32 v35, v9;
	v30 =	vmul.f32 v26, v9;
	v54 =	vld [tilespmem:s30+$0xA0]  }
0x1f9: {  	v29 =	vmul.f32 v27, v10;
	v28 =	vmul.f32 v35, v10;
	v55 =	vld [tilespmem:s30+$0x10]  }
0x1fa: {  	v57 =	vmul.f32 v26, v10;
	v41 =	vadd.f32 v47, v41;
	v47 =	vmul.f32 v27, v7;
	v56 =	vld [tilespmem:s29+$0x30]  }
0x1fb: {  	v59 =	vmul.f32 v35, v7;
	v60 =	vmul.f32 v26, v7;
	v58 =	vld [tilespmem:s29+$0xFFFFFF40];
	v36 =	vadd.f32 v32, v36  }
0x1fc: {  	v32 =	vmul.f32 v35, v3;
	v39 =	vadd.f32 v41, v39;
	v41 =	vmul.f32 v27, v3;
	v61 =	vld [tilespmem:s29+$0xFFFFFFC0]  }
0x1fd: {  	v27 =	vadd.f32 v36, v43;
	v35 =	vld [tilespmem:s29+$0x40];
	v36 =	vadd.f32 v54, v53;
	v43 =	vmul.f32 v11, v6  }
0x1fe: {  	[tilespmem:s29+$0xFFFFFF10] =	vst v39;
	v39 =	vadd.f32 v55, v34;
	v34 =	vmul.f32 v26, v3;
	v26 =	vld [tilespmem:s1+$0x50]  }
0x1ff: {  	v53 =	vld [tilespmem:s30+$0xFFFFFF20];
	[tilespmem:s29+$0xFFFFFF90] =	vst v27;
	v27 =	vadd.f32 v36, v43  }
0x200: {  	v36 =	vld [tilespmem:s30+$0xFFFFFFA0];
	v39 =	vadd.f32 v39, v46  }
0x201: {  	[tilespmem:s29+$0xA0] =	vst v27;
	v43 =	vld [tilespmem:s29+$0xB0]  }
0x202: {  	[tilespmem:s29+$0x10] =	vst v39;
	v39 =	vld [tilespmem:s30+$0xB0]  }
0x203: {  	v46 =	vld [tilespmem:s30+$0x20];
	v12 =	vadd.f32 v26, v12  }
0x204: {  	v38 =	vadd.f32 v53, v38;
	v26 =	vld [tilespmem:s29+$0xFFFFFF50]  }
0x205: {  	v36 =	vadd.f32 v36, v40;
	v27 =	vld [tilespmem:s29+$0xFFFFFFD0];
	v40 =	vadd.f32 v12, v24;
	v24 =	vmov v57  }
0x206: {  	v37 =	vadd.f32 v38, v37;
	v12 =	vld [tilespmem:s29+$0x50]  }
0x207: {  	v36 =	vadd.f32 v36, v48;
	v38 =	vadd.f32 v39, v43;
	v39 =	vmul.f32 v11, v8;
	v43 =	vld [tilespmem:s1+$0xFFFFFF60];
	[tilespmem:s28+$0x50] =	vst v40  }
0x208: {  	[tilespmem:s29+$0xFFFFFF20] =	vst v37;
	v37 =	vadd.f32 v46, v44;
	v40 =	vld [tilespmem:s1+$0xFFFFFFE0]  }
0x209: {  	v44 =	vld [tilespmem:s30+$0xFFFFFF30];
	[tilespmem:s29+$0xFFFFFFA0] =	vst v36;
	v36 =	vadd.f32 v38, v39  }
0x20a: {  	v38 =	vld [tilespmem:s30+$0xFFFFFFB0];
	v37 =	vadd.f32 v37, v49  }
0x20b: {  	[tilespmem:s29+$0xB0] =	vst v36;
	v36 =	vld [tilespmem:s29+$0xC0]  }
0x20c: {  	[tilespmem:s29+$0x20] =	vst v37;
	v37 =	vld [tilespmem:s30+$0xC0];
	v13 =	vadd.f32 v43, v13  }
0x20d: {  	v39 =	vld [tilespmem:s30+$0x30];
	v15 =	vadd.f32 v40, v15  }
0x20e: {  	v40 =	vadd.f32 v44, v45;
	v43 =	vadd.f32 v13, v20;
	v44 =	vld [tilespmem:s1+$0x60];
	v20 =	vmov v47  }
0x20f: {  	v13 =	vld [tilespmem:s29+$0xFFFFFF60];
	v38 =	vadd.f32 v38, v42;
	v42 =	vadd.f32 v15, v22;
	v22 =	vmov v59  }
0x210: {  	v40 =	vadd.f32 v40, v50;
	v15 =	vld [tilespmem:s29+$0xFFFFFFE0];
	[tilespmem:s28+$0xFFFFFF60] =	vst v43  }
0x211: {  	v38 =	vadd.f32 v38, v51;
	v43 =	vld [tilespmem:s29+$0x60];
	v36 =	vadd.f32 v37, v36;
	v37 =	vmul.f32 v11, v9;
	[tilespmem:s28+$0xFFFFFFE0] =	vst v42  }
0x212: {  	[tilespmem:s29+$0xFFFFFF30] =	vst v40;
	v39 =	vadd.f32 v39, v56;
	v40 =	vld [tilespmem:s1+$0xFFFFFF70]  }
0x213: {  	v42 =	vld [tilespmem:s30+$0xFFFFFF40];
	[tilespmem:s29+$0xFFFFFFB0] =	vst v38;
	v36 =	vadd.f32 v36, v37;
	v44 =	vadd.f32 v44, v14  }
0x214: {  	v37 =	vld [tilespmem:s30+$0xFFFFFFC0];
	v38 =	vadd.f32 v39, v52  }
0x215: {  	[tilespmem:s29+$0xC0] =	vst v36;
	v36 =	vld [tilespmem:s29+$0xD0];
	v39 =	vadd.f32 v44, v23;
	v23 =	vmov v60  }
0x216: {  	[tilespmem:s29+$0x30] =	vst v38;
	v38 =	vld [tilespmem:s30+$0xD0];
	v14 =	vmov v43  }
0x217: {  	v43 =	vld [tilespmem:s30+$0x40];
	v16 =	vadd.f32 v40, v16;
	[tilespmem:s28+$0x60] =	vst v39  }
0x218: {  	v39 =	vadd.f32 v42, v58;
	v40 =	vld [tilespmem:s1+$0xFFFFFFF0]  }
0x219: {  	v37 =	vadd.f32 v37, v61;
	v42 =	vadd.f32 v16, v19;
	v44 =	vld [tilespmem:s1+$0x70];
	v19 =	vmov v41;
	s1 =	smov.u32 s30  }
0x21a: {  	v31 =	vadd.f32 v39, v31;
	v16 =	vld [tilespmem:s29+$0xFFFFFF70]  }
0x21b: {  	v37 =	vadd.f32 v37, v33;
	v39 =	vld [tilespmem:s29+$0xFFFFFFF0];
	v36 =	vadd.f32 v38, v36;
	v38 =	vmul.f32 v11, v10;
	[tilespmem:s28+$0xFFFFFF70] =	vst v42  }
.Ltmp6:
0x21c: {  	[tilespmem:s29+$0xFFFFFF40] =	vst v31;
	v31 =	vadd.f32 v43, v35;
	v33 =	vld [tilespmem:s29+$0x70];
	(pc) =	sbr.rel @p0 .LBB2_6-.Ltmp6, $4  }
0x21d: {  	v35 =	vld [tilespmem:s30+$0xFFFFFF50];
	[tilespmem:s29+$0xFFFFFFC0] =	vst v37;
	v37 =	vadd.f32 v36, v38;
	v40 =	vadd.f32 v40, v21  }
0x21e: {  	v36 =	vld [tilespmem:s30+$0xFFFFFFD0];
	v31 =	vadd.f32 v31, v30;
	v38 =	vadd.f32 v44, v25  }
0x21f: {  	[tilespmem:s29+$0xD0] =	vst v37;
	v30 =	vld [tilespmem:s29+$0xE0];
	v25 =	vadd.f32 v40, v17;
	v17 =	vmov v32  }
0x220: {  	s14 =	sadd.s32 $0x40, s14;
	[tilespmem:s29+$0x40] =	vst v31;
	v32 =	vld [tilespmem:s30+$0xE0];
	v31 =	vadd.f32 v38, v18;
	v18 =	vmov v34;
	v21 =	vmov v39  }
0x221: {  	v4 =	vld [tilespmem:s1+$0x50];
	_ =	sdelay $0x2  }
0x222: {  	v5 =	vadd.f32 v35, v26  }
0x223: {  	v6 =	vadd.f32 v36, v27  }
0x224: {  	v5 =	vadd.f32 v5, v29;
	v4 =	vadd.f32 v4, v12  }
0x225: {  	v6 =	vadd.f32 v6, v28  }
0x226: {  	[tilespmem:s29+$0xFFFFFF50] =	vst v5;
	v4 =	vadd.f32 v4, v24  }
0x227: {  	[tilespmem:s29+$0xFFFFFFD0] =	vst v6;
	v5 =	vld [tilespmem:s1+$0xFFFFFF60]  }
0x228: {  	v55 =	vld [tilespmem:s1+$0xFFFFFFE0];
	[tilespmem:s29+$0x50] =	vst v4  }
0x229: {  	v56 =	vld [tilespmem:s1+$0x60];
	_ =	sdelay $0x1  }
0x22a: {  	v7 =	vmul.f32 v11, v7;
	v8 =	vadd.f32 v32, v30  }
0x22b: {  	v5 =	vadd.f32 v5, v13  }
0x22c: {  	v7 =	vadd.f32 v8, v7;
	v4 =	vadd.f32 v55, v15  }
0x22d: {  	v5 =	vadd.f32 v5, v20;
	v6 =	vadd.f32 v56, v14  }
0x22e: {  	v57 =	vld [tilespmem:s29+$0xF0];
	[tilespmem:s29+$0xE0] =	vst v7;
	v4 =	vadd.f32 v4, v22  }
0x22f: {  	v58 =	vld [tilespmem:s30+$0xF0];
	[tilespmem:s29+$0xFFFFFF60] =	vst v5;
	v59 =	vadd.f32 v6, v23  }
0x230: {  	[tilespmem:s29+$0xFFFFFFE0] =	vst v4;
	v60 =	vld [tilespmem:s1+$0xFFFFFF70]  }
0x231: {  	v61 =	vld [tilespmem:s1+$0xFFFFFFF0];
	[tilespmem:s29+$0x60] =	vst v59  }
0x232: {  	v62 =	vld [tilespmem:s1+$0x70];
	_ =	sdelay $0x1  }
0x233: {  	v3 =	vmul.f32 v11, v3;
	v7 =	vadd.f32 v58, v57  }
0x234: {  	v4 =	vadd.f32 v60, v16  }
0x235: {  	[tilespmem:s28+$0xFFFFFFF0] =	vst v25;
	s0 =	smul.u32 $0x50, s26;
	v3 =	vadd.f32 v7, v3;
	v5 =	vadd.f32 v61, v21  }
0x236: {  	[tilespmem:s28+$0x70] =	vst v31;
	v4 =	vadd.f32 v4, v19;
	v6 =	vadd.f32 v62, v33  }
0x237: {  	s0 =	sadd.s32 s3, s0;
	[tilespmem:s29+$0xF0] =	vst v3;
	v3 =	vadd.f32 v5, v17  }
0x238: {  	s0 =	sshll.u32 s0, $0x4;
	[tilespmem:s29+$0xFFFFFF70] =	vst v4;
	v63 =	vadd.f32 v6, v18  }
0x239: {  	s0 =	sand.u32 $0x1FFFFF00, s0;
	[tilespmem:s29+$0xFFFFFFF0] =	vst v3  }
.Ltmp7:
0x23a: {  	s0 =	sadd.s32 s8, s0;
	[tilespmem:s29+$0x70] =	vst v63;
	(pc) =	sbr.rel .LBB2_8-.Ltmp7, $4  }
0x23b: {  	[hbm4b:s0+s2] =	stream.linear.scatter [tilespmem:s23], [sflag:$0x3], $0x2800, $0x38;
	[tilespmem:$0xDBE0] =	vst v63  }
0x23c: {  	_ =	swait.ge [sflag:s12], $0x2800  }
0x23d: {  	[sflag:s12] =	ssyncset.done $0x0  }
0x23e: {  	[sflag:s12] =	ssyncadd.s32 $0xFFFFD800  }
.LBB2_10:
0x23f: {  	_ =	sfence.sel $0x180000  }
0x240: {  	[bflag:$0x0] =	sbarrier.arrive $0xFFFF  }
0x241: {  	_ =	strace $0x90000047  }
0x242: {  	s0 =	stileid.u32;
	[bflag:$0x2] =	sbarrier.arrive $0xFFFF  }
0x243: {  	p0 =	sne.s32 s0, $0x0;
	s0 =	rddreg [dreg:$0x1]  }
0x244: {  	s0 =	sadd.s32 @!p0 $0x100000, s0  }
0x245: {  	[sflag:s0] =	ssyncadd.tile.s32 @!p0 $0x1;
	_ =	shalt  }
.Lfunc_end2:
_tile_overlayer_lowered:
.L_overlay_start_2:
0x246: {  	(tag) =	ssettag $0x2  }
0x247: {  	s0 =	rddreg [dreg:$0x0];
	s2 =	stileid.u32  }
0x248: {  	s1 =	rddreg [dreg:$0x1];
	p0 =	sne.s32 s2, $0x0  }
0x249: {  	s3 =	rddreg [dreg:$0x2];
	[bflag:$0x3] =	sbarrier.arrive $0xFFFF;
	s2 =	simm.s32 @!p0 $0x1C03  }
0x24a: {  	[timem:s3], [sflag:s2] =	dma.local @!p0 [hbm:s0], s1  }
0x24b: {  	s0 =	simm.s32 @!p0 $0x3  }
0x24c: {  	_ =	swait.ge @!p0 [sflag:s0], s1  }
0x24d: {  	s1 =	ssub.s32 @!p0 $0x0, s1;
	[sflag:s0] =	ssyncset.done @!p0 $0x0  }
0x24e: {  	[sflag:s0] =	ssyncadd.s32 @!p0 s1  }
0x24f: {  	[bflag:$0x3] =	sbarrier.arrive $0xFFFF  }
0x250: {  	_ =	shalt  }

// kernel: kernel.13.cloned.1.call-start
scs
__scs_entry_jumppad:
0x0: {  	(pc) =	sbr.rel $0x88, $3  }
0x1: {  	(tag) =	ssettag $0x0;
	lr =	simm.s32 $0x1  }
0x2: {  	[smem:$0x3F8B] =	sst lr;
	_ =	strace $0xD0000000  }
0x3: {  	_ = 	snop  }
0x4: {  	_ = 	snop  }
0x5: {  	_ = 	snop  }
0x6: {  	_ = 	snop  }
0x7: {  	_ = 	snop  }
__scs_overlays_trampoline_lowered:
0x8: {  	[smem:$0x3F9A] =	sst s0  }
0x9: {  	[smem:$0x3F9B] =	sst s1  }
0xa: {  	[smem:$0x3F9C] =	sst s2  }
0xb: {  	[smem:$0x3F9D] =	sst s3  }
0xc: {  	[smem:$0x3F9E] =	sst s4  }
0xd: {  	[smem:$0x3F9F] =	sst s5  }
0xe: {  	[smem:$0x3FA0] =	sst s6  }
0xf: {  	[smem:$0x3FA1] =	sst s7  }
0x10: {  	[smem:$0x3FA2] =	sst s8  }
0x11: {  	[smem:$0x3FA3] =	sst s9;
	s0 =	simm.s32 @!p0 $0x0  }
0x12: {  	s1 =	sld [smem:$0x3F89];
	s0 =	simm.s32 @p0 $0x1  }
0x13: {  	[smem:$0x3FA4] =	sst s0;
	s0 =	simm.s32 @!p1 $0x0  }
0x14: {  	s2 =	sld [smem:$0x3F88];
	s0 =	simm.s32 @p1 $0x1  }
0x15: {  	[smem:$0x3FA5] =	sst s0;
	s0 =	simm.s32 @!p2 $0x0  }
0x16: {  	s3 =	sld [smem:$0x3FDB];
	s0 =	simm.s32 @p2 $0x1  }
0x17: {  	s4 =	simm.s32 $0x1BF5;
	[smem:$0x3FA7] =	sst s0  }
0x18: {  	s0 =	sld [smem:$0x3F8A];
	_ =	swait.ge [sflag:s4], $0x0  }
0x19: {  	s7 =	sld [smem:$0x3F8B]  }
0x1a: {  	s8 =	sadd.s32 $0xFFFFE003, lr  }
0x1b: {  	s9 =	sadd.s32 $0xFFFFFEF7, lr;
	s5 =	simm.s32 $0xFFFFFFFF;
	p2 =	slt.u32 s8, $0xFFFFF086  }
0x1c: {  	p1 =	slt.u32 s9, $0xF7A;
	s5 =	simm.s32 @!p2 $0x0  }
0x1d: {  	s5 =	simm.s32 @p1 $0x1;
	p0 =	seq.s32 s7, s2  }
0x1e: {  	s7 =	smul.u32 @!p0 $0xF7A, s2;
	p2 =	seq.s32 @!p0 s5, $0x0  }
0x1f: {  	s9 =	smul.u32 $0xF7A, s1;
	s8 =	simm.s32 @!p0 $0x1BF5;
	p2 =	por !p2, p0  }
0x20: {  	[sflag:s8] =	ssyncset.s32 @!p0 $0xFFFFF086;
	s6 =	sadd.s32 @!p0 s3, s7;
	s7 =	simm.s32 @!p0 $0x108  }
0x21: {  	s3 =	sadd.s32 s3, s9;
	s6 =	sadd.s32 @!p0 $0x88, s6;
	s7 =	simm.s32 @p2 $0x1082  }
0x22: {  	[simem:s7], [sflag:s8] =	dma.local @!p0 [hbm:s6], $0xF7A  }
0x23: {  	s9 =	sor.u32 $0xD0000000, s2;
	s6 =	simm.s32 $0x108;
	_ =	swait.ge @!p0 [sflag:s8], $0x0  }
0x24: {  	s3 =	sadd.s32 $0x88, s3;
	s6 =	simm.s32 @!p1 $0x1082;
	[sflag:s4] =	ssyncset.s32 $0xFFFFF086  }
0x25: {  	[simem:s6], [sflag:s4] =	dma.local [hbm:s3], $0xF7A  }
0x26: {  	[smem:$0x3F8B] =	sst s1;
	(tag) =	ssettag s2;
	_ =	strace s9  }
0x27: {  	s1 =	sld [smem:$0x3F9B]  }
0x28: {  	s2 =	sld [smem:$0x3F9C]  }
0x29: {  	s4 =	sld [smem:$0x3F9E]  }
0x2a: {  	p0 =	seq.s32 s5, $0x0;
	s5 =	sld [smem:$0x3F9F]  }
0x2b: {  	s6 =	sld [smem:$0x3FA0]  }
0x2c: {  	s7 =	sld [smem:$0x3FA1]  }
0x2d: {  	s3 =	simm.s32 $0x108;
	s8 =	sld [smem:$0x3FA2]  }
0x2e: {  	s3 =	simm.s32 @!p0 $0x1082;
	s9 =	sld [smem:$0x3FA3]  }
0x2f: {  	lr =	sadd.s32 s0, s3;
	s0 =	sld [smem:$0x3F9A]  }
0x30: {  	s3 =	sld [smem:$0x3F9D]  }
0x31: {  	[smem:$0x3FA6] =	sst s10  }
0x32: {  	s10 =	sld [smem:$0x3FA4];
	_ =	sdelay $0x3  }
0x33: {  	p0 =	seq.s32 s10, $0x1;
	s10 =	sld [smem:$0x3FA6];
	_ =	sdelay $0x3  }
0x34: {  	[smem:$0x3FA6] =	sst s10  }
0x35: {  	s10 =	sld [smem:$0x3FA5];
	_ =	sdelay $0x3  }
0x36: {  	p1 =	seq.s32 s10, $0x1;
	s10 =	sld [smem:$0x3FA6];
	_ =	sdelay $0x3  }
0x37: {  	[smem:$0x3FA6] =	sst s10  }
0x38: {  	s10 =	sld [smem:$0x3FA7]  }
0x39: {  	_ = 	snop;
	(pc) =	sbr.ind lr, $3  }
0x3a: {  	_ = 	snop  }
0x3b: {  	_ = 	snop  }
0x3c: {  	p2 =	seq.s32 s10, $0x1;
	s10 =	sld [smem:$0x3FA6]  }
0x3d: {  	_ =	shalt  }
0x3e: {  	_ =	shalt  }
0x3f: {  	_ =	shalt  }
0x40: {  	_ =	shalt  }
0x41: {  	_ =	shalt  }
0x42: {  	_ =	shalt  }
0x43: {  	_ =	shalt  }
0x44: {  	_ =	shalt  }
0x45: {  	_ =	shalt  }
0x46: {  	_ =	shalt  }
0x47: {  	_ =	shalt  }
0x48: {  	_ =	shalt  }
0x49: {  	_ =	shalt  }
0x4a: {  	_ =	shalt  }
0x4b: {  	_ =	shalt  }
0x4c: {  	_ =	shalt  }
0x4d: {  	_ =	shalt  }
0x4e: {  	_ =	shalt  }
0x4f: {  	_ =	shalt  }
0x50: {  	_ =	shalt  }
0x51: {  	_ =	shalt  }
0x52: {  	_ =	shalt  }
0x53: {  	_ =	shalt  }
0x54: {  	_ =	shalt  }
0x55: {  	_ =	shalt  }
0x56: {  	_ =	shalt  }
0x57: {  	_ =	shalt  }
0x58: {  	_ =	shalt  }
0x59: {  	_ =	shalt  }
0x5a: {  	_ =	shalt  }
0x5b: {  	_ =	shalt  }
0x5c: {  	_ =	shalt  }
0x5d: {  	_ =	shalt  }
0x5e: {  	_ =	shalt  }
0x5f: {  	_ =	shalt  }
0x60: {  	_ =	shalt  }
0x61: {  	_ =	shalt  }
0x62: {  	_ =	shalt  }
0x63: {  	_ =	shalt  }
0x64: {  	_ =	shalt  }
0x65: {  	_ =	shalt  }
0x66: {  	_ =	shalt  }
0x67: {  	_ =	shalt  }
0x68: {  	_ =	shalt  }
0x69: {  	_ =	shalt  }
0x6a: {  	_ =	shalt  }
0x6b: {  	_ =	shalt  }
0x6c: {  	_ =	shalt  }
0x6d: {  	_ =	shalt  }
0x6e: {  	_ =	shalt  }
0x6f: {  	_ =	shalt  }
0x70: {  	_ =	shalt  }
0x71: {  	_ =	shalt  }
0x72: {  	_ =	shalt  }
0x73: {  	_ =	shalt  }
0x74: {  	_ =	shalt  }
0x75: {  	_ =	shalt  }
0x76: {  	_ =	shalt  }
0x77: {  	_ =	shalt  }
0x78: {  	_ =	shalt  }
0x79: {  	_ =	shalt  }
0x7a: {  	_ =	shalt  }
0x7b: {  	_ =	shalt  }
0x7c: {  	_ =	shalt  }
0x7d: {  	_ =	shalt  }
0x7e: {  	_ =	shalt  }
0x7f: {  	_ =	shalt  }
0x80: {  	_ =	shalt  }
0x81: {  	_ =	shalt  }
0x82: {  	_ =	shalt  }
0x83: {  	_ =	shalt  }
0x84: {  	_ =	shalt  }
0x85: {  	_ =	shalt  }
0x86: {  	_ =	shalt  }
0x87: {  	_ =	shalt  }
.Lfunc_end0:
.L_simem_size_0:
called_computation.1_lowered:
.L_overlay_start_0:
0x88: {  	s2 =	sld [smem:$0x3FD9]  }
0x89: {  	s3 =	sld [smem:$0x3FFE];
	_ =	sdelay $0x1  }
0x8a: {  	s1 =	srdreg.scid  }
0x8b: {  	s0 =	sand.u32 $0x1, s1  }
0x8c: {  	s17 =	sshll.u32 s0, $0xA;
	s2 =	sadd.s32 s3, s2  }
0x8d: {  	s2 =	sadd.s32 s2, s17  }
0x8e: {  	[smem:$0x3FB2] =	sst s2  }
0x8f: {  	_ = 	snop  }
0x90: {  	(tm) =	ssettm $0x1  }
0x91: {  	s18 =	sld [smem:$0x3FFB];
	_ =	sdelay $0x3  }
0x92: {  	_ =	strace s18  }
0x93: {  	s2 =	sld [smem:$0x3FFC];
	_ =	sdelay $0x3  }
0x94: {  	_ =	strace s2  }
0x95: {  	s2 =	sld [smem:$0x3FFD];
	_ =	sdelay $0x3  }
0x96: {  	_ =	strace s2  }
0x97: {  	_ =	strace $0x8FFFFFFF  }
0x98: {  	s19 =	sld [smem:$0x3FDB];
	_ =	sdelay $0x1  }
0x99: {  	s20 =	simm.s32 $_scs_section_size  }
0x9a: {  	s4 =	simm.s32 $_size__tile_overlayer_lowered;
	s5 =	simm.s32 $_tile_overlayer_lowered  }
0x9b: {  	s6 =	simm.s32 $0x1BFF;
	s21 =	sshll.u32 s5, $0x1;
	s3 =	sadd.s32 s20, s19  }
0x9c: {  	s22 =	simm.s32 $0x0;
	s4 =	sshll.u32 s4, $0x1;
	s5 =	sadd.s32 s21, s3  }
0x9d: {  	[timem:s22], [sflag:s6] =	dma.local [hbm:s5], s4  }
0x9e: {  	_ =	swait.ge [sflag:s6], s4  }
0x9f: {  	s4 =	ssub.s32 $0x0, s4;
	[sflag:s6] =	ssyncset.done $0x0  }
0xa0: {  	[sflag:s6] =	ssyncadd.s32 s4;
	_ =	sdelay $0x1  }
0xa1: {  	s23 =	simm.s32 $0x1B8B  }
0xa2: {  	_ =	swait.ge [sflag:s23], $0x1  }
0xa3: {  	[sflag:s23] =	ssyncset.done $0x0  }
0xa4: {  	[sflag:s23] =	ssyncadd.s32 $0xFFFFFFFF  }
0xa5: {  	s4 =	sld [smem:$0x0]  }
0xa6: {  	s5 =	sand.u32 $0xFFFFFFFE, s1  }
0xa7: {  	p0 =	sne.s32 s1, s5  }
0xa8: {  	s5 =	sshll.u32 @p0 s5, $0xE  }
0xa9: {  	s5 =	sadd.s32 @p0 $0x11B8D, s5;
	s6 =	sshll.u32 @p0 s4, $0x11  }
0xaa: {  	s5 =	sor.u32 @p0 s6, s5  }
0xab: {  	[sflag:s5] =	ssyncadd.remote.s32 @p0 $0x1;
	_ =	sdelay $0x1  }
0xac: {  	s5 =	simm.s32 @p0 $0x1B8D  }
0xad: {  	_ =	swait.eq @p0 [sflag:s5], $0x1  }
0xae: {  	[sflag:s5] =	ssyncadd.s32 @p0 $0xFFFFFFFF  }
0xaf: {  	s6 =	sshll.u32 @!p0 s1, $0xE  }
0xb0: {  	s6 =	sor.u32 @!p0 $0x4000, s6;
	s5 =	simm.s32 @!p0 $0x1B8D  }
0xb1: {  	s4 =	sshll.u32 @!p0 s4, $0x11;
	s6 =	sadd.s32 @!p0 $0x11B8D, s6;
	_ =	swait.eq @!p0 [sflag:s5], $0x1  }
0xb2: {  	s4 =	sor.u32 @!p0 s4, s6;
	[sflag:s5] =	ssyncadd.s32 @!p0 $0xFFFFFFFF  }
0xb3: {  	s25 =	simm.s32 $0x1B8E;
	s24 =	sld [smem:$0x3FFE];
	[sflag:s4] =	ssyncadd.remote.s32 @!p0 $0x1  }
0xb4: {  	s26 =	simm.s32 $execute0_lowered;
	[smem:$0x3FD2] =	sst s25  }
0xb5: {  	s5 =	sshll.u32 s26, $0x1;
	_ =	strace $0x80000049;
	[dreg:$0x1] =	wrdreg $0xFFFFFFFF  }
0xb6: {  	s28 =	simm.s32 $_size_execute0_lowered;
	s3 =	sadd.s32 s3, s5;
	[dreg:$0x0] =	wrdreg $0x0  }
0xb7: {  	s5 =	sshll.u32 s28, $0x1;
	[dreg:$0x2] =	wrdreg s3  }
0xb8: {  	[dreg:$0x3] =	wrdreg s5  }
0xb9: {  	[dreg:$0x4] =	wrdreg $0xC0  }
0xba: {  	_ =	task [dreg:s22], $0x5FFFF  }
0xbb: {  	[dreg:$0x1] =	wrdreg $0xFFFFFFFF  }
0xbc: {  	[dreg:$0x0] =	wrdreg $0x60  }
0xbd: {  	[dreg:$0x2] =	wrdreg s24  }
0xbe: {  	[dreg:$0x3] =	wrdreg $0x9  }
0xbf: {  	_ =	task.clear_ibuf [dreg:s22], $0x4FFFF;
	_ =	strace $0x90000049  }
0xc0: {  	s29 =	simm.s32 $0x9;
	_ =	strace $0x8000004B  }
0xc1: {  	_ =	swait.ge [sflag:s29], $0x1  }
0xc2: {  	[sflag:s29] =	ssyncadd.s32 $0xFFFFFFFF  }
0xc3: {  	_ =	strace $0x9000004B  }
0xc4: {  	_ =	sfence  }
0xc5: {  	s30 =	sld [smem:$0x0];
	_ =	sdelay $0x2  }
0xc6: {  	s31 =	sshll.u32 s1, $0xD;
	s1 =	sshrl.u32 s1, $0x2  }
0xc7: {  	s4 =	sand.u32 $0x4000, s31;
	s1 =	sadd.s32 s1, s30  }
0xc8: {  	s0 =	sor.u32 s4, s0;
	s1 =	sshll.u32 s1, $0x11  }
0xc9: {  	s0 =	sor.u32 s1, s0  }
0xca: {  	s0 =	sadd.s32 $0x8F2B, s0  }
0xcb: {  	[sflag:s0] =	ssyncadd.remote.s32 $0x1  }
0xcc: {  	_ =	sfence.sel $0xFFFF  }
0xcd: {  	[dreg:$0x0] =	wrdreg $0xFFFFFFFF;
	(pc) =	sbr.abs _section_cstart, $3  }
0xce: {  	[dreg:$0x1] =	wrdreg $0xFFFFFFFF  }
0xcf: {  	_ =	task.clear_ibuf [dreg:s22], $0x2FFFF;
	_ =	strace $0x9FFFFFFF  }
0xd0: {  	(tm) =	ssettm $0x7FFFFFFF  }
0xd1: {  	_ =	shalt  }
tec
execute0_lowered:
.L_overlay_start_1:
0x0: {  	(tag) =	ssettag $0x1  }
0x1: {  	s0 =	srdreg.scid  }
0x2: {  	s2 =	stileid.u32;
	s1 =	rddreg [dreg:$0x0]  }
0x3: {  	s12 =	simm.s32 $0x3;
	s13 =	simm.s32 $0x1360;
	s15 =	simm.s32 $0x50  }
0x4: {  	s16 =	simm.s32 $0x2740;
	s20 =	simm.s32 $0x8140;
	s21 =	simm.s32 $0xA940  }
0x5: {  	s22 =	simm.s32 $0xD140;
	s23 =	simm.s32 $0xD640;
	s24 =	simm.s32 $0x1  }
0x6: {  	s25 =	simm.s32 $0x4;
	s26 =	simm.s32 $0x2;
	s28 =	simm.s32 $0x0  }
0x7: {  	s0 =	sand.u32 $0x1, s0;
	s3 =	sshll.u32 s2, $0x1;
	s2 =	simm.s32 $0x0  }
0x8: {  	s4 =	sadd.s32 $0x3CC00, s1;
	s5 =	sadd.s32 $0x63E00, s1;
	s3 =	sor.u32 s0, s3  }
0x9: {  	s6 =	sadd.s32 $0x2DC00, s1;
	[smem:$0x7FF] =	sst s2;
	s3 =	smul.u32 $0x1360, s3  }
0xa: {  	s8 =	sadd.s32 $0x6800, s1;
	s0 =	ssub.s32 $0x2, s0;
	_ =	strace $0x8000004A  }
0xb: {  	[dreg:$0x2] =	wrdreg s8;
	s9 =	sshrl.u32 s0, $0x1;
	s7 =	sshrl.u32 s3, $0x3  }
0xc: {  	s8 =	sadd.s32 $0x30AC00, s1;
	s0 =	ssub.s32 s0, s9;
	s7 =	sadd.s32 s7, s1  }
0xd: {  	v0 =	vimm.s32 $0x0;
	v1 =	vimm.s32 $0x1;
	v2 =	vimm.s32 $0x2;
	s11 =	smax.u32 s0, $0x1;
	s9 =	sadd.s32 $0x305E00, s7;
	s10 =	sadd.s32 $0x301000, s7  }
.LBB2_1:
0xe: {  	[tilespmem:s2], [sflag:$0x3] =	stream.linear.gather [hbm4b:s9+s2], $0x1360, $0x38;
	[tilespmem:$0xDB40] =	vst v63  }
0xf: {  	_ =	swait.ge [sflag:s12], $0x1360  }
0x10: {  	[sflag:s12] =	ssyncset.done $0x0  }
0x11: {  	[sflag:s12] =	ssyncadd.s32 $0xFFFFECA0  }
0x12: {  	[tilespmem:s13], [sflag:$0x3] =	stream.linear.gather [hbm4b:s10+s2], $0x1360, $0x38;
	[tilespmem:$0xDB40] =	vst v63  }
0x13: {  	_ =	swait.ge [sflag:s12], $0x1360  }
0x14: {  	[sflag:s12] =	ssyncset.done $0x0  }
0x15: {  	s1 =	simm.s32 $0x26C0;
	s0 =	rddreg [dreg:$0x2];
	[sflag:s12] =	ssyncadd.s32 $0xFFFFECA0  }
0x16: {  	[tilespmem:s1], [sflag:$0x3] =	stream.linear.gather [hbm4b:s0+s2], $0x80, $0x38;
	[tilespmem:$0xDB40] =	vst v63  }
0x17: {  	_ =	swait.ge [sflag:s12], $0x80  }
0x18: {  	[sflag:s12] =	ssyncset.done $0x0  }
0x19: {  	[sflag:s12] =	ssyncadd.s32 $0xFFFFFF80  }
0x1a: {  	[tilespmem:s16], [sflag:$0x1] =	stream.indirect.gather [hbm4b:s4+s15], $0x80, s2, s15, $0xb8;
	[tilespmem:$0xDB40] =	vst v63  }
0x1b: {  	s19 =	simm.s32 $0x4F40  }
0x1c: {  	[tilespmem:s19], [sflag:$0x1] =	stream.indirect.gather [hbm4b:s5+s15], $0x80, s13, s15, $0xb8;
	[tilespmem:$0xDB40] =	vst v63  }
0x1d: {  	s30 =	simm.s32 $0x7740  }
0x1e: {  	[tilespmem:s30], [sflag:$0x1] =	stream.indirect.gather [hbm4b:s6+s15], $0x10, s2, s15, $0xb8;
	[tilespmem:$0xDB40] =	vst v63  }
0x1f: {  	s31 =	simm.s32 $0x7C40;
	s29 =	simm.s32 $0x0  }
0x20: {  	[tilespmem:s31], [sflag:$0x1] =	stream.indirect.gather [hbm4b:s6+s15], $0x10, s13, s15, $0xb8;
	[tilespmem:$0xDB40] =	vst v63  }
.LBB2_2:
0x21: {  	s31 =	smul.u32 $0xA0, s29;
	_ =	sdelay $0x1  }
0x22: {  	s30 =	sadd.s32 $0x50, s31  }
0x23: {  	[tilespmem:s20], [sflag:$0x2] =	stream.indirect.gather [hbm4b:s4+s15], $0x80, s30, s15, $0xb8;
	[tilespmem:$0xDB40] =	vst v63  }
0x24: {  	s0 =	sadd.s32 $0x13B0, s31  }
0x25: {  	[tilespmem:s21], [sflag:$0x2] =	stream.indirect.gather [hbm4b:s5+s15], $0x80, s0, s15, $0xb8;
	[tilespmem:$0xDB40] =	vst v63  }
0x26: {  	_ = 	snop  }
0x27: {  	[tilespmem:s22], [sflag:$0x2] =	stream.indirect.gather [hbm4b:s6+s15], $0x10, s30, s15, $0xb8;
	[tilespmem:$0xDB40] =	vst v63  }
0x28: {  	_ = 	snop  }
0x29: {  	[tilespmem:s23], [sflag:$0x2] =	stream.indirect.gather [hbm4b:s6+s15], $0x10, s0, s15, $0xb8;
	[tilespmem:$0xDB40] =	vst v63  }
0x2a: {  	_ =	swait.ge [sflag:s24], $0x2800  }
0x2b: {  	[sflag:s24] =	ssyncset.done $0x0  }
0x2c: {  	[sflag:s24] =	ssyncadd.s32 $0xFFFFD800  }
0x2d: {  	_ =	swait.ge [sflag:s24], $0x2800  }
0x2e: {  	[sflag:s24] =	ssyncset.done $0x0  }
0x2f: {  	[sflag:s24] =	ssyncadd.s32 $0xFFFFD800  }
0x30: {  	_ =	swait.ge [sflag:s24], $0x500  }
0x31: {  	[sflag:s24] =	ssyncset.done $0x0  }
0x32: {  	[sflag:s24] =	ssyncadd.s32 $0xFFFFFB00  }
0x33: {  	_ =	swait.ge [sflag:s24], $0x500  }
0x34: {  	[sflag:s24] =	ssyncset.done $0x0  }
0x35: {  	[sflag:s24] =	ssyncadd.s32 $0xFFFFFB00  }
0x36: {  	v4 =	vld [tilespmem:$0x26C0]  }
0x37: {  	s17 =	simm.s32 $0x7760;
	v5 =	vld [tilespmem:$0x26D0]  }
0x38: {  	s7 =	simm.s32 $0x7C60;
	v3 =	vld [tilespmem:s17+$0x10]  }
0x39: {  	v7 =	vld [tilespmem:s7+$0x10]  }
0x3a: {  	v6 =	vld [tilespmem:$0x26E0]  }
0x3b: {  	v8 =	vld [tilespmem:$0x26F0]  }
0x3c: {  	v9 =	vld [tilespmem:$0x2700]  }
0x3d: {  	v10 =	vld [tilespmem:$0x2710]  }
0x3e: {  	v11 =	vld [tilespmem:s7+$0xFFFFFFE0]  }
0x3f: {  	v12 =	vld [tilespmem:s17+$0xFFFFFFF0]  }
0x40: {  	v13 =	vld [tilespmem:s7+$0xFFFFFFF0];
	v3 =	vsub.f32 v3, v7  }
0x41: {  	s1 =	simm.s32 $0x2840;
	v14 =	vld [tilespmem:s17+$0xFFFFFFE0]  }
0x42: {  	s18 =	simm.s32 $0x5040;
	v17 =	vld [tilespmem:s1+$0x80];
	v3 =	vmul.f32 v3, v3  }
0x43: {  	v18 =	vld [tilespmem:s18+$0x80]  }
0x44: {  	v19 =	vld [tilespmem:s17+$0x0];
	v15 =	vperm.xlane v3, v0;
	v16 =	vperm.xlane v3, v1  }
0x45: {  	v20 =	vld [tilespmem:s18+$0xFFFFFF00]  }
0x46: {  	v21 =	vld [tilespmem:s1+$0xFFFFFF80];
	v15 =	vadd.f32 v16, v15;
	v16 =	vperm.xlane v3, v2  }
0x47: {  	v22 =	vld [tilespmem:s18+$0xFFFFFF80]  }
0x48: {  	v25 =	vld [tilespmem:s1+$0x0];
	v11 =	vsub.f32 v14, v11;
	v16 =	vadd.f32 v16, v15  }
0x49: {  	v12 =	vsub.f32 v12, v13;
	v15 =	vld [tilespmem:s7+$0x0]  }
0x4a: {  	v28 =	vld [tilespmem:s1+$0xFFFFFFA0];
	v14 =	vadd.f32 v18, v17;
	v11 =	vmul.f32 v11, v11;
	v17 =	vmul.f32 v16, v4  }
0x4b: {  	v29 =	vld [tilespmem:s1+$0x30];
	v12 =	vmul.f32 v12, v12  }
0x4c: {  	v7 =	vld [tilespmem:$0x2720];
	v18 =	vperm.xlane v11, v1;
	v14 =	vadd.f32 v14, v17;
	v17 =	vperm.xlane v11, v0  }
0x4d: {  	v13 =	vld [tilespmem:s1+$0xFFFFFF00];
	v23 =	vperm.xlane v12, v0;
	v24 =	vperm.xlane v12, v1  }
0x4e: {  	v3 =	vld [tilespmem:$0x2730];
	v11 =	vperm.xlane v11, v2;
	[tilespmem:s1+$0x80] =	vst v14;
	v14 =	vsub.f32 v19, v15;
	v15 =	vadd.f32 v18, v17  }
0x4f: {  	v19 =	vld [tilespmem:s1+$0x90]  }
0x50: {  	v12 =	vperm.xlane v12, v2;
	v18 =	vadd.f32 v24, v23;
	v23 =	vld [tilespmem:s18+$0x90];
	v17 =	vadd.f32 v11, v15  }
0x51: {  	v30 =	vld [tilespmem:s1+$0xFFFFFF40];
	v14 =	vmul.f32 v14, v14  }
0x52: {  	s0 =	simm.s32 $0x2A40;
	v31 =	vld [tilespmem:s1+$0xFFFFFFC0];
	v13 =	vadd.f32 v20, v13;
	v18 =	vadd.f32 v12, v18;
	v20 =	vmul.f32 v17, v4  }
0x53: {  	v36 =	vld [tilespmem:s0+$0x80];
	v21 =	vadd.f32 v22, v21;
	v12 =	vperm.xlane v14, v0;
	v26 =	vperm.xlane v14, v1  }
0x54: {  	s14 =	simm.s32 $0x5240;
	v24 =	vld [tilespmem:s18+$0x0];
	v27 =	vmul.f32 v18, v4;
	v14 =	vperm.xlane v14, v2;
	v13 =	vadd.f32 v13, v20  }
0x55: {  	v37 =	vld [tilespmem:s14+$0x80];
	v19 =	vadd.f32 v23, v19;
	v20 =	vmul.f32 v16, v5;
	v12 =	vadd.f32 v26, v12  }
0x56: {  	v11 =	vld [tilespmem:s1+$0xFFFFFF10];
	v21 =	vadd.f32 v21, v27  }
0x57: {  	v15 =	vld [tilespmem:s1+$0xFFFFFF90];
	[tilespmem:s1+$0xFFFFFF00] =	vst v13;
	v13 =	vadd.f32 v19, v20;
	v19 =	vadd.f32 v14, v12  }
0x58: {  	[tilespmem:s1+$0xFFFFFF80] =	vst v21;
	v12 =	vld [tilespmem:s18+$0xFFFFFF10]  }
0x59: {  	v14 =	vld [tilespmem:s18+$0xFFFFFF90];
	[tilespmem:s1+$0x90] =	vst v13;
	v13 =	vadd.f32 v24, v25;
	v20 =	vmul.f32 v19, v4  }
0x5a: {  	v21 =	vld [tilespmem:s1+$0xA0]  }
0x5b: {  	v24 =	vld [tilespmem:s18+$0xA0];
	v13 =	vadd.f32 v13, v20  }
0x5c: {  	v38 =	vld [tilespmem:s1+$0xE0]  }
0x5d: {  	v26 =	vmul.f32 v17, v5;
	v25 =	vld [tilespmem:s1+$0x10];
	[tilespmem:s1+$0x0] =	vst v13;
	v11 =	vadd.f32 v12, v11  }
0x5e: {  	s19 =	simm.s32 $0x77A0;
	v12 =	vmul.f32 v18, v5;
	v14 =	vadd.f32 v14, v15;
	v13 =	vld [tilespmem:s18+$0x10]  }
0x5f: {  	v59 =	vld [tilespmem:s19+$0x0];
	v11 =	vadd.f32 v11, v26  }
0x60: {  	v60 =	vld [tilespmem:s0+$0xFFFFFF00];
	v15 =	vadd.f32 v24, v21;
	v21 =	vmul.f32 v16, v6;
	v12 =	vadd.f32 v14, v12  }
0x61: {  	v22 =	vld [tilespmem:s1+$0xFFFFFF20];
	[tilespmem:s1+$0xFFFFFF10] =	vst v11  }
0x62: {  	v11 =	vadd.f32 v15, v21;
	[tilespmem:s1+$0xFFFFFF90] =	vst v12;
	v14 =	vld [tilespmem:s18+$0xFFFFFF20]  }
0x63: {  	v12 =	vmul.f32 v19, v5;
	v15 =	vld [tilespmem:s18+$0xFFFFFFA0];
	v13 =	vadd.f32 v13, v25  }
0x64: {  	[tilespmem:s1+$0xA0] =	vst v11;
	v11 =	vld [tilespmem:s1+$0xB0]  }
0x65: {  	v12 =	vadd.f32 v13, v12;
	v13 =	vld [tilespmem:s18+$0xB0]  }
0x66: {  	v63 =	vld [tilespmem:s14+$0xFFFFFF00]  }
0x67: {  	v39 =	vld [tilespmem:s0+$0xFFFFFF80];
	v21 =	vmul.f32 v17, v6;
	v14 =	vadd.f32 v14, v22  }
0x68: {  	v23 =	vld [tilespmem:s1+$0xFFFFFF30];
	v22 =	vmul.f32 v18, v6;
	v25 =	vadd.f32 v15, v28  }
0x69: {  	v20 =	vld [tilespmem:s1+$0x20];
	[tilespmem:s1+$0x10] =	vst v12;
	v14 =	vadd.f32 v14, v21  }
0x6a: {  	v24 =	vld [tilespmem:s18+$0x20];
	v21 =	vmul.f32 v16, v8;
	v22 =	vadd.f32 v25, v22;
	v11 =	vadd.f32 v13, v11  }
0x6b: {  	v27 =	vld [tilespmem:s1+$0xFFFFFFB0];
	[tilespmem:s1+$0xFFFFFF20] =	vst v14  }
0x6c: {  	[tilespmem:s1+$0xFFFFFFA0] =	vst v22;
	v11 =	vadd.f32 v11, v21;
	v21 =	vld [tilespmem:s18+$0xFFFFFF30]  }
0x6d: {  	v22 =	vld [tilespmem:s18+$0xFFFFFFB0]  }
0x6e: {  	v48 =	vld [tilespmem:s14+$0xFFFFFF80]  }
0x6f: {  	v44 =	vld [tilespmem:s0+$0x0];
	v14 =	vmul.f32 v19, v6;
	v20 =	vadd.f32 v24, v20  }
0x70: {  	v50 =	vld [tilespmem:s0+$0x90]  }
0x71: {  	v54 =	vld [tilespmem:s14+$0x0];
	v25 =	vmul.f32 v17, v8;
	[tilespmem:s1+$0xB0] =	vst v11;
	v11 =	vadd.f32 v20, v14;
	v21 =	vadd.f32 v21, v23  }
0x72: {  	v20 =	vld [tilespmem:s1+$0xC0];
	v23 =	vmul.f32 v18, v8;
	v22 =	vadd.f32 v22, v27  }
0x73: {  	v24 =	vld [tilespmem:s18+$0xC0];
	[tilespmem:s1+$0x20] =	vst v11;
	v21 =	vadd.f32 v21, v25  }
0x74: {  	v11 =	vld [tilespmem:s18+$0x30];
	v23 =	vadd.f32 v22, v23  }
0x75: {  	v55 =	vld [tilespmem:s0+$0xFFFFFF10];
	[tilespmem:s1+$0xFFFFFF30] =	vst v21  }
0x76: {  	[tilespmem:s1+$0xFFFFFFB0] =	vst v23;
	v21 =	vld [tilespmem:s18+$0xFFFFFF40]  }
0x77: {  	v23 =	vld [tilespmem:s18+$0xFFFFFFC0]  }
0x78: {  	v56 =	vld [tilespmem:s0+$0xFFFFFF90];
	v25 =	vmul.f32 v16, v9;
	v20 =	vadd.f32 v24, v20  }
0x79: {  	v47 =	vld [tilespmem:s0+$0xFFFFFFA0];
	v27 =	vmul.f32 v19, v8;
	v11 =	vadd.f32 v11, v29  }
0x7a: {  	v20 =	vadd.f32 v20, v25;
	v25 =	vld [tilespmem:s1+$0xD0]  }
0x7b: {  	s17 =	simm.s32 $0x7CA0;
	v11 =	vadd.f32 v11, v27;
	v28 =	vadd.f32 v21, v30;
	v30 =	vld [tilespmem:s19+$0x10]  }
0x7c: {  	[tilespmem:s1+$0xC0] =	vst v20;
	v23 =	vadd.f32 v23, v31;
	v31 =	vld [tilespmem:s17+$0x10]  }
0x7d: {  	[tilespmem:s1+$0x30] =	vst v11;
	v11 =	vld [tilespmem:s18+$0xD0]  }
0x7e: {  	v32 =	vld [tilespmem:s17+$0xFFFFFFE0]  }
0x7f: {  	v33 =	vld [tilespmem:s17+$0xFFFFFFF0]  }
0x80: {  	v61 =	vadd.f32 v37, v36;
	v36 =	vadd.f32 v48, v39;
	v39 =	vld [tilespmem:s0+$0xFFFFFF20]  }
0x81: {  	v26 =	vld [tilespmem:s1+$0x40];
	v30 =	vsub.f32 v30, v31  }
0x82: {  	v12 =	vld [tilespmem:s1+$0xFFFFFF50];
	v11 =	vadd.f32 v11, v25;
	v25 =	vmul.f32 v16, v10  }
0x83: {  	v31 =	vld [tilespmem:s19+$0xFFFFFFF0];
	v30 =	vmul.f32 v30, v30  }
0x84: {  	v20 =	vmul.f32 v17, v9;
	v11 =	vadd.f32 v11, v25;
	v25 =	vld [tilespmem:s19+$0xFFFFFFE0]  }
0x85: {  	v15 =	vld [tilespmem:s1+$0xFFFFFFD0];
	v34 =	vperm.xlane v30, v0;
	v35 =	vperm.xlane v30, v1  }
0x86: {  	v13 =	vld [tilespmem:s1+$0x50]  }
0x87: {  	v14 =	vld [tilespmem:s1+$0xFFFFFF60];
	v20 =	vadd.f32 v28, v20;
	[tilespmem:s1+$0xD0] =	vst v11;
	v30 =	vperm.xlane v30, v2;
	v11 =	vadd.f32 v35, v34  }
0x88: {  	v22 =	vld [tilespmem:s1+$0x60];
	v29 =	vmul.f32 v18, v9;
	v31 =	vsub.f32 v31, v33  }
0x89: {  	[tilespmem:s1+$0xFFFFFF40] =	vst v20;
	v25 =	vsub.f32 v25, v32;
	v11 =	vadd.f32 v30, v11;
	v30 =	vld [tilespmem:s17+$0x0]  }
0x8a: {  	v28 =	vadd.f32 v23, v29;
	v29 =	vld [tilespmem:s18+$0xFFFFFF50];
	v31 =	vmul.f32 v31, v31  }
0x8b: {  	v24 =	vld [tilespmem:s1+$0xFFFFFFE0];
	v25 =	vmul.f32 v25, v25  }
0x8c: {  	v21 =	vld [tilespmem:s1+$0xFFFFFF70];
	v42 =	vperm.xlane v31, v0;
	v62 =	vmul.f32 v11, v4  }
0x8d: {  	v27 =	vld [tilespmem:s18+$0x40];
	v40 =	vperm.xlane v25, v0;
	v41 =	vperm.xlane v25, v1  }
0x8e: {  	v34 =	vld [tilespmem:s18+$0xE0];
	v43 =	vperm.xlane v31, v1;
	v33 =	vadd.f32 v61, v62;
	v30 =	vsub.f32 v59, v30  }
0x8f: {  	v23 =	vld [tilespmem:s1+$0xFFFFFFF0];
	v29 =	vadd.f32 v29, v12;
	v25 =	vperm.xlane v25, v2;
	v49 =	vadd.f32 v41, v40  }
0x90: {  	v20 =	vld [tilespmem:s1+$0x70];
	v31 =	vperm.xlane v31, v2;
	v51 =	vadd.f32 v43, v42;
	[tilespmem:s0+$0x80] =	vst v33;
	v53 =	vmul.f32 v30, v30  }
0x91: {  	[tilespmem:s1+$0xFFFFFFC0] =	vst v28;
	v32 =	vadd.f32 v63, v60;
	v52 =	vld [tilespmem:s14+$0x90];
	v25 =	vadd.f32 v25, v49  }
0x92: {  	v28 =	vld [tilespmem:s18+$0xFFFFFFD0];
	v30 =	vadd.f32 v31, v51;
	v31 =	vperm.xlane v53, v0;
	v45 =	vperm.xlane v53, v1  }
0x93: {  	v12 =	vld [tilespmem:s0+$0x50];
	v34 =	vadd.f32 v34, v38;
	v59 =	vmul.f32 v16, v7;
	v57 =	vmul.f32 v25, v4  }
0x94: {  	v43 =	vld [tilespmem:s1+$0xF0];
	v62 =	vadd.f32 v54, v44;
	v42 =	vperm.xlane v53, v2;
	v31 =	vadd.f32 v45, v31  }
0x95: {  	v61 =	vld [tilespmem:s0+$0xA0];
	v34 =	vadd.f32 v34, v59;
	v46 =	vmul.f32 v30, v4;
	v32 =	vadd.f32 v32, v57  }
0x96: {  	v58 =	vmul.f32 v11, v5;
	v44 =	vld [tilespmem:s0+$0x30];
	v35 =	vadd.f32 v52, v50;
	v31 =	vadd.f32 v42, v31  }
0x97: {  	v41 =	vld [tilespmem:s0+$0xFFFFFF30];
	[tilespmem:s1+$0xE0] =	vst v34;
	v36 =	vadd.f32 v36, v46  }
0x98: {  	v40 =	vld [tilespmem:s0+$0xFFFFFF40];
	[tilespmem:s0+$0xFFFFFF00] =	vst v32;
	v35 =	vadd.f32 v35, v58;
	v63 =	vmul.f32 v31, v4  }
0x99: {  	[tilespmem:s0+$0xFFFFFF80] =	vst v36;
	v60 =	vld [tilespmem:s14+$0xFFFFFF10]  }
0x9a: {  	v36 =	vld [tilespmem:s14+$0xFFFFFF90];
	[tilespmem:s0+$0x90] =	vst v35;
	v34 =	vadd.f32 v62, v63  }
0x9b: {  	v48 =	vld [tilespmem:s14+$0xA0]  }
0x9c: {  	v49 =	vld [tilespmem:s0+$0x10];
	[tilespmem:s0+$0x0] =	vst v34  }
0x9d: {  	v53 =	vld [tilespmem:s14+$0x10]  }
0x9e: {  	v59 =	vld [tilespmem:s0+$0xB0];
	v50 =	vmul.f32 v25, v5;
	v33 =	vadd.f32 v60, v55  }
0x9f: {  	v51 =	vmul.f32 v30, v5;
	v37 =	vld [tilespmem:s18+$0xF0];
	v52 =	vadd.f32 v36, v56  }
0xa0: {  	v54 =	vmul.f32 v11, v6;
	v45 =	vld [tilespmem:s0+$0x20];
	v33 =	vadd.f32 v33, v50;
	v35 =	vadd.f32 v48, v61  }
0xa1: {  	v26 =	vadd.f32 v27, v26;
	v57 =	vmul.f32 v19, v9;
	v32 =	vld [tilespmem:s0+$0xFFFFFFB0];
	v34 =	vadd.f32 v52, v51  }
0xa2: {  	v42 =	vld [tilespmem:s0+$0xFFFFFFC0];
	v58 =	vmul.f32 v31, v5;
	[tilespmem:s0+$0xFFFFFF10] =	vst v33;
	v55 =	vadd.f32 v35, v54;
	v36 =	vadd.f32 v53, v49  }
0xa3: {  	v26 =	vadd.f32 v26, v57;
	[tilespmem:s0+$0xFFFFFF90] =	vst v34;
	v56 =	vld [tilespmem:s14+$0xFFFFFF20]  }
0xa4: {  	v27 =	vld [tilespmem:s14+$0xFFFFFFA0];
	[tilespmem:s0+$0xA0] =	vst v55;
	v33 =	vadd.f32 v36, v58  }
0xa5: {  	[tilespmem:s1+$0x40] =	vst v26;
	v60 =	vld [tilespmem:s14+$0xB0]  }
0xa6: {  	v15 =	vadd.f32 v28, v15;
	v26 =	vld [tilespmem:s0+$0xFFFFFF50];
	v53 =	vmul.f32 v18, v10;
	[tilespmem:s0+$0x10] =	vst v33  }
0xa7: {  	v51 =	vmul.f32 v17, v10;
	v49 =	vld [tilespmem:s14+$0x20]  }
0xa8: {  	v61 =	vmul.f32 v25, v6;
	v48 =	vld [tilespmem:s18+$0x50];
	v15 =	vadd.f32 v15, v53;
	v62 =	vadd.f32 v56, v39  }
0xa9: {  	v63 =	vmul.f32 v30, v6;
	v29 =	vadd.f32 v29, v51;
	v36 =	vld [tilespmem:s0+$0x40];
	v47 =	vadd.f32 v27, v47  }
0xaa: {  	v50 =	vmul.f32 v11, v8;
	v58 =	vld [tilespmem:s0+$0xC0];
	[tilespmem:s1+$0xFFFFFFD0] =	vst v15;
	v33 =	vadd.f32 v62, v61;
	v34 =	vadd.f32 v60, v59  }
0xab: {  	[tilespmem:s1+$0xFFFFFF50] =	vst v29;
	v35 =	vadd.f32 v47, v63;
	v61 =	vld [tilespmem:s18+$0xFFFFFFE0]  }
0xac: {  	v54 =	vmul.f32 v31, v6;
	v60 =	vld [tilespmem:s18+$0xFFFFFF60];
	[tilespmem:s0+$0xFFFFFF20] =	vst v33;
	v52 =	vadd.f32 v34, v50;
	v55 =	vadd.f32 v49, v45  }
0xad: {  	[tilespmem:s0+$0xFFFFFFA0] =	vst v35;
	v28 =	vld [tilespmem:s14+$0xFFFFFF30]  }
0xae: {  	v57 =	vmul.f32 v19, v10;
	v13 =	vadd.f32 v48, v13;
	v56 =	vld [tilespmem:s14+$0xFFFFFFB0];
	[tilespmem:s0+$0xB0] =	vst v52;
	v29 =	vadd.f32 v55, v54  }
0xaf: {  	v59 =	vld [tilespmem:s14+$0xC0]  }
0xb0: {  	v27 =	vld [tilespmem:s0+$0xFFFFFFD0];
	v13 =	vadd.f32 v13, v57;
	v50 =	vmul.f32 v18, v7;
	v24 =	vadd.f32 v61, v24;
	[tilespmem:s0+$0x20] =	vst v29  }
0xb1: {  	v47 =	vmul.f32 v17, v7;
	v33 =	vadd.f32 v60, v14;
	v29 =	vld [tilespmem:s14+$0x30]  }
0xb2: {  	v15 =	vmul.f32 v25, v8;
	[tilespmem:s1+$0x50] =	vst v13;
	v13 =	vld [tilespmem:s0+$0xFFFFFF60];
	v24 =	vadd.f32 v24, v50;
	v28 =	vadd.f32 v28, v41  }
0xb3: {  	v62 =	vmul.f32 v30, v8;
	v63 =	vld [tilespmem:s18+$0x60];
	v32 =	vadd.f32 v56, v32;
	v33 =	vadd.f32 v33, v47  }
0xb4: {  	v46 =	vmul.f32 v11, v9;
	v52 =	vld [tilespmem:s0+$0xD0];
	[tilespmem:s1+$0xFFFFFFE0] =	vst v24;
	v28 =	vadd.f32 v28, v15;
	v34 =	vadd.f32 v59, v58  }
0xb5: {  	v48 =	vmul.f32 v31, v8;
	v14 =	vld [tilespmem:s0+$0x60];
	v32 =	vadd.f32 v32, v62;
	[tilespmem:s1+$0xFFFFFF60] =	vst v33  }
0xb6: {  	v54 =	vmul.f32 v18, v3;
	v18 =	vld [tilespmem:s18+$0xFFFFFF70];
	[tilespmem:s0+$0xFFFFFF30] =	vst v28;
	v28 =	vadd.f32 v34, v46;
	v29 =	vadd.f32 v29, v44  }
0xb7: {  	[tilespmem:s0+$0xFFFFFFB0] =	vst v32;
	v49 =	vld [tilespmem:s14+$0xFFFFFF40]  }
0xb8: {  	v22 =	vadd.f32 v63, v22;
	v51 =	vld [tilespmem:s14+$0xFFFFFFC0];
	[tilespmem:s0+$0xC0] =	vst v28;
	v28 =	vmul.f32 v19, v7;
	v29 =	vadd.f32 v29, v48  }
0xb9: {  	v16 =	vmul.f32 v16, v3;
	v58 =	vld [tilespmem:s18+$0xFFFFFFF0]  }
0xba: {  	v37 =	vadd.f32 v37, v43;
	v57 =	vmul.f32 v31, v9;
	v53 =	vld [tilespmem:s14+$0xD0];
	v22 =	vadd.f32 v22, v28;
	[tilespmem:s0+$0x30] =	vst v29  }
0xbb: {  	v17 =	vmul.f32 v17, v3;
	v55 =	vmul.f32 v19, v3;
	v56 =	vld [tilespmem:s14+$0x40]  }
0xbc: {  	v15 =	vld [tilespmem:s0+$0xFFFFFFE0];
	v19 =	vadd.f32 v37, v16;
	v16 =	vmul.f32 v25, v9;
	[tilespmem:s1+$0x60] =	vst v22;
	v22 =	vadd.f32 v49, v40  }
0xbd: {  	v24 =	vmul.f32 v30, v9;
	v18 =	vadd.f32 v18, v21;
	v59 =	vadd.f32 v51, v42;
	v60 =	vld [tilespmem:s18+$0x70]  }
0xbe: {  	v61 =	vmul.f32 v11, v10;
	v33 =	vld [tilespmem:s0+$0x70];
	v63 =	vadd.f32 v58, v23;
	v22 =	vadd.f32 v22, v16  }
0xbf: {  	v21 =	vld [tilespmem:s0+$0xFFFFFFF0];
	v23 =	vmul.f32 v31, v7;
	[tilespmem:s1+$0xF0] =	vst v19;
	v42 =	vadd.f32 v59, v24;
	v32 =	vadd.f32 v53, v52  }
0xc0: {  	v28 =	vmul.f32 v30, v10;
	v18 =	vadd.f32 v18, v17;
	v16 =	vld [tilespmem:s0+$0xFFFFFF70];
	[tilespmem:s0+$0xFFFFFF40] =	vst v22;
	v62 =	vadd.f32 v56, v36  }
0xc1: {  	v19 =	vmul.f32 v25, v7;
	v29 =	vmul.f32 v25, v10;
	[tilespmem:s0+$0xFFFFFFC0] =	vst v42;
	v32 =	vadd.f32 v32, v61;
	v35 =	vld [tilespmem:s14+$0xFFFFFF50]  }
0xc2: {  	v17 =	vmul.f32 v30, v3;
	[tilespmem:s1+$0xFFFFFF70] =	vst v18;
	v36 =	vld [tilespmem:s14+$0xFFFFFFD0];
	v38 =	vadd.f32 v60, v20;
	v37 =	vadd.f32 v62, v57  }
0xc3: {  	v22 =	vmul.f32 v30, v7;
	v30 =	vld [tilespmem:s0+$0xE0];
	[tilespmem:s0+$0xD0] =	vst v32;
	v20 =	vmul.f32 v25, v3;
	v25 =	vadd.f32 v63, v54  }
0xc4: {  	s7 =	simm.s32 $0x77E0;
	s19 =	simm.s32 $0x4;
	v24 =	vmul.f32 v31, v10;
	v18 =	vmul.f32 v31, v3;
	s18 =	simm.s32 $0x5240;
	v32 =	vld [tilespmem:s14+$0xE0];
	v31 =	vadd.f32 v38, v55;
	[tilespmem:s0+$0x40] =	vst v37  }
.LBB2_3:
0xc5: {  	v34 =	vld [tilespmem:s7+$0x10];
	s17 =	sadd.s32 $0x40, s17;
	[tilespmem:s1+$0xFFFFFFF0] =	vst v25;
	v25 =	vmov v33  }
0xc6: {  	s19 =	sadd.s32 $0x4, s19;
	v33 =	vld [tilespmem:s17+$0x10];
	v26 =	vadd.f32 v35, v26;
	[tilespmem:s1+$0x70] =	vst v31;
	s1 =	smov.u32 s0  }
0xc7: {  	p0 =	slt.u32 s19, $0x4C;
	v31 =	vld [tilespmem:s17+$0xFFFFFFE0];
	v27 =	vadd.f32 v36, v27  }
0xc8: {  	v35 =	vld [tilespmem:s7+$0xFFFFFFF0];
	v26 =	vadd.f32 v26, v29  }
0xc9: {  	v29 =	vld [tilespmem:s17+$0xFFFFFFF0];
	v27 =	vadd.f32 v27, v28;
	v28 =	vadd.f32 v32, v30;
	v30 =	vmul.f32 v11, v7  }
0xca: {  	v32 =	vld [tilespmem:s7+$0x0];
	[tilespmem:s0+$0xFFFFFF50] =	vst v26  }
0xcb: {  	v26 =	vld [tilespmem:s17+$0x0];
	v33 =	vsub.f32 v34, v33;
	[tilespmem:s0+$0xFFFFFFD0] =	vst v27;
	v27 =	vadd.f32 v28, v30  }
0xcc: {  	v28 =	vld [tilespmem:s7+$0xFFFFFFE0]  }
0xcd: {  	v30 =	vmul.f32 v33, v33;
	[tilespmem:s0+$0xE0] =	vst v27;
	v27 =	vld [tilespmem:s0+$0xF0]  }
0xce: {  	s0 =	sadd.s32 $0x200, s0;
	v29 =	vsub.f32 v35, v29;
	v33 =	vld [tilespmem:s14+$0xF0]  }
0xcf: {  	s14 =	sadd.s32 $0x200, s14;
	v34 =	vperm.xlane v30, v0;
	v35 =	vperm.xlane v30, v1;
	v36 =	vld [tilespmem:s0+$0x80]  }
0xd0: {  	v29 =	vmul.f32 v29, v29;
	v26 =	vsub.f32 v32, v26;
	v32 =	vld [tilespmem:s14+$0x80]  }
0xd1: {  	v30 =	vperm.xlane v30, v2;
	v28 =	vsub.f32 v28, v31;
	v31 =	vld [tilespmem:s0+$0xFFFFFF00];
	v34 =	vadd.f32 v35, v34  }
0xd2: {  	v35 =	vld [tilespmem:s14+$0xFFFFFF00];
	v37 =	vperm.xlane v29, v0;
	v26 =	vmul.f32 v26, v26  }
0xd3: {  	v38 =	vld [tilespmem:s0+$0xFFFFFF80];
	v27 =	vadd.f32 v33, v27;
	v33 =	vmul.f32 v11, v3;
	v11 =	vadd.f32 v30, v34  }
0xd4: {  	v28 =	vmul.f32 v28, v28;
	v30 =	vperm.xlane v29, v1;
	v34 =	vld [tilespmem:s14+$0xFFFFFF80]  }
0xd5: {  	v39 =	vld [tilespmem:s0+$0x0];
	v32 =	vadd.f32 v32, v36;
	v36 =	vmul.f32 v11, v4;
	v27 =	vadd.f32 v27, v33  }
0xd6: {  	v33 =	vperm.xlane v28, v0;
	v40 =	vperm.xlane v28, v1;
	v30 =	vadd.f32 v30, v37;
	v37 =	vld [tilespmem:s14+$0x0]  }
0xd7: {  	v42 =	vperm.xlane v26, v0;
	v43 =	vperm.xlane v26, v1;
	v41 =	vld [tilespmem:s0+$0xFFFFFF10];
	v32 =	vadd.f32 v32, v36;
	[tilespmem:s1+$0xF0] =	vst v27  }
0xd8: {  	v29 =	vperm.xlane v29, v2;
	v28 =	vperm.xlane v28, v2;
	v27 =	vadd.f32 v40, v33;
	v36 =	vld [tilespmem:s0+$0xFFFFFF90]  }
0xd9: {  	v26 =	vperm.xlane v26, v2;
	v31 =	vadd.f32 v35, v31;
	v33 =	vadd.f32 v43, v42;
	[tilespmem:s0+$0x80] =	vst v32;
	v32 =	vld [tilespmem:s0+$0x90]  }
0xda: {  	v35 =	vadd.f32 v29, v30;
	v27 =	vadd.f32 v28, v27;
	v28 =	vld [tilespmem:s14+$0x90]  }
0xdb: {  	v29 =	vadd.f32 v34, v38;
	v26 =	vadd.f32 v26, v33;
	v34 =	vld [tilespmem:s0+$0x10]  }
0xdc: {  	v33 =	vmul.f32 v35, v4;
	v30 =	vmul.f32 v27, v4;
	v37 =	vadd.f32 v37, v39;
	v38 =	vld [tilespmem:s0+$0xFFFFFF20]  }
0xdd: {  	v39 =	vmul.f32 v27, v5;
	v42 =	vmul.f32 v26, v4;
	v40 =	vld [tilespmem:s0+$0xFFFFFFA0]  }
0xde: {  	v43 =	vmul.f32 v35, v5;
	v29 =	vadd.f32 v29, v33;
	v30 =	vadd.f32 v31, v30;
	v44 =	vld [tilespmem:s0+$0x20]  }
0xdf: {  	v31 =	vadd.f32 v37, v42;
	v45 =	vld [tilespmem:s0+$0xFFFFFF30];
	v28 =	vadd.f32 v28, v32;
	v32 =	vmul.f32 v11, v5  }
0xe0: {  	v46 =	vmul.f32 v26, v5;
	v37 =	vmul.f32 v27, v6;
	[tilespmem:s0+$0xFFFFFF00] =	vst v30;
	v42 =	vld [tilespmem:s0+$0xFFFFFFB0]  }
0xe1: {  	v48 =	vmul.f32 v35, v6;
	v49 =	vmul.f32 v26, v6;
	v47 =	vld [tilespmem:s14+$0xFFFFFF10];
	[tilespmem:s0+$0xFFFFFF80] =	vst v29;
	v28 =	vadd.f32 v28, v32  }
0xe2: {  	v51 =	vmul.f32 v35, v8;
	v50 =	vmul.f32 v27, v8;
	v32 =	vld [tilespmem:s14+$0xFFFFFF90];
	[tilespmem:s0+$0x0] =	vst v31  }
0xe3: {  	v52 =	vmul.f32 v26, v8;
	v31 =	vmul.f32 v27, v9;
	[tilespmem:s0+$0x90] =	vst v28;
	v53 =	vld [tilespmem:s0+$0xA0]  }
0xe4: {  	v33 =	vmul.f32 v35, v9;
	v30 =	vmul.f32 v26, v9;
	v54 =	vld [tilespmem:s14+$0xA0]  }
0xe5: {  	v29 =	vmul.f32 v27, v10;
	v28 =	vmul.f32 v35, v10;
	v55 =	vld [tilespmem:s14+$0x10]  }
0xe6: {  	v57 =	vmul.f32 v26, v10;
	v41 =	vadd.f32 v47, v41;
	v47 =	vmul.f32 v27, v7;
	v56 =	vld [tilespmem:s0+$0x30]  }
0xe7: {  	v59 =	vmul.f32 v35, v7;
	v60 =	vmul.f32 v26, v7;
	v58 =	vld [tilespmem:s0+$0xFFFFFF40];
	v36 =	vadd.f32 v32, v36  }
0xe8: {  	v32 =	vmul.f32 v35, v3;
	v39 =	vadd.f32 v41, v39;
	v41 =	vmul.f32 v27, v3;
	v61 =	vld [tilespmem:s0+$0xFFFFFFC0]  }
0xe9: {  	v27 =	vadd.f32 v36, v43;
	v35 =	vld [tilespmem:s0+$0x40];
	v36 =	vadd.f32 v54, v53;
	v43 =	vmul.f32 v11, v6  }
0xea: {  	[tilespmem:s0+$0xFFFFFF10] =	vst v39;
	v39 =	vadd.f32 v55, v34;
	v34 =	vmul.f32 v26, v3;
	v26 =	vld [tilespmem:s18+$0x50]  }
0xeb: {  	v53 =	vld [tilespmem:s14+$0xFFFFFF20];
	[tilespmem:s0+$0xFFFFFF90] =	vst v27;
	v27 =	vadd.f32 v36, v43  }
0xec: {  	v36 =	vld [tilespmem:s14+$0xFFFFFFA0];
	v39 =	vadd.f32 v39, v46  }
0xed: {  	[tilespmem:s0+$0xA0] =	vst v27;
	v43 =	vld [tilespmem:s0+$0xB0]  }
0xee: {  	[tilespmem:s0+$0x10] =	vst v39;
	v39 =	vld [tilespmem:s14+$0xB0]  }
0xef: {  	v46 =	vld [tilespmem:s14+$0x20];
	v12 =	vadd.f32 v26, v12  }
0xf0: {  	v38 =	vadd.f32 v53, v38;
	v26 =	vld [tilespmem:s0+$0xFFFFFF50]  }
0xf1: {  	v36 =	vadd.f32 v36, v40;
	v27 =	vld [tilespmem:s0+$0xFFFFFFD0];
	v40 =	vadd.f32 v12, v24;
	v24 =	vmov v57  }
0xf2: {  	v37 =	vadd.f32 v38, v37;
	v12 =	vld [tilespmem:s0+$0x50]  }
0xf3: {  	v36 =	vadd.f32 v36, v48;
	v38 =	vadd.f32 v39, v43;
	v39 =	vmul.f32 v11, v8;
	v43 =	vld [tilespmem:s18+$0xFFFFFF60];
	[tilespmem:s1+$0x50] =	vst v40  }
0xf4: {  	[tilespmem:s0+$0xFFFFFF20] =	vst v37;
	v37 =	vadd.f32 v46, v44;
	v40 =	vld [tilespmem:s18+$0xFFFFFFE0]  }
0xf5: {  	v44 =	vld [tilespmem:s14+$0xFFFFFF30];
	[tilespmem:s0+$0xFFFFFFA0] =	vst v36;
	v36 =	vadd.f32 v38, v39  }
0xf6: {  	v38 =	vld [tilespmem:s14+$0xFFFFFFB0];
	v37 =	vadd.f32 v37, v49  }
0xf7: {  	[tilespmem:s0+$0xB0] =	vst v36;
	v36 =	vld [tilespmem:s0+$0xC0]  }
0xf8: {  	[tilespmem:s0+$0x20] =	vst v37;
	v37 =	vld [tilespmem:s14+$0xC0];
	v13 =	vadd.f32 v43, v13  }
0xf9: {  	v39 =	vld [tilespmem:s14+$0x30];
	v15 =	vadd.f32 v40, v15  }
0xfa: {  	v40 =	vadd.f32 v44, v45;
	v43 =	vadd.f32 v13, v19;
	v44 =	vld [tilespmem:s18+$0x60];
	v19 =	vmov v47  }
0xfb: {  	v13 =	vld [tilespmem:s0+$0xFFFFFF60];
	v38 =	vadd.f32 v38, v42;
	v42 =	vadd.f32 v15, v22;
	v22 =	vmov v59  }
0xfc: {  	v40 =	vadd.f32 v40, v50;
	v15 =	vld [tilespmem:s0+$0xFFFFFFE0];
	[tilespmem:s1+$0xFFFFFF60] =	vst v43  }
0xfd: {  	v38 =	vadd.f32 v38, v51;
	v43 =	vld [tilespmem:s0+$0x60];
	v36 =	vadd.f32 v37, v36;
	v37 =	vmul.f32 v11, v9;
	[tilespmem:s1+$0xFFFFFFE0] =	vst v42  }
0xfe: {  	[tilespmem:s0+$0xFFFFFF30] =	vst v40;
	v39 =	vadd.f32 v39, v56;
	v40 =	vld [tilespmem:s18+$0xFFFFFF70]  }
0xff: {  	v42 =	vld [tilespmem:s14+$0xFFFFFF40];
	[tilespmem:s0+$0xFFFFFFB0] =	vst v38;
	v36 =	vadd.f32 v36, v37;
	v44 =	vadd.f32 v44, v14  }
0x100: {  	v37 =	vld [tilespmem:s14+$0xFFFFFFC0];
	v38 =	vadd.f32 v39, v52  }
0x101: {  	[tilespmem:s0+$0xC0] =	vst v36;
	v36 =	vld [tilespmem:s0+$0xD0];
	v39 =	vadd.f32 v44, v23;
	v23 =	vmov v60  }
0x102: {  	[tilespmem:s0+$0x30] =	vst v38;
	v38 =	vld [tilespmem:s14+$0xD0];
	v14 =	vmov v43  }
0x103: {  	v43 =	vld [tilespmem:s14+$0x40];
	v16 =	vadd.f32 v40, v16;
	[tilespmem:s1+$0x60] =	vst v39  }
0x104: {  	v39 =	vadd.f32 v42, v58;
	v40 =	vld [tilespmem:s18+$0xFFFFFFF0]  }
0x105: {  	v37 =	vadd.f32 v37, v61;
	v42 =	vadd.f32 v16, v20;
	v44 =	vld [tilespmem:s18+$0x70];
	v20 =	vmov v41;
	s18 =	smov.u32 s14  }
0x106: {  	v31 =	vadd.f32 v39, v31;
	v16 =	vld [tilespmem:s0+$0xFFFFFF70]  }
0x107: {  	v37 =	vadd.f32 v37, v33;
	v39 =	vld [tilespmem:s0+$0xFFFFFFF0];
	v36 =	vadd.f32 v38, v36;
	v38 =	vmul.f32 v11, v10;
	[tilespmem:s1+$0xFFFFFF70] =	vst v42  }
.Ltmp0:
0x108: {  	[tilespmem:s0+$0xFFFFFF40] =	vst v31;
	v31 =	vadd.f32 v43, v35;
	v33 =	vld [tilespmem:s0+$0x70];
	(pc) =	sbr.rel @p0 .LBB2_3-.Ltmp0, $4  }
0x109: {  	v35 =	vld [tilespmem:s14+$0xFFFFFF50];
	[tilespmem:s0+$0xFFFFFFC0] =	vst v37;
	v37 =	vadd.f32 v36, v38;
	v40 =	vadd.f32 v40, v21  }
0x10a: {  	v36 =	vld [tilespmem:s14+$0xFFFFFFD0];
	v31 =	vadd.f32 v31, v30;
	v38 =	vadd.f32 v44, v25  }
0x10b: {  	[tilespmem:s0+$0xD0] =	vst v37;
	v30 =	vld [tilespmem:s0+$0xE0];
	v25 =	vadd.f32 v40, v17;
	v17 =	vmov v32  }
0x10c: {  	s7 =	sadd.s32 $0x40, s7;
	[tilespmem:s0+$0x40] =	vst v31;
	v32 =	vld [tilespmem:s14+$0xE0];
	v31 =	vadd.f32 v38, v18;
	v18 =	vmov v34;
	v21 =	vmov v39  }
0x10d: {  	v4 =	vld [tilespmem:s18+$0x50];
	_ =	sdelay $0x2  }
0x10e: {  	v5 =	vadd.f32 v35, v26  }
0x10f: {  	v6 =	vadd.f32 v36, v27  }
0x110: {  	v5 =	vadd.f32 v5, v29;
	v4 =	vadd.f32 v4, v12  }
0x111: {  	v6 =	vadd.f32 v6, v28  }
0x112: {  	[tilespmem:s0+$0xFFFFFF50] =	vst v5;
	v4 =	vadd.f32 v4, v24  }
0x113: {  	[tilespmem:s0+$0xFFFFFFD0] =	vst v6;
	v5 =	vld [tilespmem:s18+$0xFFFFFF60]  }
0x114: {  	[tilespmem:s0+$0x50] =	vst v4;
	v4 =	vld [tilespmem:s18+$0xFFFFFFE0]  }
0x115: {  	v6 =	vld [tilespmem:s18+$0x60];
	_ =	sdelay $0x1  }
0x116: {  	v7 =	vmul.f32 v11, v7;
	v8 =	vadd.f32 v32, v30  }
0x117: {  	v5 =	vadd.f32 v5, v13  }
0x118: {  	v7 =	vadd.f32 v8, v7;
	v4 =	vadd.f32 v4, v15  }
0x119: {  	v5 =	vadd.f32 v5, v19;
	v6 =	vadd.f32 v6, v14  }
0x11a: {  	[tilespmem:s0+$0xE0] =	vst v7;
	v7 =	vld [tilespmem:s0+$0xF0];
	v4 =	vadd.f32 v4, v22  }
0x11b: {  	v8 =	vld [tilespmem:s14+$0xF0];
	[tilespmem:s0+$0xFFFFFF60] =	vst v5;
	v5 =	vadd.f32 v6, v23  }
0x11c: {  	[tilespmem:s0+$0xFFFFFFE0] =	vst v4;
	v4 =	vld [tilespmem:s18+$0xFFFFFF70]  }
0x11d: {  	[tilespmem:s0+$0x60] =	vst v5;
	v5 =	vld [tilespmem:s18+$0xFFFFFFF0]  }
0x11e: {  	v6 =	vld [tilespmem:s18+$0x70];
	_ =	sdelay $0x1  }
0x11f: {  	v3 =	vmul.f32 v11, v3;
	v7 =	vadd.f32 v8, v7  }
0x120: {  	v4 =	vadd.f32 v4, v16  }
0x121: {  	[tilespmem:s1+$0xFFFFFFF0] =	vst v25;
	v3 =	vadd.f32 v7, v3;
	v5 =	vadd.f32 v5, v21  }
0x122: {  	[tilespmem:s1+$0x70] =	vst v31;
	v4 =	vadd.f32 v4, v20;
	v6 =	vadd.f32 v6, v33  }
0x123: {  	[tilespmem:s0+$0xF0] =	vst v3;
	v3 =	vadd.f32 v5, v17  }
0x124: {  	s19 =	sadd.s32 s3, s31;
	[tilespmem:s0+$0xFFFFFF70] =	vst v4;
	v4 =	vadd.f32 v6, v18  }
0x125: {  	s1 =	sshll.u32 s19, $0x4;
	[tilespmem:s0+$0xFFFFFFF0] =	vst v3  }
0x126: {  	s7 =	sadd.s32 s8, s1;
	[tilespmem:s0+$0x70] =	vst v4  }
0x127: {  	[hbm4b:s7+s2] =	stream.linear.scatter [tilespmem:s16], [sflag:$0x4], $0x2800, $0x38;
	[tilespmem:$0xDB40] =	vst v63  }
0x128: {  	p0 =	seq.s32 s29, $0x1E;
	_ =	swait.ge [sflag:s25], $0x2800  }
0x129: {  	s1 =	simm.s32 @!p0 $0x50;
	[sflag:s25] =	ssyncset.done $0x0  }
0x12a: {  	s0 =	sadd.s32 @!p0 $0xA0, s31;
	s7 =	simm.s32 @!p0 $0x2740;
	[sflag:s25] =	ssyncadd.s32 $0xFFFFD800  }
0x12b: {  	[tilespmem:s7], [sflag:$0x1] =	stream.indirect.gather @!p0 [hbm4b:s4+s1], $0x80, s0, s1, $0xb8;
	[tilespmem:$0xDB40] =	vst v63  }
0x12c: {  	s14 =	simm.s32 @!p0 $0x4F40;
	s7 =	sadd.s32 @!p0 $0x1400, s31  }
0x12d: {  	[tilespmem:s14], [sflag:$0x1] =	stream.indirect.gather @!p0 [hbm4b:s5+s1], $0x80, s7, s1, $0xb8;
	[tilespmem:$0xDB40] =	vst v63  }
0x12e: {  	s14 =	simm.s32 @!p0 $0x7740  }
0x12f: {  	[tilespmem:s14], [sflag:$0x1] =	stream.indirect.gather @!p0 [hbm4b:s6+s1], $0x10, s0, s1, $0xb8;
	[tilespmem:$0xDB40] =	vst v63  }
0x130: {  	s0 =	simm.s32 @!p0 $0x7C40  }
0x131: {  	[tilespmem:s0], [sflag:$0x1] =	stream.indirect.gather @!p0 [hbm4b:s6+s1], $0x10, s7, s1, $0xb8;
	[tilespmem:$0xDB40] =	vst v63  }
0x132: {  	_ =	swait.ge [sflag:s26], $0x2800  }
0x133: {  	[sflag:s26] =	ssyncset.done $0x0  }
0x134: {  	[sflag:s26] =	ssyncadd.s32 $0xFFFFD800  }
0x135: {  	_ =	swait.ge [sflag:s26], $0x2800  }
0x136: {  	[sflag:s26] =	ssyncset.done $0x0  }
0x137: {  	[sflag:s26] =	ssyncadd.s32 $0xFFFFD800  }
0x138: {  	_ =	swait.ge [sflag:s26], $0x500  }
0x139: {  	[sflag:s26] =	ssyncset.done $0x0  }
0x13a: {  	[sflag:s26] =	ssyncadd.s32 $0xFFFFFB00  }
0x13b: {  	_ =	swait.ge [sflag:s26], $0x500  }
0x13c: {  	[sflag:s26] =	ssyncset.done $0x0  }
0x13d: {  	[sflag:s26] =	ssyncadd.s32 $0xFFFFFB00  }
0x13e: {  	v4 =	vld [tilespmem:$0x26C0]  }
0x13f: {  	s14 =	simm.s32 $0xD160;
	v5 =	vld [tilespmem:$0x26D0]  }
0x140: {  	s18 =	simm.s32 $0xD660;
	v3 =	vld [tilespmem:s14+$0x10]  }
0x141: {  	v7 =	vld [tilespmem:s18+$0x10]  }
0x142: {  	v6 =	vld [tilespmem:$0x26E0]  }
0x143: {  	v8 =	vld [tilespmem:$0x26F0]  }
0x144: {  	v9 =	vld [tilespmem:$0x2700]  }
0x145: {  	v10 =	vld [tilespmem:$0x2710]  }
0x146: {  	v11 =	vld [tilespmem:s18+$0xFFFFFFE0]  }
0x147: {  	v12 =	vld [tilespmem:s14+$0xFFFFFFF0]  }
0x148: {  	v13 =	vld [tilespmem:s18+$0xFFFFFFF0];
	v3 =	vsub.f32 v3, v7  }
0x149: {  	s1 =	simm.s32 $0x8240;
	v14 =	vld [tilespmem:s14+$0xFFFFFFE0]  }
0x14a: {  	s17 =	simm.s32 $0xAA40;
	v17 =	vld [tilespmem:s1+$0x80];
	v3 =	vmul.f32 v3, v3  }
0x14b: {  	v18 =	vld [tilespmem:s17+$0x80]  }
0x14c: {  	v19 =	vld [tilespmem:s14+$0x0];
	v15 =	vperm.xlane v3, v0;
	v16 =	vperm.xlane v3, v1  }
0x14d: {  	v20 =	vld [tilespmem:s17+$0xFFFFFF00]  }
0x14e: {  	v21 =	vld [tilespmem:s1+$0xFFFFFF80];
	v15 =	vadd.f32 v16, v15;
	v16 =	vperm.xlane v3, v2  }
0x14f: {  	v22 =	vld [tilespmem:s17+$0xFFFFFF80]  }
0x150: {  	v25 =	vld [tilespmem:s1+$0x0];
	v11 =	vsub.f32 v14, v11;
	v16 =	vadd.f32 v16, v15  }
0x151: {  	v12 =	vsub.f32 v12, v13;
	v15 =	vld [tilespmem:s18+$0x0]  }
0x152: {  	v28 =	vld [tilespmem:s1+$0xFFFFFFA0];
	v14 =	vadd.f32 v18, v17;
	v11 =	vmul.f32 v11, v11;
	v17 =	vmul.f32 v16, v4  }
0x153: {  	v29 =	vld [tilespmem:s1+$0x30];
	v12 =	vmul.f32 v12, v12  }
0x154: {  	v7 =	vld [tilespmem:$0x2720];
	v18 =	vperm.xlane v11, v1;
	v14 =	vadd.f32 v14, v17;
	v17 =	vperm.xlane v11, v0  }
0x155: {  	v13 =	vld [tilespmem:s1+$0xFFFFFF00];
	v23 =	vperm.xlane v12, v0;
	v24 =	vperm.xlane v12, v1  }
0x156: {  	v3 =	vld [tilespmem:$0x2730];
	v11 =	vperm.xlane v11, v2;
	[tilespmem:s1+$0x80] =	vst v14;
	v14 =	vsub.f32 v19, v15;
	v15 =	vadd.f32 v18, v17  }
0x157: {  	v19 =	vld [tilespmem:s1+$0x90]  }
0x158: {  	v12 =	vperm.xlane v12, v2;
	v18 =	vadd.f32 v24, v23;
	v23 =	vld [tilespmem:s17+$0x90];
	v17 =	vadd.f32 v11, v15  }
0x159: {  	v30 =	vld [tilespmem:s1+$0xFFFFFF40];
	v14 =	vmul.f32 v14, v14  }
0x15a: {  	s31 =	simm.s32 $0x8440;
	v31 =	vld [tilespmem:s1+$0xFFFFFFC0];
	v13 =	vadd.f32 v20, v13;
	v18 =	vadd.f32 v12, v18;
	v20 =	vmul.f32 v17, v4  }
0x15b: {  	v58 =	vld [tilespmem:s31+$0x80];
	v21 =	vadd.f32 v22, v21;
	v12 =	vperm.xlane v14, v0;
	v26 =	vperm.xlane v14, v1  }
0x15c: {  	s0 =	simm.s32 $0xAC40;
	v24 =	vld [tilespmem:s17+$0x0];
	v27 =	vmul.f32 v18, v4;
	v14 =	vperm.xlane v14, v2;
	v13 =	vadd.f32 v13, v20  }
0x15d: {  	v37 =	vld [tilespmem:s0+$0x80];
	v19 =	vadd.f32 v23, v19;
	v20 =	vmul.f32 v16, v5;
	v12 =	vadd.f32 v26, v12  }
0x15e: {  	v11 =	vld [tilespmem:s1+$0xFFFFFF10];
	v21 =	vadd.f32 v21, v27  }
0x15f: {  	v15 =	vld [tilespmem:s1+$0xFFFFFF90];
	[tilespmem:s1+$0xFFFFFF00] =	vst v13;
	v13 =	vadd.f32 v19, v20;
	v19 =	vadd.f32 v14, v12  }
0x160: {  	[tilespmem:s1+$0xFFFFFF80] =	vst v21;
	v12 =	vld [tilespmem:s17+$0xFFFFFF10]  }
0x161: {  	v14 =	vld [tilespmem:s17+$0xFFFFFF90];
	[tilespmem:s1+$0x90] =	vst v13;
	v13 =	vadd.f32 v24, v25;
	v20 =	vmul.f32 v19, v4  }
0x162: {  	v21 =	vld [tilespmem:s1+$0xA0]  }
0x163: {  	v24 =	vld [tilespmem:s17+$0xA0];
	v13 =	vadd.f32 v13, v20  }
0x164: {  	v38 =	vld [tilespmem:s1+$0xE0]  }
0x165: {  	v26 =	vmul.f32 v17, v5;
	v25 =	vld [tilespmem:s1+$0x10];
	[tilespmem:s1+$0x0] =	vst v13;
	v11 =	vadd.f32 v12, v11  }
0x166: {  	s19 =	simm.s32 $0xD1A0;
	v12 =	vmul.f32 v18, v5;
	v14 =	vadd.f32 v14, v15;
	v13 =	vld [tilespmem:s17+$0x10]  }
0x167: {  	v59 =	vld [tilespmem:s19+$0x0];
	v11 =	vadd.f32 v11, v26  }
0x168: {  	v60 =	vld [tilespmem:s31+$0xFFFFFF00];
	v15 =	vadd.f32 v24, v21;
	v21 =	vmul.f32 v16, v6;
	v12 =	vadd.f32 v14, v12  }
0x169: {  	v22 =	vld [tilespmem:s1+$0xFFFFFF20];
	[tilespmem:s1+$0xFFFFFF10] =	vst v11  }
0x16a: {  	v11 =	vadd.f32 v15, v21;
	[tilespmem:s1+$0xFFFFFF90] =	vst v12;
	v14 =	vld [tilespmem:s17+$0xFFFFFF20]  }
0x16b: {  	v12 =	vmul.f32 v19, v5;
	v15 =	vld [tilespmem:s17+$0xFFFFFFA0];
	v13 =	vadd.f32 v13, v25  }
0x16c: {  	[tilespmem:s1+$0xA0] =	vst v11;
	v11 =	vld [tilespmem:s1+$0xB0]  }
0x16d: {  	v12 =	vadd.f32 v13, v12;
	v13 =	vld [tilespmem:s17+$0xB0]  }
0x16e: {  	v63 =	vld [tilespmem:s0+$0xFFFFFF00]  }
0x16f: {  	v39 =	vld [tilespmem:s31+$0xFFFFFF80];
	v21 =	vmul.f32 v17, v6;
	v14 =	vadd.f32 v14, v22  }
0x170: {  	v23 =	vld [tilespmem:s1+$0xFFFFFF30];
	v22 =	vmul.f32 v18, v6;
	v25 =	vadd.f32 v15, v28  }
0x171: {  	v20 =	vld [tilespmem:s1+$0x20];
	[tilespmem:s1+$0x10] =	vst v12;
	v14 =	vadd.f32 v14, v21  }
0x172: {  	v24 =	vld [tilespmem:s17+$0x20];
	v21 =	vmul.f32 v16, v8;
	v22 =	vadd.f32 v25, v22;
	v11 =	vadd.f32 v13, v11  }
0x173: {  	v27 =	vld [tilespmem:s1+$0xFFFFFFB0];
	[tilespmem:s1+$0xFFFFFF20] =	vst v14  }
0x174: {  	[tilespmem:s1+$0xFFFFFFA0] =	vst v22;
	v11 =	vadd.f32 v11, v21;
	v21 =	vld [tilespmem:s17+$0xFFFFFF30]  }
0x175: {  	v22 =	vld [tilespmem:s17+$0xFFFFFFB0]  }
0x176: {  	v48 =	vld [tilespmem:s0+$0xFFFFFF80]  }
0x177: {  	v44 =	vld [tilespmem:s31+$0x0];
	v14 =	vmul.f32 v19, v6;
	v20 =	vadd.f32 v24, v20  }
0x178: {  	v50 =	vld [tilespmem:s31+$0x90]  }
0x179: {  	v54 =	vld [tilespmem:s0+$0x0];
	v25 =	vmul.f32 v17, v8;
	[tilespmem:s1+$0xB0] =	vst v11;
	v11 =	vadd.f32 v20, v14;
	v21 =	vadd.f32 v21, v23  }
0x17a: {  	v20 =	vld [tilespmem:s1+$0xC0];
	v23 =	vmul.f32 v18, v8;
	v22 =	vadd.f32 v22, v27  }
0x17b: {  	v24 =	vld [tilespmem:s17+$0xC0];
	[tilespmem:s1+$0x20] =	vst v11;
	v21 =	vadd.f32 v21, v25  }
0x17c: {  	v11 =	vld [tilespmem:s17+$0x30];
	v23 =	vadd.f32 v22, v23  }
0x17d: {  	v47 =	vld [tilespmem:s31+$0xFFFFFFA0];
	[tilespmem:s1+$0xFFFFFF30] =	vst v21  }
0x17e: {  	[tilespmem:s1+$0xFFFFFFB0] =	vst v23;
	v21 =	vld [tilespmem:s17+$0xFFFFFF40]  }
0x17f: {  	s14 =	simm.s32 $0xD6A0;
	v23 =	vld [tilespmem:s17+$0xFFFFFFC0]  }
0x180: {  	v55 =	vld [tilespmem:s14+$0xFFFFFFE0];
	v25 =	vmul.f32 v16, v9;
	v20 =	vadd.f32 v24, v20  }
0x181: {  	v56 =	vld [tilespmem:s14+$0xFFFFFFF0];
	v27 =	vmul.f32 v19, v8;
	v11 =	vadd.f32 v11, v29  }
0x182: {  	v20 =	vadd.f32 v20, v25;
	v25 =	vld [tilespmem:s1+$0xD0]  }
0x183: {  	v11 =	vadd.f32 v11, v27;
	v28 =	vadd.f32 v21, v30;
	v30 =	vld [tilespmem:s19+$0x10]  }
0x184: {  	[tilespmem:s1+$0xC0] =	vst v20;
	v23 =	vadd.f32 v23, v31;
	v31 =	vld [tilespmem:s14+$0x10]  }
0x185: {  	[tilespmem:s1+$0x30] =	vst v11;
	v11 =	vld [tilespmem:s17+$0xD0]  }
0x186: {  	v36 =	vadd.f32 v48, v39;
	v39 =	vld [tilespmem:s31+$0xFFFFFF20]  }
0x187: {  	v26 =	vld [tilespmem:s1+$0x40]  }
0x188: {  	v12 =	vld [tilespmem:s1+$0xFFFFFF50]  }
0x189: {  	v15 =	vld [tilespmem:s1+$0xFFFFFFD0];
	v30 =	vsub.f32 v30, v31  }
0x18a: {  	v13 =	vld [tilespmem:s1+$0x50];
	v11 =	vadd.f32 v11, v25;
	v25 =	vmul.f32 v16, v10  }
0x18b: {  	v31 =	vld [tilespmem:s19+$0xFFFFFFF0];
	v30 =	vmul.f32 v30, v30  }
0x18c: {  	v11 =	vadd.f32 v11, v25;
	v25 =	vld [tilespmem:s19+$0xFFFFFFE0]  }
0x18d: {  	v14 =	vld [tilespmem:s1+$0xFFFFFF60];
	v34 =	vperm.xlane v30, v0;
	v57 =	vperm.xlane v30, v1  }
0x18e: {  	v22 =	vld [tilespmem:s1+$0x60];
	v20 =	vmul.f32 v17, v9  }
0x18f: {  	v24 =	vld [tilespmem:s1+$0xFFFFFFE0];
	[tilespmem:s1+$0xD0] =	vst v11;
	v30 =	vperm.xlane v30, v2;
	v11 =	vadd.f32 v57, v34  }
0x190: {  	v21 =	vld [tilespmem:s1+$0xFFFFFF70];
	v20 =	vadd.f32 v28, v20;
	v31 =	vsub.f32 v31, v56  }
0x191: {  	v29 =	vmul.f32 v18, v9;
	v25 =	vsub.f32 v25, v55;
	v11 =	vadd.f32 v30, v11;
	v30 =	vld [tilespmem:s14+$0x0]  }
0x192: {  	v27 =	vld [tilespmem:s17+$0x40];
	v31 =	vmul.f32 v31, v31  }
0x193: {  	v28 =	vadd.f32 v23, v29;
	v23 =	vld [tilespmem:s1+$0xFFFFFFF0];
	[tilespmem:s1+$0xFFFFFF40] =	vst v20;
	v25 =	vmul.f32 v25, v25  }
0x194: {  	v61 =	vadd.f32 v37, v58;
	v29 =	vld [tilespmem:s17+$0xFFFFFF50];
	v42 =	vperm.xlane v31, v0;
	v62 =	vmul.f32 v11, v4  }
0x195: {  	v20 =	vld [tilespmem:s1+$0x70];
	v40 =	vperm.xlane v25, v0;
	v41 =	vperm.xlane v25, v1  }
0x196: {  	[tilespmem:s1+$0xFFFFFFC0] =	vst v28;
	v34 =	vld [tilespmem:s17+$0xE0];
	v43 =	vperm.xlane v31, v1;
	v33 =	vadd.f32 v61, v62;
	v30 =	vsub.f32 v59, v30  }
0x197: {  	v32 =	vadd.f32 v63, v60;
	v28 =	vld [tilespmem:s17+$0xFFFFFFD0];
	v25 =	vperm.xlane v25, v2;
	v49 =	vadd.f32 v41, v40  }
0x198: {  	v56 =	vld [tilespmem:s31+$0xFFFFFF90];
	v31 =	vperm.xlane v31, v2;
	v51 =	vadd.f32 v43, v42;
	[tilespmem:s31+$0x80] =	vst v33;
	v53 =	vmul.f32 v30, v30  }
0x199: {  	v29 =	vadd.f32 v29, v12;
	v52 =	vld [tilespmem:s0+$0x90];
	v25 =	vadd.f32 v25, v49  }
0x19a: {  	v12 =	vld [tilespmem:s31+$0x50];
	v30 =	vadd.f32 v31, v51;
	v31 =	vperm.xlane v53, v0;
	v45 =	vperm.xlane v53, v1  }
0x19b: {  	v55 =	vld [tilespmem:s31+$0xFFFFFF10];
	v34 =	vadd.f32 v34, v38;
	v59 =	vmul.f32 v16, v7;
	v57 =	vmul.f32 v25, v4  }
0x19c: {  	v43 =	vld [tilespmem:s1+$0xF0];
	v62 =	vadd.f32 v54, v44;
	v42 =	vperm.xlane v53, v2;
	v31 =	vadd.f32 v45, v31  }
0x19d: {  	v61 =	vld [tilespmem:s31+$0xA0];
	v34 =	vadd.f32 v34, v59;
	v46 =	vmul.f32 v30, v4;
	v32 =	vadd.f32 v32, v57  }
0x19e: {  	v58 =	vmul.f32 v11, v5;
	v44 =	vld [tilespmem:s31+$0x30];
	v35 =	vadd.f32 v52, v50;
	v31 =	vadd.f32 v42, v31  }
0x19f: {  	v41 =	vld [tilespmem:s31+$0xFFFFFF30];
	[tilespmem:s1+$0xE0] =	vst v34;
	v36 =	vadd.f32 v36, v46  }
0x1a0: {  	v40 =	vld [tilespmem:s31+$0xFFFFFF40];
	[tilespmem:s31+$0xFFFFFF00] =	vst v32;
	v35 =	vadd.f32 v35, v58;
	v63 =	vmul.f32 v31, v4  }
0x1a1: {  	[tilespmem:s31+$0xFFFFFF80] =	vst v36;
	v60 =	vld [tilespmem:s0+$0xFFFFFF10]  }
0x1a2: {  	v36 =	vld [tilespmem:s0+$0xFFFFFF90];
	[tilespmem:s31+$0x90] =	vst v35;
	v34 =	vadd.f32 v62, v63  }
0x1a3: {  	v48 =	vld [tilespmem:s0+$0xA0]  }
0x1a4: {  	v49 =	vld [tilespmem:s31+$0x10];
	[tilespmem:s31+$0x0] =	vst v34  }
0x1a5: {  	v53 =	vld [tilespmem:s0+$0x10]  }
0x1a6: {  	v59 =	vld [tilespmem:s31+$0xB0];
	v50 =	vmul.f32 v25, v5;
	v33 =	vadd.f32 v60, v55  }
0x1a7: {  	v51 =	vmul.f32 v30, v5;
	v37 =	vld [tilespmem:s17+$0xF0];
	v52 =	vadd.f32 v36, v56  }
0x1a8: {  	v54 =	vmul.f32 v11, v6;
	v45 =	vld [tilespmem:s31+$0x20];
	v33 =	vadd.f32 v33, v50;
	v35 =	vadd.f32 v48, v61  }
0x1a9: {  	v26 =	vadd.f32 v27, v26;
	v57 =	vmul.f32 v19, v9;
	v32 =	vld [tilespmem:s31+$0xFFFFFFB0];
	v34 =	vadd.f32 v52, v51  }
0x1aa: {  	v42 =	vld [tilespmem:s31+$0xFFFFFFC0];
	v58 =	vmul.f32 v31, v5;
	[tilespmem:s31+$0xFFFFFF10] =	vst v33;
	v55 =	vadd.f32 v35, v54;
	v36 =	vadd.f32 v53, v49  }
0x1ab: {  	v26 =	vadd.f32 v26, v57;
	[tilespmem:s31+$0xFFFFFF90] =	vst v34;
	v56 =	vld [tilespmem:s0+$0xFFFFFF20]  }
0x1ac: {  	v27 =	vld [tilespmem:s0+$0xFFFFFFA0];
	[tilespmem:s31+$0xA0] =	vst v55;
	v33 =	vadd.f32 v36, v58  }
0x1ad: {  	[tilespmem:s1+$0x40] =	vst v26;
	v60 =	vld [tilespmem:s0+$0xB0]  }
0x1ae: {  	v15 =	vadd.f32 v28, v15;
	v26 =	vld [tilespmem:s31+$0xFFFFFF50];
	v53 =	vmul.f32 v18, v10;
	[tilespmem:s31+$0x10] =	vst v33  }
0x1af: {  	v51 =	vmul.f32 v17, v10;
	v49 =	vld [tilespmem:s0+$0x20]  }
0x1b0: {  	v61 =	vmul.f32 v25, v6;
	v48 =	vld [tilespmem:s17+$0x50];
	v15 =	vadd.f32 v15, v53;
	v62 =	vadd.f32 v56, v39  }
0x1b1: {  	v63 =	vmul.f32 v30, v6;
	v29 =	vadd.f32 v29, v51;
	v36 =	vld [tilespmem:s31+$0x40];
	v47 =	vadd.f32 v27, v47  }
0x1b2: {  	v50 =	vmul.f32 v11, v8;
	v58 =	vld [tilespmem:s31+$0xC0];
	[tilespmem:s1+$0xFFFFFFD0] =	vst v15;
	v33 =	vadd.f32 v62, v61;
	v34 =	vadd.f32 v60, v59  }
0x1b3: {  	[tilespmem:s1+$0xFFFFFF50] =	vst v29;
	v35 =	vadd.f32 v47, v63;
	v61 =	vld [tilespmem:s17+$0xFFFFFFE0]  }
0x1b4: {  	v54 =	vmul.f32 v31, v6;
	v60 =	vld [tilespmem:s17+$0xFFFFFF60];
	[tilespmem:s31+$0xFFFFFF20] =	vst v33;
	v52 =	vadd.f32 v34, v50;
	v55 =	vadd.f32 v49, v45  }
0x1b5: {  	[tilespmem:s31+$0xFFFFFFA0] =	vst v35;
	v28 =	vld [tilespmem:s0+$0xFFFFFF30]  }
0x1b6: {  	v57 =	vmul.f32 v19, v10;
	v13 =	vadd.f32 v48, v13;
	v56 =	vld [tilespmem:s0+$0xFFFFFFB0];
	[tilespmem:s31+$0xB0] =	vst v52;
	v29 =	vadd.f32 v55, v54  }
0x1b7: {  	v59 =	vld [tilespmem:s0+$0xC0]  }
0x1b8: {  	v27 =	vld [tilespmem:s31+$0xFFFFFFD0];
	v13 =	vadd.f32 v13, v57;
	v50 =	vmul.f32 v18, v7;
	v24 =	vadd.f32 v61, v24;
	[tilespmem:s31+$0x20] =	vst v29  }
0x1b9: {  	v47 =	vmul.f32 v17, v7;
	v33 =	vadd.f32 v60, v14;
	v29 =	vld [tilespmem:s0+$0x30]  }
0x1ba: {  	v15 =	vmul.f32 v25, v8;
	[tilespmem:s1+$0x50] =	vst v13;
	v13 =	vld [tilespmem:s31+$0xFFFFFF60];
	v24 =	vadd.f32 v24, v50;
	v28 =	vadd.f32 v28, v41  }
0x1bb: {  	v62 =	vmul.f32 v30, v8;
	v63 =	vld [tilespmem:s17+$0x60];
	v32 =	vadd.f32 v56, v32;
	v33 =	vadd.f32 v33, v47  }
0x1bc: {  	v46 =	vmul.f32 v11, v9;
	v52 =	vld [tilespmem:s31+$0xD0];
	[tilespmem:s1+$0xFFFFFFE0] =	vst v24;
	v28 =	vadd.f32 v28, v15;
	v34 =	vadd.f32 v59, v58  }
0x1bd: {  	v48 =	vmul.f32 v31, v8;
	v14 =	vld [tilespmem:s31+$0x60];
	v32 =	vadd.f32 v32, v62;
	[tilespmem:s1+$0xFFFFFF60] =	vst v33  }
0x1be: {  	v54 =	vmul.f32 v18, v3;
	v18 =	vld [tilespmem:s17+$0xFFFFFF70];
	[tilespmem:s31+$0xFFFFFF30] =	vst v28;
	v28 =	vadd.f32 v34, v46;
	v29 =	vadd.f32 v29, v44  }
0x1bf: {  	[tilespmem:s31+$0xFFFFFFB0] =	vst v32;
	v49 =	vld [tilespmem:s0+$0xFFFFFF40]  }
0x1c0: {  	v22 =	vadd.f32 v63, v22;
	v51 =	vld [tilespmem:s0+$0xFFFFFFC0];
	[tilespmem:s31+$0xC0] =	vst v28;
	v28 =	vmul.f32 v19, v7;
	v29 =	vadd.f32 v29, v48  }
0x1c1: {  	v16 =	vmul.f32 v16, v3;
	v58 =	vld [tilespmem:s17+$0xFFFFFFF0]  }
0x1c2: {  	v37 =	vadd.f32 v37, v43;
	v57 =	vmul.f32 v31, v9;
	v53 =	vld [tilespmem:s0+$0xD0];
	v22 =	vadd.f32 v22, v28;
	[tilespmem:s31+$0x30] =	vst v29  }
0x1c3: {  	v17 =	vmul.f32 v17, v3;
	v55 =	vmul.f32 v19, v3;
	v56 =	vld [tilespmem:s0+$0x40]  }
0x1c4: {  	v15 =	vld [tilespmem:s31+$0xFFFFFFE0];
	v19 =	vadd.f32 v37, v16;
	v16 =	vmul.f32 v25, v9;
	[tilespmem:s1+$0x60] =	vst v22;
	v22 =	vadd.f32 v49, v40  }
0x1c5: {  	v24 =	vmul.f32 v30, v9;
	v18 =	vadd.f32 v18, v21;
	v59 =	vadd.f32 v51, v42;
	v60 =	vld [tilespmem:s17+$0x70]  }
0x1c6: {  	v61 =	vmul.f32 v11, v10;
	v33 =	vld [tilespmem:s31+$0x70];
	v63 =	vadd.f32 v58, v23;
	v22 =	vadd.f32 v22, v16  }
0x1c7: {  	v21 =	vld [tilespmem:s31+$0xFFFFFFF0];
	v23 =	vmul.f32 v31, v7;
	[tilespmem:s1+$0xF0] =	vst v19;
	v42 =	vadd.f32 v59, v24;
	v32 =	vadd.f32 v53, v52  }
0x1c8: {  	v28 =	vmul.f32 v30, v10;
	v18 =	vadd.f32 v18, v17;
	v16 =	vld [tilespmem:s31+$0xFFFFFF70];
	[tilespmem:s31+$0xFFFFFF40] =	vst v22;
	v62 =	vadd.f32 v56, v36  }
0x1c9: {  	v19 =	vmul.f32 v25, v7;
	v29 =	vmul.f32 v25, v10;
	[tilespmem:s31+$0xFFFFFFC0] =	vst v42;
	v32 =	vadd.f32 v32, v61;
	v35 =	vld [tilespmem:s0+$0xFFFFFF50]  }
0x1ca: {  	v17 =	vmul.f32 v30, v3;
	[tilespmem:s1+$0xFFFFFF70] =	vst v18;
	v36 =	vld [tilespmem:s0+$0xFFFFFFD0];
	v38 =	vadd.f32 v60, v20;
	v37 =	vadd.f32 v62, v57  }
0x1cb: {  	v22 =	vmul.f32 v30, v7;
	v30 =	vld [tilespmem:s31+$0xE0];
	[tilespmem:s31+$0xD0] =	vst v32;
	v20 =	vmul.f32 v25, v3;
	v25 =	vadd.f32 v63, v54  }
0x1cc: {  	s7 =	simm.s32 $0xD1E0;
	s18 =	simm.s32 $0x4;
	v24 =	vmul.f32 v31, v10;
	v18 =	vmul.f32 v31, v3;
	s17 =	simm.s32 $0xAC40;
	v32 =	vld [tilespmem:s0+$0xE0];
	v31 =	vadd.f32 v38, v55;
	[tilespmem:s31+$0x40] =	vst v37  }
.LBB2_5:
0x1cd: {  	v34 =	vld [tilespmem:s7+$0x10];
	s14 =	sadd.s32 $0x40, s14;
	[tilespmem:s1+$0xFFFFFFF0] =	vst v25;
	v25 =	vmov v33  }
0x1ce: {  	s18 =	sadd.s32 $0x4, s18;
	v33 =	vld [tilespmem:s14+$0x10];
	v26 =	vadd.f32 v35, v26;
	[tilespmem:s1+$0x70] =	vst v31;
	s1 =	smov.u32 s31  }
0x1cf: {  	p0 =	slt.u32 s18, $0x4C;
	v31 =	vld [tilespmem:s14+$0xFFFFFFE0];
	v27 =	vadd.f32 v36, v27  }
0x1d0: {  	v35 =	vld [tilespmem:s7+$0xFFFFFFF0];
	v26 =	vadd.f32 v26, v29  }
0x1d1: {  	v29 =	vld [tilespmem:s14+$0xFFFFFFF0];
	v27 =	vadd.f32 v27, v28;
	v28 =	vadd.f32 v32, v30;
	v30 =	vmul.f32 v11, v7  }
0x1d2: {  	v32 =	vld [tilespmem:s7+$0x0];
	[tilespmem:s31+$0xFFFFFF50] =	vst v26  }
0x1d3: {  	v26 =	vld [tilespmem:s14+$0x0];
	v33 =	vsub.f32 v34, v33;
	[tilespmem:s31+$0xFFFFFFD0] =	vst v27;
	v27 =	vadd.f32 v28, v30  }
0x1d4: {  	v28 =	vld [tilespmem:s7+$0xFFFFFFE0]  }
0x1d5: {  	v30 =	vmul.f32 v33, v33;
	[tilespmem:s31+$0xE0] =	vst v27;
	v27 =	vld [tilespmem:s31+$0xF0]  }
0x1d6: {  	s31 =	sadd.s32 $0x200, s31;
	v29 =	vsub.f32 v35, v29;
	v33 =	vld [tilespmem:s0+$0xF0]  }
0x1d7: {  	s0 =	sadd.s32 $0x200, s0;
	v34 =	vperm.xlane v30, v0;
	v35 =	vperm.xlane v30, v1;
	v36 =	vld [tilespmem:s31+$0x80]  }
0x1d8: {  	v29 =	vmul.f32 v29, v29;
	v26 =	vsub.f32 v32, v26;
	v32 =	vld [tilespmem:s0+$0x80]  }
0x1d9: {  	v30 =	vperm.xlane v30, v2;
	v28 =	vsub.f32 v28, v31;
	v31 =	vld [tilespmem:s31+$0xFFFFFF00];
	v34 =	vadd.f32 v35, v34  }
0x1da: {  	v35 =	vld [tilespmem:s0+$0xFFFFFF00];
	v37 =	vperm.xlane v29, v0;
	v26 =	vmul.f32 v26, v26  }
0x1db: {  	v38 =	vld [tilespmem:s31+$0xFFFFFF80];
	v27 =	vadd.f32 v33, v27;
	v33 =	vmul.f32 v11, v3;
	v11 =	vadd.f32 v30, v34  }
0x1dc: {  	v28 =	vmul.f32 v28, v28;
	v30 =	vperm.xlane v29, v1;
	v34 =	vld [tilespmem:s0+$0xFFFFFF80]  }
0x1dd: {  	v39 =	vld [tilespmem:s31+$0x0];
	v32 =	vadd.f32 v32, v36;
	v36 =	vmul.f32 v11, v4;
	v27 =	vadd.f32 v27, v33  }
0x1de: {  	v33 =	vperm.xlane v28, v0;
	v40 =	vperm.xlane v28, v1;
	v30 =	vadd.f32 v30, v37;
	v37 =	vld [tilespmem:s0+$0x0]  }
0x1df: {  	v42 =	vperm.xlane v26, v0;
	v43 =	vperm.xlane v26, v1;
	v41 =	vld [tilespmem:s31+$0xFFFFFF10];
	v32 =	vadd.f32 v32, v36;
	[tilespmem:s1+$0xF0] =	vst v27  }
0x1e0: {  	v29 =	vperm.xlane v29, v2;
	v28 =	vperm.xlane v28, v2;
	v27 =	vadd.f32 v40, v33;
	v36 =	vld [tilespmem:s31+$0xFFFFFF90]  }
0x1e1: {  	v26 =	vperm.xlane v26, v2;
	v31 =	vadd.f32 v35, v31;
	v33 =	vadd.f32 v43, v42;
	[tilespmem:s31+$0x80] =	vst v32;
	v32 =	vld [tilespmem:s31+$0x90]  }
0x1e2: {  	v35 =	vadd.f32 v29, v30;
	v27 =	vadd.f32 v28, v27;
	v28 =	vld [tilespmem:s0+$0x90]  }
0x1e3: {  	v29 =	vadd.f32 v34, v38;
	v26 =	vadd.f32 v26, v33;
	v34 =	vld [tilespmem:s31+$0x10]  }
0x1e4: {  	v33 =	vmul.f32 v35, v4;
	v30 =	vmul.f32 v27, v4;
	v37 =	vadd.f32 v37, v39;
	v38 =	vld [tilespmem:s31+$0xFFFFFF20]  }
0x1e5: {  	v39 =	vmul.f32 v27, v5;
	v42 =	vmul.f32 v26, v4;
	v40 =	vld [tilespmem:s31+$0xFFFFFFA0]  }
0x1e6: {  	v43 =	vmul.f32 v35, v5;
	v29 =	vadd.f32 v29, v33;
	v30 =	vadd.f32 v31, v30;
	v44 =	vld [tilespmem:s31+$0x20]  }
0x1e7: {  	v31 =	vadd.f32 v37, v42;
	v45 =	vld [tilespmem:s31+$0xFFFFFF30];
	v28 =	vadd.f32 v28, v32;
	v32 =	vmul.f32 v11, v5  }
0x1e8: {  	v46 =	vmul.f32 v26, v5;
	v37 =	vmul.f32 v27, v6;
	[tilespmem:s31+$0xFFFFFF00] =	vst v30;
	v42 =	vld [tilespmem:s31+$0xFFFFFFB0]  }
0x1e9: {  	v48 =	vmul.f32 v35, v6;
	v49 =	vmul.f32 v26, v6;
	v47 =	vld [tilespmem:s0+$0xFFFFFF10];
	[tilespmem:s31+$0xFFFFFF80] =	vst v29;
	v28 =	vadd.f32 v28, v32  }
0x1ea: {  	v51 =	vmul.f32 v35, v8;
	v50 =	vmul.f32 v27, v8;
	v32 =	vld [tilespmem:s0+$0xFFFFFF90];
	[tilespmem:s31+$0x0] =	vst v31  }
0x1eb: {  	v52 =	vmul.f32 v26, v8;
	v31 =	vmul.f32 v27, v9;
	[tilespmem:s31+$0x90] =	vst v28;
	v53 =	vld [tilespmem:s31+$0xA0]  }
0x1ec: {  	v33 =	vmul.f32 v35, v9;
	v30 =	vmul.f32 v26, v9;
	v54 =	vld [tilespmem:s0+$0xA0]  }
0x1ed: {  	v29 =	vmul.f32 v27, v10;
	v28 =	vmul.f32 v35, v10;
	v55 =	vld [tilespmem:s0+$0x10]  }
0x1ee: {  	v57 =	vmul.f32 v26, v10;
	v41 =	vadd.f32 v47, v41;
	v47 =	vmul.f32 v27, v7;
	v56 =	vld [tilespmem:s31+$0x30]  }
0x1ef: {  	v59 =	vmul.f32 v35, v7;
	v60 =	vmul.f32 v26, v7;
	v58 =	vld [tilespmem:s31+$0xFFFFFF40];
	v36 =	vadd.f32 v32, v36  }
0x1f0: {  	v32 =	vmul.f32 v35, v3;
	v39 =	vadd.f32 v41, v39;
	v41 =	vmul.f32 v27, v3;
	v61 =	vld [tilespmem:s31+$0xFFFFFFC0]  }
0x1f1: {  	v27 =	vadd.f32 v36, v43;
	v35 =	vld [tilespmem:s31+$0x40];
	v36 =	vadd.f32 v54, v53;
	v43 =	vmul.f32 v11, v6  }
0x1f2: {  	[tilespmem:s31+$0xFFFFFF10] =	vst v39;
	v39 =	vadd.f32 v55, v34;
	v34 =	vmul.f32 v26, v3;
	v26 =	vld [tilespmem:s17+$0x50]  }
0x1f3: {  	v53 =	vld [tilespmem:s0+$0xFFFFFF20];
	[tilespmem:s31+$0xFFFFFF90] =	vst v27;
	v27 =	vadd.f32 v36, v43  }
0x1f4: {  	v36 =	vld [tilespmem:s0+$0xFFFFFFA0];
	v39 =	vadd.f32 v39, v46  }
0x1f5: {  	[tilespmem:s31+$0xA0] =	vst v27;
	v43 =	vld [tilespmem:s31+$0xB0]  }
0x1f6: {  	[tilespmem:s31+$0x10] =	vst v39;
	v39 =	vld [tilespmem:s0+$0xB0]  }
0x1f7: {  	v46 =	vld [tilespmem:s0+$0x20];
	v12 =	vadd.f32 v26, v12  }
0x1f8: {  	v38 =	vadd.f32 v53, v38;
	v26 =	vld [tilespmem:s31+$0xFFFFFF50]  }
0x1f9: {  	v36 =	vadd.f32 v36, v40;
	v27 =	vld [tilespmem:s31+$0xFFFFFFD0];
	v40 =	vadd.f32 v12, v24;
	v24 =	vmov v57  }
0x1fa: {  	v37 =	vadd.f32 v38, v37;
	v12 =	vld [tilespmem:s31+$0x50]  }
0x1fb: {  	v36 =	vadd.f32 v36, v48;
	v38 =	vadd.f32 v39, v43;
	v39 =	vmul.f32 v11, v8;
	v43 =	vld [tilespmem:s17+$0xFFFFFF60];
	[tilespmem:s1+$0x50] =	vst v40  }
0x1fc: {  	[tilespmem:s31+$0xFFFFFF20] =	vst v37;
	v37 =	vadd.f32 v46, v44;
	v40 =	vld [tilespmem:s17+$0xFFFFFFE0]  }
0x1fd: {  	v44 =	vld [tilespmem:s0+$0xFFFFFF30];
	[tilespmem:s31+$0xFFFFFFA0] =	vst v36;
	v36 =	vadd.f32 v38, v39  }
0x1fe: {  	v38 =	vld [tilespmem:s0+$0xFFFFFFB0];
	v37 =	vadd.f32 v37, v49  }
0x1ff: {  	[tilespmem:s31+$0xB0] =	vst v36;
	v36 =	vld [tilespmem:s31+$0xC0]  }
0x200: {  	[tilespmem:s31+$0x20] =	vst v37;
	v37 =	vld [tilespmem:s0+$0xC0];
	v13 =	vadd.f32 v43, v13  }
0x201: {  	v39 =	vld [tilespmem:s0+$0x30];
	v15 =	vadd.f32 v40, v15  }
0x202: {  	v40 =	vadd.f32 v44, v45;
	v43 =	vadd.f32 v13, v19;
	v44 =	vld [tilespmem:s17+$0x60];
	v19 =	vmov v47  }
0x203: {  	v13 =	vld [tilespmem:s31+$0xFFFFFF60];
	v38 =	vadd.f32 v38, v42;
	v42 =	vadd.f32 v15, v22;
	v22 =	vmov v59  }
0x204: {  	v40 =	vadd.f32 v40, v50;
	v15 =	vld [tilespmem:s31+$0xFFFFFFE0];
	[tilespmem:s1+$0xFFFFFF60] =	vst v43  }
0x205: {  	v38 =	vadd.f32 v38, v51;
	v43 =	vld [tilespmem:s31+$0x60];
	v36 =	vadd.f32 v37, v36;
	v37 =	vmul.f32 v11, v9;
	[tilespmem:s1+$0xFFFFFFE0] =	vst v42  }
0x206: {  	[tilespmem:s31+$0xFFFFFF30] =	vst v40;
	v39 =	vadd.f32 v39, v56;
	v40 =	vld [tilespmem:s17+$0xFFFFFF70]  }
0x207: {  	v42 =	vld [tilespmem:s0+$0xFFFFFF40];
	[tilespmem:s31+$0xFFFFFFB0] =	vst v38;
	v36 =	vadd.f32 v36, v37;
	v44 =	vadd.f32 v44, v14  }
0x208: {  	v37 =	vld [tilespmem:s0+$0xFFFFFFC0];
	v38 =	vadd.f32 v39, v52  }
0x209: {  	[tilespmem:s31+$0xC0] =	vst v36;
	v36 =	vld [tilespmem:s31+$0xD0];
	v39 =	vadd.f32 v44, v23;
	v23 =	vmov v60  }
0x20a: {  	[tilespmem:s31+$0x30] =	vst v38;
	v38 =	vld [tilespmem:s0+$0xD0];
	v14 =	vmov v43  }
0x20b: {  	v43 =	vld [tilespmem:s0+$0x40];
	v16 =	vadd.f32 v40, v16;
	[tilespmem:s1+$0x60] =	vst v39  }
0x20c: {  	v39 =	vadd.f32 v42, v58;
	v40 =	vld [tilespmem:s17+$0xFFFFFFF0]  }
0x20d: {  	v37 =	vadd.f32 v37, v61;
	v42 =	vadd.f32 v16, v20;
	v44 =	vld [tilespmem:s17+$0x70];
	v20 =	vmov v41;
	s17 =	smov.u32 s0  }
0x20e: {  	v31 =	vadd.f32 v39, v31;
	v16 =	vld [tilespmem:s31+$0xFFFFFF70]  }
0x20f: {  	v37 =	vadd.f32 v37, v33;
	v39 =	vld [tilespmem:s31+$0xFFFFFFF0];
	v36 =	vadd.f32 v38, v36;
	v38 =	vmul.f32 v11, v10;
	[tilespmem:s1+$0xFFFFFF70] =	vst v42  }
.Ltmp1:
0x210: {  	[tilespmem:s31+$0xFFFFFF40] =	vst v31;
	v31 =	vadd.f32 v43, v35;
	v33 =	vld [tilespmem:s31+$0x70];
	(pc) =	sbr.rel @p0 .LBB2_5-.Ltmp1, $4  }
0x211: {  	v35 =	vld [tilespmem:s0+$0xFFFFFF50];
	[tilespmem:s31+$0xFFFFFFC0] =	vst v37;
	v37 =	vadd.f32 v36, v38;
	v40 =	vadd.f32 v40, v21  }
0x212: {  	v36 =	vld [tilespmem:s0+$0xFFFFFFD0];
	v31 =	vadd.f32 v31, v30;
	v38 =	vadd.f32 v44, v25  }
0x213: {  	[tilespmem:s31+$0xD0] =	vst v37;
	v30 =	vld [tilespmem:s31+$0xE0];
	v25 =	vadd.f32 v40, v17;
	v17 =	vmov v32  }
0x214: {  	s7 =	sadd.s32 $0x40, s7;
	[tilespmem:s31+$0x40] =	vst v31;
	v32 =	vld [tilespmem:s0+$0xE0];
	v31 =	vadd.f32 v38, v18;
	v18 =	vmov v34;
	v21 =	vmov v39  }
0x215: {  	v4 =	vld [tilespmem:s17+$0x50];
	_ =	sdelay $0x2  }
0x216: {  	v5 =	vadd.f32 v35, v26  }
0x217: {  	v6 =	vadd.f32 v36, v27  }
0x218: {  	v5 =	vadd.f32 v5, v29;
	v4 =	vadd.f32 v4, v12  }
0x219: {  	v6 =	vadd.f32 v6, v28  }
0x21a: {  	[tilespmem:s31+$0xFFFFFF50] =	vst v5;
	v4 =	vadd.f32 v4, v24  }
0x21b: {  	[tilespmem:s31+$0xFFFFFFD0] =	vst v6;
	v5 =	vld [tilespmem:s17+$0xFFFFFF60]  }
0x21c: {  	v55 =	vld [tilespmem:s17+$0xFFFFFFE0];
	[tilespmem:s31+$0x50] =	vst v4  }
0x21d: {  	v56 =	vld [tilespmem:s17+$0x60];
	_ =	sdelay $0x1  }
0x21e: {  	v7 =	vmul.f32 v11, v7;
	v8 =	vadd.f32 v32, v30  }
0x21f: {  	v5 =	vadd.f32 v5, v13  }
0x220: {  	v7 =	vadd.f32 v8, v7;
	v4 =	vadd.f32 v55, v15  }
0x221: {  	v5 =	vadd.f32 v5, v19;
	v6 =	vadd.f32 v56, v14  }
0x222: {  	v57 =	vld [tilespmem:s31+$0xF0];
	[tilespmem:s31+$0xE0] =	vst v7;
	v4 =	vadd.f32 v4, v22  }
0x223: {  	v58 =	vld [tilespmem:s0+$0xF0];
	[tilespmem:s31+$0xFFFFFF60] =	vst v5;
	v59 =	vadd.f32 v6, v23  }
0x224: {  	[tilespmem:s31+$0xFFFFFFE0] =	vst v4;
	v60 =	vld [tilespmem:s17+$0xFFFFFF70]  }
0x225: {  	v61 =	vld [tilespmem:s17+$0xFFFFFFF0];
	[tilespmem:s31+$0x60] =	vst v59  }
0x226: {  	v62 =	vld [tilespmem:s17+$0x70];
	_ =	sdelay $0x1  }
0x227: {  	v3 =	vmul.f32 v11, v3;
	v7 =	vadd.f32 v58, v57  }
0x228: {  	v4 =	vadd.f32 v60, v16  }
0x229: {  	[tilespmem:s1+$0xFFFFFFF0] =	vst v25;
	v3 =	vadd.f32 v7, v3;
	v5 =	vadd.f32 v61, v21  }
0x22a: {  	[tilespmem:s1+$0x70] =	vst v31;
	v4 =	vadd.f32 v4, v20;
	v6 =	vadd.f32 v62, v33  }
0x22b: {  	s30 =	sadd.s32 s3, s30;
	[tilespmem:s31+$0xF0] =	vst v3;
	v3 =	vadd.f32 v5, v17  }
0x22c: {  	s29 =	sadd.s32 $0x1, s29;
	s0 =	sshll.u32 s30, $0x4;
	[tilespmem:s31+$0xFFFFFF70] =	vst v4;
	v63 =	vadd.f32 v6, v18  }
0x22d: {  	p0 =	sne.s32 s29, $0x1F;
	s0 =	sand.u32 $0x1FFFFF00, s0;
	[tilespmem:s31+$0xFFFFFFF0] =	vst v3  }
.Ltmp2:
0x22e: {  	s0 =	sadd.s32 s8, s0;
	[tilespmem:s31+$0x70] =	vst v63;
	(pc) =	sbr.rel @p0 .LBB2_2-.Ltmp2, $4  }
0x22f: {  	[hbm4b:s0+s2] =	stream.linear.scatter [tilespmem:s20], [sflag:$0x3], $0x2800, $0x38;
	[tilespmem:$0xDB40] =	vst v63  }
0x230: {  	_ =	swait.ge [sflag:s12], $0x2800  }
0x231: {  	[sflag:s12] =	ssyncset.done $0x0  }
0x232: {  	[sflag:s12] =	ssyncadd.s32 $0xFFFFD800  }
0x233: {  	s28 =	sadd.s32 $0x1, s28  }
0x234: {  	p0 =	sne.s32 s28, s11  }
.Ltmp3:
0x235: {  	_ = 	snop;
	(pc) =	sbr.rel @p0 .LBB2_1-.Ltmp3, $1  }
0x236: {  	_ =	sdelay $0x3  }
0x237: {  	_ =	sfence.sel $0x180000  }
0x238: {  	[bflag:$0x0] =	sbarrier.arrive $0xFFFF  }
0x239: {  	_ =	strace $0x9000004A  }
0x23a: {  	s0 =	stileid.u32;
	[bflag:$0x2] =	sbarrier.arrive $0xFFFF  }
0x23b: {  	p0 =	sne.s32 s0, $0x0;
	s0 =	rddreg [dreg:$0x1]  }
0x23c: {  	s0 =	sadd.s32 @!p0 $0x100000, s0  }
0x23d: {  	[sflag:s0] =	ssyncadd.tile.s32 @!p0 $0x1;
	_ =	shalt  }
.Lfunc_end2:
_tile_overlayer_lowered:
.L_overlay_start_2:
0x23e: {  	(tag) =	ssettag $0x2  }
0x23f: {  	s0 =	rddreg [dreg:$0x0];
	s2 =	stileid.u32  }
0x240: {  	s1 =	rddreg [dreg:$0x1];
	p0 =	sne.s32 s2, $0x0  }
0x241: {  	s3 =	rddreg [dreg:$0x2];
	[bflag:$0x3] =	sbarrier.arrive $0xFFFF;
	s2 =	simm.s32 @!p0 $0x1C03  }
0x242: {  	[timem:s3], [sflag:s2] =	dma.local @!p0 [hbm:s0], s1  }
0x243: {  	s0 =	simm.s32 @!p0 $0x3  }
0x244: {  	_ =	swait.ge @!p0 [sflag:s0], s1  }
0x245: {  	s1 =	ssub.s32 @!p0 $0x0, s1;
	[sflag:s0] =	ssyncset.done @!p0 $0x0  }
0x246: {  	[sflag:s0] =	ssyncadd.s32 @!p0 s1  }
0x247: {  	[bflag:$0x3] =	sbarrier.arrive $0xFFFF  }
0x248: {  	_ =	shalt  }

// kernel: kernel.16.cloned.1.call-start
scs
__scs_entry_jumppad:
0x0: {  	(pc) =	sbr.rel $0x88, $3  }
0x1: {  	(tag) =	ssettag $0x0;
	lr =	simm.s32 $0x1  }
0x2: {  	[smem:$0x3F8B] =	sst lr;
	_ =	strace $0xD0000000  }
0x3: {  	_ = 	snop  }
0x4: {  	_ = 	snop  }
0x5: {  	_ = 	snop  }
0x6: {  	_ = 	snop  }
0x7: {  	_ = 	snop  }
__scs_overlays_trampoline_lowered:
0x8: {  	[smem:$0x3F9A] =	sst s0  }
0x9: {  	[smem:$0x3F9B] =	sst s1  }
0xa: {  	[smem:$0x3F9C] =	sst s2  }
0xb: {  	[smem:$0x3F9D] =	sst s3  }
0xc: {  	[smem:$0x3F9E] =	sst s4  }
0xd: {  	[smem:$0x3F9F] =	sst s5  }
0xe: {  	[smem:$0x3FA0] =	sst s6  }
0xf: {  	[smem:$0x3FA1] =	sst s7  }
0x10: {  	[smem:$0x3FA2] =	sst s8  }
0x11: {  	[smem:$0x3FA3] =	sst s9;
	s0 =	simm.s32 @!p0 $0x0  }
0x12: {  	s1 =	sld [smem:$0x3F89];
	s0 =	simm.s32 @p0 $0x1  }
0x13: {  	[smem:$0x3FA4] =	sst s0;
	s0 =	simm.s32 @!p1 $0x0  }
0x14: {  	s2 =	sld [smem:$0x3F88];
	s0 =	simm.s32 @p1 $0x1  }
0x15: {  	[smem:$0x3FA5] =	sst s0;
	s0 =	simm.s32 @!p2 $0x0  }
0x16: {  	s3 =	sld [smem:$0x3FDB];
	s0 =	simm.s32 @p2 $0x1  }
0x17: {  	s4 =	simm.s32 $0x1BF5;
	[smem:$0x3FA7] =	sst s0  }
0x18: {  	s0 =	sld [smem:$0x3F8A];
	_ =	swait.ge [sflag:s4], $0x0  }
0x19: {  	s7 =	sld [smem:$0x3F8B]  }
0x1a: {  	s8 =	sadd.s32 $0xFFFFE003, lr  }
0x1b: {  	s9 =	sadd.s32 $0xFFFFFEF7, lr;
	s5 =	simm.s32 $0xFFFFFFFF;
	p2 =	slt.u32 s8, $0xFFFFF086  }
0x1c: {  	p1 =	slt.u32 s9, $0xF7A;
	s5 =	simm.s32 @!p2 $0x0  }
0x1d: {  	s5 =	simm.s32 @p1 $0x1;
	p0 =	seq.s32 s7, s2  }
0x1e: {  	s7 =	smul.u32 @!p0 $0xF7A, s2;
	p2 =	seq.s32 @!p0 s5, $0x0  }
0x1f: {  	s9 =	smul.u32 $0xF7A, s1;
	s8 =	simm.s32 @!p0 $0x1BF5;
	p2 =	por !p2, p0  }
0x20: {  	[sflag:s8] =	ssyncset.s32 @!p0 $0xFFFFF086;
	s6 =	sadd.s32 @!p0 s3, s7;
	s7 =	simm.s32 @!p0 $0x108  }
0x21: {  	s3 =	sadd.s32 s3, s9;
	s6 =	sadd.s32 @!p0 $0x88, s6;
	s7 =	simm.s32 @p2 $0x1082  }
0x22: {  	[simem:s7], [sflag:s8] =	dma.local @!p0 [hbm:s6], $0xF7A  }
0x23: {  	s9 =	sor.u32 $0xD0000000, s2;
	s6 =	simm.s32 $0x108;
	_ =	swait.ge @!p0 [sflag:s8], $0x0  }
0x24: {  	s3 =	sadd.s32 $0x88, s3;
	s6 =	simm.s32 @!p1 $0x1082;
	[sflag:s4] =	ssyncset.s32 $0xFFFFF086  }
0x25: {  	[simem:s6], [sflag:s4] =	dma.local [hbm:s3], $0xF7A  }
0x26: {  	[smem:$0x3F8B] =	sst s1;
	(tag) =	ssettag s2;
	_ =	strace s9  }
0x27: {  	s1 =	sld [smem:$0x3F9B]  }
0x28: {  	s2 =	sld [smem:$0x3F9C]  }
0x29: {  	s4 =	sld [smem:$0x3F9E]  }
0x2a: {  	p0 =	seq.s32 s5, $0x0;
	s5 =	sld [smem:$0x3F9F]  }
0x2b: {  	s6 =	sld [smem:$0x3FA0]  }
0x2c: {  	s7 =	sld [smem:$0x3FA1]  }
0x2d: {  	s3 =	simm.s32 $0x108;
	s8 =	sld [smem:$0x3FA2]  }
0x2e: {  	s3 =	simm.s32 @!p0 $0x1082;
	s9 =	sld [smem:$0x3FA3]  }
0x2f: {  	lr =	sadd.s32 s0, s3;
	s0 =	sld [smem:$0x3F9A]  }
0x30: {  	s3 =	sld [smem:$0x3F9D]  }
0x31: {  	[smem:$0x3FA6] =	sst s10  }
0x32: {  	s10 =	sld [smem:$0x3FA4];
	_ =	sdelay $0x3  }
0x33: {  	p0 =	seq.s32 s10, $0x1;
	s10 =	sld [smem:$0x3FA6];
	_ =	sdelay $0x3  }
0x34: {  	[smem:$0x3FA6] =	sst s10  }
0x35: {  	s10 =	sld [smem:$0x3FA5];
	_ =	sdelay $0x3  }
0x36: {  	p1 =	seq.s32 s10, $0x1;
	s10 =	sld [smem:$0x3FA6];
	_ =	sdelay $0x3  }
0x37: {  	[smem:$0x3FA6] =	sst s10  }
0x38: {  	s10 =	sld [smem:$0x3FA7]  }
0x39: {  	_ = 	snop;
	(pc) =	sbr.ind lr, $3  }
0x3a: {  	_ = 	snop  }
0x3b: {  	_ = 	snop  }
0x3c: {  	p2 =	seq.s32 s10, $0x1;
	s10 =	sld [smem:$0x3FA6]  }
0x3d: {  	_ =	shalt  }
0x3e: {  	_ =	shalt  }
0x3f: {  	_ =	shalt  }
0x40: {  	_ =	shalt  }
0x41: {  	_ =	shalt  }
0x42: {  	_ =	shalt  }
0x43: {  	_ =	shalt  }
0x44: {  	_ =	shalt  }
0x45: {  	_ =	shalt  }
0x46: {  	_ =	shalt  }
0x47: {  	_ =	shalt  }
0x48: {  	_ =	shalt  }
0x49: {  	_ =	shalt  }
0x4a: {  	_ =	shalt  }
0x4b: {  	_ =	shalt  }
0x4c: {  	_ =	shalt  }
0x4d: {  	_ =	shalt  }
0x4e: {  	_ =	shalt  }
0x4f: {  	_ =	shalt  }
0x50: {  	_ =	shalt  }
0x51: {  	_ =	shalt  }
0x52: {  	_ =	shalt  }
0x53: {  	_ =	shalt  }
0x54: {  	_ =	shalt  }
0x55: {  	_ =	shalt  }
0x56: {  	_ =	shalt  }
0x57: {  	_ =	shalt  }
0x58: {  	_ =	shalt  }
0x59: {  	_ =	shalt  }
0x5a: {  	_ =	shalt  }
0x5b: {  	_ =	shalt  }
0x5c: {  	_ =	shalt  }
0x5d: {  	_ =	shalt  }
0x5e: {  	_ =	shalt  }
0x5f: {  	_ =	shalt  }
0x60: {  	_ =	shalt  }
0x61: {  	_ =	shalt  }
0x62: {  	_ =	shalt  }
0x63: {  	_ =	shalt  }
0x64: {  	_ =	shalt  }
0x65: {  	_ =	shalt  }
0x66: {  	_ =	shalt  }
0x67: {  	_ =	shalt  }
0x68: {  	_ =	shalt  }
0x69: {  	_ =	shalt  }
0x6a: {  	_ =	shalt  }
0x6b: {  	_ =	shalt  }
0x6c: {  	_ =	shalt  }
0x6d: {  	_ =	shalt  }
0x6e: {  	_ =	shalt  }
0x6f: {  	_ =	shalt  }
0x70: {  	_ =	shalt  }
0x71: {  	_ =	shalt  }
0x72: {  	_ =	shalt  }
0x73: {  	_ =	shalt  }
0x74: {  	_ =	shalt  }
0x75: {  	_ =	shalt  }
0x76: {  	_ =	shalt  }
0x77: {  	_ =	shalt  }
0x78: {  	_ =	shalt  }
0x79: {  	_ =	shalt  }
0x7a: {  	_ =	shalt  }
0x7b: {  	_ =	shalt  }
0x7c: {  	_ =	shalt  }
0x7d: {  	_ =	shalt  }
0x7e: {  	_ =	shalt  }
0x7f: {  	_ =	shalt  }
0x80: {  	_ =	shalt  }
0x81: {  	_ =	shalt  }
0x82: {  	_ =	shalt  }
0x83: {  	_ =	shalt  }
0x84: {  	_ =	shalt  }
0x85: {  	_ =	shalt  }
0x86: {  	_ =	shalt  }
0x87: {  	_ =	shalt  }
.Lfunc_end0:
.L_simem_size_0:
called_computation.2_lowered:
.L_overlay_start_0:
0x88: {  	s2 =	sld [smem:$0x3FD9]  }
0x89: {  	s3 =	sld [smem:$0x3FFE];
	_ =	sdelay $0x1  }
0x8a: {  	s1 =	srdreg.scid  }
0x8b: {  	s0 =	sand.u32 $0x1, s1  }
0x8c: {  	s17 =	sshll.u32 s0, $0xA;
	s2 =	sadd.s32 s3, s2  }
0x8d: {  	s2 =	sadd.s32 s2, s17  }
0x8e: {  	[smem:$0x3FB2] =	sst s2  }
0x8f: {  	_ = 	snop  }
0x90: {  	(tm) =	ssettm $0x1  }
0x91: {  	s18 =	sld [smem:$0x3FFB];
	_ =	sdelay $0x3  }
0x92: {  	_ =	strace s18  }
0x93: {  	s2 =	sld [smem:$0x3FFC];
	_ =	sdelay $0x3  }
0x94: {  	_ =	strace s2  }
0x95: {  	s2 =	sld [smem:$0x3FFD];
	_ =	sdelay $0x3  }
0x96: {  	_ =	strace s2  }
0x97: {  	_ =	strace $0x8FFFFFFF  }
0x98: {  	s19 =	sld [smem:$0x3FDB];
	_ =	sdelay $0x1  }
0x99: {  	s20 =	simm.s32 $_scs_section_size  }
0x9a: {  	s4 =	simm.s32 $_size__tile_overlayer_lowered;
	s5 =	simm.s32 $_tile_overlayer_lowered  }
0x9b: {  	s6 =	simm.s32 $0x1BFF;
	s21 =	sshll.u32 s5, $0x1;
	s3 =	sadd.s32 s20, s19  }
0x9c: {  	s22 =	simm.s32 $0x0;
	s4 =	sshll.u32 s4, $0x1;
	s5 =	sadd.s32 s21, s3  }
0x9d: {  	[timem:s22], [sflag:s6] =	dma.local [hbm:s5], s4  }
0x9e: {  	_ =	swait.ge [sflag:s6], s4  }
0x9f: {  	s4 =	ssub.s32 $0x0, s4;
	[sflag:s6] =	ssyncset.done $0x0  }
0xa0: {  	[sflag:s6] =	ssyncadd.s32 s4;
	_ =	sdelay $0x1  }
0xa1: {  	s23 =	simm.s32 $0x1B8B  }
0xa2: {  	_ =	swait.ge [sflag:s23], $0x1  }
0xa3: {  	[sflag:s23] =	ssyncset.done $0x0  }
0xa4: {  	[sflag:s23] =	ssyncadd.s32 $0xFFFFFFFF  }
0xa5: {  	s4 =	sld [smem:$0x0]  }
0xa6: {  	s5 =	sand.u32 $0xFFFFFFFE, s1  }
0xa7: {  	p0 =	sne.s32 s1, s5  }
0xa8: {  	s5 =	sshll.u32 @p0 s5, $0xE  }
0xa9: {  	s5 =	sadd.s32 @p0 $0x11B8D, s5;
	s6 =	sshll.u32 @p0 s4, $0x11  }
0xaa: {  	s5 =	sor.u32 @p0 s6, s5  }
0xab: {  	[sflag:s5] =	ssyncadd.remote.s32 @p0 $0x1;
	_ =	sdelay $0x1  }
0xac: {  	s5 =	simm.s32 @p0 $0x1B8D  }
0xad: {  	_ =	swait.eq @p0 [sflag:s5], $0x1  }
0xae: {  	[sflag:s5] =	ssyncadd.s32 @p0 $0xFFFFFFFF  }
0xaf: {  	s6 =	sshll.u32 @!p0 s1, $0xE  }
0xb0: {  	s6 =	sor.u32 @!p0 $0x4000, s6;
	s5 =	simm.s32 @!p0 $0x1B8D  }
0xb1: {  	s4 =	sshll.u32 @!p0 s4, $0x11;
	s6 =	sadd.s32 @!p0 $0x11B8D, s6;
	_ =	swait.eq @!p0 [sflag:s5], $0x1  }
0xb2: {  	s4 =	sor.u32 @!p0 s4, s6;
	[sflag:s5] =	ssyncadd.s32 @!p0 $0xFFFFFFFF  }
0xb3: {  	s25 =	simm.s32 $0x1B8E;
	s24 =	sld [smem:$0x3FFE];
	[sflag:s4] =	ssyncadd.remote.s32 @!p0 $0x1  }
0xb4: {  	s26 =	simm.s32 $execute0_lowered;
	[smem:$0x3FD2] =	sst s25  }
0xb5: {  	s5 =	sshll.u32 s26, $0x1;
	_ =	strace $0x8000004C;
	[dreg:$0x1] =	wrdreg $0xFFFFFFFF  }
0xb6: {  	s28 =	simm.s32 $_size_execute0_lowered;
	s3 =	sadd.s32 s3, s5;
	[dreg:$0x0] =	wrdreg $0x0  }
0xb7: {  	s5 =	sshll.u32 s28, $0x1;
	[dreg:$0x2] =	wrdreg s3  }
0xb8: {  	[dreg:$0x3] =	wrdreg s5  }
0xb9: {  	[dreg:$0x4] =	wrdreg $0xC0  }
0xba: {  	_ =	task [dreg:s22], $0x5FFFF  }
0xbb: {  	[dreg:$0x1] =	wrdreg $0xFFFFFFFF  }
0xbc: {  	[dreg:$0x0] =	wrdreg $0x60  }
0xbd: {  	[dreg:$0x2] =	wrdreg s24  }
0xbe: {  	[dreg:$0x3] =	wrdreg $0x95600  }
0xbf: {  	[dreg:$0x4] =	wrdreg $0x1CDE00  }
0xc0: {  	[dreg:$0x5] =	wrdreg $0xA  }
0xc1: {  	_ =	task.clear_ibuf [dreg:s22], $0x6FFFF;
	_ =	strace $0x9000004C  }
0xc2: {  	s29 =	simm.s32 $0xA;
	_ =	strace $0x8000004E  }
0xc3: {  	_ =	swait.ge [sflag:s29], $0x1  }
0xc4: {  	[sflag:s29] =	ssyncadd.s32 $0xFFFFFFFF  }
0xc5: {  	_ =	strace $0x9000004E  }
0xc6: {  	_ =	sfence  }
0xc7: {  	s30 =	sld [smem:$0x0];
	_ =	sdelay $0x2  }
0xc8: {  	s31 =	sshll.u32 s1, $0xD;
	s1 =	sshrl.u32 s1, $0x2  }
0xc9: {  	s4 =	sand.u32 $0x4000, s31;
	s1 =	sadd.s32 s1, s30  }
0xca: {  	s0 =	sor.u32 s4, s0;
	s1 =	sshll.u32 s1, $0x11  }
0xcb: {  	s0 =	sor.u32 s1, s0  }
0xcc: {  	s0 =	sadd.s32 $0x8F2B, s0  }
0xcd: {  	[sflag:s0] =	ssyncadd.remote.s32 $0x1  }
0xce: {  	_ =	sfence.sel $0xFFFF  }
0xcf: {  	[dreg:$0x0] =	wrdreg $0xFFFFFFFF;
	(pc) =	sbr.abs _section_cstart, $3  }
0xd0: {  	[dreg:$0x1] =	wrdreg $0xFFFFFFFF  }
0xd1: {  	_ =	task.clear_ibuf [dreg:s22], $0x2FFFF;
	_ =	strace $0x9FFFFFFF  }
0xd2: {  	(tm) =	ssettm $0x7FFFFFFF  }
0xd3: {  	_ =	shalt  }
tec
execute0_lowered:
.L_overlay_start_1:
0x0: {  	(tag) =	ssettag $0x1  }
0x1: {  	s0 =	rddreg [dreg:$0x0];
	s1 =	srdreg.scid  }
0x2: {  	s21 =	stileid.u32;
	s2 =	rddreg [dreg:$0x1]  }
0x3: {  	s3 =	rddreg [dreg:$0x2];
	s29 =	simm.s32 $0x1;
	s30 =	simm.s32 $0x4  }
0x4: {  	s31 =	simm.s32 $0x2;
	s1 =	sand.u32 $0x1, s1;
	s10 =	smul.u32 $0x13880, s21  }
0x5: {  	s4 =	sshll.u32 s21, $0x1;
	s11 =	smul.u32 $0x2710, s21;
	s6 =	sadd.s32 $0xCCEE00, s0  }
0x6: {  	s12 =	smul.u32 $0x271, s21;
	s7 =	sadd.s32 $0x8B000, s0;
	s8 =	sadd.s32 $0x2DC00, s0  }
0x7: {  	s9 =	sor.u32 s1, s4;
	s4 =	simm.s32 $0x0;
	s14 =	smul.u32 $0x2710, s1  }
0x8: {  	s1 =	ssub.s32 $0x2, s1;
	s5 =	smul.u32 $0x13B0, s9;
	[smem:$0x7FF] =	sst s4  }
0x9: {  	s15 =	sshrl.u32 s10, $0x3;
	s16 =	sshrl.u32 s11, $0x3;
	s20 =	smul.u32 $0x13B00, s9  }
0xa: {  	s19 =	sshrl.u32 s1, $0x1;
	s9 =	smul.u32 $0x2760, s9;
	s10 =	sadd.s32 s10, s2  }
0xb: {  	s24 =	sadd.s32 s11, s3;
	_ =	strace $0x8000004D;
	s15 =	sadd.s32 s15, s0  }
0xc: {  	s12 =	sadd.s32 s12, s14;
	s28 =	sadd.s32 s16, s0;
	[dreg:$0x6] =	wrdreg s10  }
0xd: {  	s1 =	ssub.s32 s1, s19;
	[dreg:$0x8] =	wrdreg s24;
	s24 =	simm.s32 $0x4F60  }
0xe: {  	s13 =	sshrl.u32 s5, $0x3;
	s18 =	sshll.u32 s12, $0x4;
	s12 =	sshll.u32 s12, $0x1  }
0xf: {  	s23 =	sadd.s32 $0xD9C00, s15;
	s25 =	sadd.s32 $0x100E00, s28;
	s26 =	sadd.s32 s6, s20  }
0x10: {  	s9 =	sadd.s32 s7, s9;
	s19 =	smax.u32 s1, $0x1;
	s20 =	simm.s32 $0x3  }
0x11: {  	s28 =	sshll.u32 s21, $0x6;
	s1 =	simm.s32 $0x5E60;
	[dreg:$0x7] =	wrdreg s23  }
0x12: {  	s13 =	sadd.s32 s13, s0;
	s17 =	sadd.s32 s18, s0;
	[dreg:$0x9] =	wrdreg s25  }
.Ltmp0:
0x13: {  	s0 =	sadd.s32 s12, s0;
	[dreg:$0xa] =	wrdreg s26;
	(pc) =	sbr.rel .LBB2_1-.Ltmp0, $4  }
0x14: {  	[dreg:$0xb] =	wrdreg s9;
	s23 =	simm.s32 $0x2760;
	s25 =	simm.s32 $0x50  }
0x15: {  	s26 =	simm.s32 $0x0;
	s22 =	sadd.s32 $0x37C00, s13;
	s13 =	sadd.s32 $0x32C00, s13  }
0x16: {  	s17 =	sadd.s32 $0x105E00, s17;
	s18 =	sadd.s32 $0x154000, s0;
	[dreg:$0x4] =	wrdreg s22  }
0x17: {  	v0 =	vimm.s32 $0x0;
	s0 =	simm.s32 $0x8660;
	[dreg:$0x5] =	wrdreg s13;
	s22 =	sor.u32 $0x1C03, s28  }
.LBB2_9:
0x18: {  	[bflag:$0x0] =	sbarrier.arrive $0xFFFF  }
0x19: {  	[hbm:s17], [sflag:s22] =	dma.local [spmem:s28], $0x2710  }
0x1a: {  	s26 =	sadd.s32 $0x1, s26;
	_ =	swait.ge [sflag:s20], $0x2710  }
0x1b: {  	p0 =	sne.s32 s26, s19;
	[sflag:s20] =	ssyncset.done $0x0  }
.Ltmp1:
0x1c: {  	[sflag:s20] =	ssyncadd.s32 $0xFFFFD8F0;
	(pc) =	sbr.rel @!p0 .LBB2_10-.Ltmp1, $4  }
0x1d: {  	[hbm:s18], [sflag:s22] =	dma.local [spmem:s9], $0x4E2  }
0x1e: {  	_ =	swait.ge [sflag:s20], $0x4E2  }
0x1f: {  	[sflag:s20] =	ssyncset.done $0x0  }
0x20: {  	[sflag:s20] =	ssyncadd.s32 $0xFFFFFB1E  }
.LBB2_1:
0x21: {  	s9 =	rddreg [dreg:$0x4]  }
0x22: {  	[tilespmem:s4], [sflag:$0x3] =	stream.linear.gather [hbm4b:s9+s4], $0x13B0, $0x38;
	[tilespmem:$0x1F4F0] =	vst v63  }
0x23: {  	_ =	swait.ge [sflag:s20], $0x13B0  }
0x24: {  	[sflag:s20] =	ssyncset.done $0x0  }
0x25: {  	s11 =	simm.s32 $0x13B0;
	s21 =	rddreg [dreg:$0x5];
	[sflag:s20] =	ssyncadd.s32 $0xFFFFEC50  }
0x26: {  	[tilespmem:s11], [sflag:$0x3] =	stream.linear.gather [hbm4b:s21+s4], $0x13B0, $0x38;
	[tilespmem:$0x1F4F0] =	vst v63  }
0x27: {  	_ =	swait.ge [sflag:s20], $0x13B0  }
0x28: {  	[sflag:s20] =	ssyncset.done $0x0;
	s10 =	rddreg [dreg:$0x6]  }
0x29: {  	s12 =	rddreg [dreg:$0x7];
	[sflag:s20] =	ssyncadd.s32 $0xFFFFEC50;
	s28 =	sshrl.u32 s10, $0x3  }
0x2a: {  	[spmem:s28], [sflag:s22] =	dma.local [hbm:s12], $0x2710  }
0x2b: {  	_ =	swait.ge [sflag:s20], $0x2710  }
0x2c: {  	[sflag:s20] =	ssyncset.done $0x0;
	s13 =	rddreg [dreg:$0x8]  }
0x2d: {  	s10 =	rddreg [dreg:$0x9];
	[sflag:s20] =	ssyncadd.s32 $0xFFFFD8F0;
	s9 =	sshrl.u32 s13, $0x3  }
0x2e: {  	[spmem:s9], [sflag:s22] =	dma.local [hbm:s10], $0x4E2  }
0x2f: {  	_ =	swait.ge [sflag:s20], $0x4E2  }
0x30: {  	[sflag:s20] =	ssyncset.done $0x0  }
0x31: {  	[sflag:s20] =	ssyncadd.s32 $0xFFFFFB1E  }
0x32: {  	[bflag:$0x0] =	sbarrier.arrive $0xFFFF  }
0x33: {  	s14 =	rddreg [dreg:$0xa]  }
0x34: {  	[tilespmem:s23], [sflag:$0x1] =	stream.linear.gather [hbm4b:s14+s4], $0x2800, $0x38;
	[tilespmem:$0x1F4F0] =	vst v63  }
0x35: {  	s15 =	rddreg [dreg:$0xb]  }
0x36: {  	[tilespmem:s24], [sflag:$0x1] =	stream.linear.gather [hbm4b:s15+s4], $0x500, $0x38;
	[tilespmem:$0x1F4F0] =	vst v63  }
.Ltmp2:
0x37: {  	_ = 	snop;
	(pc) =	sbr.rel .LBB2_2-.Ltmp2, $4  }
0x38: {  	s16 =	simm.s32 $0x5460  }
0x39: {  	[tilespmem:s16], [sflag:$0x1] =	stream.indirect.gather [hbm4b:s8+s25], $0x10, s4, s25, $0xb8;
	[tilespmem:$0x1F4F0] =	vst v63  }
0x3a: {  	s21 =	simm.s32 $0x5960;
	s10 =	simm.s32 $0x0  }
0x3b: {  	[tilespmem:s21], [sflag:$0x1] =	stream.indirect.gather [hbm4b:s8+s25], $0x10, s11, s25, $0xb8;
	[tilespmem:$0x1F4F0] =	vst v63  }
.LBB2_8:
0x3c: {  	s10 =	sadd.s32 $0x1, s10  }
0x3d: {  	p0 =	sne.s32 s10, $0x20  }
.Ltmp3:
0x3e: {  	_ = 	snop;
	(pc) =	sbr.rel @!p0 .LBB2_9-.Ltmp3, $1  }
0x3f: {  	_ =	sdelay $0x3  }
.LBB2_2:
0x40: {  	s11 =	sshllo.u32 s10, $0x1  }
0x41: {  	p0 =	sgt.u32 s11, $0x3E  }
0x42: {  	s12 =	smul.u32 @!p0 $0x50, s11;
	_ =	sdelay $0x1  }
0x43: {  	s13 =	sadd.s32 @!p0 s5, s12  }
0x44: {  	s14 =	sshll.u32 @!p0 s13, $0x4  }
0x45: {  	s15 =	simm.s32 @!p0 $0x0;
	s13 =	sshll.u32 @!p0 s13, $0x1;
	s14 =	sand.u32 @!p0 $0x1FFFFF00, s14  }
0x46: {  	s21 =	simm.s32 @!p0 $0x5E60;
	s13 =	sand.u32 @!p0 $0x1FFFFFE0, s13;
	s14 =	sadd.s32 @!p0 s6, s14  }
0x47: {  	[tilespmem:s21], [sflag:$0x2] =	stream.linear.gather @!p0 [hbm4b:s14+s15], $0x2800, $0x38;
	[tilespmem:$0x1F4F0] =	vst v63  }
0x48: {  	s13 =	sadd.s32 @!p0 s7, s13;
	s14 =	simm.s32 @!p0 $0x8660  }
0x49: {  	[tilespmem:s14], [sflag:$0x2] =	stream.linear.gather @!p0 [hbm4b:s13+s15], $0x500, $0x38;
	[tilespmem:$0x1F4F0] =	vst v63  }
0x4a: {  	s13 =	simm.s32 @!p0 $0x50;
	s14 =	simm.s32 @!p0 $0x8B60  }
0x4b: {  	[tilespmem:s14], [sflag:$0x2] =	stream.indirect.gather @!p0 [hbm4b:s8+s13], $0x10, s12, s13, $0xb8;
	[tilespmem:$0x1F4F0] =	vst v63  }
0x4c: {  	s12 =	sadd.s32 @!p0 $0x13B0, s12;
	s14 =	simm.s32 @!p0 $0x9060  }
0x4d: {  	[tilespmem:s14], [sflag:$0x2] =	stream.indirect.gather @!p0 [hbm4b:s8+s13], $0x10, s12, s13, $0xb8;
	[tilespmem:$0x1F4F0] =	vst v63  }
0x4e: {  	_ =	swait.ge [sflag:s29], $0x2800  }
0x4f: {  	[sflag:s29] =	ssyncset.done $0x0  }
0x50: {  	[sflag:s29] =	ssyncadd.s32 $0xFFFFD800  }
0x51: {  	_ =	swait.ge [sflag:s29], $0x500  }
0x52: {  	[sflag:s29] =	ssyncset.done $0x0  }
0x53: {  	[sflag:s29] =	ssyncadd.s32 $0xFFFFFB00  }
0x54: {  	_ =	swait.ge [sflag:s29], $0x500  }
0x55: {  	[sflag:s29] =	ssyncset.done $0x0  }
0x56: {  	[sflag:s29] =	ssyncadd.s32 $0xFFFFFB00  }
0x57: {  	_ =	swait.ge [sflag:s29], $0x500  }
0x58: {  	[sflag:s29] =	ssyncset.done $0x0  }
0x59: {  	s12 =	simm.s32 $0x4F80;
	[sflag:s29] =	ssyncadd.s32 $0xFFFFFB00  }
0x5a: {  	s13 =	simm.s32 $0x5480;
	v1 =	vld [tilespmem:s12+$0x10]  }
0x5b: {  	s14 =	simm.s32 $0x5980;
	v3 =	vld [tilespmem:s13+$0x10]  }
0x5c: {  	v5 =	vld [tilespmem:s14+$0x10]  }
0x5d: {  	v7 =	vld [tilespmem:s13+$0xFFFFFFE0]  }
0x5e: {  	v8 =	vld [tilespmem:s14+$0xFFFFFFE0]  }
0x5f: {  	v9 =	vld [tilespmem:s12+$0xFFFFFFF0]  }
0x60: {  	v2 =	vld [tilespmem:s13+$0xFFFFFFF0]  }
0x61: {  	v4 =	vld [tilespmem:s14+$0xFFFFFFF0];
	v1 =	vperm.xlane v1, v0;
	v6 =	vsub.f32 v3, v5  }
0x62: {  	v5 =	vld [tilespmem:s12+$0x0]  }
0x63: {  	v3 =	vld [tilespmem:s13+$0x0];
	v10 =	vmul.f32 v6, v1  }
0x64: {  	v6 =	vld [tilespmem:s14+$0x0]  }
0x65: {  	s21 =	simm.s32 $0x4FC0;
	s15 =	simm.s32 $0x0;
	v1 =	vsub.f32 v7, v8;
	v8 =	vperm.xlane v9, v0;
	v7 =	vld [tilespmem:s12+$0xFFFFFFE0];
	[tilespmem:s12+$0x10] =	vst v10  }
.LBB2_3:
0x66: {  	v9 =	vld [tilespmem:s21+$0x10];
	v2 =	vsub.f32 v2, v4;
	s13 =	sadd.s32 $0x40, s13  }
0x67: {  	s14 =	sadd.s32 $0x40, s14;
	v10 =	vld [tilespmem:s13+$0x10];
	v4 =	vperm.xlane v5, v0  }
0x68: {  	s15 =	sadd.s32 $0x4, s15;
	v5 =	vld [tilespmem:s14+$0x10];
	v2 =	vmul.f32 v2, v8  }
0x69: {  	p1 =	slt.u32 s15, $0x4C;
	v8 =	vld [tilespmem:s13+$0xFFFFFFE0];
	v3 =	vsub.f32 v3, v6  }
0x6a: {  	v6 =	vld [tilespmem:s14+$0xFFFFFFE0];
	v7 =	vperm.xlane v7, v0;
	[tilespmem:s12+$0xFFFFFFF0] =	vst v2  }
0x6b: {  	v11 =	vld [tilespmem:s21+$0xFFFFFFF0];
	v3 =	vmul.f32 v3, v4  }
0x6c: {  	v2 =	vld [tilespmem:s13+$0xFFFFFFF0];
	v1 =	vmul.f32 v1, v7  }
.Ltmp4:
0x6d: {  	v7 =	vperm.xlane v9, v0;
	v4 =	vld [tilespmem:s14+$0xFFFFFFF0];
	v9 =	vsub.f32 v10, v5;
	[tilespmem:s12+$0x0] =	vst v3;
	(pc) =	sbr.rel @p1 .LBB2_3-.Ltmp4, $4  }
0x6e: {  	v5 =	vld [tilespmem:s21+$0x0];
	[tilespmem:s12+$0xFFFFFFE0] =	vst v1;
	s12 =	smov.u32 s21  }
0x6f: {  	v1 =	vsub.f32 v8, v6;
	v3 =	vld [tilespmem:s13+$0x0];
	v9 =	vmul.f32 v9, v7  }
0x70: {  	v8 =	vperm.xlane v11, v0;
	v6 =	vld [tilespmem:s14+$0x0]  }
0x71: {  	s21 =	sadd.s32 $0x40, s21;
	v7 =	vld [tilespmem:s12+$0xFFFFFFE0];
	[tilespmem:s12+$0x10] =	vst v9  }
0x72: {  	_ =	sdelay $0x1  }
0x73: {  	v2 =	vsub.f32 v2, v4  }
0x74: {  	v62 =	vperm.xlane v5, v0;
	v3 =	vsub.f32 v3, v6  }
0x75: {  	v2 =	vmul.f32 v2, v8;
	v63 =	vperm.xlane v7, v0  }
0x76: {  	s13 =	smul.u32 $0x280, s10;
	v3 =	vmul.f32 v3, v62  }
0x77: {  	[tilespmem:s12+$0xFFFFFFF0] =	vst v2;
	v1 =	vmul.f32 v1, v63  }
0x78: {  	p1 =	seq.s32 s10, $0x1F;
	s13 =	sshra.s32 s13, $0x2;
	[tilespmem:s12+$0x0] =	vst v3  }
0x79: {  	s21 =	sadd.s32 $0x13B0, s13;
	s13 =	smul.u32 @!p1 $0xA0, s10;
	[tilespmem:s12+$0xFFFFFFE0] =	vst v1  }
0x7a: {  	[spmem:s2] =	stream.indirect.scatter.add.f32 [tilespmem:s23], [sflag:$0x4], $0x80, s21, s25, $0xb8;
	[tilespmem:$0x1F4F0] =	vst v63  }
0x7b: {  	_ =	swait.ge [sflag:s30], $0x2800  }
0x7c: {  	s12 =	sadd.s32 @!p1 $0xA0, s13;
	[sflag:s30] =	ssyncset.done $0x0  }
0x7d: {  	s16 =	simm.s32 @!p1 $0x2760;
	s14 =	sadd.s32 @!p1 s5, s12;
	[sflag:s30] =	ssyncadd.s32 $0xFFFFD800  }
0x7e: {  	[spmem:s3] =	stream.indirect.scatter.add.f32 [tilespmem:s24], [sflag:$0x4], $0x10, s21, s25, $0xb8;
	[tilespmem:$0x1F4F0] =	vst v63  }
0x7f: {  	s15 =	sshll.u32 @!p1 s14, $0x4;
	s14 =	sshll.u32 @!p1 s14, $0x1;
	_ =	swait.ge [sflag:s30], $0x500  }
0x80: {  	s15 =	sand.u32 @!p1 $0x1FFFFF00, s15;
	s14 =	sand.u32 @!p1 $0x1FFFFFE0, s14;
	[sflag:s30] =	ssyncset.done $0x0  }
0x81: {  	s15 =	sadd.s32 @!p1 s6, s15;
	s21 =	simm.s32 @!p1 $0x0;
	[sflag:s30] =	ssyncadd.s32 $0xFFFFFB00  }
0x82: {  	[tilespmem:s16], [sflag:$0x1] =	stream.linear.gather @!p1 [hbm4b:s15+s21], $0x2800, $0x38;
	[tilespmem:$0x1F4F0] =	vst v63  }
0x83: {  	s14 =	sadd.s32 @!p1 s7, s14;
	s15 =	simm.s32 @!p1 $0x4F60  }
0x84: {  	[tilespmem:s15], [sflag:$0x1] =	stream.linear.gather @!p1 [hbm4b:s14+s21], $0x500, $0x38;
	[tilespmem:$0x1F4F0] =	vst v63  }
.Ltmp5:
0x85: {  	_ = 	snop;
	(pc) =	sbr.rel @p0 .LBB2_8-.Ltmp5, $4  }
0x86: {  	s14 =	simm.s32 @!p1 $0x50;
	s15 =	simm.s32 @!p1 $0x5460  }
0x87: {  	[tilespmem:s15], [sflag:$0x1] =	stream.indirect.gather @!p1 [hbm4b:s8+s14], $0x10, s12, s14, $0xb8;
	[tilespmem:$0x1F4F0] =	vst v63  }
0x88: {  	s12 =	sadd.s32 @!p1 $0x1450, s13;
	s13 =	simm.s32 @!p1 $0x5960  }
0x89: {  	[tilespmem:s13], [sflag:$0x1] =	stream.indirect.gather @!p1 [hbm4b:s8+s14], $0x10, s12, s14, $0xb8;
	[tilespmem:$0x1F4F0] =	vst v63  }
0x8a: {  	_ =	swait.ge [sflag:s31], $0x2800  }
0x8b: {  	[sflag:s31] =	ssyncset.done $0x0  }
0x8c: {  	[sflag:s31] =	ssyncadd.s32 $0xFFFFD800  }
0x8d: {  	_ =	swait.ge [sflag:s31], $0x500  }
0x8e: {  	[sflag:s31] =	ssyncset.done $0x0  }
0x8f: {  	[sflag:s31] =	ssyncadd.s32 $0xFFFFFB00  }
0x90: {  	_ =	swait.ge [sflag:s31], $0x500  }
0x91: {  	[sflag:s31] =	ssyncset.done $0x0  }
0x92: {  	[sflag:s31] =	ssyncadd.s32 $0xFFFFFB00  }
0x93: {  	_ =	swait.ge [sflag:s31], $0x500  }
0x94: {  	[sflag:s31] =	ssyncset.done $0x0  }
0x95: {  	s12 =	simm.s32 $0x8680;
	[sflag:s31] =	ssyncadd.s32 $0xFFFFFB00  }
0x96: {  	s13 =	simm.s32 $0x8B80;
	v1 =	vld [tilespmem:s12+$0x10]  }
0x97: {  	s14 =	simm.s32 $0x9080;
	v3 =	vld [tilespmem:s13+$0x10]  }
0x98: {  	v5 =	vld [tilespmem:s14+$0x10]  }
0x99: {  	v7 =	vld [tilespmem:s13+$0xFFFFFFE0]  }
0x9a: {  	v8 =	vld [tilespmem:s14+$0xFFFFFFE0]  }
0x9b: {  	v9 =	vld [tilespmem:s12+$0xFFFFFFF0]  }
0x9c: {  	v2 =	vld [tilespmem:s13+$0xFFFFFFF0]  }
0x9d: {  	v4 =	vld [tilespmem:s14+$0xFFFFFFF0];
	v1 =	vperm.xlane v1, v0;
	v6 =	vsub.f32 v3, v5  }
0x9e: {  	v5 =	vld [tilespmem:s12+$0x0]  }
0x9f: {  	v3 =	vld [tilespmem:s13+$0x0];
	v10 =	vmul.f32 v6, v1  }
0xa0: {  	v6 =	vld [tilespmem:s14+$0x0]  }
0xa1: {  	s15 =	simm.s32 $0x0;
	s21 =	simm.s32 $0x86C0;
	v1 =	vsub.f32 v7, v8;
	v8 =	vperm.xlane v9, v0;
	v7 =	vld [tilespmem:s12+$0xFFFFFFE0];
	[tilespmem:s12+$0x10] =	vst v10  }
.LBB2_6:
0xa2: {  	v9 =	vld [tilespmem:s21+$0x10];
	v2 =	vsub.f32 v2, v4;
	s13 =	sadd.s32 $0x40, s13  }
0xa3: {  	s14 =	sadd.s32 $0x40, s14;
	v10 =	vld [tilespmem:s13+$0x10];
	v4 =	vperm.xlane v5, v0  }
0xa4: {  	s15 =	sadd.s32 $0x4, s15;
	v5 =	vld [tilespmem:s14+$0x10];
	v2 =	vmul.f32 v2, v8  }
0xa5: {  	p0 =	slt.u32 s15, $0x4C;
	v8 =	vld [tilespmem:s13+$0xFFFFFFE0];
	v3 =	vsub.f32 v3, v6  }
0xa6: {  	v6 =	vld [tilespmem:s14+$0xFFFFFFE0];
	v7 =	vperm.xlane v7, v0;
	[tilespmem:s12+$0xFFFFFFF0] =	vst v2  }
0xa7: {  	v11 =	vld [tilespmem:s21+$0xFFFFFFF0];
	v3 =	vmul.f32 v3, v4  }
0xa8: {  	v2 =	vld [tilespmem:s13+$0xFFFFFFF0];
	v1 =	vmul.f32 v1, v7  }
.Ltmp6:
0xa9: {  	v7 =	vperm.xlane v9, v0;
	v4 =	vld [tilespmem:s14+$0xFFFFFFF0];
	v9 =	vsub.f32 v10, v5;
	[tilespmem:s12+$0x0] =	vst v3;
	(pc) =	sbr.rel @p0 .LBB2_6-.Ltmp6, $4  }
0xaa: {  	v5 =	vld [tilespmem:s21+$0x0];
	[tilespmem:s12+$0xFFFFFFE0] =	vst v1;
	s12 =	smov.u32 s21  }
0xab: {  	v1 =	vsub.f32 v8, v6;
	v3 =	vld [tilespmem:s13+$0x0];
	v9 =	vmul.f32 v9, v7  }
0xac: {  	v8 =	vperm.xlane v11, v0;
	v6 =	vld [tilespmem:s14+$0x0]  }
0xad: {  	s21 =	sadd.s32 $0x40, s21;
	v7 =	vld [tilespmem:s12+$0xFFFFFFE0];
	[tilespmem:s12+$0x10] =	vst v9  }
0xae: {  	_ =	sdelay $0x1  }
0xaf: {  	v2 =	vsub.f32 v2, v4  }
0xb0: {  	v62 =	vperm.xlane v5, v0;
	v3 =	vsub.f32 v3, v6  }
0xb1: {  	v2 =	vmul.f32 v2, v8;
	v63 =	vperm.xlane v7, v0  }
0xb2: {  	s11 =	smul.u32 $0x140, s11;
	v3 =	vmul.f32 v3, v62  }
0xb3: {  	[tilespmem:s12+$0xFFFFFFF0] =	vst v2;
	v1 =	vmul.f32 v1, v63  }
0xb4: {  	s11 =	sshra.s32 s11, $0x2;
	[tilespmem:s12+$0x0] =	vst v3  }
0xb5: {  	s11 =	sadd.s32 $0x13B0, s11;
	[tilespmem:s12+$0xFFFFFFE0] =	vst v1  }
0xb6: {  	[spmem:s2] =	stream.indirect.scatter.add.f32 [tilespmem:s1], [sflag:$0x4], $0x80, s11, s25, $0xb8;
	[tilespmem:$0x1F4F0] =	vst v63  }
0xb7: {  	_ =	swait.ge [sflag:s30], $0x2800  }
0xb8: {  	[sflag:s30] =	ssyncset.done $0x0  }
.Ltmp7:
0xb9: {  	[sflag:s30] =	ssyncadd.s32 $0xFFFFD800;
	(pc) =	sbr.rel .LBB2_8-.Ltmp7, $4  }
0xba: {  	[spmem:s3] =	stream.indirect.scatter.add.f32 [tilespmem:s0], [sflag:$0x3], $0x10, s11, s25, $0xb8;
	[tilespmem:$0x1F4F0] =	vst v63  }
0xbb: {  	_ =	swait.ge [sflag:s20], $0x500  }
0xbc: {  	[sflag:s20] =	ssyncset.done $0x0  }
0xbd: {  	[sflag:s20] =	ssyncadd.s32 $0xFFFFFB00  }
.LBB2_10:
0xbe: {  	_ =	sfence.sel $0x180000  }
0xbf: {  	[bflag:$0x0] =	sbarrier.arrive $0xFFFF  }
0xc0: {  	_ =	strace $0x9000004D  }
0xc1: {  	s0 =	stileid.u32;
	[bflag:$0x2] =	sbarrier.arrive $0xFFFF  }
0xc2: {  	p0 =	sne.s32 s0, $0x0;
	s0 =	rddreg [dreg:$0x3]  }
0xc3: {  	s0 =	sadd.s32 @!p0 $0x100000, s0  }
0xc4: {  	[sflag:s0] =	ssyncadd.tile.s32 @!p0 $0x1;
	_ =	shalt  }
.Lfunc_end2:
_tile_overlayer_lowered:
.L_overlay_start_2:
0xc5: {  	(tag) =	ssettag $0x2  }
0xc6: {  	s0 =	rddreg [dreg:$0x0];
	s2 =	stileid.u32  }
0xc7: {  	s1 =	rddreg [dreg:$0x1];
	p0 =	sne.s32 s2, $0x0  }
0xc8: {  	s3 =	rddreg [dreg:$0x2];
	[bflag:$0x3] =	sbarrier.arrive $0xFFFF;
	s2 =	simm.s32 @!p0 $0x1C03  }
0xc9: {  	[timem:s3], [sflag:s2] =	dma.local @!p0 [hbm:s0], s1  }
0xca: {  	s0 =	simm.s32 @!p0 $0x3  }
0xcb: {  	_ =	swait.ge @!p0 [sflag:s0], s1  }
0xcc: {  	s1 =	ssub.s32 @!p0 $0x0, s1;
	[sflag:s0] =	ssyncset.done @!p0 $0x0  }
0xcd: {  	[sflag:s0] =	ssyncadd.s32 @!p0 s1  }
0xce: {  	[bflag:$0x3] =	sbarrier.arrive $0xFFFF  }
0xcf: {  	_ =	shalt  }

// kernel: kernel.19.cloned.1.call-start
scs
__scs_entry_jumppad:
0x0: {  	(pc) =	sbr.rel $0x88, $3  }
0x1: {  	(tag) =	ssettag $0x0;
	lr =	simm.s32 $0x1  }
0x2: {  	[smem:$0x3F8B] =	sst lr;
	_ =	strace $0xD0000000  }
0x3: {  	_ = 	snop  }
0x4: {  	_ = 	snop  }
0x5: {  	_ = 	snop  }
0x6: {  	_ = 	snop  }
0x7: {  	_ = 	snop  }
__scs_overlays_trampoline_lowered:
0x8: {  	[smem:$0x3F9A] =	sst s0  }
0x9: {  	[smem:$0x3F9B] =	sst s1  }
0xa: {  	[smem:$0x3F9C] =	sst s2  }
0xb: {  	[smem:$0x3F9D] =	sst s3  }
0xc: {  	[smem:$0x3F9E] =	sst s4  }
0xd: {  	[smem:$0x3F9F] =	sst s5  }
0xe: {  	[smem:$0x3FA0] =	sst s6  }
0xf: {  	[smem:$0x3FA1] =	sst s7  }
0x10: {  	[smem:$0x3FA2] =	sst s8  }
0x11: {  	[smem:$0x3FA3] =	sst s9;
	s0 =	simm.s32 @!p0 $0x0  }
0x12: {  	s1 =	sld [smem:$0x3F89];
	s0 =	simm.s32 @p0 $0x1  }
0x13: {  	[smem:$0x3FA4] =	sst s0;
	s0 =	simm.s32 @!p1 $0x0  }
0x14: {  	s2 =	sld [smem:$0x3F88];
	s0 =	simm.s32 @p1 $0x1  }
0x15: {  	[smem:$0x3FA5] =	sst s0;
	s0 =	simm.s32 @!p2 $0x0  }
0x16: {  	s3 =	sld [smem:$0x3FDB];
	s0 =	simm.s32 @p2 $0x1  }
0x17: {  	s4 =	simm.s32 $0x1BF5;
	[smem:$0x3FA7] =	sst s0  }
0x18: {  	s0 =	sld [smem:$0x3F8A];
	_ =	swait.ge [sflag:s4], $0x0  }
0x19: {  	s7 =	sld [smem:$0x3F8B]  }
0x1a: {  	s8 =	sadd.s32 $0xFFFFE003, lr  }
0x1b: {  	s9 =	sadd.s32 $0xFFFFFEF7, lr;
	s5 =	simm.s32 $0xFFFFFFFF;
	p2 =	slt.u32 s8, $0xFFFFF086  }
0x1c: {  	p1 =	slt.u32 s9, $0xF7A;
	s5 =	simm.s32 @!p2 $0x0  }
0x1d: {  	s5 =	simm.s32 @p1 $0x1;
	p0 =	seq.s32 s7, s2  }
0x1e: {  	s7 =	smul.u32 @!p0 $0xF7A, s2;
	p2 =	seq.s32 @!p0 s5, $0x0  }
0x1f: {  	s9 =	smul.u32 $0xF7A, s1;
	s8 =	simm.s32 @!p0 $0x1BF5;
	p2 =	por !p2, p0  }
0x20: {  	[sflag:s8] =	ssyncset.s32 @!p0 $0xFFFFF086;
	s6 =	sadd.s32 @!p0 s3, s7;
	s7 =	simm.s32 @!p0 $0x108  }
0x21: {  	s3 =	sadd.s32 s3, s9;
	s6 =	sadd.s32 @!p0 $0x88, s6;
	s7 =	simm.s32 @p2 $0x1082  }
0x22: {  	[simem:s7], [sflag:s8] =	dma.local @!p0 [hbm:s6], $0xF7A  }
0x23: {  	s9 =	sor.u32 $0xD0000000, s2;
	s6 =	simm.s32 $0x108;
	_ =	swait.ge @!p0 [sflag:s8], $0x0  }
0x24: {  	s3 =	sadd.s32 $0x88, s3;
	s6 =	simm.s32 @!p1 $0x1082;
	[sflag:s4] =	ssyncset.s32 $0xFFFFF086  }
0x25: {  	[simem:s6], [sflag:s4] =	dma.local [hbm:s3], $0xF7A  }
0x26: {  	[smem:$0x3F8B] =	sst s1;
	(tag) =	ssettag s2;
	_ =	strace s9  }
0x27: {  	s1 =	sld [smem:$0x3F9B]  }
0x28: {  	s2 =	sld [smem:$0x3F9C]  }
0x29: {  	s4 =	sld [smem:$0x3F9E]  }
0x2a: {  	p0 =	seq.s32 s5, $0x0;
	s5 =	sld [smem:$0x3F9F]  }
0x2b: {  	s6 =	sld [smem:$0x3FA0]  }
0x2c: {  	s7 =	sld [smem:$0x3FA1]  }
0x2d: {  	s3 =	simm.s32 $0x108;
	s8 =	sld [smem:$0x3FA2]  }
0x2e: {  	s3 =	simm.s32 @!p0 $0x1082;
	s9 =	sld [smem:$0x3FA3]  }
0x2f: {  	lr =	sadd.s32 s0, s3;
	s0 =	sld [smem:$0x3F9A]  }
0x30: {  	s3 =	sld [smem:$0x3F9D]  }
0x31: {  	[smem:$0x3FA6] =	sst s10  }
0x32: {  	s10 =	sld [smem:$0x3FA4];
	_ =	sdelay $0x3  }
0x33: {  	p0 =	seq.s32 s10, $0x1;
	s10 =	sld [smem:$0x3FA6];
	_ =	sdelay $0x3  }
0x34: {  	[smem:$0x3FA6] =	sst s10  }
0x35: {  	s10 =	sld [smem:$0x3FA5];
	_ =	sdelay $0x3  }
0x36: {  	p1 =	seq.s32 s10, $0x1;
	s10 =	sld [smem:$0x3FA6];
	_ =	sdelay $0x3  }
0x37: {  	[smem:$0x3FA6] =	sst s10  }
0x38: {  	s10 =	sld [smem:$0x3FA7]  }
0x39: {  	_ = 	snop;
	(pc) =	sbr.ind lr, $3  }
0x3a: {  	_ = 	snop  }
0x3b: {  	_ = 	snop  }
0x3c: {  	p2 =	seq.s32 s10, $0x1;
	s10 =	sld [smem:$0x3FA6]  }
0x3d: {  	_ =	shalt  }
0x3e: {  	_ =	shalt  }
0x3f: {  	_ =	shalt  }
0x40: {  	_ =	shalt  }
0x41: {  	_ =	shalt  }
0x42: {  	_ =	shalt  }
0x43: {  	_ =	shalt  }
0x44: {  	_ =	shalt  }
0x45: {  	_ =	shalt  }
0x46: {  	_ =	shalt  }
0x47: {  	_ =	shalt  }
0x48: {  	_ =	shalt  }
0x49: {  	_ =	shalt  }
0x4a: {  	_ =	shalt  }
0x4b: {  	_ =	shalt  }
0x4c: {  	_ =	shalt  }
0x4d: {  	_ =	shalt  }
0x4e: {  	_ =	shalt  }
0x4f: {  	_ =	shalt  }
0x50: {  	_ =	shalt  }
0x51: {  	_ =	shalt  }
0x52: {  	_ =	shalt  }
0x53: {  	_ =	shalt  }
0x54: {  	_ =	shalt  }
0x55: {  	_ =	shalt  }
0x56: {  	_ =	shalt  }
0x57: {  	_ =	shalt  }
0x58: {  	_ =	shalt  }
0x59: {  	_ =	shalt  }
0x5a: {  	_ =	shalt  }
0x5b: {  	_ =	shalt  }
0x5c: {  	_ =	shalt  }
0x5d: {  	_ =	shalt  }
0x5e: {  	_ =	shalt  }
0x5f: {  	_ =	shalt  }
0x60: {  	_ =	shalt  }
0x61: {  	_ =	shalt  }
0x62: {  	_ =	shalt  }
0x63: {  	_ =	shalt  }
0x64: {  	_ =	shalt  }
0x65: {  	_ =	shalt  }
0x66: {  	_ =	shalt  }
0x67: {  	_ =	shalt  }
0x68: {  	_ =	shalt  }
0x69: {  	_ =	shalt  }
0x6a: {  	_ =	shalt  }
0x6b: {  	_ =	shalt  }
0x6c: {  	_ =	shalt  }
0x6d: {  	_ =	shalt  }
0x6e: {  	_ =	shalt  }
0x6f: {  	_ =	shalt  }
0x70: {  	_ =	shalt  }
0x71: {  	_ =	shalt  }
0x72: {  	_ =	shalt  }
0x73: {  	_ =	shalt  }
0x74: {  	_ =	shalt  }
0x75: {  	_ =	shalt  }
0x76: {  	_ =	shalt  }
0x77: {  	_ =	shalt  }
0x78: {  	_ =	shalt  }
0x79: {  	_ =	shalt  }
0x7a: {  	_ =	shalt  }
0x7b: {  	_ =	shalt  }
0x7c: {  	_ =	shalt  }
0x7d: {  	_ =	shalt  }
0x7e: {  	_ =	shalt  }
0x7f: {  	_ =	shalt  }
0x80: {  	_ =	shalt  }
0x81: {  	_ =	shalt  }
0x82: {  	_ =	shalt  }
0x83: {  	_ =	shalt  }
0x84: {  	_ =	shalt  }
0x85: {  	_ =	shalt  }
0x86: {  	_ =	shalt  }
0x87: {  	_ =	shalt  }
.Lfunc_end0:
.L_simem_size_0:
called_computation.3_lowered:
.L_overlay_start_0:
0x88: {  	s2 =	sld [smem:$0x3FD9]  }
0x89: {  	s3 =	sld [smem:$0x3FFE];
	_ =	sdelay $0x1  }
0x8a: {  	s1 =	srdreg.scid  }
0x8b: {  	s0 =	sand.u32 $0x1, s1  }
0x8c: {  	s16 =	sshll.u32 s0, $0xA;
	s2 =	sadd.s32 s3, s2  }
0x8d: {  	s2 =	sadd.s32 s2, s16  }
0x8e: {  	[smem:$0x3FB2] =	sst s2  }
0x8f: {  	_ = 	snop  }
0x90: {  	(tm) =	ssettm $0x1  }
0x91: {  	s17 =	sld [smem:$0x3FFB];
	_ =	sdelay $0x3  }
0x92: {  	_ =	strace s17  }
0x93: {  	s2 =	sld [smem:$0x3FFC];
	_ =	sdelay $0x3  }
0x94: {  	_ =	strace s2  }
0x95: {  	s2 =	sld [smem:$0x3FFD];
	_ =	sdelay $0x3  }
0x96: {  	_ =	strace s2  }
0x97: {  	_ =	strace $0x8FFFFFFF  }
0x98: {  	s18 =	sld [smem:$0x3FDB];
	_ =	sdelay $0x1  }
0x99: {  	s19 =	simm.s32 $_scs_section_size  }
0x9a: {  	s4 =	simm.s32 $_size__tile_overlayer_lowered;
	s5 =	simm.s32 $_tile_overlayer_lowered  }
0x9b: {  	s22 =	simm.s32 $0x1BFF;
	s21 =	sshll.u32 s5, $0x1;
	s2 =	sadd.s32 s19, s18  }
0x9c: {  	s6 =	simm.s32 $0x0;
	s20 =	sshll.u32 s4, $0x1;
	s4 =	sadd.s32 s21, s2  }
0x9d: {  	[timem:s6], [sflag:s22] =	dma.local [hbm:s4], s20  }
0x9e: {  	_ =	swait.ge [sflag:s22], s20  }
0x9f: {  	s3 =	ssub.s32 $0x0, s20;
	[sflag:s22] =	ssyncset.done $0x0  }
0xa0: {  	[sflag:s22] =	ssyncadd.s32 s3;
	_ =	sdelay $0x1  }
0xa1: {  	s23 =	simm.s32 $0x1B8B  }
0xa2: {  	_ =	swait.ge [sflag:s23], $0x1  }
0xa3: {  	[sflag:s23] =	ssyncset.done $0x0  }
0xa4: {  	s25 =	simm.s32 $0x1B8E;
	s24 =	sld [smem:$0x3FFE];
	[sflag:s23] =	ssyncadd.s32 $0xFFFFFFFF  }
0xa5: {  	s26 =	simm.s32 $execute0_lowered;
	[smem:$0x3FD2] =	sst s25  }
0xa6: {  	s4 =	sshll.u32 s26, $0x1;
	_ =	strace $0x8000004F;
	[dreg:$0x1] =	wrdreg $0xFFFFFFFF  }
0xa7: {  	s28 =	simm.s32 $_size_execute0_lowered;
	s2 =	sadd.s32 s2, s4;
	[dreg:$0x0] =	wrdreg $0x0  }
0xa8: {  	s4 =	sshll.u32 s28, $0x1;
	[dreg:$0x2] =	wrdreg s2  }
0xa9: {  	[dreg:$0x3] =	wrdreg s4  }
0xaa: {  	[dreg:$0x4] =	wrdreg $0xC0  }
0xab: {  	_ =	task [dreg:s6], $0x5FFFF  }
0xac: {  	[dreg:$0x1] =	wrdreg $0xFFFFFFFF  }
0xad: {  	[dreg:$0x0] =	wrdreg $0x60  }
0xae: {  	[dreg:$0x2] =	wrdreg s24  }
0xaf: {  	[dreg:$0x3] =	wrdreg $0x94C00  }
0xb0: {  	[dreg:$0x4] =	wrdreg $0x1CD400  }
0xb1: {  	[dreg:$0x5] =	wrdreg $0x9  }
0xb2: {  	_ =	task.clear_ibuf [dreg:s6], $0x6FFFF;
	_ =	strace $0x9000004F  }
0xb3: {  	s29 =	simm.s32 $0x9;
	_ =	strace $0x80000051  }
0xb4: {  	_ =	swait.ge [sflag:s29], $0x1  }
0xb5: {  	[sflag:s29] =	ssyncadd.s32 $0xFFFFFFFF  }
0xb6: {  	_ =	strace $0x90000051  }
0xb7: {  	_ =	sfence  }
0xb8: {  	s30 =	sld [smem:$0x0];
	_ =	sdelay $0x2  }
0xb9: {  	s31 =	sshll.u32 s1, $0xD;
	s1 =	sshrl.u32 s1, $0x2  }
0xba: {  	s3 =	sand.u32 $0x4000, s31;
	s1 =	sadd.s32 s1, s30  }
0xbb: {  	s0 =	sor.u32 s3, s0;
	s1 =	sshll.u32 s1, $0x11  }
0xbc: {  	s0 =	sor.u32 s1, s0  }
0xbd: {  	s0 =	sadd.s32 $0x8F2B, s0  }
0xbe: {  	[sflag:s0] =	ssyncadd.remote.s32 $0x1  }
0xbf: {  	_ =	sfence.sel $0xFFFF  }
0xc0: {  	[dreg:$0x0] =	wrdreg $0xFFFFFFFF;
	(pc) =	sbr.abs _section_cstart, $3  }
0xc1: {  	[dreg:$0x1] =	wrdreg $0xFFFFFFFF  }
0xc2: {  	_ =	task.clear_ibuf [dreg:s6], $0x2FFFF;
	_ =	strace $0x9FFFFFFF  }
0xc3: {  	(tm) =	ssettm $0x7FFFFFFF  }
tec
execute0_lowered:
.L_overlay_start_1:
0x0: {  	(tag) =	ssettag $0x1  }
0x1: {  	s0 =	rddreg [dreg:$0x0]  }
0x2: {  	s1 =	srdreg.scid;
	s2 =	rddreg [dreg:$0x1]  }
0x3: {  	s15 =	stileid.u32;
	s3 =	rddreg [dreg:$0x2]  }
0x4: {  	s29 =	simm.s32 $0x5DC0;
	s30 =	simm.s32 $0x85C0;
	s31 =	simm.s32 $0x8AC0  }
0x5: {  	s28 =	simm.s32 $0x2;
	s1 =	sand.u32 $0x1, s1;
	s10 =	smul.u32 $0x271, s15  }
0x6: {  	s4 =	sshll.u32 s15, $0x1;
	s6 =	sadd.s32 $0xF44E00, s0;
	s14 =	smul.u32 $0x4E200, s15  }
0x7: {  	s7 =	sadd.s32 $0x3CC00, s0;
	s8 =	sadd.s32 $0x2DC00, s0;
	s20 =	smul.u32 $0x9C40, s15  }
0x8: {  	s26 =	sshll.u32 s15, $0x6;
	s9 =	sor.u32 s1, s4;
	s11 =	smul.u32 $0x2710, s1  }
0x9: {  	s4 =	simm.s32 $0x0;
	s1 =	ssub.s32 $0x2, s1;
	s5 =	smul.u32 $0x1360, s9  }
0xa: {  	[smem:$0x7FF] =	sst s4;
	s19 =	sshrl.u32 s14, $0x2;
	s21 =	smul.u32 $0x13600, s9  }
0xb: {  	s9 =	smul.u32 $0x26C0, s9;
	_ =	strace $0x80000050;
	s10 =	sadd.s32 s10, s11  }
0xc: {  	s12 =	sshrl.u32 s5, $0x3;
	s17 =	sshll.u32 s10, $0x4;
	s10 =	sshll.u32 s10, $0x1  }
0xd: {  	s9 =	sadd.s32 s7, s9;
	s16 =	sadd.s32 s12, s0;
	s12 =	sadd.s32 s17, s0  }
0xe: {  	s0 =	sadd.s32 s10, s0;
	s10 =	sadd.s32 s19, s2;
	[dreg:$0xb] =	wrdreg s9  }
0xf: {  	s13 =	sshrl.u32 s1, $0x1;
	s18 =	sadd.s32 $0x305E00, s16;
	[dreg:$0x6] =	wrdreg s10  }
0x10: {  	s23 =	sshrl.u32 s20, $0x2;
	s11 =	sadd.s32 $0x301000, s16;
	[dreg:$0x4] =	wrdreg s18  }
0x11: {  	s20 =	simm.s32 $0x3;
	s22 =	sadd.s32 $0x105E00, s12;
	[dreg:$0x5] =	wrdreg s11  }
0x12: {  	s1 =	ssub.s32 s1, s13;
	s24 =	sadd.s32 $0x154000, s0;
	[dreg:$0x7] =	wrdreg s22  }
0x13: {  	s19 =	smax.u32 s1, $0x1;
	s10 =	sadd.s32 s6, s21;
	[dreg:$0x9] =	wrdreg s24  }
0x14: {  	s1 =	simm.s32 $0x8FC0;
	s25 =	sadd.s32 $0x8A400, s12;
	[dreg:$0xa] =	wrdreg s10  }
0x15: {  	s9 =	simm.s32 $0x0;
	s0 =	sadd.s32 $0x32C00, s0;
	[dreg:$0xc] =	wrdreg s25  }
0x16: {  	s11 =	sadd.s32 s23, s3;
	[dreg:$0xd] =	wrdreg s0;
	s22 =	sor.u32 $0x1C03, s26  }
0x17: {  	s23 =	simm.s32 $0x26C0;
	s24 =	simm.s32 $0x4EC0;
	s25 =	simm.s32 $0x50  }
0x18: {  	v0 =	vimm.s32 $0x0;
	s0 =	simm.s32 $0x1;
	s26 =	simm.s32 $0x4;
	[dreg:$0x8] =	wrdreg s11  }
.LBB2_1:
0x19: {  	s10 =	rddreg [dreg:$0x4]  }
0x1a: {  	[tilespmem:s4], [sflag:$0x3] =	stream.linear.gather [hbm4b:s10+s4], $0x1360, $0x38;
	[tilespmem:$0x1F450] =	vst v63  }
0x1b: {  	_ =	swait.ge [sflag:s20], $0x1360  }
0x1c: {  	[sflag:s20] =	ssyncset.done $0x0  }
0x1d: {  	s13 =	simm.s32 $0x1360;
	s12 =	rddreg [dreg:$0x5];
	[sflag:s20] =	ssyncadd.s32 $0xFFFFECA0  }
0x1e: {  	[tilespmem:s13], [sflag:$0x3] =	stream.linear.gather [hbm4b:s12+s4], $0x1360, $0x38;
	[tilespmem:$0x1F450] =	vst v63  }
0x1f: {  	_ =	swait.ge [sflag:s20], $0x1360  }
0x20: {  	[sflag:s20] =	ssyncset.done $0x0;
	s14 =	rddreg [dreg:$0x6]  }
0x21: {  	s11 =	rddreg [dreg:$0x7];
	[sflag:s20] =	ssyncadd.s32 $0xFFFFECA0;
	s10 =	sshrl.u32 s14, $0x3  }
0x22: {  	[spmem:s10], [sflag:s22] =	dma.local [hbm:s11], $0x2710  }
0x23: {  	_ =	swait.ge [sflag:s20], $0x2710  }
0x24: {  	[sflag:s20] =	ssyncset.done $0x0;
	s15 =	rddreg [dreg:$0x8]  }
0x25: {  	s12 =	rddreg [dreg:$0x9];
	[sflag:s20] =	ssyncadd.s32 $0xFFFFD8F0;
	s11 =	sshrl.u32 s15, $0x3  }
0x26: {  	[spmem:s11], [sflag:s22] =	dma.local [hbm:s12], $0x4E2  }
0x27: {  	_ =	swait.ge [sflag:s20], $0x4E2  }
0x28: {  	[sflag:s20] =	ssyncset.done $0x0  }
0x29: {  	[sflag:s20] =	ssyncadd.s32 $0xFFFFFB1E  }
0x2a: {  	[bflag:$0x0] =	sbarrier.arrive $0xFFFF  }
0x2b: {  	s16 =	rddreg [dreg:$0xa]  }
0x2c: {  	[tilespmem:s23], [sflag:$0x1] =	stream.linear.gather [hbm4b:s16+s4], $0x2800, $0x38;
	[tilespmem:$0x1F450] =	vst v63  }
0x2d: {  	s17 =	rddreg [dreg:$0xb]  }
0x2e: {  	[tilespmem:s24], [sflag:$0x1] =	stream.linear.gather [hbm4b:s17+s4], $0x500, $0x38;
	[tilespmem:$0x1F450] =	vst v63  }
0x2f: {  	s18 =	simm.s32 $0x53C0  }
0x30: {  	[tilespmem:s18], [sflag:$0x1] =	stream.indirect.gather [hbm4b:s8+s25], $0x10, s4, s25, $0xb8;
	[tilespmem:$0x1F450] =	vst v63  }
0x31: {  	s21 =	simm.s32 $0x58C0;
	s12 =	simm.s32 $0x0  }
0x32: {  	[tilespmem:s21], [sflag:$0x1] =	stream.indirect.gather [hbm4b:s8+s25], $0x10, s13, s25, $0xb8;
	[tilespmem:$0x1F450] =	vst v63  }
.LBB2_2:
0x33: {  	s13 =	sshllo.u32 s12, $0x1  }
0x34: {  	s14 =	smul.u32 $0x50, s13;
	_ =	sdelay $0x1  }
0x35: {  	s15 =	sadd.s32 s5, s14  }
0x36: {  	s16 =	sshll.u32 s15, $0x4  }
0x37: {  	s15 =	sshll.u32 s15, $0x1;
	s16 =	sand.u32 $0x1FFFFF00, s16  }
0x38: {  	s15 =	sand.u32 $0x1FFFFFE0, s15;
	s16 =	sadd.s32 s6, s16  }
0x39: {  	[tilespmem:s29], [sflag:$0x2] =	stream.linear.gather [hbm4b:s16+s4], $0x2800, $0x38;
	[tilespmem:$0x1F450] =	vst v63  }
0x3a: {  	s15 =	sadd.s32 s7, s15  }
0x3b: {  	[tilespmem:s30], [sflag:$0x2] =	stream.linear.gather [hbm4b:s15+s4], $0x500, $0x38;
	[tilespmem:$0x1F450] =	vst v63  }
0x3c: {  	_ = 	snop  }
0x3d: {  	[tilespmem:s31], [sflag:$0x2] =	stream.indirect.gather [hbm4b:s8+s25], $0x10, s14, s25, $0xb8;
	[tilespmem:$0x1F450] =	vst v63  }
0x3e: {  	s14 =	sadd.s32 $0x1360, s14  }
0x3f: {  	[tilespmem:s1], [sflag:$0x2] =	stream.indirect.gather [hbm4b:s8+s25], $0x10, s14, s25, $0xb8;
	[tilespmem:$0x1F450] =	vst v63  }
0x40: {  	_ =	swait.ge [sflag:s0], $0x2800  }
0x41: {  	[sflag:s0] =	ssyncset.done $0x0  }
0x42: {  	[sflag:s0] =	ssyncadd.s32 $0xFFFFD800  }
0x43: {  	_ =	swait.ge [sflag:s0], $0x500  }
0x44: {  	[sflag:s0] =	ssyncset.done $0x0  }
0x45: {  	[sflag:s0] =	ssyncadd.s32 $0xFFFFFB00  }
0x46: {  	_ =	swait.ge [sflag:s0], $0x500  }
0x47: {  	[sflag:s0] =	ssyncset.done $0x0  }
0x48: {  	[sflag:s0] =	ssyncadd.s32 $0xFFFFFB00  }
0x49: {  	_ =	swait.ge [sflag:s0], $0x500  }
0x4a: {  	[sflag:s0] =	ssyncset.done $0x0  }
0x4b: {  	s14 =	simm.s32 $0x4EE0;
	[sflag:s0] =	ssyncadd.s32 $0xFFFFFB00  }
0x4c: {  	s15 =	simm.s32 $0x53E0;
	v1 =	vld [tilespmem:s14+$0x10]  }
0x4d: {  	s16 =	simm.s32 $0x58E0;
	v3 =	vld [tilespmem:s15+$0x10]  }
0x4e: {  	v5 =	vld [tilespmem:s16+$0x10]  }
0x4f: {  	v7 =	vld [tilespmem:s15+$0xFFFFFFE0]  }
0x50: {  	v8 =	vld [tilespmem:s16+$0xFFFFFFE0]  }
0x51: {  	v9 =	vld [tilespmem:s14+$0xFFFFFFF0]  }
0x52: {  	v2 =	vld [tilespmem:s15+$0xFFFFFFF0]  }
0x53: {  	v4 =	vld [tilespmem:s16+$0xFFFFFFF0];
	v1 =	vperm.xlane v1, v0;
	v6 =	vsub.f32 v3, v5  }
0x54: {  	v5 =	vld [tilespmem:s14+$0x0]  }
0x55: {  	v3 =	vld [tilespmem:s15+$0x0];
	v10 =	vmul.f32 v6, v1  }
0x56: {  	v6 =	vld [tilespmem:s16+$0x0]  }
0x57: {  	s21 =	simm.s32 $0x0;
	s17 =	simm.s32 $0x4F20;
	v1 =	vsub.f32 v7, v8;
	v8 =	vperm.xlane v9, v0;
	v7 =	vld [tilespmem:s14+$0xFFFFFFE0];
	[tilespmem:s14+$0x10] =	vst v10  }
.LBB2_3:
0x58: {  	v9 =	vld [tilespmem:s17+$0x10];
	v2 =	vsub.f32 v2, v4;
	s15 =	sadd.s32 $0x40, s15  }
0x59: {  	s16 =	sadd.s32 $0x40, s16;
	v10 =	vld [tilespmem:s15+$0x10];
	v4 =	vperm.xlane v5, v0  }
0x5a: {  	s21 =	sadd.s32 $0x4, s21;
	v5 =	vld [tilespmem:s16+$0x10];
	v2 =	vmul.f32 v2, v8  }
0x5b: {  	p0 =	slt.u32 s21, $0x4C;
	v8 =	vld [tilespmem:s15+$0xFFFFFFE0];
	v3 =	vsub.f32 v3, v6  }
0x5c: {  	v6 =	vld [tilespmem:s16+$0xFFFFFFE0];
	v7 =	vperm.xlane v7, v0;
	[tilespmem:s14+$0xFFFFFFF0] =	vst v2  }
0x5d: {  	v11 =	vld [tilespmem:s17+$0xFFFFFFF0];
	v3 =	vmul.f32 v3, v4  }
0x5e: {  	v2 =	vld [tilespmem:s15+$0xFFFFFFF0];
	v1 =	vmul.f32 v1, v7  }
.Ltmp0:
0x5f: {  	v7 =	vperm.xlane v9, v0;
	v4 =	vld [tilespmem:s16+$0xFFFFFFF0];
	v9 =	vsub.f32 v10, v5;
	[tilespmem:s14+$0x0] =	vst v3;
	(pc) =	sbr.rel @p0 .LBB2_3-.Ltmp0, $4  }
0x60: {  	v5 =	vld [tilespmem:s17+$0x0];
	[tilespmem:s14+$0xFFFFFFE0] =	vst v1;
	s14 =	smov.u32 s17  }
0x61: {  	v1 =	vsub.f32 v8, v6;
	v3 =	vld [tilespmem:s15+$0x0];
	v9 =	vmul.f32 v9, v7  }
0x62: {  	v8 =	vperm.xlane v11, v0;
	v6 =	vld [tilespmem:s16+$0x0]  }
0x63: {  	s17 =	sadd.s32 $0x40, s17;
	v7 =	vld [tilespmem:s14+$0xFFFFFFE0];
	[tilespmem:s14+$0x10] =	vst v9  }
0x64: {  	_ =	sdelay $0x1  }
0x65: {  	v2 =	vsub.f32 v2, v4  }
0x66: {  	v4 =	vperm.xlane v5, v0;
	v3 =	vsub.f32 v3, v6  }
0x67: {  	v2 =	vmul.f32 v2, v8;
	v5 =	vperm.xlane v7, v0  }
0x68: {  	s15 =	smul.u32 $0x280, s12;
	v3 =	vmul.f32 v3, v4  }
0x69: {  	[tilespmem:s14+$0xFFFFFFF0] =	vst v2;
	v1 =	vmul.f32 v1, v5  }
0x6a: {  	p0 =	seq.s32 s12, $0x1E;
	s15 =	sshra.s32 s15, $0x2;
	[tilespmem:s14+$0x0] =	vst v3  }
0x6b: {  	s21 =	sadd.s32 $0x1360, s15;
	s15 =	smul.u32 @!p0 $0xA0, s12;
	[tilespmem:s14+$0xFFFFFFE0] =	vst v1  }
0x6c: {  	[spmem:s2] =	stream.indirect.scatter.add.f32 [tilespmem:s23], [sflag:$0x4], $0x80, s21, s25, $0xb8;
	[tilespmem:$0x1F450] =	vst v63  }
0x6d: {  	_ =	swait.ge [sflag:s26], $0x2800  }
0x6e: {  	s14 =	sadd.s32 @!p0 $0xA0, s15;
	[sflag:s26] =	ssyncset.done $0x0  }
0x6f: {  	s18 =	simm.s32 @!p0 $0x26C0;
	s16 =	sadd.s32 @!p0 s5, s14;
	[sflag:s26] =	ssyncadd.s32 $0xFFFFD800  }
0x70: {  	[spmem:s3] =	stream.indirect.scatter.add.f32 [tilespmem:s24], [sflag:$0x4], $0x10, s21, s25, $0xb8;
	[tilespmem:$0x1F450] =	vst v63  }
0x71: {  	s17 =	sshll.u32 @!p0 s16, $0x4;
	s16 =	sshll.u32 @!p0 s16, $0x1;
	_ =	swait.ge [sflag:s26], $0x500  }
0x72: {  	s17 =	sand.u32 @!p0 $0x1FFFFE00, s17;
	s16 =	sand.u32 @!p0 $0x1FFFFFC0, s16;
	[sflag:s26] =	ssyncset.done $0x0  }
0x73: {  	s17 =	sadd.s32 @!p0 s6, s17;
	s21 =	simm.s32 @!p0 $0x0;
	[sflag:s26] =	ssyncadd.s32 $0xFFFFFB00  }
0x74: {  	[tilespmem:s18], [sflag:$0x1] =	stream.linear.gather @!p0 [hbm4b:s17+s21], $0x2800, $0x38;
	[tilespmem:$0x1F450] =	vst v63  }
0x75: {  	s16 =	sadd.s32 @!p0 s7, s16;
	s17 =	simm.s32 @!p0 $0x4EC0  }
0x76: {  	[tilespmem:s17], [sflag:$0x1] =	stream.linear.gather @!p0 [hbm4b:s16+s21], $0x500, $0x38;
	[tilespmem:$0x1F450] =	vst v63  }
0x77: {  	s16 =	simm.s32 @!p0 $0x50;
	s17 =	simm.s32 @!p0 $0x53C0  }
0x78: {  	[tilespmem:s17], [sflag:$0x1] =	stream.indirect.gather @!p0 [hbm4b:s8+s16], $0x10, s14, s16, $0xb8;
	[tilespmem:$0x1F450] =	vst v63  }
0x79: {  	s14 =	sadd.s32 @!p0 $0x1400, s15;
	s15 =	simm.s32 @!p0 $0x58C0  }
0x7a: {  	[tilespmem:s15], [sflag:$0x1] =	stream.indirect.gather @!p0 [hbm4b:s8+s16], $0x10, s14, s16, $0xb8;
	[tilespmem:$0x1F450] =	vst v63  }
0x7b: {  	_ =	swait.ge [sflag:s28], $0x2800  }
0x7c: {  	[sflag:s28] =	ssyncset.done $0x0  }
0x7d: {  	[sflag:s28] =	ssyncadd.s32 $0xFFFFD800  }
0x7e: {  	_ =	swait.ge [sflag:s28], $0x500  }
0x7f: {  	[sflag:s28] =	ssyncset.done $0x0  }
0x80: {  	[sflag:s28] =	ssyncadd.s32 $0xFFFFFB00  }
0x81: {  	_ =	swait.ge [sflag:s28], $0x500  }
0x82: {  	[sflag:s28] =	ssyncset.done $0x0  }
0x83: {  	[sflag:s28] =	ssyncadd.s32 $0xFFFFFB00  }
0x84: {  	_ =	swait.ge [sflag:s28], $0x500  }
0x85: {  	[sflag:s28] =	ssyncset.done $0x0  }
0x86: {  	s14 =	simm.s32 $0x85E0;
	[sflag:s28] =	ssyncadd.s32 $0xFFFFFB00  }
0x87: {  	s15 =	simm.s32 $0x8AE0;
	v1 =	vld [tilespmem:s14+$0x10]  }
0x88: {  	s16 =	simm.s32 $0x8FE0;
	v3 =	vld [tilespmem:s15+$0x10]  }
0x89: {  	v5 =	vld [tilespmem:s16+$0x10]  }
0x8a: {  	v7 =	vld [tilespmem:s15+$0xFFFFFFE0]  }
0x8b: {  	v8 =	vld [tilespmem:s16+$0xFFFFFFE0]  }
0x8c: {  	v9 =	vld [tilespmem:s14+$0xFFFFFFF0]  }
0x8d: {  	v2 =	vld [tilespmem:s15+$0xFFFFFFF0]  }
0x8e: {  	v4 =	vld [tilespmem:s16+$0xFFFFFFF0];
	v1 =	vperm.xlane v1, v0;
	v6 =	vsub.f32 v3, v5  }
0x8f: {  	v5 =	vld [tilespmem:s14+$0x0]  }
0x90: {  	v3 =	vld [tilespmem:s15+$0x0];
	v10 =	vmul.f32 v6, v1  }
0x91: {  	v6 =	vld [tilespmem:s16+$0x0]  }
0x92: {  	s21 =	simm.s32 $0x0;
	s17 =	simm.s32 $0x8620;
	v1 =	vsub.f32 v7, v8;
	v8 =	vperm.xlane v9, v0;
	v7 =	vld [tilespmem:s14+$0xFFFFFFE0];
	[tilespmem:s14+$0x10] =	vst v10  }
.LBB2_5:
0x93: {  	v9 =	vld [tilespmem:s17+$0x10];
	v2 =	vsub.f32 v2, v4;
	s15 =	sadd.s32 $0x40, s15  }
0x94: {  	s16 =	sadd.s32 $0x40, s16;
	v10 =	vld [tilespmem:s15+$0x10];
	v4 =	vperm.xlane v5, v0  }
0x95: {  	s21 =	sadd.s32 $0x4, s21;
	v5 =	vld [tilespmem:s16+$0x10];
	v2 =	vmul.f32 v2, v8  }
0x96: {  	p0 =	slt.u32 s21, $0x4C;
	v8 =	vld [tilespmem:s15+$0xFFFFFFE0];
	v3 =	vsub.f32 v3, v6  }
0x97: {  	v6 =	vld [tilespmem:s16+$0xFFFFFFE0];
	v7 =	vperm.xlane v7, v0;
	[tilespmem:s14+$0xFFFFFFF0] =	vst v2  }
0x98: {  	v11 =	vld [tilespmem:s17+$0xFFFFFFF0];
	v3 =	vmul.f32 v3, v4  }
0x99: {  	v2 =	vld [tilespmem:s15+$0xFFFFFFF0];
	v1 =	vmul.f32 v1, v7  }
.Ltmp1:
0x9a: {  	v7 =	vperm.xlane v9, v0;
	v4 =	vld [tilespmem:s16+$0xFFFFFFF0];
	v9 =	vsub.f32 v10, v5;
	[tilespmem:s14+$0x0] =	vst v3;
	(pc) =	sbr.rel @p0 .LBB2_5-.Ltmp1, $4  }
0x9b: {  	v5 =	vld [tilespmem:s17+$0x0];
	[tilespmem:s14+$0xFFFFFFE0] =	vst v1;
	s14 =	smov.u32 s17  }
0x9c: {  	v1 =	vsub.f32 v8, v6;
	v3 =	vld [tilespmem:s15+$0x0];
	v9 =	vmul.f32 v9, v7  }
0x9d: {  	v8 =	vperm.xlane v11, v0;
	v6 =	vld [tilespmem:s16+$0x0]  }
0x9e: {  	s17 =	sadd.s32 $0x40, s17;
	v7 =	vld [tilespmem:s14+$0xFFFFFFE0];
	[tilespmem:s14+$0x10] =	vst v9  }
0x9f: {  	_ =	sdelay $0x1  }
0xa0: {  	v2 =	vsub.f32 v2, v4  }
0xa1: {  	v62 =	vperm.xlane v5, v0;
	v3 =	vsub.f32 v3, v6  }
0xa2: {  	v2 =	vmul.f32 v2, v8;
	v63 =	vperm.xlane v7, v0  }
0xa3: {  	s13 =	smul.u32 $0x140, s13;
	v3 =	vmul.f32 v3, v62  }
0xa4: {  	[tilespmem:s14+$0xFFFFFFF0] =	vst v2;
	v1 =	vmul.f32 v1, v63  }
0xa5: {  	s13 =	sshra.s32 s13, $0x2;
	[tilespmem:s14+$0x0] =	vst v3  }
0xa6: {  	s13 =	sadd.s32 $0x1360, s13;
	[tilespmem:s14+$0xFFFFFFE0] =	vst v1  }
0xa7: {  	[spmem:s2] =	stream.indirect.scatter.add.f32 [tilespmem:s29], [sflag:$0x4], $0x80, s13, s25, $0xb8;
	[tilespmem:$0x1F450] =	vst v63  }
0xa8: {  	s12 =	sadd.s32 $0x1, s12;
	_ =	swait.ge [sflag:s26], $0x2800  }
0xa9: {  	p0 =	sne.s32 s12, $0x1F;
	[sflag:s26] =	ssyncset.done $0x0  }
.Ltmp2:
0xaa: {  	[sflag:s26] =	ssyncadd.s32 $0xFFFFD800;
	(pc) =	sbr.rel @p0 .LBB2_2-.Ltmp2, $4  }
0xab: {  	[spmem:s3] =	stream.indirect.scatter.add.f32 [tilespmem:s30], [sflag:$0x3], $0x10, s13, s25, $0xb8;
	[tilespmem:$0x1F450] =	vst v63  }
0xac: {  	_ =	swait.ge [sflag:s20], $0x500  }
0xad: {  	[sflag:s20] =	ssyncset.done $0x0  }
0xae: {  	[sflag:s20] =	ssyncadd.s32 $0xFFFFFB00  }
0xaf: {  	[bflag:$0x0] =	sbarrier.arrive $0xFFFF  }
0xb0: {  	s12 =	rddreg [dreg:$0xc]  }
0xb1: {  	[hbm:s12], [sflag:s22] =	dma.local [spmem:s10], $0x2710  }
0xb2: {  	s9 =	sadd.s32 $0x1, s9;
	_ =	swait.ge [sflag:s20], $0x2710  }
0xb3: {  	p0 =	sne.s32 s9, s19;
	[sflag:s20] =	ssyncset.done $0x0  }
.Ltmp3:
0xb4: {  	s21 =	rddreg [dreg:$0xd];
	[sflag:s20] =	ssyncadd.s32 $0xFFFFD8F0;
	(pc) =	sbr.rel @p0 .LBB2_1-.Ltmp3, $4  }
0xb5: {  	[hbm:s21], [sflag:s22] =	dma.local [spmem:s11], $0x4E2  }
0xb6: {  	_ =	swait.ge [sflag:s20], $0x4E2  }
0xb7: {  	[sflag:s20] =	ssyncset.done $0x0  }
0xb8: {  	[sflag:s20] =	ssyncadd.s32 $0xFFFFFB1E  }
0xb9: {  	_ =	sfence.sel $0x180000  }
0xba: {  	[bflag:$0x0] =	sbarrier.arrive $0xFFFF  }
0xbb: {  	_ =	strace $0x90000050  }
0xbc: {  	s0 =	stileid.u32;
	[bflag:$0x2] =	sbarrier.arrive $0xFFFF  }
0xbd: {  	p0 =	sne.s32 s0, $0x0;
	s0 =	rddreg [dreg:$0x3]  }
0xbe: {  	s0 =	sadd.s32 @!p0 $0x100000, s0  }
0xbf: {  	[sflag:s0] =	ssyncadd.tile.s32 @!p0 $0x1;
	_ =	shalt  }
.Lfunc_end2:
_tile_overlayer_lowered:
.L_overlay_start_2:
0xc0: {  	(tag) =	ssettag $0x2  }
0xc1: {  	s0 =	rddreg [dreg:$0x0];
	s2 =	stileid.u32  }
0xc2: {  	s1 =	rddreg [dreg:$0x1];
	p0 =	sne.s32 s2, $0x0  }
0xc3: {  	s3 =	rddreg [dreg:$0x2];
	[bflag:$0x3] =	sbarrier.arrive $0xFFFF;
	s2 =	simm.s32 @!p0 $0x1C03  }
0xc4: {  	[timem:s3], [sflag:s2] =	dma.local @!p0 [hbm:s0], s1  }
0xc5: {  	s0 =	simm.s32 @!p0 $0x3  }
0xc6: {  	_ =	swait.ge @!p0 [sflag:s0], s1  }
0xc7: {  	s1 =	ssub.s32 @!p0 $0x0, s1;
	[sflag:s0] =	ssyncset.done @!p0 $0x0  }
0xc8: {  	[sflag:s0] =	ssyncadd.s32 @!p0 s1  }
0xc9: {  	[bflag:$0x3] =	sbarrier.arrive $0xFFFF  }
0xca: {  	_ =	shalt  }

</sc_bundles>
